<compile_context>
chip_gen: v7x
topology: tpu7x:2x2x1
jax: 0.10.2.dev20260603
libtpu: 0.0.44.dev20260713+nightly
codegen_flags: <defaults>
</compile_context>

<pallas_src>
import jax
import jax.numpy as jnp
from jax import lax
from jax.experimental import pallas as pl
from jax.experimental.pallas import tpu as pltpu
from jax.experimental.pallas import tpu_sc as plsc

N = 10000
E = 320000
NC = 2
NS = 16
CH = 128
NW = NC * NS
R = E // CH
ROWS_MAIN = 80
ROWS_LAST = R - ROWS_MAIN * (NW - 1)
DEPTH = 3
PAD_ROWS = 240
NACC = N + PAD_ROWS


def _seg_sum_call(table, eidx2, zeros_d, zeros_c=None, ones_c=None):
    D = table.shape[1]
    with_cnt = zeros_c is not None
    K = 2
    mesh = plsc.VectorSubcoreMesh(
        core_axis_name="c", subcore_axis_name="s",
        num_cores=NC, num_subcores=NS)

    def pipeline(table_h, eidx_h, out_h, cnt_h, sidx, didx, rows,
                 gsem, asem, acc, ones_v, cacc, zd_h, zc_h, on_h):
        c = lax.axis_index("c")
        s = lax.axis_index("s")
        w = c * NS + s
        zrows = NACC // NS
        pltpu.sync_copy(zd_h.at[pl.ds(s * zrows, zrows)],
                        acc.at[pl.ds(s * zrows, zrows)])
        if with_cnt:
            pltpu.sync_copy(zc_h.at[pl.ds(s * zrows, zrows)],
                            cacc.at[pl.ds(s * zrows, zrows)])
            pltpu.sync_copy(on_h, ones_v)
        plsc.subcore_barrier()

        base = w * ROWS_MAIN
        last = w == NW - 1
        nrows = jnp.where(last, ROWS_LAST, ROWS_MAIN)
        nblocks = nrows // K

        @pl.when(jnp.logical_not(last))
        def _():
            pltpu.sync_copy(eidx_h.at[0, pl.ds(base, ROWS_MAIN)], sidx)
            pltpu.sync_copy(eidx_h.at[1, pl.ds(base, ROWS_MAIN)], didx)

        @pl.when(last)
        def _():
            pltpu.sync_copy(eidx_h.at[0, pl.ds(base, ROWS_LAST)],
                            sidx.at[pl.ds(0, ROWS_LAST)])
            pltpu.sync_copy(eidx_h.at[1, pl.ds(base, ROWS_LAST)],
                            didx.at[pl.ds(0, ROWS_LAST)])

        def fire(b, p):
            for j in range(K):
                pltpu.async_copy(table_h.at[sidx.at[b * K + j]],
                                 rows.at[p, j], gsem)

        def wait_gathers(b, p):
            for j in range(K):
                pltpu.make_async_copy(table_h.at[sidx.at[b * K + j]],
                                      rows.at[p, j], gsem).wait()

        def fire_adds(b, p):
            for j in range(K):
                pltpu.async_copy(rows.at[p, j], acc.at[didx.at[b * K + j]],
                                 asem, add=True)
            if with_cnt:
                for j in range(K):
                    pltpu.async_copy(ones_v, cacc.at[didx.at[b * K + j]],
                                     asem, add=True)

        def drain_adds(b, p):
            for j in range(K):
                pltpu.make_async_copy(rows.at[p, j],
                                      acc.at[didx.at[b * K + j]],
                                      asem).wait()
            if with_cnt:
                for j in range(K):
                    pltpu.make_async_copy(ones_v,
                                          cacc.at[didx.at[b * K + j]],
                                          asem).wait()

        fire(0, 0)
        fire(1, 1)

        nphases = nblocks + 1

        @pl.loop(0, (nphases + DEPTH - 1) // DEPTH)
        def _(i):
            for k in range(DEPTH):
                b = i * DEPTH + k

                @pl.when(b < nblocks)
                def _(b=b, k=k):
                    wait_gathers(b, k)
                    fire_adds(b, k)

                @pl.when(jnp.logical_and(b >= 1, b <= nblocks))
                def _(b=b, k=k):
                    drain_adds(b - 1, (k - 1) % DEPTH)

                @pl.when(b + DEPTH - 1 < nblocks)
                def _(b=b, k=k):
                    fire(b + DEPTH - 1, (k + DEPTH - 1) % DEPTH)

        plsc.subcore_barrier()
        orows = NACC // NS
        pltpu.sync_copy(acc.at[pl.ds(s * orows, orows)],
                        out_h.at[pl.ds(c * NACC + s * orows, orows)])
        if with_cnt:
            pltpu.sync_copy(cacc.at[pl.ds(s * orows, orows)],
                            cnt_h.at[pl.ds(c * NACC + s * orows, orows)])

    if with_cnt:
        def body(table_h, eidx_h, zd_h, zc_h, on_h, out_h, cnt_h,
                 sidx, didx, rows, gsem, asem, acc, ones_v, cacc):
            pipeline(table_h, eidx_h, out_h, cnt_h, sidx, didx, rows,
                     gsem, asem, acc, ones_v, cacc, zd_h, zc_h, on_h)

        out_type = (jax.ShapeDtypeStruct((NC * NACC, D), jnp.float32),
                    jax.ShapeDtypeStruct((NC * NACC, 16), jnp.float32))
        scratch = [
            pltpu.VMEM((ROWS_MAIN, CH), jnp.int32),
            pltpu.VMEM((ROWS_MAIN, CH), jnp.int32),
            pltpu.VMEM((DEPTH, K, CH, D), jnp.float32),
            pltpu.SemaphoreType.DMA,
            pltpu.SemaphoreType.DMA,
            pltpu.VMEM_SHARED((NACC, D), jnp.float32),
            pltpu.VMEM((CH, 16), jnp.float32),
            pltpu.VMEM_SHARED((NACC, 16), jnp.float32),
        ]
        operands = (table, eidx2, zeros_d, zeros_c, ones_c)
    else:
        def body(table_h, eidx_h, zd_h, out_h,
                 sidx, didx, rows, gsem, asem, acc):
            pipeline(table_h, eidx_h, out_h, None, sidx, didx, rows,
                     gsem, asem, acc, None, None, zd_h, None, None)

        out_type = jax.ShapeDtypeStruct((NC * NACC, D), jnp.float32)
        scratch = [
            pltpu.VMEM((ROWS_MAIN, CH), jnp.int32),
            pltpu.VMEM((ROWS_MAIN, CH), jnp.int32),
            pltpu.VMEM((DEPTH, K, CH, D), jnp.float32),
            pltpu.SemaphoreType.DMA,
            pltpu.SemaphoreType.DMA,
            pltpu.VMEM_SHARED((NACC, D), jnp.float32),
        ]
        operands = (table, eidx2, zeros_d)

    kern = pl.kernel(
        body,
        out_type=out_type,
        mesh=mesh,
        compiler_params=pltpu.CompilerParams(use_tc_tiling_on_sc=False),
        scratch_types=scratch,
    )
    return kern(*operands)


def _tc_first(x, Wl, Wr, b):
    Do = Wl.shape[1]

    def body(x_ref, wl_ref, wr_ref, b_ref, y_ref, r_ref):
        xv = x_ref[...]
        y_ref[...] = jnp.dot(xv, wl_ref[...], preferred_element_type=jnp.float32)
        r_ref[...] = (jnp.dot(xv, wr_ref[...], preferred_element_type=jnp.float32)
                      + b_ref[...][None, :])

    return pl.pallas_call(
        body,
        out_shape=(jax.ShapeDtypeStruct((N, Do), jnp.float32),
                   jax.ShapeDtypeStruct((N, Do), jnp.float32)),
    )(x, Wl, Wr, b)


def _tc_mid1(p, cntp, r, Wl, Wr, b):
    Do = Wl.shape[1]

    def body(p_ref, c_ref, r_ref, wl_ref, wr_ref, b_ref,
             y_ref, rn_ref, inv_ref):
        sacc = p_ref[0:N] + p_ref[NACC:NACC + N]
        cnt = c_ref[0:N, 0:1] + c_ref[NACC:NACC + N, 0:1]
        inv = 1.0 / jnp.maximum(cnt, 1.0)
        inv_ref[...] = inv
        h = jnp.maximum(sacc * inv + r_ref[...], 0.0)
        y_ref[...] = jnp.dot(h, wl_ref[...], preferred_element_type=jnp.float32)
        rn_ref[...] = (jnp.dot(h, wr_ref[...], preferred_element_type=jnp.float32)
                       + b_ref[...][None, :])

    return pl.pallas_call(
        body,
        out_shape=(jax.ShapeDtypeStruct((N, Do), jnp.float32),
                   jax.ShapeDtypeStruct((N, Do), jnp.float32),
                   jax.ShapeDtypeStruct((N, 1), jnp.float32)),
    )(p, cntp, r, Wl, Wr, b)


def _tc_mid2(p, inv, r, Wl, Wr, b):
    Do = Wl.shape[1]

    def body(p_ref, i_ref, r_ref, wl_ref, wr_ref, b_ref, y_ref, rn_ref):
        sacc = p_ref[0:N] + p_ref[NACC:NACC + N]
        h = jnp.maximum(sacc * i_ref[...] + r_ref[...], 0.0)
        y_ref[...] = jnp.dot(h, wl_ref[...], preferred_element_type=jnp.float32)
        rn_ref[...] = (jnp.dot(h, wr_ref[...], preferred_element_type=jnp.float32)
                       + b_ref[...][None, :])

    return pl.pallas_call(
        body,
        out_shape=(jax.ShapeDtypeStruct((N, Do), jnp.float32),
                   jax.ShapeDtypeStruct((N, Do), jnp.float32)),
    )(p, inv, r, Wl, Wr, b)


def _tc_final(p, inv, r, Wreg, breg):

    def body(p_ref, i_ref, r_ref, w_ref, b_ref, o_ref):
        sacc = p_ref[0:N] + p_ref[NACC:NACC + N]
        h = jnp.maximum(sacc * i_ref[...] + r_ref[...], 0.0)
        o_ref[...] = jnp.sum(h * w_ref[...][:, 0][None, :], axis=1) + b_ref[0]

    return pl.pallas_call(
        body,
        out_shape=jax.ShapeDtypeStruct((N,), jnp.float32),
    )(p, inv, r, Wreg, breg)


def kernel(x, edge_index, W1l, b1l, W1r, W2l, b2l, W2r, W3l, b3l, W3r,
           Wreg, breg):
    eidx2 = edge_index.reshape(2, R, CH)

    zeros64 = jnp.zeros((NACC, 64), jnp.float32)
    zeros32 = jnp.zeros((NACC, 32), jnp.float32)
    zeros16 = jnp.zeros((NACC, 16), jnp.float32)
    ones16 = jnp.ones((CH, 16), jnp.float32)

    y1, r1 = _tc_first(x, W1l, W1r, b1l)
    p1, cntp = _seg_sum_call(y1, eidx2, zeros64, zeros16, ones16)
    y2, r2, inv = _tc_mid1(p1, cntp, r1, W2l, W2r, b2l)
    p2 = _seg_sum_call(y2, eidx2, zeros64)
    y3, r3 = _tc_mid2(p2, inv, r2, W3l, W3r, b3l)
    p3 = _seg_sum_call(y3, eidx2, zeros32)
    return _tc_final(p3, inv, r3, Wreg, breg)

# --- scband reference (transcript-rebuilt; emitter-appended) ---
"""Pipeline reference for scband-congestion-gnn-38122129719954 (READ-ONLY COPY).

The authoritative reference and input builder live on the scoring server;
editing this copy changes nothing except your own understanding.
"""

import jax, jax.numpy as jnp
import numpy as np

N = 10000
E = 320000
D_IN = 128


def _sage_conv(x, src, dst, Wl, bl, Wr):
    # PyG SAGEConv (mean aggregator): out = lin_l(mean_{j->i} x_j) + lin_r(x_i)
    msgs = x[src]  # gather over edges
    summed = jax.ops.segment_sum(msgs, dst, num_segments=x.shape[0])
    cnt = jax.ops.segment_sum(jnp.ones((src.shape[0],), x.dtype), dst, num_segments=x.shape[0])
    mean = summed / jnp.clip(cnt, 1.0, None)[:, None]
    return mean @ Wl + bl + x @ Wr


def setup_inputs(seed: int = 0) -> dict:
    key = jax.random.key(seed)
    ks = jax.random.split(key, 16)
    x = jax.random.normal(ks[0], (N, D_IN), dtype=jnp.float32)
    edge_index = jax.random.randint(ks[1], (2, E), 0, N, dtype=jnp.int32)

    def lin(k, fi, fo):
        s = 1.0 / np.sqrt(fi)
        return jax.random.uniform(k, (fi, fo), jnp.float32, -s, s)

    def bias(k, fi, fo):
        s = 1.0 / np.sqrt(fi)
        return jax.random.uniform(k, (fo,), jnp.float32, -s, s)

    return {
        'x': x, 'edge_index': edge_index,
        'W1l': lin(ks[2], D_IN, 64), 'b1l': bias(ks[3], D_IN, 64), 'W1r': lin(ks[4], D_IN, 64),
        'W2l': lin(ks[5], 64, 64), 'b2l': bias(ks[6], 64, 64), 'W2r': lin(ks[7], 64, 64),
        'W3l': lin(ks[8], 64, 32), 'b3l': bias(ks[9], 64, 32), 'W3r': lin(ks[10], 64, 32),
        'Wreg': lin(ks[11], 32, 1), 'breg': bias(ks[12], 32, 1),
    }


def reference(x, edge_index, W1l, b1l, W1r, W2l, b2l, W2r, W3l, b3l, W3r, Wreg, breg):
    src = edge_index[0]
    dst = edge_index[1]
    h = jax.nn.relu(_sage_conv(x, src, dst, W1l, b1l, W1r))
    h = jax.nn.relu(_sage_conv(h, src, dst, W2l, b2l, W2r))
    h = jax.nn.relu(_sage_conv(h, src, dst, W3l, b3l, W3r))
    out = h @ Wreg + breg
    return jnp.squeeze(out, axis=-1)

if __name__ == "__main__":
    import jax
    _d = setup_inputs()
    print(jax.jit(kernel)(*tuple(_d.values())))

</pallas_src>

<mosaic_0001>
#map = affine_map<(d0, d1) -> (0, 0)>
#map1 = affine_map<(d0, d1) -> (0, 0, 0)>
module attributes {stable_mosaic.version = 14 : i64} {
  func.func @body(%arg0: i32, %arg1: i32, %arg2: memref<10000x64xf32, #tpu.memory_space<hbm>>, %arg3: memref<2x2500x128xi32, #tpu.memory_space<hbm>>, %arg4: memref<10240x64xf32, #tpu.memory_space<hbm>>, %arg5: memref<10240x16xf32, #tpu.memory_space<hbm>>, %arg6: memref<128x16xf32, #tpu.memory_space<hbm>>, %arg7: memref<20480x64xf32, #tpu.memory_space<hbm>>, %arg8: memref<20480x16xf32, #tpu.memory_space<hbm>>, %arg9: memref<80x128xi32, #tpu.memory_space<vmem>>, %arg10: memref<80x128xi32, #tpu.memory_space<vmem>>, %arg11: memref<3x2x128x64xf32, #tpu.memory_space<vmem>>, %arg12: memref<!tpu.dma_semaphore, #tpu.memory_space<semaphore_mem>>, %arg13: memref<!tpu.dma_semaphore, #tpu.memory_space<semaphore_mem>>, %arg14: memref<10240x64xf32, #tpu.memory_space<vmem_shared>>, %arg15: memref<128x16xf32, #tpu.memory_space<vmem>>, %arg16: memref<10240x16xf32, #tpu.memory_space<vmem_shared>>) attributes {dimension_semantics = [#tpu.dimension_semantics<core_parallel>, #tpu.dimension_semantics<subcore_parallel>], iteration_bounds = array<i64: 2, 16>, scalar_prefetch = 0 : i64, scratch_operands = 8 : i64, tpu.core_type = #tpu.core_type<sc_vector_subcore>, window_params = [{transform_indices = #map}, {transform_indices = #map1}, {transform_indices = #map}, {transform_indices = #map}, {transform_indices = #map}, {transform_indices = #map}, {transform_indices = #map}]} {
    %mul3A = arith.constant 16 : i32
    %mul3A_0 = arith.muli %arg0, %mul3A : i32
    %add3A = arith.addi %mul3A_0, %arg1 : i32
    %mul3A_1 = arith.constant 640 : i32
    %mul3A_2 = arith.muli %arg1, %mul3A_1 : i32
    %mul3A_3 = arith.constant 640 : i32
    %mul3A_4 = arith.muli %arg1, %mul3A_3 : i32
    "tpu.region"() ({
      %run_scoped3A = tpu.sem_alloc : memref<!tpu.dma_semaphore, #tpu.memory_space<semaphore_mem>>
      %dma_start3A_150 = arith.constant 0 : i32
      %dma_start3A_151 = tpu.memref_slice %arg14[%mul3A_4, %dma_start3A_150] : memref<10240x64xf32, #tpu.memory_space<vmem_shared>> -> memref<640x64xf32, #tpu.memory_space<vmem_shared>>
      %dma_start3A_152 = arith.constant 0 : i32
      %dma_start3A_153 = tpu.memref_slice %arg4[%mul3A_2, %dma_start3A_152] : memref<10240x64xf32, #tpu.memory_space<hbm>> -> memref<640x64xf32, #tpu.memory_space<hbm>>
      tpu.enqueue_dma source(%dma_start3A_153 : memref<640x64xf32, #tpu.memory_space<hbm>>) target(%dma_start3A_151 : memref<640x64xf32, #tpu.memory_space<vmem_shared>>) target_semaphore(%run_scoped3A : memref<!tpu.dma_semaphore, #tpu.memory_space<semaphore_mem>>)
      %dma_wait3A = arith.constant 0 : i32
      %dma_wait3A_154 = tpu.memref_slice %arg14[%mul3A_4, %dma_wait3A] : memref<10240x64xf32, #tpu.memory_space<vmem_shared>> -> memref<640x64xf32, #tpu.memory_space<vmem_shared>>
      %dma_wait3A_155 = arith.constant 0 : i32
      %dma_wait3A_156 = tpu.memref_slice %arg4[%mul3A_2, %dma_wait3A_155] : memref<10240x64xf32, #tpu.memory_space<hbm>> -> memref<640x64xf32, #tpu.memory_space<hbm>>
      tpu.wait_dma2 semaphore(%run_scoped3A : memref<!tpu.dma_semaphore, #tpu.memory_space<semaphore_mem>>) src(%dma_wait3A_156 : memref<640x64xf32, #tpu.memory_space<hbm>>) dst(%dma_wait3A_154 : memref<640x64xf32, #tpu.memory_space<vmem_shared>>)
      tpu.yield
    }) : () -> ()
    %mul3A_5 = arith.constant 640 : i32
    %mul3A_6 = arith.muli %arg1, %mul3A_5 : i32
    %mul3A_7 = arith.constant 640 : i32
    %mul3A_8 = arith.muli %arg1, %mul3A_7 : i32
    "tpu.region"() ({
      %run_scoped3A = tpu.sem_alloc : memref<!tpu.dma_semaphore, #tpu.memory_space<semaphore_mem>>
      %dma_start3A_150 = arith.constant 0 : i32
      %dma_start3A_151 = tpu.memref_slice %arg16[%mul3A_8, %dma_start3A_150] : memref<10240x16xf32, #tpu.memory_space<vmem_shared>> -> memref<640x16xf32, #tpu.memory_space<vmem_shared>>
      %dma_start3A_152 = arith.constant 0 : i32
      %dma_start3A_153 = tpu.memref_slice %arg5[%mul3A_6, %dma_start3A_152] : memref<10240x16xf32, #tpu.memory_space<hbm>> -> memref<640x16xf32, #tpu.memory_space<hbm>>
      tpu.enqueue_dma source(%dma_start3A_153 : memref<640x16xf32, #tpu.memory_space<hbm>>) target(%dma_start3A_151 : memref<640x16xf32, #tpu.memory_space<vmem_shared>>) target_semaphore(%run_scoped3A : memref<!tpu.dma_semaphore, #tpu.memory_space<semaphore_mem>>)
      %dma_wait3A = arith.constant 0 : i32
      %dma_wait3A_154 = tpu.memref_slice %arg16[%mul3A_8, %dma_wait3A] : memref<10240x16xf32, #tpu.memory_space<vmem_shared>> -> memref<640x16xf32, #tpu.memory_space<vmem_shared>>
      %dma_wait3A_155 = arith.constant 0 : i32
      %dma_wait3A_156 = tpu.memref_slice %arg5[%mul3A_6, %dma_wait3A_155] : memref<10240x16xf32, #tpu.memory_space<hbm>> -> memref<640x16xf32, #tpu.memory_space<hbm>>
      tpu.wait_dma2 semaphore(%run_scoped3A : memref<!tpu.dma_semaphore, #tpu.memory_space<semaphore_mem>>) src(%dma_wait3A_156 : memref<640x16xf32, #tpu.memory_space<hbm>>) dst(%dma_wait3A_154 : memref<640x16xf32, #tpu.memory_space<vmem_shared>>)
      tpu.yield
    }) : () -> ()
    "tpu.region"() ({
      %run_scoped3A = tpu.sem_alloc : memref<!tpu.dma_semaphore, #tpu.memory_space<semaphore_mem>>
      tpu.enqueue_dma source(%arg6 : memref<128x16xf32, #tpu.memory_space<hbm>>) target(%arg15 : memref<128x16xf32, #tpu.memory_space<vmem>>) target_semaphore(%run_scoped3A : memref<!tpu.dma_semaphore, #tpu.memory_space<semaphore_mem>>)
      tpu.wait_dma2 semaphore(%run_scoped3A : memref<!tpu.dma_semaphore, #tpu.memory_space<semaphore_mem>>) src(%arg6 : memref<128x16xf32, #tpu.memory_space<hbm>>) dst(%arg15 : memref<128x16xf32, #tpu.memory_space<vmem>>)
      tpu.yield
    }) : () -> ()
    %barrier3A = arith.constant 0 : index
    tpu.barrier barrier_id(%barrier3A)
    %mul3A_9 = arith.constant 80 : i32
    %mul3A_10 = arith.muli %add3A, %mul3A_9 : i32
    %eq3A = arith.constant 31 : i32
    %eq3A_11 = arith.cmpi eq, %add3A, %eq3A : i32
    %jit3A = arith.constant 20 : i32
    %jit3A_12 = arith.constant 80 : i32
    %select_n3A = arith.select %eq3A_11, %jit3A, %jit3A_12 : i32
    %jit3A_13 = arith.constant 2 : i32
    %div3A = arith.divsi %select_n3A, %jit3A_13 : i32
    %sign3A = arith.constant 0 : i32
    %sign3A_14 = arith.cmpi sgt, %select_n3A, %sign3A : i32
    %sign3A_15 = arith.extui %sign3A_14 : i1 to i32
    %sign3A_16 = arith.constant 0 : i32
    %sign3A_17 = arith.cmpi slt, %select_n3A, %sign3A_16 : i32
    %sign3A_18 = arith.extui %sign3A_17 : i1 to i32
    %sign3A_19 = arith.subi %sign3A_15, %sign3A_18 : i32
    %sign3A_20 = arith.constant 0 : i32
    %sign3A_21 = arith.cmpi sgt, %jit3A_13, %sign3A_20 : i32
    %sign3A_22 = arith.extui %sign3A_21 : i1 to i32
    %sign3A_23 = arith.constant 0 : i32
    %sign3A_24 = arith.cmpi slt, %jit3A_13, %sign3A_23 : i32
    %sign3A_25 = arith.extui %sign3A_24 : i1 to i32
    %sign3A_26 = arith.subi %sign3A_22, %sign3A_25 : i32
    %ne3A = arith.cmpi ne, %sign3A_19, %sign3A_26 : i32
    %rem3A = arith.remsi %select_n3A, %jit3A_13 : i32
    %ne3A_27 = arith.constant 0 : i32
    %ne3A_28 = arith.cmpi ne, %rem3A, %ne3A_27 : i32
    %and3A = arith.andi %ne3A, %ne3A_28 : i1
    %sub3A = arith.constant 1 : i32
    %sub3A_29 = arith.subi %div3A, %sub3A : i32
    %select_n3A_30 = arith.select %and3A, %sub3A_29, %div3A : i32
    %not3A = arith.constant true
    %not3A_31 = arith.xori %eq3A_11, %not3A : i1
    %convert_element_type3A = arith.extui %not3A_31 : i1 to i32
    %cond3A = arith.constant 0 : i32
    %cond3A_32 = arith.cmpi ne, %convert_element_type3A, %cond3A : i32
    scf.if %cond3A_32 {
      %run_scoped3A = arith.constant 0 : i32
      "tpu.region"() ({
        %run_scoped3A_151 = tpu.sem_alloc : memref<!tpu.dma_semaphore, #tpu.memory_space<semaphore_mem>>
        %dma_start3A_152 = arith.constant 0 : i32
        %dma_start3A_153 = tpu.memref_slice %arg3[%run_scoped3A, %mul3A_10, %dma_start3A_152] : memref<2x2500x128xi32, #tpu.memory_space<hbm>> -> memref<1x80x128xi32, #tpu.memory_space<hbm>>
        %dma_start3A_154 = tpu.memref_squeeze %dma_start3A_153 : memref<1x80x128xi32, #tpu.memory_space<hbm>> -> memref<80x128xi32, #tpu.memory_space<hbm>>
        %dma_start3A_155 = arith.constant 0 : i32
        %dma_start3A_156 = tpu.memref_slice %arg3[%run_scoped3A, %mul3A_10, %dma_start3A_155] : memref<2x2500x128xi32, #tpu.memory_space<hbm>> -> memref<1x80x128xi32, #tpu.memory_space<hbm>>
        %dma_start3A_157 = tpu.memref_squeeze %dma_start3A_156 : memref<1x80x128xi32, #tpu.memory_space<hbm>> -> memref<80x128xi32, #tpu.memory_space<hbm>>
        tpu.enqueue_dma source(%dma_start3A_157 : memref<80x128xi32, #tpu.memory_space<hbm>>) target(%arg9 : memref<80x128xi32, #tpu.memory_space<vmem>>) target_semaphore(%run_scoped3A_151 : memref<!tpu.dma_semaphore, #tpu.memory_space<semaphore_mem>>)
        %dma_wait3A = arith.constant 0 : i32
        %dma_wait3A_158 = tpu.memref_slice %arg3[%run_scoped3A, %mul3A_10, %dma_wait3A] : memref<2x2500x128xi32, #tpu.memory_space<hbm>> -> memref<1x80x128xi32, #tpu.memory_space<hbm>>
        %dma_wait3A_159 = tpu.memref_squeeze %dma_wait3A_158 : memref<1x80x128xi32, #tpu.memory_space<hbm>> -> memref<80x128xi32, #tpu.memory_space<hbm>>
        %dma_wait3A_160 = arith.constant 0 : i32
        %dma_wait3A_161 = tpu.memref_slice %arg3[%run_scoped3A, %mul3A_10, %dma_wait3A_160] : memref<2x2500x128xi32, #tpu.memory_space<hbm>> -> memref<1x80x128xi32, #tpu.memory_space<hbm>>
        %dma_wait3A_162 = tpu.memref_squeeze %dma_wait3A_161 : memref<1x80x128xi32, #tpu.memory_space<hbm>> -> memref<80x128xi32, #tpu.memory_space<hbm>>
        tpu.wait_dma2 semaphore(%run_scoped3A_151 : memref<!tpu.dma_semaphore, #tpu.memory_space<semaphore_mem>>) src(%dma_wait3A_162 : memref<80x128xi32, #tpu.memory_space<hbm>>) dst(%arg9 : memref<80x128xi32, #tpu.memory_space<vmem>>)
        tpu.yield
      }) : () -> ()
      %run_scoped3A_150 = arith.constant 1 : i32
      "tpu.region"() ({
        %run_scoped3A_151 = tpu.sem_alloc : memref<!tpu.dma_semaphore, #tpu.memory_space<semaphore_mem>>
        %dma_start3A_152 = arith.constant 0 : i32
        %dma_start3A_153 = tpu.memref_slice %arg3[%run_scoped3A_150, %mul3A_10, %dma_start3A_152] : memref<2x2500x128xi32, #tpu.memory_space<hbm>> -> memref<1x80x128xi32, #tpu.memory_space<hbm>>
        %dma_start3A_154 = tpu.memref_squeeze %dma_start3A_153 : memref<1x80x128xi32, #tpu.memory_space<hbm>> -> memref<80x128xi32, #tpu.memory_space<hbm>>
        %dma_start3A_155 = arith.constant 0 : i32
        %dma_start3A_156 = tpu.memref_slice %arg3[%run_scoped3A_150, %mul3A_10, %dma_start3A_155] : memref<2x2500x128xi32, #tpu.memory_space<hbm>> -> memref<1x80x128xi32, #tpu.memory_space<hbm>>
        %dma_start3A_157 = tpu.memref_squeeze %dma_start3A_156 : memref<1x80x128xi32, #tpu.memory_space<hbm>> -> memref<80x128xi32, #tpu.memory_space<hbm>>
        tpu.enqueue_dma source(%dma_start3A_157 : memref<80x128xi32, #tpu.memory_space<hbm>>) target(%arg10 : memref<80x128xi32, #tpu.memory_space<vmem>>) target_semaphore(%run_scoped3A_151 : memref<!tpu.dma_semaphore, #tpu.memory_space<semaphore_mem>>)
        %dma_wait3A = arith.constant 0 : i32
        %dma_wait3A_158 = tpu.memref_slice %arg3[%run_scoped3A_150, %mul3A_10, %dma_wait3A] : memref<2x2500x128xi32, #tpu.memory_space<hbm>> -> memref<1x80x128xi32, #tpu.memory_space<hbm>>
        %dma_wait3A_159 = tpu.memref_squeeze %dma_wait3A_158 : memref<1x80x128xi32, #tpu.memory_space<hbm>> -> memref<80x128xi32, #tpu.memory_space<hbm>>
        %dma_wait3A_160 = arith.constant 0 : i32
        %dma_wait3A_161 = tpu.memref_slice %arg3[%run_scoped3A_150, %mul3A_10, %dma_wait3A_160] : memref<2x2500x128xi32, #tpu.memory_space<hbm>> -> memref<1x80x128xi32, #tpu.memory_space<hbm>>
        %dma_wait3A_162 = tpu.memref_squeeze %dma_wait3A_161 : memref<1x80x128xi32, #tpu.memory_space<hbm>> -> memref<80x128xi32, #tpu.memory_space<hbm>>
        tpu.wait_dma2 semaphore(%run_scoped3A_151 : memref<!tpu.dma_semaphore, #tpu.memory_space<semaphore_mem>>) src(%dma_wait3A_162 : memref<80x128xi32, #tpu.memory_space<hbm>>) dst(%arg10 : memref<80x128xi32, #tpu.memory_space<vmem>>)
        tpu.yield
      }) : () -> ()
    } else {
    }
    %convert_element_type3A_33 = arith.extui %eq3A_11 : i1 to i32
    %cond3A_34 = arith.constant 0 : i32
    %cond3A_35 = arith.cmpi ne, %convert_element_type3A_33, %cond3A_34 : i32
    scf.if %cond3A_35 {
      %run_scoped3A = arith.constant 0 : i32
      "tpu.region"() ({
        %run_scoped3A_151 = tpu.sem_alloc : memref<!tpu.dma_semaphore, #tpu.memory_space<semaphore_mem>>
        %dma_start3A_152 = arith.constant 0 : i32
        %dma_start3A_153 = arith.constant 0 : i32
        %dma_start3A_154 = tpu.memref_slice %arg9[%dma_start3A_152, %dma_start3A_153] : memref<80x128xi32, #tpu.memory_space<vmem>> -> memref<20x128xi32, #tpu.memory_space<vmem>>
        %dma_start3A_155 = arith.constant 0 : i32
        %dma_start3A_156 = tpu.memref_slice %arg3[%run_scoped3A, %mul3A_10, %dma_start3A_155] : memref<2x2500x128xi32, #tpu.memory_space<hbm>> -> memref<1x20x128xi32, #tpu.memory_space<hbm>>
        %dma_start3A_157 = tpu.memref_squeeze %dma_start3A_156 : memref<1x20x128xi32, #tpu.memory_space<hbm>> -> memref<20x128xi32, #tpu.memory_space<hbm>>
        %dma_start3A_158 = arith.constant 0 : i32
        %dma_start3A_159 = arith.constant 0 : i32
        %dma_start3A_160 = tpu.memref_slice %arg9[%dma_start3A_158, %dma_start3A_159] : memref<80x128xi32, #tpu.memory_space<vmem>> -> memref<20x128xi32, #tpu.memory_space<vmem>>
        %dma_start3A_161 = arith.constant 0 : i32
        %dma_start3A_162 = tpu.memref_slice %arg3[%run_scoped3A, %mul3A_10, %dma_start3A_161] : memref<2x2500x128xi32, #tpu.memory_space<hbm>> -> memref<1x20x128xi32, #tpu.memory_space<hbm>>
        %dma_start3A_163 = tpu.memref_squeeze %dma_start3A_162 : memref<1x20x128xi32, #tpu.memory_space<hbm>> -> memref<20x128xi32, #tpu.memory_space<hbm>>
        tpu.enqueue_dma source(%dma_start3A_163 : memref<20x128xi32, #tpu.memory_space<hbm>>) target(%dma_start3A_160 : memref<20x128xi32, #tpu.memory_space<vmem>>) target_semaphore(%run_scoped3A_151 : memref<!tpu.dma_semaphore, #tpu.memory_space<semaphore_mem>>)
        %dma_wait3A = arith.constant 0 : i32
        %dma_wait3A_164 = arith.constant 0 : i32
        %dma_wait3A_165 = tpu.memref_slice %arg9[%dma_wait3A, %dma_wait3A_164] : memref<80x128xi32, #tpu.memory_space<vmem>> -> memref<20x128xi32, #tpu.memory_space<vmem>>
        %dma_wait3A_166 = arith.constant 0 : i32
        %dma_wait3A_167 = tpu.memref_slice %arg3[%run_scoped3A, %mul3A_10, %dma_wait3A_166] : memref<2x2500x128xi32, #tpu.memory_space<hbm>> -> memref<1x20x128xi32, #tpu.memory_space<hbm>>
        %dma_wait3A_168 = tpu.memref_squeeze %dma_wait3A_167 : memref<1x20x128xi32, #tpu.memory_space<hbm>> -> memref<20x128xi32, #tpu.memory_space<hbm>>
        %dma_wait3A_169 = arith.constant 0 : i32
        %dma_wait3A_170 = arith.constant 0 : i32
        %dma_wait3A_171 = tpu.memref_slice %arg9[%dma_wait3A_169, %dma_wait3A_170] : memref<80x128xi32, #tpu.memory_space<vmem>> -> memref<20x128xi32, #tpu.memory_space<vmem>>
        %dma_wait3A_172 = arith.constant 0 : i32
        %dma_wait3A_173 = tpu.memref_slice %arg3[%run_scoped3A, %mul3A_10, %dma_wait3A_172] : memref<2x2500x128xi32, #tpu.memory_space<hbm>> -> memref<1x20x128xi32, #tpu.memory_space<hbm>>
        %dma_wait3A_174 = tpu.memref_squeeze %dma_wait3A_173 : memref<1x20x128xi32, #tpu.memory_space<hbm>> -> memref<20x128xi32, #tpu.memory_space<hbm>>
        tpu.wait_dma2 semaphore(%run_scoped3A_151 : memref<!tpu.dma_semaphore, #tpu.memory_space<semaphore_mem>>) src(%dma_wait3A_174 : memref<20x128xi32, #tpu.memory_space<hbm>>) dst(%dma_wait3A_171 : memref<20x128xi32, #tpu.memory_space<vmem>>)
        tpu.yield
      }) : () -> ()
      %run_scoped3A_150 = arith.constant 1 : i32
      "tpu.region"() ({
        %run_scoped3A_151 = tpu.sem_alloc : memref<!tpu.dma_semaphore, #tpu.memory_space<semaphore_mem>>
        %dma_start3A_152 = arith.constant 0 : i32
        %dma_start3A_153 = arith.constant 0 : i32
        %dma_start3A_154 = tpu.memref_slice %arg10[%dma_start3A_152, %dma_start3A_153] : memref<80x128xi32, #tpu.memory_space<vmem>> -> memref<20x128xi32, #tpu.memory_space<vmem>>
        %dma_start3A_155 = arith.constant 0 : i32
        %dma_start3A_156 = tpu.memref_slice %arg3[%run_scoped3A_150, %mul3A_10, %dma_start3A_155] : memref<2x2500x128xi32, #tpu.memory_space<hbm>> -> memref<1x20x128xi32, #tpu.memory_space<hbm>>
        %dma_start3A_157 = tpu.memref_squeeze %dma_start3A_156 : memref<1x20x128xi32, #tpu.memory_space<hbm>> -> memref<20x128xi32, #tpu.memory_space<hbm>>
        %dma_start3A_158 = arith.constant 0 : i32
        %dma_start3A_159 = arith.constant 0 : i32
        %dma_start3A_160 = tpu.memref_slice %arg10[%dma_start3A_158, %dma_start3A_159] : memref<80x128xi32, #tpu.memory_space<vmem>> -> memref<20x128xi32, #tpu.memory_space<vmem>>
        %dma_start3A_161 = arith.constant 0 : i32
        %dma_start3A_162 = tpu.memref_slice %arg3[%run_scoped3A_150, %mul3A_10, %dma_start3A_161] : memref<2x2500x128xi32, #tpu.memory_space<hbm>> -> memref<1x20x128xi32, #tpu.memory_space<hbm>>
        %dma_start3A_163 = tpu.memref_squeeze %dma_start3A_162 : memref<1x20x128xi32, #tpu.memory_space<hbm>> -> memref<20x128xi32, #tpu.memory_space<hbm>>
        tpu.enqueue_dma source(%dma_start3A_163 : memref<20x128xi32, #tpu.memory_space<hbm>>) target(%dma_start3A_160 : memref<20x128xi32, #tpu.memory_space<vmem>>) target_semaphore(%run_scoped3A_151 : memref<!tpu.dma_semaphore, #tpu.memory_space<semaphore_mem>>)
        %dma_wait3A = arith.constant 0 : i32
        %dma_wait3A_164 = arith.constant 0 : i32
        %dma_wait3A_165 = tpu.memref_slice %arg10[%dma_wait3A, %dma_wait3A_164] : memref<80x128xi32, #tpu.memory_space<vmem>> -> memref<20x128xi32, #tpu.memory_space<vmem>>
        %dma_wait3A_166 = arith.constant 0 : i32
        %dma_wait3A_167 = tpu.memref_slice %arg3[%run_scoped3A_150, %mul3A_10, %dma_wait3A_166] : memref<2x2500x128xi32, #tpu.memory_space<hbm>> -> memref<1x20x128xi32, #tpu.memory_space<hbm>>
        %dma_wait3A_168 = tpu.memref_squeeze %dma_wait3A_167 : memref<1x20x128xi32, #tpu.memory_space<hbm>> -> memref<20x128xi32, #tpu.memory_space<hbm>>
        %dma_wait3A_169 = arith.constant 0 : i32
        %dma_wait3A_170 = arith.constant 0 : i32
        %dma_wait3A_171 = tpu.memref_slice %arg10[%dma_wait3A_169, %dma_wait3A_170] : memref<80x128xi32, #tpu.memory_space<vmem>> -> memref<20x128xi32, #tpu.memory_space<vmem>>
        %dma_wait3A_172 = arith.constant 0 : i32
        %dma_wait3A_173 = tpu.memref_slice %arg3[%run_scoped3A_150, %mul3A_10, %dma_wait3A_172] : memref<2x2500x128xi32, #tpu.memory_space<hbm>> -> memref<1x20x128xi32, #tpu.memory_space<hbm>>
        %dma_wait3A_174 = tpu.memref_squeeze %dma_wait3A_173 : memref<1x20x128xi32, #tpu.memory_space<hbm>> -> memref<20x128xi32, #tpu.memory_space<hbm>>
        tpu.wait_dma2 semaphore(%run_scoped3A_151 : memref<!tpu.dma_semaphore, #tpu.memory_space<semaphore_mem>>) src(%dma_wait3A_174 : memref<20x128xi32, #tpu.memory_space<hbm>>) dst(%dma_wait3A_171 : memref<20x128xi32, #tpu.memory_space<vmem>>)
        tpu.yield
      }) : () -> ()
    } else {
    }
    %dma_start3A = arith.constant 0 : i32
    %dma_start3A_36 = arith.constant 0 : i32
    %dma_start3A_37 = arith.constant 0 : i32
    %dma_start3A_38 = arith.constant 0 : i32
    %dma_start3A_39 = arith.constant 0 : i32
    %dma_start3A_40 = tpu.memref_slice %arg11[%dma_start3A_36, %dma_start3A_37, %dma_start3A_38, %dma_start3A_39] : memref<3x2x128x64xf32, #tpu.memory_space<vmem>> -> memref<1x1x128x64xf32, #tpu.memory_space<vmem>>
    %dma_start3A_41 = tpu.memref_squeeze %dma_start3A_40 : memref<1x1x128x64xf32, #tpu.memory_space<vmem>> -> memref<128x64xf32, #tpu.memory_space<vmem>>
    %dma_start3A_42 = arith.constant 0 : i32
    %dma_start3A_43 = tpu.memref_slice %arg9[%dma_start3A, %dma_start3A_42] : memref<80x128xi32, #tpu.memory_space<vmem>> -> memref<1x128xi32, #tpu.memory_space<vmem>>
    %dma_start3A_44 = tpu.memref_squeeze %dma_start3A_43 : memref<1x128xi32, #tpu.memory_space<vmem>> -> memref<128xi32, #tpu.memory_space<vmem>>
    %dma_start3A_45 = arith.constant 0 : i32
    %dma_start3A_46 = arith.constant 0 : i32
    %dma_start3A_47 = tpu.memref_slice %arg2[%dma_start3A_45, %dma_start3A_46] : memref<10000x64xf32, #tpu.memory_space<hbm>> -> memref<10000x64xf32, #tpu.memory_space<hbm>>
    tpu.enqueue_indirect_dma source(%dma_start3A_47 : memref<10000x64xf32, #tpu.memory_space<hbm>>) target(%dma_start3A_41 : memref<128x64xf32, #tpu.memory_space<vmem>>) offsets(%dma_start3A_44 : memref<128xi32, #tpu.memory_space<vmem>>) semaphore(%arg12 : memref<!tpu.dma_semaphore, #tpu.memory_space<semaphore_mem>>)
    %dma_start3A_48 = arith.constant 1 : i32
    %dma_start3A_49 = arith.constant 0 : i32
    %dma_start3A_50 = arith.constant 1 : i32
    %dma_start3A_51 = arith.constant 0 : i32
    %dma_start3A_52 = arith.constant 0 : i32
    %dma_start3A_53 = tpu.memref_slice %arg11[%dma_start3A_49, %dma_start3A_50, %dma_start3A_51, %dma_start3A_52] : memref<3x2x128x64xf32, #tpu.memory_space<vmem>> -> memref<1x1x128x64xf32, #tpu.memory_space<vmem>>
    %dma_start3A_54 = tpu.memref_squeeze %dma_start3A_53 : memref<1x1x128x64xf32, #tpu.memory_space<vmem>> -> memref<128x64xf32, #tpu.memory_space<vmem>>
    %dma_start3A_55 = arith.constant 0 : i32
    %dma_start3A_56 = tpu.memref_slice %arg9[%dma_start3A_48, %dma_start3A_55] : memref<80x128xi32, #tpu.memory_space<vmem>> -> memref<1x128xi32, #tpu.memory_space<vmem>>
    %dma_start3A_57 = tpu.memref_squeeze %dma_start3A_56 : memref<1x128xi32, #tpu.memory_space<vmem>> -> memref<128xi32, #tpu.memory_space<vmem>>
    %dma_start3A_58 = arith.constant 0 : i32
    %dma_start3A_59 = arith.constant 0 : i32
    %dma_start3A_60 = tpu.memref_slice %arg2[%dma_start3A_58, %dma_start3A_59] : memref<10000x64xf32, #tpu.memory_space<hbm>> -> memref<10000x64xf32, #tpu.memory_space<hbm>>
    tpu.enqueue_indirect_dma source(%dma_start3A_60 : memref<10000x64xf32, #tpu.memory_space<hbm>>) target(%dma_start3A_54 : memref<128x64xf32, #tpu.memory_space<vmem>>) offsets(%dma_start3A_57 : memref<128xi32, #tpu.memory_space<vmem>>) semaphore(%arg12 : memref<!tpu.dma_semaphore, #tpu.memory_space<semaphore_mem>>)
    %dma_start3A_61 = arith.constant 2 : i32
    %dma_start3A_62 = arith.constant 1 : i32
    %dma_start3A_63 = arith.constant 0 : i32
    %dma_start3A_64 = arith.constant 0 : i32
    %dma_start3A_65 = arith.constant 0 : i32
    %dma_start3A_66 = tpu.memref_slice %arg11[%dma_start3A_62, %dma_start3A_63, %dma_start3A_64, %dma_start3A_65] : memref<3x2x128x64xf32, #tpu.memory_space<vmem>> -> memref<1x1x128x64xf32, #tpu.memory_space<vmem>>
    %dma_start3A_67 = tpu.memref_squeeze %dma_start3A_66 : memref<1x1x128x64xf32, #tpu.memory_space<vmem>> -> memref<128x64xf32, #tpu.memory_space<vmem>>
    %dma_start3A_68 = arith.constant 0 : i32
    %dma_start3A_69 = tpu.memref_slice %arg9[%dma_start3A_61, %dma_start3A_68] : memref<80x128xi32, #tpu.memory_space<vmem>> -> memref<1x128xi32, #tpu.memory_space<vmem>>
    %dma_start3A_70 = tpu.memref_squeeze %dma_start3A_69 : memref<1x128xi32, #tpu.memory_space<vmem>> -> memref<128xi32, #tpu.memory_space<vmem>>
    %dma_start3A_71 = arith.constant 0 : i32
    %dma_start3A_72 = arith.constant 0 : i32
    %dma_start3A_73 = tpu.memref_slice %arg2[%dma_start3A_71, %dma_start3A_72] : memref<10000x64xf32, #tpu.memory_space<hbm>> -> memref<10000x64xf32, #tpu.memory_space<hbm>>
    tpu.enqueue_indirect_dma source(%dma_start3A_73 : memref<10000x64xf32, #tpu.memory_space<hbm>>) target(%dma_start3A_67 : memref<128x64xf32, #tpu.memory_space<vmem>>) offsets(%dma_start3A_70 : memref<128xi32, #tpu.memory_space<vmem>>) semaphore(%arg12 : memref<!tpu.dma_semaphore, #tpu.memory_space<semaphore_mem>>)
    %dma_start3A_74 = arith.constant 3 : i32
    %dma_start3A_75 = arith.constant 1 : i32
    %dma_start3A_76 = arith.constant 1 : i32
    %dma_start3A_77 = arith.constant 0 : i32
    %dma_start3A_78 = arith.constant 0 : i32
    %dma_start3A_79 = tpu.memref_slice %arg11[%dma_start3A_75, %dma_start3A_76, %dma_start3A_77, %dma_start3A_78] : memref<3x2x128x64xf32, #tpu.memory_space<vmem>> -> memref<1x1x128x64xf32, #tpu.memory_space<vmem>>
    %dma_start3A_80 = tpu.memref_squeeze %dma_start3A_79 : memref<1x1x128x64xf32, #tpu.memory_space<vmem>> -> memref<128x64xf32, #tpu.memory_space<vmem>>
    %dma_start3A_81 = arith.constant 0 : i32
    %dma_start3A_82 = tpu.memref_slice %arg9[%dma_start3A_74, %dma_start3A_81] : memref<80x128xi32, #tpu.memory_space<vmem>> -> memref<1x128xi32, #tpu.memory_space<vmem>>
    %dma_start3A_83 = tpu.memref_squeeze %dma_start3A_82 : memref<1x128xi32, #tpu.memory_space<vmem>> -> memref<128xi32, #tpu.memory_space<vmem>>
    %dma_start3A_84 = arith.constant 0 : i32
    %dma_start3A_85 = arith.constant 0 : i32
    %dma_start3A_86 = tpu.memref_slice %arg2[%dma_start3A_84, %dma_start3A_85] : memref<10000x64xf32, #tpu.memory_space<hbm>> -> memref<10000x64xf32, #tpu.memory_space<hbm>>
    tpu.enqueue_indirect_dma source(%dma_start3A_86 : memref<10000x64xf32, #tpu.memory_space<hbm>>) target(%dma_start3A_80 : memref<128x64xf32, #tpu.memory_space<vmem>>) offsets(%dma_start3A_83 : memref<128xi32, #tpu.memory_space<vmem>>) semaphore(%arg12 : memref<!tpu.dma_semaphore, #tpu.memory_space<semaphore_mem>>)
    %add3A_87 = arith.constant 1 : i32
    %add3A_88 = arith.addi %select_n3A_30, %add3A_87 : i32
    %add3A_89 = arith.constant 3 : i32
    %add3A_90 = arith.addi %add3A_88, %add3A_89 : i32
    %sub3A_91 = arith.constant 1 : i32
    %sub3A_92 = arith.subi %add3A_90, %sub3A_91 : i32
    %jit3A_93 = arith.constant 3 : i32
    %div3A_94 = arith.divsi %sub3A_92, %jit3A_93 : i32
    %sign3A_95 = arith.constant 0 : i32
    %sign3A_96 = arith.cmpi sgt, %sub3A_92, %sign3A_95 : i32
    %sign3A_97 = arith.extui %sign3A_96 : i1 to i32
    %sign3A_98 = arith.constant 0 : i32
    %sign3A_99 = arith.cmpi slt, %sub3A_92, %sign3A_98 : i32
    %sign3A_100 = arith.extui %sign3A_99 : i1 to i32
    %sign3A_101 = arith.subi %sign3A_97, %sign3A_100 : i32
    %sign3A_102 = arith.constant 0 : i32
    %sign3A_103 = arith.cmpi sgt, %jit3A_93, %sign3A_102 : i32
    %sign3A_104 = arith.extui %sign3A_103 : i1 to i32
    %sign3A_105 = arith.constant 0 : i32
    %sign3A_106 = arith.cmpi slt, %jit3A_93, %sign3A_105 : i32
    %sign3A_107 = arith.extui %sign3A_106 : i1 to i32
    %sign3A_108 = arith.subi %sign3A_104, %sign3A_107 : i32
    %ne3A_109 = arith.cmpi ne, %sign3A_101, %sign3A_108 : i32
    %rem3A_110 = arith.remsi %sub3A_92, %jit3A_93 : i32
    %ne3A_111 = arith.constant 0 : i32
    %ne3A_112 = arith.cmpi ne, %rem3A_110, %ne3A_111 : i32
    %and3A_113 = arith.andi %ne3A_109, %ne3A_112 : i1
    %sub3A_114 = arith.constant 1 : i32
    %sub3A_115 = arith.subi %div3A_94, %sub3A_114 : i32
    %select_n3A_116 = arith.select %and3A_113, %sub3A_115, %div3A_94 : i32
    %sub3A_117 = arith.constant 0 : i32
    %sub3A_118 = arith.subi %select_n3A_116, %sub3A_117 : i32
    %sub3A_119 = arith.constant 1 : i32
    %sub3A_120 = arith.constant 1 : i32
    %sub3A_121 = arith.subi %sub3A_119, %sub3A_120 : i32
    %add3A_122 = arith.addi %sub3A_118, %sub3A_121 : i32
    %div3A_123 = arith.constant 1 : i32
    %div3A_124 = arith.divsi %add3A_122, %div3A_123 : i32
    %while3A = arith.constant 1 : i32
    %while3A_125 = arith.constant 0 : i32
    %while3A_126 = arith.constant 0 : i32
    %while3A_127 = arith.subi %div3A_124, %while3A_126 : i32
    %while3A_128 = arith.addi %while3A_126, %while3A_127 : i32
    %while3A_129 = arith.constant 1 : i32
    %while3A_130 = arith.divsi %while3A_127, %while3A_129 : i32
    %while3A_131 = arith.muli %while3A_130, %while3A_129 : i32
    %while3A_132 = arith.addi %while3A_126, %while3A_131 : i32
    %while3A_133 = arith.constant 1 : i32
    scf.for %while3A_150 = %while3A_126 to %while3A_132 step %while3A_133  : i32 {
      %mul3A_151 = arith.muli %while3A_150, %while3A : i32
      %add3A_152 = arith.addi %while3A_125, %mul3A_151 : i32
      %mul3A_153 = arith.constant 3 : i32
      %mul3A_154 = arith.muli %add3A_152, %mul3A_153 : i32
      %add3A_155 = arith.constant 0 : i32
      %add3A_156 = arith.addi %mul3A_154, %add3A_155 : i32
      %lt3A = arith.cmpi slt, %add3A_156, %select_n3A_30 : i32
      %convert_element_type3A_157 = arith.extui %lt3A : i1 to i32
      %cond3A_158 = arith.constant 0 : i32
      %cond3A_159 = arith.cmpi ne, %convert_element_type3A_157, %cond3A_158 : i32
      scf.if %cond3A_159 {
        %mul3A_219 = arith.constant 2 : i32
        %mul3A_220 = arith.muli %add3A_156, %mul3A_219 : i32
        %add3A_221 = arith.constant 0 : i32
        %add3A_222 = arith.addi %mul3A_220, %add3A_221 : i32
        %dma_wait3A = arith.constant 0 : i32
        %dma_wait3A_223 = arith.constant 0 : i32
        %dma_wait3A_224 = arith.constant 0 : i32
        %dma_wait3A_225 = arith.constant 0 : i32
        %dma_wait3A_226 = tpu.memref_slice %arg11[%dma_wait3A, %dma_wait3A_223, %dma_wait3A_224, %dma_wait3A_225] : memref<3x2x128x64xf32, #tpu.memory_space<vmem>> -> memref<1x1x128x64xf32, #tpu.memory_space<vmem>>
        %dma_wait3A_227 = tpu.memref_squeeze %dma_wait3A_226 : memref<1x1x128x64xf32, #tpu.memory_space<vmem>> -> memref<128x64xf32, #tpu.memory_space<vmem>>
        %dma_wait3A_228 = arith.constant 0 : i32
        %dma_wait3A_229 = tpu.memref_slice %arg9[%add3A_222, %dma_wait3A_228] : memref<80x128xi32, #tpu.memory_space<vmem>> -> memref<1x128xi32, #tpu.memory_space<vmem>>
        %dma_wait3A_230 = tpu.memref_squeeze %dma_wait3A_229 : memref<1x128xi32, #tpu.memory_space<vmem>> -> memref<128xi32, #tpu.memory_space<vmem>>
        %dma_wait3A_231 = arith.constant 0 : i32
        %dma_wait3A_232 = arith.constant 0 : i32
        %dma_wait3A_233 = tpu.memref_slice %arg2[%dma_wait3A_231, %dma_wait3A_232] : memref<10000x64xf32, #tpu.memory_space<hbm>> -> memref<10000x64xf32, #tpu.memory_space<hbm>>
        tpu.wait_indirect_dma semaphore(%arg12 : memref<!tpu.dma_semaphore, #tpu.memory_space<semaphore_mem>>) src(%dma_wait3A_233 : memref<10000x64xf32, #tpu.memory_space<hbm>>) dst(%dma_wait3A_227 : memref<128x64xf32, #tpu.memory_space<vmem>>)
        %mul3A_234 = arith.constant 2 : i32
        %mul3A_235 = arith.muli %add3A_156, %mul3A_234 : i32
        %add3A_236 = arith.constant 1 : i32
        %add3A_237 = arith.addi %mul3A_235, %add3A_236 : i32
        %dma_wait3A_238 = arith.constant 0 : i32
        %dma_wait3A_239 = arith.constant 1 : i32
        %dma_wait3A_240 = arith.constant 0 : i32
        %dma_wait3A_241 = arith.constant 0 : i32
        %dma_wait3A_242 = tpu.memref_slice %arg11[%dma_wait3A_238, %dma_wait3A_239, %dma_wait3A_240, %dma_wait3A_241] : memref<3x2x128x64xf32, #tpu.memory_space<vmem>> -> memref<1x1x128x64xf32, #tpu.memory_space<vmem>>
        %dma_wait3A_243 = tpu.memref_squeeze %dma_wait3A_242 : memref<1x1x128x64xf32, #tpu.memory_space<vmem>> -> memref<128x64xf32, #tpu.memory_space<vmem>>
        %dma_wait3A_244 = arith.constant 0 : i32
        %dma_wait3A_245 = tpu.memref_slice %arg9[%add3A_237, %dma_wait3A_244] : memref<80x128xi32, #tpu.memory_space<vmem>> -> memref<1x128xi32, #tpu.memory_space<vmem>>
        %dma_wait3A_246 = tpu.memref_squeeze %dma_wait3A_245 : memref<1x128xi32, #tpu.memory_space<vmem>> -> memref<128xi32, #tpu.memory_space<vmem>>
        %dma_wait3A_247 = arith.constant 0 : i32
        %dma_wait3A_248 = arith.constant 0 : i32
        %dma_wait3A_249 = tpu.memref_slice %arg2[%dma_wait3A_247, %dma_wait3A_248] : memref<10000x64xf32, #tpu.memory_space<hbm>> -> memref<10000x64xf32, #tpu.memory_space<hbm>>
        tpu.wait_indirect_dma semaphore(%arg12 : memref<!tpu.dma_semaphore, #tpu.memory_space<semaphore_mem>>) src(%dma_wait3A_249 : memref<10000x64xf32, #tpu.memory_space<hbm>>) dst(%dma_wait3A_243 : memref<128x64xf32, #tpu.memory_space<vmem>>)
        %mul3A_250 = arith.constant 2 : i32
        %mul3A_251 = arith.muli %add3A_156, %mul3A_250 : i32
        %add3A_252 = arith.constant 0 : i32
        %add3A_253 = arith.addi %mul3A_251, %add3A_252 : i32
        %dma_start3A_254 = arith.constant 0 : i32
        %dma_start3A_255 = arith.constant 0 : i32
        %dma_start3A_256 = arith.constant 0 : i32
        %dma_start3A_257 = arith.constant 0 : i32
        %dma_start3A_258 = tpu.memref_slice %arg11[%dma_start3A_254, %dma_start3A_255, %dma_start3A_256, %dma_start3A_257] : memref<3x2x128x64xf32, #tpu.memory_space<vmem>> -> memref<1x1x128x64xf32, #tpu.memory_space<vmem>>
        %dma_start3A_259 = tpu.memref_squeeze %dma_start3A_258 : memref<1x1x128x64xf32, #tpu.memory_space<vmem>> -> memref<128x64xf32, #tpu.memory_space<vmem>>
        %dma_start3A_260 = arith.constant 0 : i32
        %dma_start3A_261 = tpu.memref_slice %arg10[%add3A_253, %dma_start3A_260] : memref<80x128xi32, #tpu.memory_space<vmem>> -> memref<1x128xi32, #tpu.memory_space<vmem>>
        %dma_start3A_262 = tpu.memref_squeeze %dma_start3A_261 : memref<1x128xi32, #tpu.memory_space<vmem>> -> memref<128xi32, #tpu.memory_space<vmem>>
        %dma_start3A_263 = arith.constant 0 : i32
        %dma_start3A_264 = arith.constant 0 : i32
        %dma_start3A_265 = tpu.memref_slice %arg14[%dma_start3A_263, %dma_start3A_264] : memref<10240x64xf32, #tpu.memory_space<vmem_shared>> -> memref<10240x64xf32, #tpu.memory_space<vmem_shared>>
        tpu.enqueue_indirect_dma source(%dma_start3A_259 : memref<128x64xf32, #tpu.memory_space<vmem>>) target(%dma_start3A_265 : memref<10240x64xf32, #tpu.memory_space<vmem_shared>>) offsets(%dma_start3A_262 : memref<128xi32, #tpu.memory_space<vmem>>) semaphore(%arg13 : memref<!tpu.dma_semaphore, #tpu.memory_space<semaphore_mem>>) {add = true}
        %mul3A_266 = arith.constant 2 : i32
        %mul3A_267 = arith.muli %add3A_156, %mul3A_266 : i32
        %add3A_268 = arith.constant 1 : i32
        %add3A_269 = arith.addi %mul3A_267, %add3A_268 : i32
        %dma_start3A_270 = arith.constant 0 : i32
        %dma_start3A_271 = arith.constant 1 : i32
        %dma_start3A_272 = arith.constant 0 : i32
        %dma_start3A_273 = arith.constant 0 : i32
        %dma_start3A_274 = tpu.memref_slice %arg11[%dma_start3A_270, %dma_start3A_271, %dma_start3A_272, %dma_start3A_273] : memref<3x2x128x64xf32, #tpu.memory_space<vmem>> -> memref<1x1x128x64xf32, #tpu.memory_space<vmem>>
        %dma_start3A_275 = tpu.memref_squeeze %dma_start3A_274 : memref<1x1x128x64xf32, #tpu.memory_space<vmem>> -> memref<128x64xf32, #tpu.memory_space<vmem>>
        %dma_start3A_276 = arith.constant 0 : i32
        %dma_start3A_277 = tpu.memref_slice %arg10[%add3A_269, %dma_start3A_276] : memref<80x128xi32, #tpu.memory_space<vmem>> -> memref<1x128xi32, #tpu.memory_space<vmem>>
        %dma_start3A_278 = tpu.memref_squeeze %dma_start3A_277 : memref<1x128xi32, #tpu.memory_space<vmem>> -> memref<128xi32, #tpu.memory_space<vmem>>
        %dma_start3A_279 = arith.constant 0 : i32
        %dma_start3A_280 = arith.constant 0 : i32
        %dma_start3A_281 = tpu.memref_slice %arg14[%dma_start3A_279, %dma_start3A_280] : memref<10240x64xf32, #tpu.memory_space<vmem_shared>> -> memref<10240x64xf32, #tpu.memory_space<vmem_shared>>
        tpu.enqueue_indirect_dma source(%dma_start3A_275 : memref<128x64xf32, #tpu.memory_space<vmem>>) target(%dma_start3A_281 : memref<10240x64xf32, #tpu.memory_space<vmem_shared>>) offsets(%dma_start3A_278 : memref<128xi32, #tpu.memory_space<vmem>>) semaphore(%arg13 : memref<!tpu.dma_semaphore, #tpu.memory_space<semaphore_mem>>) {add = true}
        %mul3A_282 = arith.constant 2 : i32
        %mul3A_283 = arith.muli %add3A_156, %mul3A_282 : i32
        %add3A_284 = arith.constant 0 : i32
        %add3A_285 = arith.addi %mul3A_283, %add3A_284 : i32
        %dma_start3A_286 = arith.constant 0 : i32
        %dma_start3A_287 = tpu.memref_slice %arg10[%add3A_285, %dma_start3A_286] : memref<80x128xi32, #tpu.memory_space<vmem>> -> memref<1x128xi32, #tpu.memory_space<vmem>>
        %dma_start3A_288 = tpu.memref_squeeze %dma_start3A_287 : memref<1x128xi32, #tpu.memory_space<vmem>> -> memref<128xi32, #tpu.memory_space<vmem>>
        %dma_start3A_289 = arith.constant 0 : i32
        %dma_start3A_290 = arith.constant 0 : i32
        %dma_start3A_291 = tpu.memref_slice %arg16[%dma_start3A_289, %dma_start3A_290] : memref<10240x16xf32, #tpu.memory_space<vmem_shared>> -> memref<10240x16xf32, #tpu.memory_space<vmem_shared>>
        tpu.enqueue_indirect_dma source(%arg15 : memref<128x16xf32, #tpu.memory_space<vmem>>) target(%dma_start3A_291 : memref<10240x16xf32, #tpu.memory_space<vmem_shared>>) offsets(%dma_start3A_288 : memref<128xi32, #tpu.memory_space<vmem>>) semaphore(%arg13 : memref<!tpu.dma_semaphore, #tpu.memory_space<semaphore_mem>>) {add = true}
        %mul3A_292 = arith.constant 2 : i32
        %mul3A_293 = arith.muli %add3A_156, %mul3A_292 : i32
        %add3A_294 = arith.constant 1 : i32
        %add3A_295 = arith.addi %mul3A_293, %add3A_294 : i32
        %dma_start3A_296 = arith.constant 0 : i32
        %dma_start3A_297 = tpu.memref_slice %arg10[%add3A_295, %dma_start3A_296] : memref<80x128xi32, #tpu.memory_space<vmem>> -> memref<1x128xi32, #tpu.memory_space<vmem>>
        %dma_start3A_298 = tpu.memref_squeeze %dma_start3A_297 : memref<1x128xi32, #tpu.memory_space<vmem>> -> memref<128xi32, #tpu.memory_space<vmem>>
        %dma_start3A_299 = arith.constant 0 : i32
        %dma_start3A_300 = arith.constant 0 : i32
        %dma_start3A_301 = tpu.memref_slice %arg16[%dma_start3A_299, %dma_start3A_300] : memref<10240x16xf32, #tpu.memory_space<vmem_shared>> -> memref<10240x16xf32, #tpu.memory_space<vmem_shared>>
        tpu.enqueue_indirect_dma source(%arg15 : memref<128x16xf32, #tpu.memory_space<vmem>>) target(%dma_start3A_301 : memref<10240x16xf32, #tpu.memory_space<vmem_shared>>) offsets(%dma_start3A_298 : memref<128xi32, #tpu.memory_space<vmem>>) semaphore(%arg13 : memref<!tpu.dma_semaphore, #tpu.memory_space<semaphore_mem>>) {add = true}
      } else {
      }
      %ge3A = arith.constant 1 : i32
      %ge3A_160 = arith.cmpi sge, %add3A_156, %ge3A : i32
      %le3A = arith.cmpi sle, %add3A_156, %select_n3A_30 : i32
      %and3A_161 = arith.andi %ge3A_160, %le3A : i1
      %convert_element_type3A_162 = arith.extui %and3A_161 : i1 to i32
      %cond3A_163 = arith.constant 0 : i32
      %cond3A_164 = arith.cmpi ne, %convert_element_type3A_162, %cond3A_163 : i32
      scf.if %cond3A_164 {
        %sub3A_219 = arith.constant 1 : i32
        %sub3A_220 = arith.subi %add3A_156, %sub3A_219 : i32
        %mul3A_221 = arith.constant 2 : i32
        %mul3A_222 = arith.muli %sub3A_220, %mul3A_221 : i32
        %add3A_223 = arith.constant 0 : i32
        %add3A_224 = arith.addi %mul3A_222, %add3A_223 : i32
        %dma_wait3A = arith.constant 2 : i32
        %dma_wait3A_225 = arith.constant 0 : i32
        %dma_wait3A_226 = arith.constant 0 : i32
        %dma_wait3A_227 = arith.constant 0 : i32
        %dma_wait3A_228 = tpu.memref_slice %arg11[%dma_wait3A, %dma_wait3A_225, %dma_wait3A_226, %dma_wait3A_227] : memref<3x2x128x64xf32, #tpu.memory_space<vmem>> -> memref<1x1x128x64xf32, #tpu.memory_space<vmem>>
        %dma_wait3A_229 = tpu.memref_squeeze %dma_wait3A_228 : memref<1x1x128x64xf32, #tpu.memory_space<vmem>> -> memref<128x64xf32, #tpu.memory_space<vmem>>
        %dma_wait3A_230 = arith.constant 0 : i32
        %dma_wait3A_231 = tpu.memref_slice %arg10[%add3A_224, %dma_wait3A_230] : memref<80x128xi32, #tpu.memory_space<vmem>> -> memref<1x128xi32, #tpu.memory_space<vmem>>
        %dma_wait3A_232 = tpu.memref_squeeze %dma_wait3A_231 : memref<1x128xi32, #tpu.memory_space<vmem>> -> memref<128xi32, #tpu.memory_space<vmem>>
        %dma_wait3A_233 = arith.constant 0 : i32
        %dma_wait3A_234 = arith.constant 0 : i32
        %dma_wait3A_235 = tpu.memref_slice %arg14[%dma_wait3A_233, %dma_wait3A_234] : memref<10240x64xf32, #tpu.memory_space<vmem_shared>> -> memref<10240x64xf32, #tpu.memory_space<vmem_shared>>
        tpu.wait_indirect_dma semaphore(%arg13 : memref<!tpu.dma_semaphore, #tpu.memory_space<semaphore_mem>>) src(%dma_wait3A_229 : memref<128x64xf32, #tpu.memory_space<vmem>>) dst(%dma_wait3A_235 : memref<10240x64xf32, #tpu.memory_space<vmem_shared>>)
        %mul3A_236 = arith.constant 2 : i32
        %mul3A_237 = arith.muli %sub3A_220, %mul3A_236 : i32
        %add3A_238 = arith.constant 1 : i32
        %add3A_239 = arith.addi %mul3A_237, %add3A_238 : i32
        %dma_wait3A_240 = arith.constant 2 : i32
        %dma_wait3A_241 = arith.constant 1 : i32
        %dma_wait3A_242 = arith.constant 0 : i32
        %dma_wait3A_243 = arith.constant 0 : i32
        %dma_wait3A_244 = tpu.memref_slice %arg11[%dma_wait3A_240, %dma_wait3A_241, %dma_wait3A_242, %dma_wait3A_243] : memref<3x2x128x64xf32, #tpu.memory_space<vmem>> -> memref<1x1x128x64xf32, #tpu.memory_space<vmem>>
        %dma_wait3A_245 = tpu.memref_squeeze %dma_wait3A_244 : memref<1x1x128x64xf32, #tpu.memory_space<vmem>> -> memref<128x64xf32, #tpu.memory_space<vmem>>
        %dma_wait3A_246 = arith.constant 0 : i32
        %dma_wait3A_247 = tpu.memref_slice %arg10[%add3A_239, %dma_wait3A_246] : memref<80x128xi32, #tpu.memory_space<vmem>> -> memref<1x128xi32, #tpu.memory_space<vmem>>
        %dma_wait3A_248 = tpu.memref_squeeze %dma_wait3A_247 : memref<1x128xi32, #tpu.memory_space<vmem>> -> memref<128xi32, #tpu.memory_space<vmem>>
        %dma_wait3A_249 = arith.constant 0 : i32
        %dma_wait3A_250 = arith.constant 0 : i32
        %dma_wait3A_251 = tpu.memref_slice %arg14[%dma_wait3A_249, %dma_wait3A_250] : memref<10240x64xf32, #tpu.memory_space<vmem_shared>> -> memref<10240x64xf32, #tpu.memory_space<vmem_shared>>
        tpu.wait_indirect_dma semaphore(%arg13 : memref<!tpu.dma_semaphore, #tpu.memory_space<semaphore_mem>>) src(%dma_wait3A_245 : memref<128x64xf32, #tpu.memory_space<vmem>>) dst(%dma_wait3A_251 : memref<10240x64xf32, #tpu.memory_space<vmem_shared>>)
        %mul3A_252 = arith.constant 2 : i32
        %mul3A_253 = arith.muli %sub3A_220, %mul3A_252 : i32
        %add3A_254 = arith.constant 0 : i32
        %add3A_255 = arith.addi %mul3A_253, %add3A_254 : i32
        %dma_wait3A_256 = arith.constant 0 : i32
        %dma_wait3A_257 = tpu.memref_slice %arg10[%add3A_255, %dma_wait3A_256] : memref<80x128xi32, #tpu.memory_space<vmem>> -> memref<1x128xi32, #tpu.memory_space<vmem>>
        %dma_wait3A_258 = tpu.memref_squeeze %dma_wait3A_257 : memref<1x128xi32, #tpu.memory_space<vmem>> -> memref<128xi32, #tpu.memory_space<vmem>>
        %dma_wait3A_259 = arith.constant 0 : i32
        %dma_wait3A_260 = arith.constant 0 : i32
        %dma_wait3A_261 = tpu.memref_slice %arg16[%dma_wait3A_259, %dma_wait3A_260] : memref<10240x16xf32, #tpu.memory_space<vmem_shared>> -> memref<10240x16xf32, #tpu.memory_space<vmem_shared>>
        tpu.wait_indirect_dma semaphore(%arg13 : memref<!tpu.dma_semaphore, #tpu.memory_space<semaphore_mem>>) src(%arg15 : memref<128x16xf32, #tpu.memory_space<vmem>>) dst(%dma_wait3A_261 : memref<10240x16xf32, #tpu.memory_space<vmem_shared>>)
        %mul3A_262 = arith.constant 2 : i32
        %mul3A_263 = arith.muli %sub3A_220, %mul3A_262 : i32
        %add3A_264 = arith.constant 1 : i32
        %add3A_265 = arith.addi %mul3A_263, %add3A_264 : i32
        %dma_wait3A_266 = arith.constant 0 : i32
        %dma_wait3A_267 = tpu.memref_slice %arg10[%add3A_265, %dma_wait3A_266] : memref<80x128xi32, #tpu.memory_space<vmem>> -> memref<1x128xi32, #tpu.memory_space<vmem>>
        %dma_wait3A_268 = tpu.memref_squeeze %dma_wait3A_267 : memref<1x128xi32, #tpu.memory_space<vmem>> -> memref<128xi32, #tpu.memory_space<vmem>>
        %dma_wait3A_269 = arith.constant 0 : i32
        %dma_wait3A_270 = arith.constant 0 : i32
        %dma_wait3A_271 = tpu.memref_slice %arg16[%dma_wait3A_269, %dma_wait3A_270] : memref<10240x16xf32, #tpu.memory_space<vmem_shared>> -> memref<10240x16xf32, #tpu.memory_space<vmem_shared>>
        tpu.wait_indirect_dma semaphore(%arg13 : memref<!tpu.dma_semaphore, #tpu.memory_space<semaphore_mem>>) src(%arg15 : memref<128x16xf32, #tpu.memory_space<vmem>>) dst(%dma_wait3A_271 : memref<10240x16xf32, #tpu.memory_space<vmem_shared>>)
      } else {
      }
      %add3A_165 = arith.constant 3 : i32
      %add3A_166 = arith.addi %add3A_156, %add3A_165 : i32
      %sub3A_167 = arith.constant 1 : i32
      %sub3A_168 = arith.subi %add3A_166, %sub3A_167 : i32
      %lt3A_169 = arith.cmpi slt, %sub3A_168, %select_n3A_30 : i32
      %convert_element_type3A_170 = arith.extui %lt3A_169 : i1 to i32
      %cond3A_171 = arith.constant 0 : i32
      %cond3A_172 = arith.cmpi ne, %convert_element_type3A_170, %cond3A_171 : i32
      scf.if %cond3A_172 {
        %add3A_219 = arith.constant 3 : i32
        %add3A_220 = arith.addi %add3A_156, %add3A_219 : i32
        %sub3A_221 = arith.constant 1 : i32
        %sub3A_222 = arith.subi %add3A_220, %sub3A_221 : i32
        %mul3A_223 = arith.constant 2 : i32
        %mul3A_224 = arith.muli %sub3A_222, %mul3A_223 : i32
        %add3A_225 = arith.constant 0 : i32
        %add3A_226 = arith.addi %mul3A_224, %add3A_225 : i32
        %dma_start3A_227 = arith.constant 2 : i32
        %dma_start3A_228 = arith.constant 0 : i32
        %dma_start3A_229 = arith.constant 0 : i32
        %dma_start3A_230 = arith.constant 0 : i32
        %dma_start3A_231 = tpu.memref_slice %arg11[%dma_start3A_227, %dma_start3A_228, %dma_start3A_229, %dma_start3A_230] : memref<3x2x128x64xf32, #tpu.memory_space<vmem>> -> memref<1x1x128x64xf32, #tpu.memory_space<vmem>>
        %dma_start3A_232 = tpu.memref_squeeze %dma_start3A_231 : memref<1x1x128x64xf32, #tpu.memory_space<vmem>> -> memref<128x64xf32, #tpu.memory_space<vmem>>
        %dma_start3A_233 = arith.constant 0 : i32
        %dma_start3A_234 = tpu.memref_slice %arg9[%add3A_226, %dma_start3A_233] : memref<80x128xi32, #tpu.memory_space<vmem>> -> memref<1x128xi32, #tpu.memory_space<vmem>>
        %dma_start3A_235 = tpu.memref_squeeze %dma_start3A_234 : memref<1x128xi32, #tpu.memory_space<vmem>> -> memref<128xi32, #tpu.memory_space<vmem>>
        %dma_start3A_236 = arith.constant 0 : i32
        %dma_start3A_237 = arith.constant 0 : i32
        %dma_start3A_238 = tpu.memref_slice %arg2[%dma_start3A_236, %dma_start3A_237] : memref<10000x64xf32, #tpu.memory_space<hbm>> -> memref<10000x64xf32, #tpu.memory_space<hbm>>
        tpu.enqueue_indirect_dma source(%dma_start3A_238 : memref<10000x64xf32, #tpu.memory_space<hbm>>) target(%dma_start3A_232 : memref<128x64xf32, #tpu.memory_space<vmem>>) offsets(%dma_start3A_235 : memref<128xi32, #tpu.memory_space<vmem>>) semaphore(%arg12 : memref<!tpu.dma_semaphore, #tpu.memory_space<semaphore_mem>>)
        %mul3A_239 = arith.constant 2 : i32
        %mul3A_240 = arith.muli %sub3A_222, %mul3A_239 : i32
        %add3A_241 = arith.constant 1 : i32
        %add3A_242 = arith.addi %mul3A_240, %add3A_241 : i32
        %dma_start3A_243 = arith.constant 2 : i32
        %dma_start3A_244 = arith.constant 1 : i32
        %dma_start3A_245 = arith.constant 0 : i32
        %dma_start3A_246 = arith.constant 0 : i32
        %dma_start3A_247 = tpu.memref_slice %arg11[%dma_start3A_243, %dma_start3A_244, %dma_start3A_245, %dma_start3A_246] : memref<3x2x128x64xf32, #tpu.memory_space<vmem>> -> memref<1x1x128x64xf32, #tpu.memory_space<vmem>>
        %dma_start3A_248 = tpu.memref_squeeze %dma_start3A_247 : memref<1x1x128x64xf32, #tpu.memory_space<vmem>> -> memref<128x64xf32, #tpu.memory_space<vmem>>
        %dma_start3A_249 = arith.constant 0 : i32
        %dma_start3A_250 = tpu.memref_slice %arg9[%add3A_242, %dma_start3A_249] : memref<80x128xi32, #tpu.memory_space<vmem>> -> memref<1x128xi32, #tpu.memory_space<vmem>>
        %dma_start3A_251 = tpu.memref_squeeze %dma_start3A_250 : memref<1x128xi32, #tpu.memory_space<vmem>> -> memref<128xi32, #tpu.memory_space<vmem>>
        %dma_start3A_252 = arith.constant 0 : i32
        %dma_start3A_253 = arith.constant 0 : i32
        %dma_start3A_254 = tpu.memref_slice %arg2[%dma_start3A_252, %dma_start3A_253] : memref<10000x64xf32, #tpu.memory_space<hbm>> -> memref<10000x64xf32, #tpu.memory_space<hbm>>
        tpu.enqueue_indirect_dma source(%dma_start3A_254 : memref<10000x64xf32, #tpu.memory_space<hbm>>) target(%dma_start3A_248 : memref<128x64xf32, #tpu.memory_space<vmem>>) offsets(%dma_start3A_251 : memref<128xi32, #tpu.memory_space<vmem>>) semaphore(%arg12 : memref<!tpu.dma_semaphore, #tpu.memory_space<semaphore_mem>>)
      } else {
      }
      %mul3A_173 = arith.constant 3 : i32
      %mul3A_174 = arith.muli %add3A_152, %mul3A_173 : i32
      %add3A_175 = arith.constant 1 : i32
      %add3A_176 = arith.addi %mul3A_174, %add3A_175 : i32
      %lt3A_177 = arith.cmpi slt, %add3A_176, %select_n3A_30 : i32
      %convert_element_type3A_178 = arith.extui %lt3A_177 : i1 to i32
      %cond3A_179 = arith.constant 0 : i32
      %cond3A_180 = arith.cmpi ne, %convert_element_type3A_178, %cond3A_179 : i32
      scf.if %cond3A_180 {
        %mul3A_219 = arith.constant 2 : i32
        %mul3A_220 = arith.muli %add3A_176, %mul3A_219 : i32
        %add3A_221 = arith.constant 0 : i32
        %add3A_222 = arith.addi %mul3A_220, %add3A_221 : i32
        %dma_wait3A = arith.constant 1 : i32
        %dma_wait3A_223 = arith.constant 0 : i32
        %dma_wait3A_224 = arith.constant 0 : i32
        %dma_wait3A_225 = arith.constant 0 : i32
        %dma_wait3A_226 = tpu.memref_slice %arg11[%dma_wait3A, %dma_wait3A_223, %dma_wait3A_224, %dma_wait3A_225] : memref<3x2x128x64xf32, #tpu.memory_space<vmem>> -> memref<1x1x128x64xf32, #tpu.memory_space<vmem>>
        %dma_wait3A_227 = tpu.memref_squeeze %dma_wait3A_226 : memref<1x1x128x64xf32, #tpu.memory_space<vmem>> -> memref<128x64xf32, #tpu.memory_space<vmem>>
        %dma_wait3A_228 = arith.constant 0 : i32
        %dma_wait3A_229 = tpu.memref_slice %arg9[%add3A_222, %dma_wait3A_228] : memref<80x128xi32, #tpu.memory_space<vmem>> -> memref<1x128xi32, #tpu.memory_space<vmem>>
        %dma_wait3A_230 = tpu.memref_squeeze %dma_wait3A_229 : memref<1x128xi32, #tpu.memory_space<vmem>> -> memref<128xi32, #tpu.memory_space<vmem>>
        %dma_wait3A_231 = arith.constant 0 : i32
        %dma_wait3A_232 = arith.constant 0 : i32
        %dma_wait3A_233 = tpu.memref_slice %arg2[%dma_wait3A_231, %dma_wait3A_232] : memref<10000x64xf32, #tpu.memory_space<hbm>> -> memref<10000x64xf32, #tpu.memory_space<hbm>>
        tpu.wait_indirect_dma semaphore(%arg12 : memref<!tpu.dma_semaphore, #tpu.memory_space<semaphore_mem>>) src(%dma_wait3A_233 : memref<10000x64xf32, #tpu.memory_space<hbm>>) dst(%dma_wait3A_227 : memref<128x64xf32, #tpu.memory_space<vmem>>)
        %mul3A_234 = arith.constant 2 : i32
        %mul3A_235 = arith.muli %add3A_176, %mul3A_234 : i32
        %add3A_236 = arith.constant 1 : i32
        %add3A_237 = arith.addi %mul3A_235, %add3A_236 : i32
        %dma_wait3A_238 = arith.constant 1 : i32
        %dma_wait3A_239 = arith.constant 1 : i32
        %dma_wait3A_240 = arith.constant 0 : i32
        %dma_wait3A_241 = arith.constant 0 : i32
        %dma_wait3A_242 = tpu.memref_slice %arg11[%dma_wait3A_238, %dma_wait3A_239, %dma_wait3A_240, %dma_wait3A_241] : memref<3x2x128x64xf32, #tpu.memory_space<vmem>> -> memref<1x1x128x64xf32, #tpu.memory_space<vmem>>
        %dma_wait3A_243 = tpu.memref_squeeze %dma_wait3A_242 : memref<1x1x128x64xf32, #tpu.memory_space<vmem>> -> memref<128x64xf32, #tpu.memory_space<vmem>>
        %dma_wait3A_244 = arith.constant 0 : i32
        %dma_wait3A_245 = tpu.memref_slice %arg9[%add3A_237, %dma_wait3A_244] : memref<80x128xi32, #tpu.memory_space<vmem>> -> memref<1x128xi32, #tpu.memory_space<vmem>>
        %dma_wait3A_246 = tpu.memref_squeeze %dma_wait3A_245 : memref<1x128xi32, #tpu.memory_space<vmem>> -> memref<128xi32, #tpu.memory_space<vmem>>
        %dma_wait3A_247 = arith.constant 0 : i32
        %dma_wait3A_248 = arith.constant 0 : i32
        %dma_wait3A_249 = tpu.memref_slice %arg2[%dma_wait3A_247, %dma_wait3A_248] : memref<10000x64xf32, #tpu.memory_space<hbm>> -> memref<10000x64xf32, #tpu.memory_space<hbm>>
        tpu.wait_indirect_dma semaphore(%arg12 : memref<!tpu.dma_semaphore, #tpu.memory_space<semaphore_mem>>) src(%dma_wait3A_249 : memref<10000x64xf32, #tpu.memory_space<hbm>>) dst(%dma_wait3A_243 : memref<128x64xf32, #tpu.memory_space<vmem>>)
        %mul3A_250 = arith.constant 2 : i32
        %mul3A_251 = arith.muli %add3A_176, %mul3A_250 : i32
        %add3A_252 = arith.constant 0 : i32
        %add3A_253 = arith.addi %mul3A_251, %add3A_252 : i32
        %dma_start3A_254 = arith.constant 1 : i32
        %dma_start3A_255 = arith.constant 0 : i32
        %dma_start3A_256 = arith.constant 0 : i32
        %dma_start3A_257 = arith.constant 0 : i32
        %dma_start3A_258 = tpu.memref_slice %arg11[%dma_start3A_254, %dma_start3A_255, %dma_start3A_256, %dma_start3A_257] : memref<3x2x128x64xf32, #tpu.memory_space<vmem>> -> memref<1x1x128x64xf32, #tpu.memory_space<vmem>>
        %dma_start3A_259 = tpu.memref_squeeze %dma_start3A_258 : memref<1x1x128x64xf32, #tpu.memory_space<vmem>> -> memref<128x64xf32, #tpu.memory_space<vmem>>
        %dma_start3A_260 = arith.constant 0 : i32
        %dma_start3A_261 = tpu.memref_slice %arg10[%add3A_253, %dma_start3A_260] : memref<80x128xi32, #tpu.memory_space<vmem>> -> memref<1x128xi32, #tpu.memory_space<vmem>>
        %dma_start3A_262 = tpu.memref_squeeze %dma_start3A_261 : memref<1x128xi32, #tpu.memory_space<vmem>> -> memref<128xi32, #tpu.memory_space<vmem>>
        %dma_start3A_263 = arith.constant 0 : i32
        %dma_start3A_264 = arith.constant 0 : i32
        %dma_start3A_265 = tpu.memref_slice %arg14[%dma_start3A_263, %dma_start3A_264] : memref<10240x64xf32, #tpu.memory_space<vmem_shared>> -> memref<10240x64xf32, #tpu.memory_space<vmem_shared>>
        tpu.enqueue_indirect_dma source(%dma_start3A_259 : memref<128x64xf32, #tpu.memory_space<vmem>>) target(%dma_start3A_265 : memref<10240x64xf32, #tpu.memory_space<vmem_shared>>) offsets(%dma_start3A_262 : memref<128xi32, #tpu.memory_space<vmem>>) semaphore(%arg13 : memref<!tpu.dma_semaphore, #tpu.memory_space<semaphore_mem>>) {add = true}
        %mul3A_266 = arith.constant 2 : i32
        %mul3A_267 = arith.muli %add3A_176, %mul3A_266 : i32
        %add3A_268 = arith.constant 1 : i32
        %add3A_269 = arith.addi %mul3A_267, %add3A_268 : i32
        %dma_start3A_270 = arith.constant 1 : i32
        %dma_start3A_271 = arith.constant 1 : i32
        %dma_start3A_272 = arith.constant 0 : i32
        %dma_start3A_273 = arith.constant 0 : i32
        %dma_start3A_274 = tpu.memref_slice %arg11[%dma_start3A_270, %dma_start3A_271, %dma_start3A_272, %dma_start3A_273] : memref<3x2x128x64xf32, #tpu.memory_space<vmem>> -> memref<1x1x128x64xf32, #tpu.memory_space<vmem>>
        %dma_start3A_275 = tpu.memref_squeeze %dma_start3A_274 : memref<1x1x128x64xf32, #tpu.memory_space<vmem>> -> memref<128x64xf32, #tpu.memory_space<vmem>>
        %dma_start3A_276 = arith.constant 0 : i32
        %dma_start3A_277 = tpu.memref_slice %arg10[%add3A_269, %dma_start3A_276] : memref<80x128xi32, #tpu.memory_space<vmem>> -> memref<1x128xi32, #tpu.memory_space<vmem>>
        %dma_start3A_278 = tpu.memref_squeeze %dma_start3A_277 : memref<1x128xi32, #tpu.memory_space<vmem>> -> memref<128xi32, #tpu.memory_space<vmem>>
        %dma_start3A_279 = arith.constant 0 : i32
        %dma_start3A_280 = arith.constant 0 : i32
        %dma_start3A_281 = tpu.memref_slice %arg14[%dma_start3A_279, %dma_start3A_280] : memref<10240x64xf32, #tpu.memory_space<vmem_shared>> -> memref<10240x64xf32, #tpu.memory_space<vmem_shared>>
        tpu.enqueue_indirect_dma source(%dma_start3A_275 : memref<128x64xf32, #tpu.memory_space<vmem>>) target(%dma_start3A_281 : memref<10240x64xf32, #tpu.memory_space<vmem_shared>>) offsets(%dma_start3A_278 : memref<128xi32, #tpu.memory_space<vmem>>) semaphore(%arg13 : memref<!tpu.dma_semaphore, #tpu.memory_space<semaphore_mem>>) {add = true}
        %mul3A_282 = arith.constant 2 : i32
        %mul3A_283 = arith.muli %add3A_176, %mul3A_282 : i32
        %add3A_284 = arith.constant 0 : i32
        %add3A_285 = arith.addi %mul3A_283, %add3A_284 : i32
        %dma_start3A_286 = arith.constant 0 : i32
        %dma_start3A_287 = tpu.memref_slice %arg10[%add3A_285, %dma_start3A_286] : memref<80x128xi32, #tpu.memory_space<vmem>> -> memref<1x128xi32, #tpu.memory_space<vmem>>
        %dma_start3A_288 = tpu.memref_squeeze %dma_start3A_287 : memref<1x128xi32, #tpu.memory_space<vmem>> -> memref<128xi32, #tpu.memory_space<vmem>>
        %dma_start3A_289 = arith.constant 0 : i32
        %dma_start3A_290 = arith.constant 0 : i32
        %dma_start3A_291 = tpu.memref_slice %arg16[%dma_start3A_289, %dma_start3A_290] : memref<10240x16xf32, #tpu.memory_space<vmem_shared>> -> memref<10240x16xf32, #tpu.memory_space<vmem_shared>>
        tpu.enqueue_indirect_dma source(%arg15 : memref<128x16xf32, #tpu.memory_space<vmem>>) target(%dma_start3A_291 : memref<10240x16xf32, #tpu.memory_space<vmem_shared>>) offsets(%dma_start3A_288 : memref<128xi32, #tpu.memory_space<vmem>>) semaphore(%arg13 : memref<!tpu.dma_semaphore, #tpu.memory_space<semaphore_mem>>) {add = true}
        %mul3A_292 = arith.constant 2 : i32
        %mul3A_293 = arith.muli %add3A_176, %mul3A_292 : i32
        %add3A_294 = arith.constant 1 : i32
        %add3A_295 = arith.addi %mul3A_293, %add3A_294 : i32
        %dma_start3A_296 = arith.constant 0 : i32
        %dma_start3A_297 = tpu.memref_slice %arg10[%add3A_295, %dma_start3A_296] : memref<80x128xi32, #tpu.memory_space<vmem>> -> memref<1x128xi32, #tpu.memory_space<vmem>>
        %dma_start3A_298 = tpu.memref_squeeze %dma_start3A_297 : memref<1x128xi32, #tpu.memory_space<vmem>> -> memref<128xi32, #tpu.memory_space<vmem>>
        %dma_start3A_299 = arith.constant 0 : i32
        %dma_start3A_300 = arith.constant 0 : i32
        %dma_start3A_301 = tpu.memref_slice %arg16[%dma_start3A_299, %dma_start3A_300] : memref<10240x16xf32, #tpu.memory_space<vmem_shared>> -> memref<10240x16xf32, #tpu.memory_space<vmem_shared>>
        tpu.enqueue_indirect_dma source(%arg15 : memref<128x16xf32, #tpu.memory_space<vmem>>) target(%dma_start3A_301 : memref<10240x16xf32, #tpu.memory_space<vmem_shared>>) offsets(%dma_start3A_298 : memref<128xi32, #tpu.memory_space<vmem>>) semaphore(%arg13 : memref<!tpu.dma_semaphore, #tpu.memory_space<semaphore_mem>>) {add = true}
      } else {
      }
      %ge3A_181 = arith.constant 1 : i32
      %ge3A_182 = arith.cmpi sge, %add3A_176, %ge3A_181 : i32
      %le3A_183 = arith.cmpi sle, %add3A_176, %select_n3A_30 : i32
      %and3A_184 = arith.andi %ge3A_182, %le3A_183 : i1
      %convert_element_type3A_185 = arith.extui %and3A_184 : i1 to i32
      %cond3A_186 = arith.constant 0 : i32
      %cond3A_187 = arith.cmpi ne, %convert_element_type3A_185, %cond3A_186 : i32
      scf.if %cond3A_187 {
        %sub3A_219 = arith.constant 1 : i32
        %sub3A_220 = arith.subi %add3A_176, %sub3A_219 : i32
        %mul3A_221 = arith.constant 2 : i32
        %mul3A_222 = arith.muli %sub3A_220, %mul3A_221 : i32
        %add3A_223 = arith.constant 0 : i32
        %add3A_224 = arith.addi %mul3A_222, %add3A_223 : i32
        %dma_wait3A = arith.constant 0 : i32
        %dma_wait3A_225 = arith.constant 0 : i32
        %dma_wait3A_226 = arith.constant 0 : i32
        %dma_wait3A_227 = arith.constant 0 : i32
        %dma_wait3A_228 = tpu.memref_slice %arg11[%dma_wait3A, %dma_wait3A_225, %dma_wait3A_226, %dma_wait3A_227] : memref<3x2x128x64xf32, #tpu.memory_space<vmem>> -> memref<1x1x128x64xf32, #tpu.memory_space<vmem>>
        %dma_wait3A_229 = tpu.memref_squeeze %dma_wait3A_228 : memref<1x1x128x64xf32, #tpu.memory_space<vmem>> -> memref<128x64xf32, #tpu.memory_space<vmem>>
        %dma_wait3A_230 = arith.constant 0 : i32
        %dma_wait3A_231 = tpu.memref_slice %arg10[%add3A_224, %dma_wait3A_230] : memref<80x128xi32, #tpu.memory_space<vmem>> -> memref<1x128xi32, #tpu.memory_space<vmem>>
        %dma_wait3A_232 = tpu.memref_squeeze %dma_wait3A_231 : memref<1x128xi32, #tpu.memory_space<vmem>> -> memref<128xi32, #tpu.memory_space<vmem>>
        %dma_wait3A_233 = arith.constant 0 : i32
        %dma_wait3A_234 = arith.constant 0 : i32
        %dma_wait3A_235 = tpu.memref_slice %arg14[%dma_wait3A_233, %dma_wait3A_234] : memref<10240x64xf32, #tpu.memory_space<vmem_shared>> -> memref<10240x64xf32, #tpu.memory_space<vmem_shared>>
        tpu.wait_indirect_dma semaphore(%arg13 : memref<!tpu.dma_semaphore, #tpu.memory_space<semaphore_mem>>) src(%dma_wait3A_229 : memref<128x64xf32, #tpu.memory_space<vmem>>) dst(%dma_wait3A_235 : memref<10240x64xf32, #tpu.memory_space<vmem_shared>>)
        %mul3A_236 = arith.constant 2 : i32
        %mul3A_237 = arith.muli %sub3A_220, %mul3A_236 : i32
        %add3A_238 = arith.constant 1 : i32
        %add3A_239 = arith.addi %mul3A_237, %add3A_238 : i32
        %dma_wait3A_240 = arith.constant 0 : i32
        %dma_wait3A_241 = arith.constant 1 : i32
        %dma_wait3A_242 = arith.constant 0 : i32
        %dma_wait3A_243 = arith.constant 0 : i32
        %dma_wait3A_244 = tpu.memref_slice %arg11[%dma_wait3A_240, %dma_wait3A_241, %dma_wait3A_242, %dma_wait3A_243] : memref<3x2x128x64xf32, #tpu.memory_space<vmem>> -> memref<1x1x128x64xf32, #tpu.memory_space<vmem>>
        %dma_wait3A_245 = tpu.memref_squeeze %dma_wait3A_244 : memref<1x1x128x64xf32, #tpu.memory_space<vmem>> -> memref<128x64xf32, #tpu.memory_space<vmem>>
        %dma_wait3A_246 = arith.constant 0 : i32
        %dma_wait3A_247 = tpu.memref_slice %arg10[%add3A_239, %dma_wait3A_246] : memref<80x128xi32, #tpu.memory_space<vmem>> -> memref<1x128xi32, #tpu.memory_space<vmem>>
        %dma_wait3A_248 = tpu.memref_squeeze %dma_wait3A_247 : memref<1x128xi32, #tpu.memory_space<vmem>> -> memref<128xi32, #tpu.memory_space<vmem>>
        %dma_wait3A_249 = arith.constant 0 : i32
        %dma_wait3A_250 = arith.constant 0 : i32
        %dma_wait3A_251 = tpu.memref_slice %arg14[%dma_wait3A_249, %dma_wait3A_250] : memref<10240x64xf32, #tpu.memory_space<vmem_shared>> -> memref<10240x64xf32, #tpu.memory_space<vmem_shared>>
        tpu.wait_indirect_dma semaphore(%arg13 : memref<!tpu.dma_semaphore, #tpu.memory_space<semaphore_mem>>) src(%dma_wait3A_245 : memref<128x64xf32, #tpu.memory_space<vmem>>) dst(%dma_wait3A_251 : memref<10240x64xf32, #tpu.memory_space<vmem_shared>>)
        %mul3A_252 = arith.constant 2 : i32
        %mul3A_253 = arith.muli %sub3A_220, %mul3A_252 : i32
        %add3A_254 = arith.constant 0 : i32
        %add3A_255 = arith.addi %mul3A_253, %add3A_254 : i32
        %dma_wait3A_256 = arith.constant 0 : i32
        %dma_wait3A_257 = tpu.memref_slice %arg10[%add3A_255, %dma_wait3A_256] : memref<80x128xi32, #tpu.memory_space<vmem>> -> memref<1x128xi32, #tpu.memory_space<vmem>>
        %dma_wait3A_258 = tpu.memref_squeeze %dma_wait3A_257 : memref<1x128xi32, #tpu.memory_space<vmem>> -> memref<128xi32, #tpu.memory_space<vmem>>
        %dma_wait3A_259 = arith.constant 0 : i32
        %dma_wait3A_260 = arith.constant 0 : i32
        %dma_wait3A_261 = tpu.memref_slice %arg16[%dma_wait3A_259, %dma_wait3A_260] : memref<10240x16xf32, #tpu.memory_space<vmem_shared>> -> memref<10240x16xf32, #tpu.memory_space<vmem_shared>>
        tpu.wait_indirect_dma semaphore(%arg13 : memref<!tpu.dma_semaphore, #tpu.memory_space<semaphore_mem>>) src(%arg15 : memref<128x16xf32, #tpu.memory_space<vmem>>) dst(%dma_wait3A_261 : memref<10240x16xf32, #tpu.memory_space<vmem_shared>>)
        %mul3A_262 = arith.constant 2 : i32
        %mul3A_263 = arith.muli %sub3A_220, %mul3A_262 : i32
        %add3A_264 = arith.constant 1 : i32
        %add3A_265 = arith.addi %mul3A_263, %add3A_264 : i32
        %dma_wait3A_266 = arith.constant 0 : i32
        %dma_wait3A_267 = tpu.memref_slice %arg10[%add3A_265, %dma_wait3A_266] : memref<80x128xi32, #tpu.memory_space<vmem>> -> memref<1x128xi32, #tpu.memory_space<vmem>>
        %dma_wait3A_268 = tpu.memref_squeeze %dma_wait3A_267 : memref<1x128xi32, #tpu.memory_space<vmem>> -> memref<128xi32, #tpu.memory_space<vmem>>
        %dma_wait3A_269 = arith.constant 0 : i32
        %dma_wait3A_270 = arith.constant 0 : i32
        %dma_wait3A_271 = tpu.memref_slice %arg16[%dma_wait3A_269, %dma_wait3A_270] : memref<10240x16xf32, #tpu.memory_space<vmem_shared>> -> memref<10240x16xf32, #tpu.memory_space<vmem_shared>>
        tpu.wait_indirect_dma semaphore(%arg13 : memref<!tpu.dma_semaphore, #tpu.memory_space<semaphore_mem>>) src(%arg15 : memref<128x16xf32, #tpu.memory_space<vmem>>) dst(%dma_wait3A_271 : memref<10240x16xf32, #tpu.memory_space<vmem_shared>>)
      } else {
      }
      %add3A_188 = arith.constant 3 : i32
      %add3A_189 = arith.addi %add3A_176, %add3A_188 : i32
      %sub3A_190 = arith.constant 1 : i32
      %sub3A_191 = arith.subi %add3A_189, %sub3A_190 : i32
      %lt3A_192 = arith.cmpi slt, %sub3A_191, %select_n3A_30 : i32
      %convert_element_type3A_193 = arith.extui %lt3A_192 : i1 to i32
      %cond3A_194 = arith.constant 0 : i32
      %cond3A_195 = arith.cmpi ne, %convert_element_type3A_193, %cond3A_194 : i32
      scf.if %cond3A_195 {
        %add3A_219 = arith.constant 3 : i32
        %add3A_220 = arith.addi %add3A_176, %add3A_219 : i32
        %sub3A_221 = arith.constant 1 : i32
        %sub3A_222 = arith.subi %add3A_220, %sub3A_221 : i32
        %mul3A_223 = arith.constant 2 : i32
        %mul3A_224 = arith.muli %sub3A_222, %mul3A_223 : i32
        %add3A_225 = arith.constant 0 : i32
        %add3A_226 = arith.addi %mul3A_224, %add3A_225 : i32
        %dma_start3A_227 = arith.constant 0 : i32
        %dma_start3A_228 = arith.constant 0 : i32
        %dma_start3A_229 = arith.constant 0 : i32
        %dma_start3A_230 = arith.constant 0 : i32
        %dma_start3A_231 = tpu.memref_slice %arg11[%dma_start3A_227, %dma_start3A_228, %dma_start3A_229, %dma_start3A_230] : memref<3x2x128x64xf32, #tpu.memory_space<vmem>> -> memref<1x1x128x64xf32, #tpu.memory_space<vmem>>
        %dma_start3A_232 = tpu.memref_squeeze %dma_start3A_231 : memref<1x1x128x64xf32, #tpu.memory_space<vmem>> -> memref<128x64xf32, #tpu.memory_space<vmem>>
        %dma_start3A_233 = arith.constant 0 : i32
        %dma_start3A_234 = tpu.memref_slice %arg9[%add3A_226, %dma_start3A_233] : memref<80x128xi32, #tpu.memory_space<vmem>> -> memref<1x128xi32, #tpu.memory_space<vmem>>
        %dma_start3A_235 = tpu.memref_squeeze %dma_start3A_234 : memref<1x128xi32, #tpu.memory_space<vmem>> -> memref<128xi32, #tpu.memory_space<vmem>>
        %dma_start3A_236 = arith.constant 0 : i32
        %dma_start3A_237 = arith.constant 0 : i32
        %dma_start3A_238 = tpu.memref_slice %arg2[%dma_start3A_236, %dma_start3A_237] : memref<10000x64xf32, #tpu.memory_space<hbm>> -> memref<10000x64xf32, #tpu.memory_space<hbm>>
        tpu.enqueue_indirect_dma source(%dma_start3A_238 : memref<10000x64xf32, #tpu.memory_space<hbm>>) target(%dma_start3A_232 : memref<128x64xf32, #tpu.memory_space<vmem>>) offsets(%dma_start3A_235 : memref<128xi32, #tpu.memory_space<vmem>>) semaphore(%arg12 : memref<!tpu.dma_semaphore, #tpu.memory_space<semaphore_mem>>)
        %mul3A_239 = arith.constant 2 : i32
        %mul3A_240 = arith.muli %sub3A_222, %mul3A_239 : i32
        %add3A_241 = arith.constant 1 : i32
        %add3A_242 = arith.addi %mul3A_240, %add3A_241 : i32
        %dma_start3A_243 = arith.constant 0 : i32
        %dma_start3A_244 = arith.constant 1 : i32
        %dma_start3A_245 = arith.constant 0 : i32
        %dma_start3A_246 = arith.constant 0 : i32
        %dma_start3A_247 = tpu.memref_slice %arg11[%dma_start3A_243, %dma_start3A_244, %dma_start3A_245, %dma_start3A_246] : memref<3x2x128x64xf32, #tpu.memory_space<vmem>> -> memref<1x1x128x64xf32, #tpu.memory_space<vmem>>
        %dma_start3A_248 = tpu.memref_squeeze %dma_start3A_247 : memref<1x1x128x64xf32, #tpu.memory_space<vmem>> -> memref<128x64xf32, #tpu.memory_space<vmem>>
        %dma_start3A_249 = arith.constant 0 : i32
        %dma_start3A_250 = tpu.memref_slice %arg9[%add3A_242, %dma_start3A_249] : memref<80x128xi32, #tpu.memory_space<vmem>> -> memref<1x128xi32, #tpu.memory_space<vmem>>
        %dma_start3A_251 = tpu.memref_squeeze %dma_start3A_250 : memref<1x128xi32, #tpu.memory_space<vmem>> -> memref<128xi32, #tpu.memory_space<vmem>>
        %dma_start3A_252 = arith.constant 0 : i32
        %dma_start3A_253 = arith.constant 0 : i32
        %dma_start3A_254 = tpu.memref_slice %arg2[%dma_start3A_252, %dma_start3A_253] : memref<10000x64xf32, #tpu.memory_space<hbm>> -> memref<10000x64xf32, #tpu.memory_space<hbm>>
        tpu.enqueue_indirect_dma source(%dma_start3A_254 : memref<10000x64xf32, #tpu.memory_space<hbm>>) target(%dma_start3A_248 : memref<128x64xf32, #tpu.memory_space<vmem>>) offsets(%dma_start3A_251 : memref<128xi32, #tpu.memory_space<vmem>>) semaphore(%arg12 : memref<!tpu.dma_semaphore, #tpu.memory_space<semaphore_mem>>)
      } else {
      }
      %mul3A_196 = arith.constant 3 : i32
      %mul3A_197 = arith.muli %add3A_152, %mul3A_196 : i32
      %add3A_198 = arith.constant 2 : i32
      %add3A_199 = arith.addi %mul3A_197, %add3A_198 : i32
      %lt3A_200 = arith.cmpi slt, %add3A_199, %select_n3A_30 : i32
      %convert_element_type3A_201 = arith.extui %lt3A_200 : i1 to i32
      %cond3A_202 = arith.constant 0 : i32
      %cond3A_203 = arith.cmpi ne, %convert_element_type3A_201, %cond3A_202 : i32
      scf.if %cond3A_203 {
        %mul3A_219 = arith.constant 2 : i32
        %mul3A_220 = arith.muli %add3A_199, %mul3A_219 : i32
        %add3A_221 = arith.constant 0 : i32
        %add3A_222 = arith.addi %mul3A_220, %add3A_221 : i32
        %dma_wait3A = arith.constant 2 : i32
        %dma_wait3A_223 = arith.constant 0 : i32
        %dma_wait3A_224 = arith.constant 0 : i32
        %dma_wait3A_225 = arith.constant 0 : i32
        %dma_wait3A_226 = tpu.memref_slice %arg11[%dma_wait3A, %dma_wait3A_223, %dma_wait3A_224, %dma_wait3A_225] : memref<3x2x128x64xf32, #tpu.memory_space<vmem>> -> memref<1x1x128x64xf32, #tpu.memory_space<vmem>>
        %dma_wait3A_227 = tpu.memref_squeeze %dma_wait3A_226 : memref<1x1x128x64xf32, #tpu.memory_space<vmem>> -> memref<128x64xf32, #tpu.memory_space<vmem>>
        %dma_wait3A_228 = arith.constant 0 : i32
        %dma_wait3A_229 = tpu.memref_slice %arg9[%add3A_222, %dma_wait3A_228] : memref<80x128xi32, #tpu.memory_space<vmem>> -> memref<1x128xi32, #tpu.memory_space<vmem>>
        %dma_wait3A_230 = tpu.memref_squeeze %dma_wait3A_229 : memref<1x128xi32, #tpu.memory_space<vmem>> -> memref<128xi32, #tpu.memory_space<vmem>>
        %dma_wait3A_231 = arith.constant 0 : i32
        %dma_wait3A_232 = arith.constant 0 : i32
        %dma_wait3A_233 = tpu.memref_slice %arg2[%dma_wait3A_231, %dma_wait3A_232] : memref<10000x64xf32, #tpu.memory_space<hbm>> -> memref<10000x64xf32, #tpu.memory_space<hbm>>
        tpu.wait_indirect_dma semaphore(%arg12 : memref<!tpu.dma_semaphore, #tpu.memory_space<semaphore_mem>>) src(%dma_wait3A_233 : memref<10000x64xf32, #tpu.memory_space<hbm>>) dst(%dma_wait3A_227 : memref<128x64xf32, #tpu.memory_space<vmem>>)
        %mul3A_234 = arith.constant 2 : i32
        %mul3A_235 = arith.muli %add3A_199, %mul3A_234 : i32
        %add3A_236 = arith.constant 1 : i32
        %add3A_237 = arith.addi %mul3A_235, %add3A_236 : i32
        %dma_wait3A_238 = arith.constant 2 : i32
        %dma_wait3A_239 = arith.constant 1 : i32
        %dma_wait3A_240 = arith.constant 0 : i32
        %dma_wait3A_241 = arith.constant 0 : i32
        %dma_wait3A_242 = tpu.memref_slice %arg11[%dma_wait3A_238, %dma_wait3A_239, %dma_wait3A_240, %dma_wait3A_241] : memref<3x2x128x64xf32, #tpu.memory_space<vmem>> -> memref<1x1x128x64xf32, #tpu.memory_space<vmem>>
        %dma_wait3A_243 = tpu.memref_squeeze %dma_wait3A_242 : memref<1x1x128x64xf32, #tpu.memory_space<vmem>> -> memref<128x64xf32, #tpu.memory_space<vmem>>
        %dma_wait3A_244 = arith.constant 0 : i32
        %dma_wait3A_245 = tpu.memref_slice %arg9[%add3A_237, %dma_wait3A_244] : memref<80x128xi32, #tpu.memory_space<vmem>> -> memref<1x128xi32, #tpu.memory_space<vmem>>
        %dma_wait3A_246 = tpu.memref_squeeze %dma_wait3A_245 : memref<1x128xi32, #tpu.memory_space<vmem>> -> memref<128xi32, #tpu.memory_space<vmem>>
        %dma_wait3A_247 = arith.constant 0 : i32
        %dma_wait3A_248 = arith.constant 0 : i32
        %dma_wait3A_249 = tpu.memref_slice %arg2[%dma_wait3A_247, %dma_wait3A_248] : memref<10000x64xf32, #tpu.memory_space<hbm>> -> memref<10000x64xf32, #tpu.memory_space<hbm>>
        tpu.wait_indirect_dma semaphore(%arg12 : memref<!tpu.dma_semaphore, #tpu.memory_space<semaphore_mem>>) src(%dma_wait3A_249 : memref<10000x64xf32, #tpu.memory_space<hbm>>) dst(%dma_wait3A_243 : memref<128x64xf32, #tpu.memory_space<vmem>>)
        %mul3A_250 = arith.constant 2 : i32
        %mul3A_251 = arith.muli %add3A_199, %mul3A_250 : i32
        %add3A_252 = arith.constant 0 : i32
        %add3A_253 = arith.addi %mul3A_251, %add3A_252 : i32
        %dma_start3A_254 = arith.constant 2 : i32
        %dma_start3A_255 = arith.constant 0 : i32
        %dma_start3A_256 = arith.constant 0 : i32
        %dma_start3A_257 = arith.constant 0 : i32
        %dma_start3A_258 = tpu.memref_slice %arg11[%dma_start3A_254, %dma_start3A_255, %dma_start3A_256, %dma_start3A_257] : memref<3x2x128x64xf32, #tpu.memory_space<vmem>> -> memref<1x1x128x64xf32, #tpu.memory_space<vmem>>
        %dma_start3A_259 = tpu.memref_squeeze %dma_start3A_258 : memref<1x1x128x64xf32, #tpu.memory_space<vmem>> -> memref<128x64xf32, #tpu.memory_space<vmem>>
        %dma_start3A_260 = arith.constant 0 : i32
        %dma_start3A_261 = tpu.memref_slice %arg10[%add3A_253, %dma_start3A_260] : memref<80x128xi32, #tpu.memory_space<vmem>> -> memref<1x128xi32, #tpu.memory_space<vmem>>
        %dma_start3A_262 = tpu.memref_squeeze %dma_start3A_261 : memref<1x128xi32, #tpu.memory_space<vmem>> -> memref<128xi32, #tpu.memory_space<vmem>>
        %dma_start3A_263 = arith.constant 0 : i32
        %dma_start3A_264 = arith.constant 0 : i32
        %dma_start3A_265 = tpu.memref_slice %arg14[%dma_start3A_263, %dma_start3A_264] : memref<10240x64xf32, #tpu.memory_space<vmem_shared>> -> memref<10240x64xf32, #tpu.memory_space<vmem_shared>>
        tpu.enqueue_indirect_dma source(%dma_start3A_259 : memref<128x64xf32, #tpu.memory_space<vmem>>) target(%dma_start3A_265 : memref<10240x64xf32, #tpu.memory_space<vmem_shared>>) offsets(%dma_start3A_262 : memref<128xi32, #tpu.memory_space<vmem>>) semaphore(%arg13 : memref<!tpu.dma_semaphore, #tpu.memory_space<semaphore_mem>>) {add = true}
        %mul3A_266 = arith.constant 2 : i32
        %mul3A_267 = arith.muli %add3A_199, %mul3A_266 : i32
        %add3A_268 = arith.constant 1 : i32
        %add3A_269 = arith.addi %mul3A_267, %add3A_268 : i32
        %dma_start3A_270 = arith.constant 2 : i32
        %dma_start3A_271 = arith.constant 1 : i32
        %dma_start3A_272 = arith.constant 0 : i32
        %dma_start3A_273 = arith.constant 0 : i32
        %dma_start3A_274 = tpu.memref_slice %arg11[%dma_start3A_270, %dma_start3A_271, %dma_start3A_272, %dma_start3A_273] : memref<3x2x128x64xf32, #tpu.memory_space<vmem>> -> memref<1x1x128x64xf32, #tpu.memory_space<vmem>>
        %dma_start3A_275 = tpu.memref_squeeze %dma_start3A_274 : memref<1x1x128x64xf32, #tpu.memory_space<vmem>> -> memref<128x64xf32, #tpu.memory_space<vmem>>
        %dma_start3A_276 = arith.constant 0 : i32
        %dma_start3A_277 = tpu.memref_slice %arg10[%add3A_269, %dma_start3A_276] : memref<80x128xi32, #tpu.memory_space<vmem>> -> memref<1x128xi32, #tpu.memory_space<vmem>>
        %dma_start3A_278 = tpu.memref_squeeze %dma_start3A_277 : memref<1x128xi32, #tpu.memory_space<vmem>> -> memref<128xi32, #tpu.memory_space<vmem>>
        %dma_start3A_279 = arith.constant 0 : i32
        %dma_start3A_280 = arith.constant 0 : i32
        %dma_start3A_281 = tpu.memref_slice %arg14[%dma_start3A_279, %dma_start3A_280] : memref<10240x64xf32, #tpu.memory_space<vmem_shared>> -> memref<10240x64xf32, #tpu.memory_space<vmem_shared>>
        tpu.enqueue_indirect_dma source(%dma_start3A_275 : memref<128x64xf32, #tpu.memory_space<vmem>>) target(%dma_start3A_281 : memref<10240x64xf32, #tpu.memory_space<vmem_shared>>) offsets(%dma_start3A_278 : memref<128xi32, #tpu.memory_space<vmem>>) semaphore(%arg13 : memref<!tpu.dma_semaphore, #tpu.memory_space<semaphore_mem>>) {add = true}
        %mul3A_282 = arith.constant 2 : i32
        %mul3A_283 = arith.muli %add3A_199, %mul3A_282 : i32
        %add3A_284 = arith.constant 0 : i32
        %add3A_285 = arith.addi %mul3A_283, %add3A_284 : i32
        %dma_start3A_286 = arith.constant 0 : i32
        %dma_start3A_287 = tpu.memref_slice %arg10[%add3A_285, %dma_start3A_286] : memref<80x128xi32, #tpu.memory_space<vmem>> -> memref<1x128xi32, #tpu.memory_space<vmem>>
        %dma_start3A_288 = tpu.memref_squeeze %dma_start3A_287 : memref<1x128xi32, #tpu.memory_space<vmem>> -> memref<128xi32, #tpu.memory_space<vmem>>
        %dma_start3A_289 = arith.constant 0 : i32
        %dma_start3A_290 = arith.constant 0 : i32
        %dma_start3A_291 = tpu.memref_slice %arg16[%dma_start3A_289, %dma_start3A_290] : memref<10240x16xf32, #tpu.memory_space<vmem_shared>> -> memref<10240x16xf32, #tpu.memory_space<vmem_shared>>
        tpu.enqueue_indirect_dma source(%arg15 : memref<128x16xf32, #tpu.memory_space<vmem>>) target(%dma_start3A_291 : memref<10240x16xf32, #tpu.memory_space<vmem_shared>>) offsets(%dma_start3A_288 : memref<128xi32, #tpu.memory_space<vmem>>) semaphore(%arg13 : memref<!tpu.dma_semaphore, #tpu.memory_space<semaphore_mem>>) {add = true}
        %mul3A_292 = arith.constant 2 : i32
        %mul3A_293 = arith.muli %add3A_199, %mul3A_292 : i32
        %add3A_294 = arith.constant 1 : i32
        %add3A_295 = arith.addi %mul3A_293, %add3A_294 : i32
        %dma_start3A_296 = arith.constant 0 : i32
        %dma_start3A_297 = tpu.memref_slice %arg10[%add3A_295, %dma_start3A_296] : memref<80x128xi32, #tpu.memory_space<vmem>> -> memref<1x128xi32, #tpu.memory_space<vmem>>
        %dma_start3A_298 = tpu.memref_squeeze %dma_start3A_297 : memref<1x128xi32, #tpu.memory_space<vmem>> -> memref<128xi32, #tpu.memory_space<vmem>>
        %dma_start3A_299 = arith.constant 0 : i32
        %dma_start3A_300 = arith.constant 0 : i32
        %dma_start3A_301 = tpu.memref_slice %arg16[%dma_start3A_299, %dma_start3A_300] : memref<10240x16xf32, #tpu.memory_space<vmem_shared>> -> memref<10240x16xf32, #tpu.memory_space<vmem_shared>>
        tpu.enqueue_indirect_dma source(%arg15 : memref<128x16xf32, #tpu.memory_space<vmem>>) target(%dma_start3A_301 : memref<10240x16xf32, #tpu.memory_space<vmem_shared>>) offsets(%dma_start3A_298 : memref<128xi32, #tpu.memory_space<vmem>>) semaphore(%arg13 : memref<!tpu.dma_semaphore, #tpu.memory_space<semaphore_mem>>) {add = true}
      } else {
      }
      %ge3A_204 = arith.constant 1 : i32
      %ge3A_205 = arith.cmpi sge, %add3A_199, %ge3A_204 : i32
      %le3A_206 = arith.cmpi sle, %add3A_199, %select_n3A_30 : i32
      %and3A_207 = arith.andi %ge3A_205, %le3A_206 : i1
      %convert_element_type3A_208 = arith.extui %and3A_207 : i1 to i32
      %cond3A_209 = arith.constant 0 : i32
      %cond3A_210 = arith.cmpi ne, %convert_element_type3A_208, %cond3A_209 : i32
      scf.if %cond3A_210 {
        %sub3A_219 = arith.constant 1 : i32
        %sub3A_220 = arith.subi %add3A_199, %sub3A_219 : i32
        %mul3A_221 = arith.constant 2 : i32
        %mul3A_222 = arith.muli %sub3A_220, %mul3A_221 : i32
        %add3A_223 = arith.constant 0 : i32
        %add3A_224 = arith.addi %mul3A_222, %add3A_223 : i32
        %dma_wait3A = arith.constant 1 : i32
        %dma_wait3A_225 = arith.constant 0 : i32
        %dma_wait3A_226 = arith.constant 0 : i32
        %dma_wait3A_227 = arith.constant 0 : i32
        %dma_wait3A_228 = tpu.memref_slice %arg11[%dma_wait3A, %dma_wait3A_225, %dma_wait3A_226, %dma_wait3A_227] : memref<3x2x128x64xf32, #tpu.memory_space<vmem>> -> memref<1x1x128x64xf32, #tpu.memory_space<vmem>>
        %dma_wait3A_229 = tpu.memref_squeeze %dma_wait3A_228 : memref<1x1x128x64xf32, #tpu.memory_space<vmem>> -> memref<128x64xf32, #tpu.memory_space<vmem>>
        %dma_wait3A_230 = arith.constant 0 : i32
        %dma_wait3A_231 = tpu.memref_slice %arg10[%add3A_224, %dma_wait3A_230] : memref<80x128xi32, #tpu.memory_space<vmem>> -> memref<1x128xi32, #tpu.memory_space<vmem>>
        %dma_wait3A_232 = tpu.memref_squeeze %dma_wait3A_231 : memref<1x128xi32, #tpu.memory_space<vmem>> -> memref<128xi32, #tpu.memory_space<vmem>>
        %dma_wait3A_233 = arith.constant 0 : i32
        %dma_wait3A_234 = arith.constant 0 : i32
        %dma_wait3A_235 = tpu.memref_slice %arg14[%dma_wait3A_233, %dma_wait3A_234] : memref<10240x64xf32, #tpu.memory_space<vmem_shared>> -> memref<10240x64xf32, #tpu.memory_space<vmem_shared>>
        tpu.wait_indirect_dma semaphore(%arg13 : memref<!tpu.dma_semaphore, #tpu.memory_space<semaphore_mem>>) src(%dma_wait3A_229 : memref<128x64xf32, #tpu.memory_space<vmem>>) dst(%dma_wait3A_235 : memref<10240x64xf32, #tpu.memory_space<vmem_shared>>)
        %mul3A_236 = arith.constant 2 : i32
        %mul3A_237 = arith.muli %sub3A_220, %mul3A_236 : i32
        %add3A_238 = arith.constant 1 : i32
        %add3A_239 = arith.addi %mul3A_237, %add3A_238 : i32
        %dma_wait3A_240 = arith.constant 1 : i32
        %dma_wait3A_241 = arith.constant 1 : i32
        %dma_wait3A_242 = arith.constant 0 : i32
        %dma_wait3A_243 = arith.constant 0 : i32
        %dma_wait3A_244 = tpu.memref_slice %arg11[%dma_wait3A_240, %dma_wait3A_241, %dma_wait3A_242, %dma_wait3A_243] : memref<3x2x128x64xf32, #tpu.memory_space<vmem>> -> memref<1x1x128x64xf32, #tpu.memory_space<vmem>>
        %dma_wait3A_245 = tpu.memref_squeeze %dma_wait3A_244 : memref<1x1x128x64xf32, #tpu.memory_space<vmem>> -> memref<128x64xf32, #tpu.memory_space<vmem>>
        %dma_wait3A_246 = arith.constant 0 : i32
        %dma_wait3A_247 = tpu.memref_slice %arg10[%add3A_239, %dma_wait3A_246] : memref<80x128xi32, #tpu.memory_space<vmem>> -> memref<1x128xi32, #tpu.memory_space<vmem>>
        %dma_wait3A_248 = tpu.memref_squeeze %dma_wait3A_247 : memref<1x128xi32, #tpu.memory_space<vmem>> -> memref<128xi32, #tpu.memory_space<vmem>>
        %dma_wait3A_249 = arith.constant 0 : i32
        %dma_wait3A_250 = arith.constant 0 : i32
        %dma_wait3A_251 = tpu.memref_slice %arg14[%dma_wait3A_249, %dma_wait3A_250] : memref<10240x64xf32, #tpu.memory_space<vmem_shared>> -> memref<10240x64xf32, #tpu.memory_space<vmem_shared>>
        tpu.wait_indirect_dma semaphore(%arg13 : memref<!tpu.dma_semaphore, #tpu.memory_space<semaphore_mem>>) src(%dma_wait3A_245 : memref<128x64xf32, #tpu.memory_space<vmem>>) dst(%dma_wait3A_251 : memref<10240x64xf32, #tpu.memory_space<vmem_shared>>)
        %mul3A_252 = arith.constant 2 : i32
        %mul3A_253 = arith.muli %sub3A_220, %mul3A_252 : i32
        %add3A_254 = arith.constant 0 : i32
        %add3A_255 = arith.addi %mul3A_253, %add3A_254 : i32
        %dma_wait3A_256 = arith.constant 0 : i32
        %dma_wait3A_257 = tpu.memref_slice %arg10[%add3A_255, %dma_wait3A_256] : memref<80x128xi32, #tpu.memory_space<vmem>> -> memref<1x128xi32, #tpu.memory_space<vmem>>
        %dma_wait3A_258 = tpu.memref_squeeze %dma_wait3A_257 : memref<1x128xi32, #tpu.memory_space<vmem>> -> memref<128xi32, #tpu.memory_space<vmem>>
        %dma_wait3A_259 = arith.constant 0 : i32
        %dma_wait3A_260 = arith.constant 0 : i32
        %dma_wait3A_261 = tpu.memref_slice %arg16[%dma_wait3A_259, %dma_wait3A_260] : memref<10240x16xf32, #tpu.memory_space<vmem_shared>> -> memref<10240x16xf32, #tpu.memory_space<vmem_shared>>
        tpu.wait_indirect_dma semaphore(%arg13 : memref<!tpu.dma_semaphore, #tpu.memory_space<semaphore_mem>>) src(%arg15 : memref<128x16xf32, #tpu.memory_space<vmem>>) dst(%dma_wait3A_261 : memref<10240x16xf32, #tpu.memory_space<vmem_shared>>)
        %mul3A_262 = arith.constant 2 : i32
        %mul3A_263 = arith.muli %sub3A_220, %mul3A_262 : i32
        %add3A_264 = arith.constant 1 : i32
        %add3A_265 = arith.addi %mul3A_263, %add3A_264 : i32
        %dma_wait3A_266 = arith.constant 0 : i32
        %dma_wait3A_267 = tpu.memref_slice %arg10[%add3A_265, %dma_wait3A_266] : memref<80x128xi32, #tpu.memory_space<vmem>> -> memref<1x128xi32, #tpu.memory_space<vmem>>
        %dma_wait3A_268 = tpu.memref_squeeze %dma_wait3A_267 : memref<1x128xi32, #tpu.memory_space<vmem>> -> memref<128xi32, #tpu.memory_space<vmem>>
        %dma_wait3A_269 = arith.constant 0 : i32
        %dma_wait3A_270 = arith.constant 0 : i32
        %dma_wait3A_271 = tpu.memref_slice %arg16[%dma_wait3A_269, %dma_wait3A_270] : memref<10240x16xf32, #tpu.memory_space<vmem_shared>> -> memref<10240x16xf32, #tpu.memory_space<vmem_shared>>
        tpu.wait_indirect_dma semaphore(%arg13 : memref<!tpu.dma_semaphore, #tpu.memory_space<semaphore_mem>>) src(%arg15 : memref<128x16xf32, #tpu.memory_space<vmem>>) dst(%dma_wait3A_271 : memref<10240x16xf32, #tpu.memory_space<vmem_shared>>)
      } else {
      }
      %add3A_211 = arith.constant 3 : i32
      %add3A_212 = arith.addi %add3A_199, %add3A_211 : i32
      %sub3A_213 = arith.constant 1 : i32
      %sub3A_214 = arith.subi %add3A_212, %sub3A_213 : i32
      %lt3A_215 = arith.cmpi slt, %sub3A_214, %select_n3A_30 : i32
      %convert_element_type3A_216 = arith.extui %lt3A_215 : i1 to i32
      %cond3A_217 = arith.constant 0 : i32
      %cond3A_218 = arith.cmpi ne, %convert_element_type3A_216, %cond3A_217 : i32
      scf.if %cond3A_218 {
        %add3A_219 = arith.constant 3 : i32
        %add3A_220 = arith.addi %add3A_199, %add3A_219 : i32
        %sub3A_221 = arith.constant 1 : i32
        %sub3A_222 = arith.subi %add3A_220, %sub3A_221 : i32
        %mul3A_223 = arith.constant 2 : i32
        %mul3A_224 = arith.muli %sub3A_222, %mul3A_223 : i32
        %add3A_225 = arith.constant 0 : i32
        %add3A_226 = arith.addi %mul3A_224, %add3A_225 : i32
        %dma_start3A_227 = arith.constant 1 : i32
        %dma_start3A_228 = arith.constant 0 : i32
        %dma_start3A_229 = arith.constant 0 : i32
        %dma_start3A_230 = arith.constant 0 : i32
        %dma_start3A_231 = tpu.memref_slice %arg11[%dma_start3A_227, %dma_start3A_228, %dma_start3A_229, %dma_start3A_230] : memref<3x2x128x64xf32, #tpu.memory_space<vmem>> -> memref<1x1x128x64xf32, #tpu.memory_space<vmem>>
        %dma_start3A_232 = tpu.memref_squeeze %dma_start3A_231 : memref<1x1x128x64xf32, #tpu.memory_space<vmem>> -> memref<128x64xf32, #tpu.memory_space<vmem>>
        %dma_start3A_233 = arith.constant 0 : i32
        %dma_start3A_234 = tpu.memref_slice %arg9[%add3A_226, %dma_start3A_233] : memref<80x128xi32, #tpu.memory_space<vmem>> -> memref<1x128xi32, #tpu.memory_space<vmem>>
        %dma_start3A_235 = tpu.memref_squeeze %dma_start3A_234 : memref<1x128xi32, #tpu.memory_space<vmem>> -> memref<128xi32, #tpu.memory_space<vmem>>
        %dma_start3A_236 = arith.constant 0 : i32
        %dma_start3A_237 = arith.constant 0 : i32
        %dma_start3A_238 = tpu.memref_slice %arg2[%dma_start3A_236, %dma_start3A_237] : memref<10000x64xf32, #tpu.memory_space<hbm>> -> memref<10000x64xf32, #tpu.memory_space<hbm>>
        tpu.enqueue_indirect_dma source(%dma_start3A_238 : memref<10000x64xf32, #tpu.memory_space<hbm>>) target(%dma_start3A_232 : memref<128x64xf32, #tpu.memory_space<vmem>>) offsets(%dma_start3A_235 : memref<128xi32, #tpu.memory_space<vmem>>) semaphore(%arg12 : memref<!tpu.dma_semaphore, #tpu.memory_space<semaphore_mem>>)
        %mul3A_239 = arith.constant 2 : i32
        %mul3A_240 = arith.muli %sub3A_222, %mul3A_239 : i32
        %add3A_241 = arith.constant 1 : i32
        %add3A_242 = arith.addi %mul3A_240, %add3A_241 : i32
        %dma_start3A_243 = arith.constant 1 : i32
        %dma_start3A_244 = arith.constant 1 : i32
        %dma_start3A_245 = arith.constant 0 : i32
        %dma_start3A_246 = arith.constant 0 : i32
        %dma_start3A_247 = tpu.memref_slice %arg11[%dma_start3A_243, %dma_start3A_244, %dma_start3A_245, %dma_start3A_246] : memref<3x2x128x64xf32, #tpu.memory_space<vmem>> -> memref<1x1x128x64xf32, #tpu.memory_space<vmem>>
        %dma_start3A_248 = tpu.memref_squeeze %dma_start3A_247 : memref<1x1x128x64xf32, #tpu.memory_space<vmem>> -> memref<128x64xf32, #tpu.memory_space<vmem>>
        %dma_start3A_249 = arith.constant 0 : i32
        %dma_start3A_250 = tpu.memref_slice %arg9[%add3A_242, %dma_start3A_249] : memref<80x128xi32, #tpu.memory_space<vmem>> -> memref<1x128xi32, #tpu.memory_space<vmem>>
        %dma_start3A_251 = tpu.memref_squeeze %dma_start3A_250 : memref<1x128xi32, #tpu.memory_space<vmem>> -> memref<128xi32, #tpu.memory_space<vmem>>
        %dma_start3A_252 = arith.constant 0 : i32
        %dma_start3A_253 = arith.constant 0 : i32
        %dma_start3A_254 = tpu.memref_slice %arg2[%dma_start3A_252, %dma_start3A_253] : memref<10000x64xf32, #tpu.memory_space<hbm>> -> memref<10000x64xf32, #tpu.memory_space<hbm>>
        tpu.enqueue_indirect_dma source(%dma_start3A_254 : memref<10000x64xf32, #tpu.memory_space<hbm>>) target(%dma_start3A_248 : memref<128x64xf32, #tpu.memory_space<vmem>>) offsets(%dma_start3A_251 : memref<128xi32, #tpu.memory_space<vmem>>) semaphore(%arg12 : memref<!tpu.dma_semaphore, #tpu.memory_space<semaphore_mem>>)
      } else {
      }
    }
    %while3A_134 = arith.constant 1 : i32
    scf.for %while3A_150 = %while3A_132 to %while3A_128 step %while3A_134  : i32 {
      %mul3A_151 = arith.muli %while3A_150, %while3A : i32
      %add3A_152 = arith.addi %while3A_125, %mul3A_151 : i32
      %mul3A_153 = arith.constant 3 : i32
      %mul3A_154 = arith.muli %add3A_152, %mul3A_153 : i32
      %add3A_155 = arith.constant 0 : i32
      %add3A_156 = arith.addi %mul3A_154, %add3A_155 : i32
      %lt3A = arith.cmpi slt, %add3A_156, %select_n3A_30 : i32
      %convert_element_type3A_157 = arith.extui %lt3A : i1 to i32
      %cond3A_158 = arith.constant 0 : i32
      %cond3A_159 = arith.cmpi ne, %convert_element_type3A_157, %cond3A_158 : i32
      scf.if %cond3A_159 {
        %mul3A_219 = arith.constant 2 : i32
        %mul3A_220 = arith.muli %add3A_156, %mul3A_219 : i32
        %add3A_221 = arith.constant 0 : i32
        %add3A_222 = arith.addi %mul3A_220, %add3A_221 : i32
        %dma_wait3A = arith.constant 0 : i32
        %dma_wait3A_223 = arith.constant 0 : i32
        %dma_wait3A_224 = arith.constant 0 : i32
        %dma_wait3A_225 = arith.constant 0 : i32
        %dma_wait3A_226 = tpu.memref_slice %arg11[%dma_wait3A, %dma_wait3A_223, %dma_wait3A_224, %dma_wait3A_225] : memref<3x2x128x64xf32, #tpu.memory_space<vmem>> -> memref<1x1x128x64xf32, #tpu.memory_space<vmem>>
        %dma_wait3A_227 = tpu.memref_squeeze %dma_wait3A_226 : memref<1x1x128x64xf32, #tpu.memory_space<vmem>> -> memref<128x64xf32, #tpu.memory_space<vmem>>
        %dma_wait3A_228 = arith.constant 0 : i32
        %dma_wait3A_229 = tpu.memref_slice %arg9[%add3A_222, %dma_wait3A_228] : memref<80x128xi32, #tpu.memory_space<vmem>> -> memref<1x128xi32, #tpu.memory_space<vmem>>
        %dma_wait3A_230 = tpu.memref_squeeze %dma_wait3A_229 : memref<1x128xi32, #tpu.memory_space<vmem>> -> memref<128xi32, #tpu.memory_space<vmem>>
        %dma_wait3A_231 = arith.constant 0 : i32
        %dma_wait3A_232 = arith.constant 0 : i32
        %dma_wait3A_233 = tpu.memref_slice %arg2[%dma_wait3A_231, %dma_wait3A_232] : memref<10000x64xf32, #tpu.memory_space<hbm>> -> memref<10000x64xf32, #tpu.memory_space<hbm>>
        tpu.wait_indirect_dma semaphore(%arg12 : memref<!tpu.dma_semaphore, #tpu.memory_space<semaphore_mem>>) src(%dma_wait3A_233 : memref<10000x64xf32, #tpu.memory_space<hbm>>) dst(%dma_wait3A_227 : memref<128x64xf32, #tpu.memory_space<vmem>>)
        %mul3A_234 = arith.constant 2 : i32
        %mul3A_235 = arith.muli %add3A_156, %mul3A_234 : i32
        %add3A_236 = arith.constant 1 : i32
        %add3A_237 = arith.addi %mul3A_235, %add3A_236 : i32
        %dma_wait3A_238 = arith.constant 0 : i32
        %dma_wait3A_239 = arith.constant 1 : i32
        %dma_wait3A_240 = arith.constant 0 : i32
        %dma_wait3A_241 = arith.constant 0 : i32
        %dma_wait3A_242 = tpu.memref_slice %arg11[%dma_wait3A_238, %dma_wait3A_239, %dma_wait3A_240, %dma_wait3A_241] : memref<3x2x128x64xf32, #tpu.memory_space<vmem>> -> memref<1x1x128x64xf32, #tpu.memory_space<vmem>>
        %dma_wait3A_243 = tpu.memref_squeeze %dma_wait3A_242 : memref<1x1x128x64xf32, #tpu.memory_space<vmem>> -> memref<128x64xf32, #tpu.memory_space<vmem>>
        %dma_wait3A_244 = arith.constant 0 : i32
        %dma_wait3A_245 = tpu.memref_slice %arg9[%add3A_237, %dma_wait3A_244] : memref<80x128xi32, #tpu.memory_space<vmem>> -> memref<1x128xi32, #tpu.memory_space<vmem>>
        %dma_wait3A_246 = tpu.memref_squeeze %dma_wait3A_245 : memref<1x128xi32, #tpu.memory_space<vmem>> -> memref<128xi32, #tpu.memory_space<vmem>>
        %dma_wait3A_247 = arith.constant 0 : i32
        %dma_wait3A_248 = arith.constant 0 : i32
        %dma_wait3A_249 = tpu.memref_slice %arg2[%dma_wait3A_247, %dma_wait3A_248] : memref<10000x64xf32, #tpu.memory_space<hbm>> -> memref<10000x64xf32, #tpu.memory_space<hbm>>
        tpu.wait_indirect_dma semaphore(%arg12 : memref<!tpu.dma_semaphore, #tpu.memory_space<semaphore_mem>>) src(%dma_wait3A_249 : memref<10000x64xf32, #tpu.memory_space<hbm>>) dst(%dma_wait3A_243 : memref<128x64xf32, #tpu.memory_space<vmem>>)
        %mul3A_250 = arith.constant 2 : i32
        %mul3A_251 = arith.muli %add3A_156, %mul3A_250 : i32
        %add3A_252 = arith.constant 0 : i32
        %add3A_253 = arith.addi %mul3A_251, %add3A_252 : i32
        %dma_start3A_254 = arith.constant 0 : i32
        %dma_start3A_255 = arith.constant 0 : i32
        %dma_start3A_256 = arith.constant 0 : i32
        %dma_start3A_257 = arith.constant 0 : i32
        %dma_start3A_258 = tpu.memref_slice %arg11[%dma_start3A_254, %dma_start3A_255, %dma_start3A_256, %dma_start3A_257] : memref<3x2x128x64xf32, #tpu.memory_space<vmem>> -> memref<1x1x128x64xf32, #tpu.memory_space<vmem>>
        %dma_start3A_259 = tpu.memref_squeeze %dma_start3A_258 : memref<1x1x128x64xf32, #tpu.memory_space<vmem>> -> memref<128x64xf32, #tpu.memory_space<vmem>>
        %dma_start3A_260 = arith.constant 0 : i32
        %dma_start3A_261 = tpu.memref_slice %arg10[%add3A_253, %dma_start3A_260] : memref<80x128xi32, #tpu.memory_space<vmem>> -> memref<1x128xi32, #tpu.memory_space<vmem>>
        %dma_start3A_262 = tpu.memref_squeeze %dma_start3A_261 : memref<1x128xi32, #tpu.memory_space<vmem>> -> memref<128xi32, #tpu.memory_space<vmem>>
        %dma_start3A_263 = arith.constant 0 : i32
        %dma_start3A_264 = arith.constant 0 : i32
        %dma_start3A_265 = tpu.memref_slice %arg14[%dma_start3A_263, %dma_start3A_264] : memref<10240x64xf32, #tpu.memory_space<vmem_shared>> -> memref<10240x64xf32, #tpu.memory_space<vmem_shared>>
        tpu.enqueue_indirect_dma source(%dma_start3A_259 : memref<128x64xf32, #tpu.memory_space<vmem>>) target(%dma_start3A_265 : memref<10240x64xf32, #tpu.memory_space<vmem_shared>>) offsets(%dma_start3A_262 : memref<128xi32, #tpu.memory_space<vmem>>) semaphore(%arg13 : memref<!tpu.dma_semaphore, #tpu.memory_space<semaphore_mem>>) {add = true}
        %mul3A_266 = arith.constant 2 : i32
        %mul3A_267 = arith.muli %add3A_156, %mul3A_266 : i32
        %add3A_268 = arith.constant 1 : i32
        %add3A_269 = arith.addi %mul3A_267, %add3A_268 : i32
        %dma_start3A_270 = arith.constant 0 : i32
        %dma_start3A_271 = arith.constant 1 : i32
        %dma_start3A_272 = arith.constant 0 : i32
        %dma_start3A_273 = arith.constant 0 : i32
        %dma_start3A_274 = tpu.memref_slice %arg11[%dma_start3A_270, %dma_start3A_271, %dma_start3A_272, %dma_start3A_273] : memref<3x2x128x64xf32, #tpu.memory_space<vmem>> -> memref<1x1x128x64xf32, #tpu.memory_space<vmem>>
        %dma_start3A_275 = tpu.memref_squeeze %dma_start3A_274 : memref<1x1x128x64xf32, #tpu.memory_space<vmem>> -> memref<128x64xf32, #tpu.memory_space<vmem>>
        %dma_start3A_276 = arith.constant 0 : i32
        %dma_start3A_277 = tpu.memref_slice %arg10[%add3A_269, %dma_start3A_276] : memref<80x128xi32, #tpu.memory_space<vmem>> -> memref<1x128xi32, #tpu.memory_space<vmem>>
        %dma_start3A_278 = tpu.memref_squeeze %dma_start3A_277 : memref<1x128xi32, #tpu.memory_space<vmem>> -> memref<128xi32, #tpu.memory_space<vmem>>
        %dma_start3A_279 = arith.constant 0 : i32
        %dma_start3A_280 = arith.constant 0 : i32
        %dma_start3A_281 = tpu.memref_slice %arg14[%dma_start3A_279, %dma_start3A_280] : memref<10240x64xf32, #tpu.memory_space<vmem_shared>> -> memref<10240x64xf32, #tpu.memory_space<vmem_shared>>
        tpu.enqueue_indirect_dma source(%dma_start3A_275 : memref<128x64xf32, #tpu.memory_space<vmem>>) target(%dma_start3A_281 : memref<10240x64xf32, #tpu.memory_space<vmem_shared>>) offsets(%dma_start3A_278 : memref<128xi32, #tpu.memory_space<vmem>>) semaphore(%arg13 : memref<!tpu.dma_semaphore, #tpu.memory_space<semaphore_mem>>) {add = true}
        %mul3A_282 = arith.constant 2 : i32
        %mul3A_283 = arith.muli %add3A_156, %mul3A_282 : i32
        %add3A_284 = arith.constant 0 : i32
        %add3A_285 = arith.addi %mul3A_283, %add3A_284 : i32
        %dma_start3A_286 = arith.constant 0 : i32
        %dma_start3A_287 = tpu.memref_slice %arg10[%add3A_285, %dma_start3A_286] : memref<80x128xi32, #tpu.memory_space<vmem>> -> memref<1x128xi32, #tpu.memory_space<vmem>>
        %dma_start3A_288 = tpu.memref_squeeze %dma_start3A_287 : memref<1x128xi32, #tpu.memory_space<vmem>> -> memref<128xi32, #tpu.memory_space<vmem>>
        %dma_start3A_289 = arith.constant 0 : i32
        %dma_start3A_290 = arith.constant 0 : i32
        %dma_start3A_291 = tpu.memref_slice %arg16[%dma_start3A_289, %dma_start3A_290] : memref<10240x16xf32, #tpu.memory_space<vmem_shared>> -> memref<10240x16xf32, #tpu.memory_space<vmem_shared>>
        tpu.enqueue_indirect_dma source(%arg15 : memref<128x16xf32, #tpu.memory_space<vmem>>) target(%dma_start3A_291 : memref<10240x16xf32, #tpu.memory_space<vmem_shared>>) offsets(%dma_start3A_288 : memref<128xi32, #tpu.memory_space<vmem>>) semaphore(%arg13 : memref<!tpu.dma_semaphore, #tpu.memory_space<semaphore_mem>>) {add = true}
        %mul3A_292 = arith.constant 2 : i32
        %mul3A_293 = arith.muli %add3A_156, %mul3A_292 : i32
        %add3A_294 = arith.constant 1 : i32
        %add3A_295 = arith.addi %mul3A_293, %add3A_294 : i32
        %dma_start3A_296 = arith.constant 0 : i32
        %dma_start3A_297 = tpu.memref_slice %arg10[%add3A_295, %dma_start3A_296] : memref<80x128xi32, #tpu.memory_space<vmem>> -> memref<1x128xi32, #tpu.memory_space<vmem>>
        %dma_start3A_298 = tpu.memref_squeeze %dma_start3A_297 : memref<1x128xi32, #tpu.memory_space<vmem>> -> memref<128xi32, #tpu.memory_space<vmem>>
        %dma_start3A_299 = arith.constant 0 : i32
        %dma_start3A_300 = arith.constant 0 : i32
        %dma_start3A_301 = tpu.memref_slice %arg16[%dma_start3A_299, %dma_start3A_300] : memref<10240x16xf32, #tpu.memory_space<vmem_shared>> -> memref<10240x16xf32, #tpu.memory_space<vmem_shared>>
        tpu.enqueue_indirect_dma source(%arg15 : memref<128x16xf32, #tpu.memory_space<vmem>>) target(%dma_start3A_301 : memref<10240x16xf32, #tpu.memory_space<vmem_shared>>) offsets(%dma_start3A_298 : memref<128xi32, #tpu.memory_space<vmem>>) semaphore(%arg13 : memref<!tpu.dma_semaphore, #tpu.memory_space<semaphore_mem>>) {add = true}
      } else {
      }
      %ge3A = arith.constant 1 : i32
      %ge3A_160 = arith.cmpi sge, %add3A_156, %ge3A : i32
      %le3A = arith.cmpi sle, %add3A_156, %select_n3A_30 : i32
      %and3A_161 = arith.andi %ge3A_160, %le3A : i1
      %convert_element_type3A_162 = arith.extui %and3A_161 : i1 to i32
      %cond3A_163 = arith.constant 0 : i32
      %cond3A_164 = arith.cmpi ne, %convert_element_type3A_162, %cond3A_163 : i32
      scf.if %cond3A_164 {
        %sub3A_219 = arith.constant 1 : i32
        %sub3A_220 = arith.subi %add3A_156, %sub3A_219 : i32
        %mul3A_221 = arith.constant 2 : i32
        %mul3A_222 = arith.muli %sub3A_220, %mul3A_221 : i32
        %add3A_223 = arith.constant 0 : i32
        %add3A_224 = arith.addi %mul3A_222, %add3A_223 : i32
        %dma_wait3A = arith.constant 2 : i32
        %dma_wait3A_225 = arith.constant 0 : i32
        %dma_wait3A_226 = arith.constant 0 : i32
        %dma_wait3A_227 = arith.constant 0 : i32
        %dma_wait3A_228 = tpu.memref_slice %arg11[%dma_wait3A, %dma_wait3A_225, %dma_wait3A_226, %dma_wait3A_227] : memref<3x2x128x64xf32, #tpu.memory_space<vmem>> -> memref<1x1x128x64xf32, #tpu.memory_space<vmem>>
        %dma_wait3A_229 = tpu.memref_squeeze %dma_wait3A_228 : memref<1x1x128x64xf32, #tpu.memory_space<vmem>> -> memref<128x64xf32, #tpu.memory_space<vmem>>
        %dma_wait3A_230 = arith.constant 0 : i32
        %dma_wait3A_231 = tpu.memref_slice %arg10[%add3A_224, %dma_wait3A_230] : memref<80x128xi32, #tpu.memory_space<vmem>> -> memref<1x128xi32, #tpu.memory_space<vmem>>
        %dma_wait3A_232 = tpu.memref_squeeze %dma_wait3A_231 : memref<1x128xi32, #tpu.memory_space<vmem>> -> memref<128xi32, #tpu.memory_space<vmem>>
        %dma_wait3A_233 = arith.constant 0 : i32
        %dma_wait3A_234 = arith.constant 0 : i32
        %dma_wait3A_235 = tpu.memref_slice %arg14[%dma_wait3A_233, %dma_wait3A_234] : memref<10240x64xf32, #tpu.memory_space<vmem_shared>> -> memref<10240x64xf32, #tpu.memory_space<vmem_shared>>
        tpu.wait_indirect_dma semaphore(%arg13 : memref<!tpu.dma_semaphore, #tpu.memory_space<semaphore_mem>>) src(%dma_wait3A_229 : memref<128x64xf32, #tpu.memory_space<vmem>>) dst(%dma_wait3A_235 : memref<10240x64xf32, #tpu.memory_space<vmem_shared>>)
        %mul3A_236 = arith.constant 2 : i32
        %mul3A_237 = arith.muli %sub3A_220, %mul3A_236 : i32
        %add3A_238 = arith.constant 1 : i32
        %add3A_239 = arith.addi %mul3A_237, %add3A_238 : i32
        %dma_wait3A_240 = arith.constant 2 : i32
        %dma_wait3A_241 = arith.constant 1 : i32
        %dma_wait3A_242 = arith.constant 0 : i32
        %dma_wait3A_243 = arith.constant 0 : i32
        %dma_wait3A_244 = tpu.memref_slice %arg11[%dma_wait3A_240, %dma_wait3A_241, %dma_wait3A_242, %dma_wait3A_243] : memref<3x2x128x64xf32, #tpu.memory_space<vmem>> -> memref<1x1x128x64xf32, #tpu.memory_space<vmem>>
        %dma_wait3A_245 = tpu.memref_squeeze %dma_wait3A_244 : memref<1x1x128x64xf32, #tpu.memory_space<vmem>> -> memref<128x64xf32, #tpu.memory_space<vmem>>
        %dma_wait3A_246 = arith.constant 0 : i32
        %dma_wait3A_247 = tpu.memref_slice %arg10[%add3A_239, %dma_wait3A_246] : memref<80x128xi32, #tpu.memory_space<vmem>> -> memref<1x128xi32, #tpu.memory_space<vmem>>
        %dma_wait3A_248 = tpu.memref_squeeze %dma_wait3A_247 : memref<1x128xi32, #tpu.memory_space<vmem>> -> memref<128xi32, #tpu.memory_space<vmem>>
        %dma_wait3A_249 = arith.constant 0 : i32
        %dma_wait3A_250 = arith.constant 0 : i32
        %dma_wait3A_251 = tpu.memref_slice %arg14[%dma_wait3A_249, %dma_wait3A_250] : memref<10240x64xf32, #tpu.memory_space<vmem_shared>> -> memref<10240x64xf32, #tpu.memory_space<vmem_shared>>
        tpu.wait_indirect_dma semaphore(%arg13 : memref<!tpu.dma_semaphore, #tpu.memory_space<semaphore_mem>>) src(%dma_wait3A_245 : memref<128x64xf32, #tpu.memory_space<vmem>>) dst(%dma_wait3A_251 : memref<10240x64xf32, #tpu.memory_space<vmem_shared>>)
        %mul3A_252 = arith.constant 2 : i32
        %mul3A_253 = arith.muli %sub3A_220, %mul3A_252 : i32
        %add3A_254 = arith.constant 0 : i32
        %add3A_255 = arith.addi %mul3A_253, %add3A_254 : i32
        %dma_wait3A_256 = arith.constant 0 : i32
        %dma_wait3A_257 = tpu.memref_slice %arg10[%add3A_255, %dma_wait3A_256] : memref<80x128xi32, #tpu.memory_space<vmem>> -> memref<1x128xi32, #tpu.memory_space<vmem>>
        %dma_wait3A_258 = tpu.memref_squeeze %dma_wait3A_257 : memref<1x128xi32, #tpu.memory_space<vmem>> -> memref<128xi32, #tpu.memory_space<vmem>>
        %dma_wait3A_259 = arith.constant 0 : i32
        %dma_wait3A_260 = arith.constant 0 : i32
        %dma_wait3A_261 = tpu.memref_slice %arg16[%dma_wait3A_259, %dma_wait3A_260] : memref<10240x16xf32, #tpu.memory_space<vmem_shared>> -> memref<10240x16xf32, #tpu.memory_space<vmem_shared>>
        tpu.wait_indirect_dma semaphore(%arg13 : memref<!tpu.dma_semaphore, #tpu.memory_space<semaphore_mem>>) src(%arg15 : memref<128x16xf32, #tpu.memory_space<vmem>>) dst(%dma_wait3A_261 : memref<10240x16xf32, #tpu.memory_space<vmem_shared>>)
        %mul3A_262 = arith.constant 2 : i32
        %mul3A_263 = arith.muli %sub3A_220, %mul3A_262 : i32
        %add3A_264 = arith.constant 1 : i32
        %add3A_265 = arith.addi %mul3A_263, %add3A_264 : i32
        %dma_wait3A_266 = arith.constant 0 : i32
        %dma_wait3A_267 = tpu.memref_slice %arg10[%add3A_265, %dma_wait3A_266] : memref<80x128xi32, #tpu.memory_space<vmem>> -> memref<1x128xi32, #tpu.memory_space<vmem>>
        %dma_wait3A_268 = tpu.memref_squeeze %dma_wait3A_267 : memref<1x128xi32, #tpu.memory_space<vmem>> -> memref<128xi32, #tpu.memory_space<vmem>>
        %dma_wait3A_269 = arith.constant 0 : i32
        %dma_wait3A_270 = arith.constant 0 : i32
        %dma_wait3A_271 = tpu.memref_slice %arg16[%dma_wait3A_269, %dma_wait3A_270] : memref<10240x16xf32, #tpu.memory_space<vmem_shared>> -> memref<10240x16xf32, #tpu.memory_space<vmem_shared>>
        tpu.wait_indirect_dma semaphore(%arg13 : memref<!tpu.dma_semaphore, #tpu.memory_space<semaphore_mem>>) src(%arg15 : memref<128x16xf32, #tpu.memory_space<vmem>>) dst(%dma_wait3A_271 : memref<10240x16xf32, #tpu.memory_space<vmem_shared>>)
      } else {
      }
      %add3A_165 = arith.constant 3 : i32
      %add3A_166 = arith.addi %add3A_156, %add3A_165 : i32
      %sub3A_167 = arith.constant 1 : i32
      %sub3A_168 = arith.subi %add3A_166, %sub3A_167 : i32
      %lt3A_169 = arith.cmpi slt, %sub3A_168, %select_n3A_30 : i32
      %convert_element_type3A_170 = arith.extui %lt3A_169 : i1 to i32
      %cond3A_171 = arith.constant 0 : i32
      %cond3A_172 = arith.cmpi ne, %convert_element_type3A_170, %cond3A_171 : i32
      scf.if %cond3A_172 {
        %add3A_219 = arith.constant 3 : i32
        %add3A_220 = arith.addi %add3A_156, %add3A_219 : i32
        %sub3A_221 = arith.constant 1 : i32
        %sub3A_222 = arith.subi %add3A_220, %sub3A_221 : i32
        %mul3A_223 = arith.constant 2 : i32
        %mul3A_224 = arith.muli %sub3A_222, %mul3A_223 : i32
        %add3A_225 = arith.constant 0 : i32
        %add3A_226 = arith.addi %mul3A_224, %add3A_225 : i32
        %dma_start3A_227 = arith.constant 2 : i32
        %dma_start3A_228 = arith.constant 0 : i32
        %dma_start3A_229 = arith.constant 0 : i32
        %dma_start3A_230 = arith.constant 0 : i32
        %dma_start3A_231 = tpu.memref_slice %arg11[%dma_start3A_227, %dma_start3A_228, %dma_start3A_229, %dma_start3A_230] : memref<3x2x128x64xf32, #tpu.memory_space<vmem>> -> memref<1x1x128x64xf32, #tpu.memory_space<vmem>>
        %dma_start3A_232 = tpu.memref_squeeze %dma_start3A_231 : memref<1x1x128x64xf32, #tpu.memory_space<vmem>> -> memref<128x64xf32, #tpu.memory_space<vmem>>
        %dma_start3A_233 = arith.constant 0 : i32
        %dma_start3A_234 = tpu.memref_slice %arg9[%add3A_226, %dma_start3A_233] : memref<80x128xi32, #tpu.memory_space<vmem>> -> memref<1x128xi32, #tpu.memory_space<vmem>>
        %dma_start3A_235 = tpu.memref_squeeze %dma_start3A_234 : memref<1x128xi32, #tpu.memory_space<vmem>> -> memref<128xi32, #tpu.memory_space<vmem>>
        %dma_start3A_236 = arith.constant 0 : i32
        %dma_start3A_237 = arith.constant 0 : i32
        %dma_start3A_238 = tpu.memref_slice %arg2[%dma_start3A_236, %dma_start3A_237] : memref<10000x64xf32, #tpu.memory_space<hbm>> -> memref<10000x64xf32, #tpu.memory_space<hbm>>
        tpu.enqueue_indirect_dma source(%dma_start3A_238 : memref<10000x64xf32, #tpu.memory_space<hbm>>) target(%dma_start3A_232 : memref<128x64xf32, #tpu.memory_space<vmem>>) offsets(%dma_start3A_235 : memref<128xi32, #tpu.memory_space<vmem>>) semaphore(%arg12 : memref<!tpu.dma_semaphore, #tpu.memory_space<semaphore_mem>>)
        %mul3A_239 = arith.constant 2 : i32
        %mul3A_240 = arith.muli %sub3A_222, %mul3A_239 : i32
        %add3A_241 = arith.constant 1 : i32
        %add3A_242 = arith.addi %mul3A_240, %add3A_241 : i32
        %dma_start3A_243 = arith.constant 2 : i32
        %dma_start3A_244 = arith.constant 1 : i32
        %dma_start3A_245 = arith.constant 0 : i32
        %dma_start3A_246 = arith.constant 0 : i32
        %dma_start3A_247 = tpu.memref_slice %arg11[%dma_start3A_243, %dma_start3A_244, %dma_start3A_245, %dma_start3A_246] : memref<3x2x128x64xf32, #tpu.memory_space<vmem>> -> memref<1x1x128x64xf32, #tpu.memory_space<vmem>>
        %dma_start3A_248 = tpu.memref_squeeze %dma_start3A_247 : memref<1x1x128x64xf32, #tpu.memory_space<vmem>> -> memref<128x64xf32, #tpu.memory_space<vmem>>
        %dma_start3A_249 = arith.constant 0 : i32
        %dma_start3A_250 = tpu.memref_slice %arg9[%add3A_242, %dma_start3A_249] : memref<80x128xi32, #tpu.memory_space<vmem>> -> memref<1x128xi32, #tpu.memory_space<vmem>>
        %dma_start3A_251 = tpu.memref_squeeze %dma_start3A_250 : memref<1x128xi32, #tpu.memory_space<vmem>> -> memref<128xi32, #tpu.memory_space<vmem>>
        %dma_start3A_252 = arith.constant 0 : i32
        %dma_start3A_253 = arith.constant 0 : i32
        %dma_start3A_254 = tpu.memref_slice %arg2[%dma_start3A_252, %dma_start3A_253] : memref<10000x64xf32, #tpu.memory_space<hbm>> -> memref<10000x64xf32, #tpu.memory_space<hbm>>
        tpu.enqueue_indirect_dma source(%dma_start3A_254 : memref<10000x64xf32, #tpu.memory_space<hbm>>) target(%dma_start3A_248 : memref<128x64xf32, #tpu.memory_space<vmem>>) offsets(%dma_start3A_251 : memref<128xi32, #tpu.memory_space<vmem>>) semaphore(%arg12 : memref<!tpu.dma_semaphore, #tpu.memory_space<semaphore_mem>>)
      } else {
      }
      %mul3A_173 = arith.constant 3 : i32
      %mul3A_174 = arith.muli %add3A_152, %mul3A_173 : i32
      %add3A_175 = arith.constant 1 : i32
      %add3A_176 = arith.addi %mul3A_174, %add3A_175 : i32
      %lt3A_177 = arith.cmpi slt, %add3A_176, %select_n3A_30 : i32
      %convert_element_type3A_178 = arith.extui %lt3A_177 : i1 to i32
      %cond3A_179 = arith.constant 0 : i32
      %cond3A_180 = arith.cmpi ne, %convert_element_type3A_178, %cond3A_179 : i32
      scf.if %cond3A_180 {
        %mul3A_219 = arith.constant 2 : i32
        %mul3A_220 = arith.muli %add3A_176, %mul3A_219 : i32
        %add3A_221 = arith.constant 0 : i32
        %add3A_222 = arith.addi %mul3A_220, %add3A_221 : i32
        %dma_wait3A = arith.constant 1 : i32
        %dma_wait3A_223 = arith.constant 0 : i32
        %dma_wait3A_224 = arith.constant 0 : i32
        %dma_wait3A_225 = arith.constant 0 : i32
        %dma_wait3A_226 = tpu.memref_slice %arg11[%dma_wait3A, %dma_wait3A_223, %dma_wait3A_224, %dma_wait3A_225] : memref<3x2x128x64xf32, #tpu.memory_space<vmem>> -> memref<1x1x128x64xf32, #tpu.memory_space<vmem>>
        %dma_wait3A_227 = tpu.memref_squeeze %dma_wait3A_226 : memref<1x1x128x64xf32, #tpu.memory_space<vmem>> -> memref<128x64xf32, #tpu.memory_space<vmem>>
        %dma_wait3A_228 = arith.constant 0 : i32
        %dma_wait3A_229 = tpu.memref_slice %arg9[%add3A_222, %dma_wait3A_228] : memref<80x128xi32, #tpu.memory_space<vmem>> -> memref<1x128xi32, #tpu.memory_space<vmem>>
        %dma_wait3A_230 = tpu.memref_squeeze %dma_wait3A_229 : memref<1x128xi32, #tpu.memory_space<vmem>> -> memref<128xi32, #tpu.memory_space<vmem>>
        %dma_wait3A_231 = arith.constant 0 : i32
        %dma_wait3A_232 = arith.constant 0 : i32
        %dma_wait3A_233 = tpu.memref_slice %arg2[%dma_wait3A_231, %dma_wait3A_232] : memref<10000x64xf32, #tpu.memory_space<hbm>> -> memref<10000x64xf32, #tpu.memory_space<hbm>>
        tpu.wait_indirect_dma semaphore(%arg12 : memref<!tpu.dma_semaphore, #tpu.memory_space<semaphore_mem>>) src(%dma_wait3A_233 : memref<10000x64xf32, #tpu.memory_space<hbm>>) dst(%dma_wait3A_227 : memref<128x64xf32, #tpu.memory_space<vmem>>)
        %mul3A_234 = arith.constant 2 : i32
        %mul3A_235 = arith.muli %add3A_176, %mul3A_234 : i32
        %add3A_236 = arith.constant 1 : i32
        %add3A_237 = arith.addi %mul3A_235, %add3A_236 : i32
        %dma_wait3A_238 = arith.constant 1 : i32
        %dma_wait3A_239 = arith.constant 1 : i32
        %dma_wait3A_240 = arith.constant 0 : i32
        %dma_wait3A_241 = arith.constant 0 : i32
        %dma_wait3A_242 = tpu.memref_slice %arg11[%dma_wait3A_238, %dma_wait3A_239, %dma_wait3A_240, %dma_wait3A_241] : memref<3x2x128x64xf32, #tpu.memory_space<vmem>> -> memref<1x1x128x64xf32, #tpu.memory_space<vmem>>
        %dma_wait3A_243 = tpu.memref_squeeze %dma_wait3A_242 : memref<1x1x128x64xf32, #tpu.memory_space<vmem>> -> memref<128x64xf32, #tpu.memory_space<vmem>>
        %dma_wait3A_244 = arith.constant 0 : i32
        %dma_wait3A_245 = tpu.memref_slice %arg9[%add3A_237, %dma_wait3A_244] : memref<80x128xi32, #tpu.memory_space<vmem>> -> memref<1x128xi32, #tpu.memory_space<vmem>>
        %dma_wait3A_246 = tpu.memref_squeeze %dma_wait3A_245 : memref<1x128xi32, #tpu.memory_space<vmem>> -> memref<128xi32, #tpu.memory_space<vmem>>
        %dma_wait3A_247 = arith.constant 0 : i32
        %dma_wait3A_248 = arith.constant 0 : i32
        %dma_wait3A_249 = tpu.memref_slice %arg2[%dma_wait3A_247, %dma_wait3A_248] : memref<10000x64xf32, #tpu.memory_space<hbm>> -> memref<10000x64xf32, #tpu.memory_space<hbm>>
        tpu.wait_indirect_dma semaphore(%arg12 : memref<!tpu.dma_semaphore, #tpu.memory_space<semaphore_mem>>) src(%dma_wait3A_249 : memref<10000x64xf32, #tpu.memory_space<hbm>>) dst(%dma_wait3A_243 : memref<128x64xf32, #tpu.memory_space<vmem>>)
        %mul3A_250 = arith.constant 2 : i32
        %mul3A_251 = arith.muli %add3A_176, %mul3A_250 : i32
        %add3A_252 = arith.constant 0 : i32
        %add3A_253 = arith.addi %mul3A_251, %add3A_252 : i32
        %dma_start3A_254 = arith.constant 1 : i32
        %dma_start3A_255 = arith.constant 0 : i32
        %dma_start3A_256 = arith.constant 0 : i32
        %dma_start3A_257 = arith.constant 0 : i32
        %dma_start3A_258 = tpu.memref_slice %arg11[%dma_start3A_254, %dma_start3A_255, %dma_start3A_256, %dma_start3A_257] : memref<3x2x128x64xf32, #tpu.memory_space<vmem>> -> memref<1x1x128x64xf32, #tpu.memory_space<vmem>>
        %dma_start3A_259 = tpu.memref_squeeze %dma_start3A_258 : memref<1x1x128x64xf32, #tpu.memory_space<vmem>> -> memref<128x64xf32, #tpu.memory_space<vmem>>
        %dma_start3A_260 = arith.constant 0 : i32
        %dma_start3A_261 = tpu.memref_slice %arg10[%add3A_253, %dma_start3A_260] : memref<80x128xi32, #tpu.memory_space<vmem>> -> memref<1x128xi32, #tpu.memory_space<vmem>>
        %dma_start3A_262 = tpu.memref_squeeze %dma_start3A_261 : memref<1x128xi32, #tpu.memory_space<vmem>> -> memref<128xi32, #tpu.memory_space<vmem>>
        %dma_start3A_263 = arith.constant 0 : i32
        %dma_start3A_264 = arith.constant 0 : i32
        %dma_start3A_265 = tpu.memref_slice %arg14[%dma_start3A_263, %dma_start3A_264] : memref<10240x64xf32, #tpu.memory_space<vmem_shared>> -> memref<10240x64xf32, #tpu.memory_space<vmem_shared>>
        tpu.enqueue_indirect_dma source(%dma_start3A_259 : memref<128x64xf32, #tpu.memory_space<vmem>>) target(%dma_start3A_265 : memref<10240x64xf32, #tpu.memory_space<vmem_shared>>) offsets(%dma_start3A_262 : memref<128xi32, #tpu.memory_space<vmem>>) semaphore(%arg13 : memref<!tpu.dma_semaphore, #tpu.memory_space<semaphore_mem>>) {add = true}
        %mul3A_266 = arith.constant 2 : i32
        %mul3A_267 = arith.muli %add3A_176, %mul3A_266 : i32
        %add3A_268 = arith.constant 1 : i32
        %add3A_269 = arith.addi %mul3A_267, %add3A_268 : i32
        %dma_start3A_270 = arith.constant 1 : i32
        %dma_start3A_271 = arith.constant 1 : i32
        %dma_start3A_272 = arith.constant 0 : i32
        %dma_start3A_273 = arith.constant 0 : i32
        %dma_start3A_274 = tpu.memref_slice %arg11[%dma_start3A_270, %dma_start3A_271, %dma_start3A_272, %dma_start3A_273] : memref<3x2x128x64xf32, #tpu.memory_space<vmem>> -> memref<1x1x128x64xf32, #tpu.memory_space<vmem>>
        %dma_start3A_275 = tpu.memref_squeeze %dma_start3A_274 : memref<1x1x128x64xf32, #tpu.memory_space<vmem>> -> memref<128x64xf32, #tpu.memory_space<vmem>>
        %dma_start3A_276 = arith.constant 0 : i32
        %dma_start3A_277 = tpu.memref_slice %arg10[%add3A_269, %dma_start3A_276] : memref<80x128xi32, #tpu.memory_space<vmem>> -> memref<1x128xi32, #tpu.memory_space<vmem>>
        %dma_start3A_278 = tpu.memref_squeeze %dma_start3A_277 : memref<1x128xi32, #tpu.memory_space<vmem>> -> memref<128xi32, #tpu.memory_space<vmem>>
        %dma_start3A_279 = arith.constant 0 : i32
        %dma_start3A_280 = arith.constant 0 : i32
        %dma_start3A_281 = tpu.memref_slice %arg14[%dma_start3A_279, %dma_start3A_280] : memref<10240x64xf32, #tpu.memory_space<vmem_shared>> -> memref<10240x64xf32, #tpu.memory_space<vmem_shared>>
        tpu.enqueue_indirect_dma source(%dma_start3A_275 : memref<128x64xf32, #tpu.memory_space<vmem>>) target(%dma_start3A_281 : memref<10240x64xf32, #tpu.memory_space<vmem_shared>>) offsets(%dma_start3A_278 : memref<128xi32, #tpu.memory_space<vmem>>) semaphore(%arg13 : memref<!tpu.dma_semaphore, #tpu.memory_space<semaphore_mem>>) {add = true}
        %mul3A_282 = arith.constant 2 : i32
        %mul3A_283 = arith.muli %add3A_176, %mul3A_282 : i32
        %add3A_284 = arith.constant 0 : i32
        %add3A_285 = arith.addi %mul3A_283, %add3A_284 : i32
        %dma_start3A_286 = arith.constant 0 : i32
        %dma_start3A_287 = tpu.memref_slice %arg10[%add3A_285, %dma_start3A_286] : memref<80x128xi32, #tpu.memory_space<vmem>> -> memref<1x128xi32, #tpu.memory_space<vmem>>
        %dma_start3A_288 = tpu.memref_squeeze %dma_start3A_287 : memref<1x128xi32, #tpu.memory_space<vmem>> -> memref<128xi32, #tpu.memory_space<vmem>>
        %dma_start3A_289 = arith.constant 0 : i32
        %dma_start3A_290 = arith.constant 0 : i32
        %dma_start3A_291 = tpu.memref_slice %arg16[%dma_start3A_289, %dma_start3A_290] : memref<10240x16xf32, #tpu.memory_space<vmem_shared>> -> memref<10240x16xf32, #tpu.memory_space<vmem_shared>>
        tpu.enqueue_indirect_dma source(%arg15 : memref<128x16xf32, #tpu.memory_space<vmem>>) target(%dma_start3A_291 : memref<10240x16xf32, #tpu.memory_space<vmem_shared>>) offsets(%dma_start3A_288 : memref<128xi32, #tpu.memory_space<vmem>>) semaphore(%arg13 : memref<!tpu.dma_semaphore, #tpu.memory_space<semaphore_mem>>) {add = true}
        %mul3A_292 = arith.constant 2 : i32
        %mul3A_293 = arith.muli %add3A_176, %mul3A_292 : i32
        %add3A_294 = arith.constant 1 : i32
        %add3A_295 = arith.addi %mul3A_293, %add3A_294 : i32
        %dma_start3A_296 = arith.constant 0 : i32
        %dma_start3A_297 = tpu.memref_slice %arg10[%add3A_295, %dma_start3A_296] : memref<80x128xi32, #tpu.memory_space<vmem>> -> memref<1x128xi32, #tpu.memory_space<vmem>>
        %dma_start3A_298 = tpu.memref_squeeze %dma_start3A_297 : memref<1x128xi32, #tpu.memory_space<vmem>> -> memref<128xi32, #tpu.memory_space<vmem>>
        %dma_start3A_299 = arith.constant 0 : i32
        %dma_start3A_300 = arith.constant 0 : i32
        %dma_start3A_301 = tpu.memref_slice %arg16[%dma_start3A_299, %dma_start3A_300] : memref<10240x16xf32, #tpu.memory_space<vmem_shared>> -> memref<10240x16xf32, #tpu.memory_space<vmem_shared>>
        tpu.enqueue_indirect_dma source(%arg15 : memref<128x16xf32, #tpu.memory_space<vmem>>) target(%dma_start3A_301 : memref<10240x16xf32, #tpu.memory_space<vmem_shared>>) offsets(%dma_start3A_298 : memref<128xi32, #tpu.memory_space<vmem>>) semaphore(%arg13 : memref<!tpu.dma_semaphore, #tpu.memory_space<semaphore_mem>>) {add = true}
      } else {
      }
      %ge3A_181 = arith.constant 1 : i32
      %ge3A_182 = arith.cmpi sge, %add3A_176, %ge3A_181 : i32
      %le3A_183 = arith.cmpi sle, %add3A_176, %select_n3A_30 : i32
      %and3A_184 = arith.andi %ge3A_182, %le3A_183 : i1
      %convert_element_type3A_185 = arith.extui %and3A_184 : i1 to i32
      %cond3A_186 = arith.constant 0 : i32
      %cond3A_187 = arith.cmpi ne, %convert_element_type3A_185, %cond3A_186 : i32
      scf.if %cond3A_187 {
        %sub3A_219 = arith.constant 1 : i32
        %sub3A_220 = arith.subi %add3A_176, %sub3A_219 : i32
        %mul3A_221 = arith.constant 2 : i32
        %mul3A_222 = arith.muli %sub3A_220, %mul3A_221 : i32
        %add3A_223 = arith.constant 0 : i32
        %add3A_224 = arith.addi %mul3A_222, %add3A_223 : i32
        %dma_wait3A = arith.constant 0 : i32
        %dma_wait3A_225 = arith.constant 0 : i32
        %dma_wait3A_226 = arith.constant 0 : i32
        %dma_wait3A_227 = arith.constant 0 : i32
        %dma_wait3A_228 = tpu.memref_slice %arg11[%dma_wait3A, %dma_wait3A_225, %dma_wait3A_226, %dma_wait3A_227] : memref<3x2x128x64xf32, #tpu.memory_space<vmem>> -> memref<1x1x128x64xf32, #tpu.memory_space<vmem>>
        %dma_wait3A_229 = tpu.memref_squeeze %dma_wait3A_228 : memref<1x1x128x64xf32, #tpu.memory_space<vmem>> -> memref<128x64xf32, #tpu.memory_space<vmem>>
        %dma_wait3A_230 = arith.constant 0 : i32
        %dma_wait3A_231 = tpu.memref_slice %arg10[%add3A_224, %dma_wait3A_230] : memref<80x128xi32, #tpu.memory_space<vmem>> -> memref<1x128xi32, #tpu.memory_space<vmem>>
        %dma_wait3A_232 = tpu.memref_squeeze %dma_wait3A_231 : memref<1x128xi32, #tpu.memory_space<vmem>> -> memref<128xi32, #tpu.memory_space<vmem>>
        %dma_wait3A_233 = arith.constant 0 : i32
        %dma_wait3A_234 = arith.constant 0 : i32
        %dma_wait3A_235 = tpu.memref_slice %arg14[%dma_wait3A_233, %dma_wait3A_234] : memref<10240x64xf32, #tpu.memory_space<vmem_shared>> -> memref<10240x64xf32, #tpu.memory_space<vmem_shared>>
        tpu.wait_indirect_dma semaphore(%arg13 : memref<!tpu.dma_semaphore, #tpu.memory_space<semaphore_mem>>) src(%dma_wait3A_229 : memref<128x64xf32, #tpu.memory_space<vmem>>) dst(%dma_wait3A_235 : memref<10240x64xf32, #tpu.memory_space<vmem_shared>>)
        %mul3A_236 = arith.constant 2 : i32
        %mul3A_237 = arith.muli %sub3A_220, %mul3A_236 : i32
        %add3A_238 = arith.constant 1 : i32
        %add3A_239 = arith.addi %mul3A_237, %add3A_238 : i32
        %dma_wait3A_240 = arith.constant 0 : i32
        %dma_wait3A_241 = arith.constant 1 : i32
        %dma_wait3A_242 = arith.constant 0 : i32
        %dma_wait3A_243 = arith.constant 0 : i32
        %dma_wait3A_244 = tpu.memref_slice %arg11[%dma_wait3A_240, %dma_wait3A_241, %dma_wait3A_242, %dma_wait3A_243] : memref<3x2x128x64xf32, #tpu.memory_space<vmem>> -> memref<1x1x128x64xf32, #tpu.memory_space<vmem>>
        %dma_wait3A_245 = tpu.memref_squeeze %dma_wait3A_244 : memref<1x1x128x64xf32, #tpu.memory_space<vmem>> -> memref<128x64xf32, #tpu.memory_space<vmem>>
        %dma_wait3A_246 = arith.constant 0 : i32
        %dma_wait3A_247 = tpu.memref_slice %arg10[%add3A_239, %dma_wait3A_246] : memref<80x128xi32, #tpu.memory_space<vmem>> -> memref<1x128xi32, #tpu.memory_space<vmem>>
        %dma_wait3A_248 = tpu.memref_squeeze %dma_wait3A_247 : memref<1x128xi32, #tpu.memory_space<vmem>> -> memref<128xi32, #tpu.memory_space<vmem>>
        %dma_wait3A_249 = arith.constant 0 : i32
        %dma_wait3A_250 = arith.constant 0 : i32
        %dma_wait3A_251 = tpu.memref_slice %arg14[%dma_wait3A_249, %dma_wait3A_250] : memref<10240x64xf32, #tpu.memory_space<vmem_shared>> -> memref<10240x64xf32, #tpu.memory_space<vmem_shared>>
        tpu.wait_indirect_dma semaphore(%arg13 : memref<!tpu.dma_semaphore, #tpu.memory_space<semaphore_mem>>) src(%dma_wait3A_245 : memref<128x64xf32, #tpu.memory_space<vmem>>) dst(%dma_wait3A_251 : memref<10240x64xf32, #tpu.memory_space<vmem_shared>>)
        %mul3A_252 = arith.constant 2 : i32
        %mul3A_253 = arith.muli %sub3A_220, %mul3A_252 : i32
        %add3A_254 = arith.constant 0 : i32
        %add3A_255 = arith.addi %mul3A_253, %add3A_254 : i32
        %dma_wait3A_256 = arith.constant 0 : i32
        %dma_wait3A_257 = tpu.memref_slice %arg10[%add3A_255, %dma_wait3A_256] : memref<80x128xi32, #tpu.memory_space<vmem>> -> memref<1x128xi32, #tpu.memory_space<vmem>>
        %dma_wait3A_258 = tpu.memref_squeeze %dma_wait3A_257 : memref<1x128xi32, #tpu.memory_space<vmem>> -> memref<128xi32, #tpu.memory_space<vmem>>
        %dma_wait3A_259 = arith.constant 0 : i32
        %dma_wait3A_260 = arith.constant 0 : i32
        %dma_wait3A_261 = tpu.memref_slice %arg16[%dma_wait3A_259, %dma_wait3A_260] : memref<10240x16xf32, #tpu.memory_space<vmem_shared>> -> memref<10240x16xf32, #tpu.memory_space<vmem_shared>>
        tpu.wait_indirect_dma semaphore(%arg13 : memref<!tpu.dma_semaphore, #tpu.memory_space<semaphore_mem>>) src(%arg15 : memref<128x16xf32, #tpu.memory_space<vmem>>) dst(%dma_wait3A_261 : memref<10240x16xf32, #tpu.memory_space<vmem_shared>>)
        %mul3A_262 = arith.constant 2 : i32
        %mul3A_263 = arith.muli %sub3A_220, %mul3A_262 : i32
        %add3A_264 = arith.constant 1 : i32
        %add3A_265 = arith.addi %mul3A_263, %add3A_264 : i32
        %dma_wait3A_266 = arith.constant 0 : i32
        %dma_wait3A_267 = tpu.memref_slice %arg10[%add3A_265, %dma_wait3A_266] : memref<80x128xi32, #tpu.memory_space<vmem>> -> memref<1x128xi32, #tpu.memory_space<vmem>>
        %dma_wait3A_268 = tpu.memref_squeeze %dma_wait3A_267 : memref<1x128xi32, #tpu.memory_space<vmem>> -> memref<128xi32, #tpu.memory_space<vmem>>
        %dma_wait3A_269 = arith.constant 0 : i32
        %dma_wait3A_270 = arith.constant 0 : i32
        %dma_wait3A_271 = tpu.memref_slice %arg16[%dma_wait3A_269, %dma_wait3A_270] : memref<10240x16xf32, #tpu.memory_space<vmem_shared>> -> memref<10240x16xf32, #tpu.memory_space<vmem_shared>>
        tpu.wait_indirect_dma semaphore(%arg13 : memref<!tpu.dma_semaphore, #tpu.memory_space<semaphore_mem>>) src(%arg15 : memref<128x16xf32, #tpu.memory_space<vmem>>) dst(%dma_wait3A_271 : memref<10240x16xf32, #tpu.memory_space<vmem_shared>>)
      } else {
      }
      %add3A_188 = arith.constant 3 : i32
      %add3A_189 = arith.addi %add3A_176, %add3A_188 : i32
      %sub3A_190 = arith.constant 1 : i32
      %sub3A_191 = arith.subi %add3A_189, %sub3A_190 : i32
      %lt3A_192 = arith.cmpi slt, %sub3A_191, %select_n3A_30 : i32
      %convert_element_type3A_193 = arith.extui %lt3A_192 : i1 to i32
      %cond3A_194 = arith.constant 0 : i32
      %cond3A_195 = arith.cmpi ne, %convert_element_type3A_193, %cond3A_194 : i32
      scf.if %cond3A_195 {
        %add3A_219 = arith.constant 3 : i32
        %add3A_220 = arith.addi %add3A_176, %add3A_219 : i32
        %sub3A_221 = arith.constant 1 : i32
        %sub3A_222 = arith.subi %add3A_220, %sub3A_221 : i32
        %mul3A_223 = arith.constant 2 : i32
        %mul3A_224 = arith.muli %sub3A_222, %mul3A_223 : i32
        %add3A_225 = arith.constant 0 : i32
        %add3A_226 = arith.addi %mul3A_224, %add3A_225 : i32
        %dma_start3A_227 = arith.constant 0 : i32
        %dma_start3A_228 = arith.constant 0 : i32
        %dma_start3A_229 = arith.constant 0 : i32
        %dma_start3A_230 = arith.constant 0 : i32
        %dma_start3A_231 = tpu.memref_slice %arg11[%dma_start3A_227, %dma_start3A_228, %dma_start3A_229, %dma_start3A_230] : memref<3x2x128x64xf32, #tpu.memory_space<vmem>> -> memref<1x1x128x64xf32, #tpu.memory_space<vmem>>
        %dma_start3A_232 = tpu.memref_squeeze %dma_start3A_231 : memref<1x1x128x64xf32, #tpu.memory_space<vmem>> -> memref<128x64xf32, #tpu.memory_space<vmem>>
        %dma_start3A_233 = arith.constant 0 : i32
        %dma_start3A_234 = tpu.memref_slice %arg9[%add3A_226, %dma_start3A_233] : memref<80x128xi32, #tpu.memory_space<vmem>> -> memref<1x128xi32, #tpu.memory_space<vmem>>
        %dma_start3A_235 = tpu.memref_squeeze %dma_start3A_234 : memref<1x128xi32, #tpu.memory_space<vmem>> -> memref<128xi32, #tpu.memory_space<vmem>>
        %dma_start3A_236 = arith.constant 0 : i32
        %dma_start3A_237 = arith.constant 0 : i32
        %dma_start3A_238 = tpu.memref_slice %arg2[%dma_start3A_236, %dma_start3A_237] : memref<10000x64xf32, #tpu.memory_space<hbm>> -> memref<10000x64xf32, #tpu.memory_space<hbm>>
        tpu.enqueue_indirect_dma source(%dma_start3A_238 : memref<10000x64xf32, #tpu.memory_space<hbm>>) target(%dma_start3A_232 : memref<128x64xf32, #tpu.memory_space<vmem>>) offsets(%dma_start3A_235 : memref<128xi32, #tpu.memory_space<vmem>>) semaphore(%arg12 : memref<!tpu.dma_semaphore, #tpu.memory_space<semaphore_mem>>)
        %mul3A_239 = arith.constant 2 : i32
        %mul3A_240 = arith.muli %sub3A_222, %mul3A_239 : i32
        %add3A_241 = arith.constant 1 : i32
        %add3A_242 = arith.addi %mul3A_240, %add3A_241 : i32
        %dma_start3A_243 = arith.constant 0 : i32
        %dma_start3A_244 = arith.constant 1 : i32
        %dma_start3A_245 = arith.constant 0 : i32
        %dma_start3A_246 = arith.constant 0 : i32
        %dma_start3A_247 = tpu.memref_slice %arg11[%dma_start3A_243, %dma_start3A_244, %dma_start3A_245, %dma_start3A_246] : memref<3x2x128x64xf32, #tpu.memory_space<vmem>> -> memref<1x1x128x64xf32, #tpu.memory_space<vmem>>
        %dma_start3A_248 = tpu.memref_squeeze %dma_start3A_247 : memref<1x1x128x64xf32, #tpu.memory_space<vmem>> -> memref<128x64xf32, #tpu.memory_space<vmem>>
        %dma_start3A_249 = arith.constant 0 : i32
        %dma_start3A_250 = tpu.memref_slice %arg9[%add3A_242, %dma_start3A_249] : memref<80x128xi32, #tpu.memory_space<vmem>> -> memref<1x128xi32, #tpu.memory_space<vmem>>
        %dma_start3A_251 = tpu.memref_squeeze %dma_start3A_250 : memref<1x128xi32, #tpu.memory_space<vmem>> -> memref<128xi32, #tpu.memory_space<vmem>>
        %dma_start3A_252 = arith.constant 0 : i32
        %dma_start3A_253 = arith.constant 0 : i32
        %dma_start3A_254 = tpu.memref_slice %arg2[%dma_start3A_252, %dma_start3A_253] : memref<10000x64xf32, #tpu.memory_space<hbm>> -> memref<10000x64xf32, #tpu.memory_space<hbm>>
        tpu.enqueue_indirect_dma source(%dma_start3A_254 : memref<10000x64xf32, #tpu.memory_space<hbm>>) target(%dma_start3A_248 : memref<128x64xf32, #tpu.memory_space<vmem>>) offsets(%dma_start3A_251 : memref<128xi32, #tpu.memory_space<vmem>>) semaphore(%arg12 : memref<!tpu.dma_semaphore, #tpu.memory_space<semaphore_mem>>)
      } else {
      }
      %mul3A_196 = arith.constant 3 : i32
      %mul3A_197 = arith.muli %add3A_152, %mul3A_196 : i32
      %add3A_198 = arith.constant 2 : i32
      %add3A_199 = arith.addi %mul3A_197, %add3A_198 : i32
      %lt3A_200 = arith.cmpi slt, %add3A_199, %select_n3A_30 : i32
      %convert_element_type3A_201 = arith.extui %lt3A_200 : i1 to i32
      %cond3A_202 = arith.constant 0 : i32
      %cond3A_203 = arith.cmpi ne, %convert_element_type3A_201, %cond3A_202 : i32
      scf.if %cond3A_203 {
        %mul3A_219 = arith.constant 2 : i32
        %mul3A_220 = arith.muli %add3A_199, %mul3A_219 : i32
        %add3A_221 = arith.constant 0 : i32
        %add3A_222 = arith.addi %mul3A_220, %add3A_221 : i32
        %dma_wait3A = arith.constant 2 : i32
        %dma_wait3A_223 = arith.constant 0 : i32
        %dma_wait3A_224 = arith.constant 0 : i32
        %dma_wait3A_225 = arith.constant 0 : i32
        %dma_wait3A_226 = tpu.memref_slice %arg11[%dma_wait3A, %dma_wait3A_223, %dma_wait3A_224, %dma_wait3A_225] : memref<3x2x128x64xf32, #tpu.memory_space<vmem>> -> memref<1x1x128x64xf32, #tpu.memory_space<vmem>>
        %dma_wait3A_227 = tpu.memref_squeeze %dma_wait3A_226 : memref<1x1x128x64xf32, #tpu.memory_space<vmem>> -> memref<128x64xf32, #tpu.memory_space<vmem>>
        %dma_wait3A_228 = arith.constant 0 : i32
        %dma_wait3A_229 = tpu.memref_slice %arg9[%add3A_222, %dma_wait3A_228] : memref<80x128xi32, #tpu.memory_space<vmem>> -> memref<1x128xi32, #tpu.memory_space<vmem>>
        %dma_wait3A_230 = tpu.memref_squeeze %dma_wait3A_229 : memref<1x128xi32, #tpu.memory_space<vmem>> -> memref<128xi32, #tpu.memory_space<vmem>>
        %dma_wait3A_231 = arith.constant 0 : i32
        %dma_wait3A_232 = arith.constant 0 : i32
        %dma_wait3A_233 = tpu.memref_slice %arg2[%dma_wait3A_231, %dma_wait3A_232] : memref<10000x64xf32, #tpu.memory_space<hbm>> -> memref<10000x64xf32, #tpu.memory_space<hbm>>
        tpu.wait_indirect_dma semaphore(%arg12 : memref<!tpu.dma_semaphore, #tpu.memory_space<semaphore_mem>>) src(%dma_wait3A_233 : memref<10000x64xf32, #tpu.memory_space<hbm>>) dst(%dma_wait3A_227 : memref<128x64xf32, #tpu.memory_space<vmem>>)
        %mul3A_234 = arith.constant 2 : i32
        %mul3A_235 = arith.muli %add3A_199, %mul3A_234 : i32
        %add3A_236 = arith.constant 1 : i32
        %add3A_237 = arith.addi %mul3A_235, %add3A_236 : i32
        %dma_wait3A_238 = arith.constant 2 : i32
        %dma_wait3A_239 = arith.constant 1 : i32
        %dma_wait3A_240 = arith.constant 0 : i32
        %dma_wait3A_241 = arith.constant 0 : i32
        %dma_wait3A_242 = tpu.memref_slice %arg11[%dma_wait3A_238, %dma_wait3A_239, %dma_wait3A_240, %dma_wait3A_241] : memref<3x2x128x64xf32, #tpu.memory_space<vmem>> -> memref<1x1x128x64xf32, #tpu.memory_space<vmem>>
        %dma_wait3A_243 = tpu.memref_squeeze %dma_wait3A_242 : memref<1x1x128x64xf32, #tpu.memory_space<vmem>> -> memref<128x64xf32, #tpu.memory_space<vmem>>
        %dma_wait3A_244 = arith.constant 0 : i32
        %dma_wait3A_245 = tpu.memref_slice %arg9[%add3A_237, %dma_wait3A_244] : memref<80x128xi32, #tpu.memory_space<vmem>> -> memref<1x128xi32, #tpu.memory_space<vmem>>
        %dma_wait3A_246 = tpu.memref_squeeze %dma_wait3A_245 : memref<1x128xi32, #tpu.memory_space<vmem>> -> memref<128xi32, #tpu.memory_space<vmem>>
        %dma_wait3A_247 = arith.constant 0 : i32
        %dma_wait3A_248 = arith.constant 0 : i32
        %dma_wait3A_249 = tpu.memref_slice %arg2[%dma_wait3A_247, %dma_wait3A_248] : memref<10000x64xf32, #tpu.memory_space<hbm>> -> memref<10000x64xf32, #tpu.memory_space<hbm>>
        tpu.wait_indirect_dma semaphore(%arg12 : memref<!tpu.dma_semaphore, #tpu.memory_space<semaphore_mem>>) src(%dma_wait3A_249 : memref<10000x64xf32, #tpu.memory_space<hbm>>) dst(%dma_wait3A_243 : memref<128x64xf32, #tpu.memory_space<vmem>>)
        %mul3A_250 = arith.constant 2 : i32
        %mul3A_251 = arith.muli %add3A_199, %mul3A_250 : i32
        %add3A_252 = arith.constant 0 : i32
        %add3A_253 = arith.addi %mul3A_251, %add3A_252 : i32
        %dma_start3A_254 = arith.constant 2 : i32
        %dma_start3A_255 = arith.constant 0 : i32
        %dma_start3A_256 = arith.constant 0 : i32
        %dma_start3A_257 = arith.constant 0 : i32
        %dma_start3A_258 = tpu.memref_slice %arg11[%dma_start3A_254, %dma_start3A_255, %dma_start3A_256, %dma_start3A_257] : memref<3x2x128x64xf32, #tpu.memory_space<vmem>> -> memref<1x1x128x64xf32, #tpu.memory_space<vmem>>
        %dma_start3A_259 = tpu.memref_squeeze %dma_start3A_258 : memref<1x1x128x64xf32, #tpu.memory_space<vmem>> -> memref<128x64xf32, #tpu.memory_space<vmem>>
        %dma_start3A_260 = arith.constant 0 : i32
        %dma_start3A_261 = tpu.memref_slice %arg10[%add3A_253, %dma_start3A_260] : memref<80x128xi32, #tpu.memory_space<vmem>> -> memref<1x128xi32, #tpu.memory_space<vmem>>
        %dma_start3A_262 = tpu.memref_squeeze %dma_start3A_261 : memref<1x128xi32, #tpu.memory_space<vmem>> -> memref<128xi32, #tpu.memory_space<vmem>>
        %dma_start3A_263 = arith.constant 0 : i32
        %dma_start3A_264 = arith.constant 0 : i32
        %dma_start3A_265 = tpu.memref_slice %arg14[%dma_start3A_263, %dma_start3A_264] : memref<10240x64xf32, #tpu.memory_space<vmem_shared>> -> memref<10240x64xf32, #tpu.memory_space<vmem_shared>>
        tpu.enqueue_indirect_dma source(%dma_start3A_259 : memref<128x64xf32, #tpu.memory_space<vmem>>) target(%dma_start3A_265 : memref<10240x64xf32, #tpu.memory_space<vmem_shared>>) offsets(%dma_start3A_262 : memref<128xi32, #tpu.memory_space<vmem>>) semaphore(%arg13 : memref<!tpu.dma_semaphore, #tpu.memory_space<semaphore_mem>>) {add = true}
        %mul3A_266 = arith.constant 2 : i32
        %mul3A_267 = arith.muli %add3A_199, %mul3A_266 : i32
        %add3A_268 = arith.constant 1 : i32
        %add3A_269 = arith.addi %mul3A_267, %add3A_268 : i32
        %dma_start3A_270 = arith.constant 2 : i32
        %dma_start3A_271 = arith.constant 1 : i32
        %dma_start3A_272 = arith.constant 0 : i32
        %dma_start3A_273 = arith.constant 0 : i32
        %dma_start3A_274 = tpu.memref_slice %arg11[%dma_start3A_270, %dma_start3A_271, %dma_start3A_272, %dma_start3A_273] : memref<3x2x128x64xf32, #tpu.memory_space<vmem>> -> memref<1x1x128x64xf32, #tpu.memory_space<vmem>>
        %dma_start3A_275 = tpu.memref_squeeze %dma_start3A_274 : memref<1x1x128x64xf32, #tpu.memory_space<vmem>> -> memref<128x64xf32, #tpu.memory_space<vmem>>
        %dma_start3A_276 = arith.constant 0 : i32
        %dma_start3A_277 = tpu.memref_slice %arg10[%add3A_269, %dma_start3A_276] : memref<80x128xi32, #tpu.memory_space<vmem>> -> memref<1x128xi32, #tpu.memory_space<vmem>>
        %dma_start3A_278 = tpu.memref_squeeze %dma_start3A_277 : memref<1x128xi32, #tpu.memory_space<vmem>> -> memref<128xi32, #tpu.memory_space<vmem>>
        %dma_start3A_279 = arith.constant 0 : i32
        %dma_start3A_280 = arith.constant 0 : i32
        %dma_start3A_281 = tpu.memref_slice %arg14[%dma_start3A_279, %dma_start3A_280] : memref<10240x64xf32, #tpu.memory_space<vmem_shared>> -> memref<10240x64xf32, #tpu.memory_space<vmem_shared>>
        tpu.enqueue_indirect_dma source(%dma_start3A_275 : memref<128x64xf32, #tpu.memory_space<vmem>>) target(%dma_start3A_281 : memref<10240x64xf32, #tpu.memory_space<vmem_shared>>) offsets(%dma_start3A_278 : memref<128xi32, #tpu.memory_space<vmem>>) semaphore(%arg13 : memref<!tpu.dma_semaphore, #tpu.memory_space<semaphore_mem>>) {add = true}
        %mul3A_282 = arith.constant 2 : i32
        %mul3A_283 = arith.muli %add3A_199, %mul3A_282 : i32
        %add3A_284 = arith.constant 0 : i32
        %add3A_285 = arith.addi %mul3A_283, %add3A_284 : i32
        %dma_start3A_286 = arith.constant 0 : i32
        %dma_start3A_287 = tpu.memref_slice %arg10[%add3A_285, %dma_start3A_286] : memref<80x128xi32, #tpu.memory_space<vmem>> -> memref<1x128xi32, #tpu.memory_space<vmem>>
        %dma_start3A_288 = tpu.memref_squeeze %dma_start3A_287 : memref<1x128xi32, #tpu.memory_space<vmem>> -> memref<128xi32, #tpu.memory_space<vmem>>
        %dma_start3A_289 = arith.constant 0 : i32
        %dma_start3A_290 = arith.constant 0 : i32
        %dma_start3A_291 = tpu.memref_slice %arg16[%dma_start3A_289, %dma_start3A_290] : memref<10240x16xf32, #tpu.memory_space<vmem_shared>> -> memref<10240x16xf32, #tpu.memory_space<vmem_shared>>
        tpu.enqueue_indirect_dma source(%arg15 : memref<128x16xf32, #tpu.memory_space<vmem>>) target(%dma_start3A_291 : memref<10240x16xf32, #tpu.memory_space<vmem_shared>>) offsets(%dma_start3A_288 : memref<128xi32, #tpu.memory_space<vmem>>) semaphore(%arg13 : memref<!tpu.dma_semaphore, #tpu.memory_space<semaphore_mem>>) {add = true}
        %mul3A_292 = arith.constant 2 : i32
        %mul3A_293 = arith.muli %add3A_199, %mul3A_292 : i32
        %add3A_294 = arith.constant 1 : i32
        %add3A_295 = arith.addi %mul3A_293, %add3A_294 : i32
        %dma_start3A_296 = arith.constant 0 : i32
        %dma_start3A_297 = tpu.memref_slice %arg10[%add3A_295, %dma_start3A_296] : memref<80x128xi32, #tpu.memory_space<vmem>> -> memref<1x128xi32, #tpu.memory_space<vmem>>
        %dma_start3A_298 = tpu.memref_squeeze %dma_start3A_297 : memref<1x128xi32, #tpu.memory_space<vmem>> -> memref<128xi32, #tpu.memory_space<vmem>>
        %dma_start3A_299 = arith.constant 0 : i32
        %dma_start3A_300 = arith.constant 0 : i32
        %dma_start3A_301 = tpu.memref_slice %arg16[%dma_start3A_299, %dma_start3A_300] : memref<10240x16xf32, #tpu.memory_space<vmem_shared>> -> memref<10240x16xf32, #tpu.memory_space<vmem_shared>>
        tpu.enqueue_indirect_dma source(%arg15 : memref<128x16xf32, #tpu.memory_space<vmem>>) target(%dma_start3A_301 : memref<10240x16xf32, #tpu.memory_space<vmem_shared>>) offsets(%dma_start3A_298 : memref<128xi32, #tpu.memory_space<vmem>>) semaphore(%arg13 : memref<!tpu.dma_semaphore, #tpu.memory_space<semaphore_mem>>) {add = true}
      } else {
      }
      %ge3A_204 = arith.constant 1 : i32
      %ge3A_205 = arith.cmpi sge, %add3A_199, %ge3A_204 : i32
      %le3A_206 = arith.cmpi sle, %add3A_199, %select_n3A_30 : i32
      %and3A_207 = arith.andi %ge3A_205, %le3A_206 : i1
      %convert_element_type3A_208 = arith.extui %and3A_207 : i1 to i32
      %cond3A_209 = arith.constant 0 : i32
      %cond3A_210 = arith.cmpi ne, %convert_element_type3A_208, %cond3A_209 : i32
      scf.if %cond3A_210 {
        %sub3A_219 = arith.constant 1 : i32
        %sub3A_220 = arith.subi %add3A_199, %sub3A_219 : i32
        %mul3A_221 = arith.constant 2 : i32
        %mul3A_222 = arith.muli %sub3A_220, %mul3A_221 : i32
        %add3A_223 = arith.constant 0 : i32
        %add3A_224 = arith.addi %mul3A_222, %add3A_223 : i32
        %dma_wait3A = arith.constant 1 : i32
        %dma_wait3A_225 = arith.constant 0 : i32
        %dma_wait3A_226 = arith.constant 0 : i32
        %dma_wait3A_227 = arith.constant 0 : i32
        %dma_wait3A_228 = tpu.memref_slice %arg11[%dma_wait3A, %dma_wait3A_225, %dma_wait3A_226, %dma_wait3A_227] : memref<3x2x128x64xf32, #tpu.memory_space<vmem>> -> memref<1x1x128x64xf32, #tpu.memory_space<vmem>>
        %dma_wait3A_229 = tpu.memref_squeeze %dma_wait3A_228 : memref<1x1x128x64xf32, #tpu.memory_space<vmem>> -> memref<128x64xf32, #tpu.memory_space<vmem>>
        %dma_wait3A_230 = arith.constant 0 : i32
        %dma_wait3A_231 = tpu.memref_slice %arg10[%add3A_224, %dma_wait3A_230] : memref<80x128xi32, #tpu.memory_space<vmem>> -> memref<1x128xi32, #tpu.memory_space<vmem>>
        %dma_wait3A_232 = tpu.memref_squeeze %dma_wait3A_231 : memref<1x128xi32, #tpu.memory_space<vmem>> -> memref<128xi32, #tpu.memory_space<vmem>>
        %dma_wait3A_233 = arith.constant 0 : i32
        %dma_wait3A_234 = arith.constant 0 : i32
        %dma_wait3A_235 = tpu.memref_slice %arg14[%dma_wait3A_233, %dma_wait3A_234] : memref<10240x64xf32, #tpu.memory_space<vmem_shared>> -> memref<10240x64xf32, #tpu.memory_space<vmem_shared>>
        tpu.wait_indirect_dma semaphore(%arg13 : memref<!tpu.dma_semaphore, #tpu.memory_space<semaphore_mem>>) src(%dma_wait3A_229 : memref<128x64xf32, #tpu.memory_space<vmem>>) dst(%dma_wait3A_235 : memref<10240x64xf32, #tpu.memory_space<vmem_shared>>)
        %mul3A_236 = arith.constant 2 : i32
        %mul3A_237 = arith.muli %sub3A_220, %mul3A_236 : i32
        %add3A_238 = arith.constant 1 : i32
        %add3A_239 = arith.addi %mul3A_237, %add3A_238 : i32
        %dma_wait3A_240 = arith.constant 1 : i32
        %dma_wait3A_241 = arith.constant 1 : i32
        %dma_wait3A_242 = arith.constant 0 : i32
        %dma_wait3A_243 = arith.constant 0 : i32
        %dma_wait3A_244 = tpu.memref_slice %arg11[%dma_wait3A_240, %dma_wait3A_241, %dma_wait3A_242, %dma_wait3A_243] : memref<3x2x128x64xf32, #tpu.memory_space<vmem>> -> memref<1x1x128x64xf32, #tpu.memory_space<vmem>>
        %dma_wait3A_245 = tpu.memref_squeeze %dma_wait3A_244 : memref<1x1x128x64xf32, #tpu.memory_space<vmem>> -> memref<128x64xf32, #tpu.memory_space<vmem>>
        %dma_wait3A_246 = arith.constant 0 : i32
        %dma_wait3A_247 = tpu.memref_slice %arg10[%add3A_239, %dma_wait3A_246] : memref<80x128xi32, #tpu.memory_space<vmem>> -> memref<1x128xi32, #tpu.memory_space<vmem>>
        %dma_wait3A_248 = tpu.memref_squeeze %dma_wait3A_247 : memref<1x128xi32, #tpu.memory_space<vmem>> -> memref<128xi32, #tpu.memory_space<vmem>>
        %dma_wait3A_249 = arith.constant 0 : i32
        %dma_wait3A_250 = arith.constant 0 : i32
        %dma_wait3A_251 = tpu.memref_slice %arg14[%dma_wait3A_249, %dma_wait3A_250] : memref<10240x64xf32, #tpu.memory_space<vmem_shared>> -> memref<10240x64xf32, #tpu.memory_space<vmem_shared>>
        tpu.wait_indirect_dma semaphore(%arg13 : memref<!tpu.dma_semaphore, #tpu.memory_space<semaphore_mem>>) src(%dma_wait3A_245 : memref<128x64xf32, #tpu.memory_space<vmem>>) dst(%dma_wait3A_251 : memref<10240x64xf32, #tpu.memory_space<vmem_shared>>)
        %mul3A_252 = arith.constant 2 : i32
        %mul3A_253 = arith.muli %sub3A_220, %mul3A_252 : i32
        %add3A_254 = arith.constant 0 : i32
        %add3A_255 = arith.addi %mul3A_253, %add3A_254 : i32
        %dma_wait3A_256 = arith.constant 0 : i32
        %dma_wait3A_257 = tpu.memref_slice %arg10[%add3A_255, %dma_wait3A_256] : memref<80x128xi32, #tpu.memory_space<vmem>> -> memref<1x128xi32, #tpu.memory_space<vmem>>
        %dma_wait3A_258 = tpu.memref_squeeze %dma_wait3A_257 : memref<1x128xi32, #tpu.memory_space<vmem>> -> memref<128xi32, #tpu.memory_space<vmem>>
        %dma_wait3A_259 = arith.constant 0 : i32
        %dma_wait3A_260 = arith.constant 0 : i32
        %dma_wait3A_261 = tpu.memref_slice %arg16[%dma_wait3A_259, %dma_wait3A_260] : memref<10240x16xf32, #tpu.memory_space<vmem_shared>> -> memref<10240x16xf32, #tpu.memory_space<vmem_shared>>
        tpu.wait_indirect_dma semaphore(%arg13 : memref<!tpu.dma_semaphore, #tpu.memory_space<semaphore_mem>>) src(%arg15 : memref<128x16xf32, #tpu.memory_space<vmem>>) dst(%dma_wait3A_261 : memref<10240x16xf32, #tpu.memory_space<vmem_shared>>)
        %mul3A_262 = arith.constant 2 : i32
        %mul3A_263 = arith.muli %sub3A_220, %mul3A_262 : i32
        %add3A_264 = arith.constant 1 : i32
        %add3A_265 = arith.addi %mul3A_263, %add3A_264 : i32
        %dma_wait3A_266 = arith.constant 0 : i32
        %dma_wait3A_267 = tpu.memref_slice %arg10[%add3A_265, %dma_wait3A_266] : memref<80x128xi32, #tpu.memory_space<vmem>> -> memref<1x128xi32, #tpu.memory_space<vmem>>
        %dma_wait3A_268 = tpu.memref_squeeze %dma_wait3A_267 : memref<1x128xi32, #tpu.memory_space<vmem>> -> memref<128xi32, #tpu.memory_space<vmem>>
        %dma_wait3A_269 = arith.constant 0 : i32
        %dma_wait3A_270 = arith.constant 0 : i32
        %dma_wait3A_271 = tpu.memref_slice %arg16[%dma_wait3A_269, %dma_wait3A_270] : memref<10240x16xf32, #tpu.memory_space<vmem_shared>> -> memref<10240x16xf32, #tpu.memory_space<vmem_shared>>
        tpu.wait_indirect_dma semaphore(%arg13 : memref<!tpu.dma_semaphore, #tpu.memory_space<semaphore_mem>>) src(%arg15 : memref<128x16xf32, #tpu.memory_space<vmem>>) dst(%dma_wait3A_271 : memref<10240x16xf32, #tpu.memory_space<vmem_shared>>)
      } else {
      }
      %add3A_211 = arith.constant 3 : i32
      %add3A_212 = arith.addi %add3A_199, %add3A_211 : i32
      %sub3A_213 = arith.constant 1 : i32
      %sub3A_214 = arith.subi %add3A_212, %sub3A_213 : i32
      %lt3A_215 = arith.cmpi slt, %sub3A_214, %select_n3A_30 : i32
      %convert_element_type3A_216 = arith.extui %lt3A_215 : i1 to i32
      %cond3A_217 = arith.constant 0 : i32
      %cond3A_218 = arith.cmpi ne, %convert_element_type3A_216, %cond3A_217 : i32
      scf.if %cond3A_218 {
        %add3A_219 = arith.constant 3 : i32
        %add3A_220 = arith.addi %add3A_199, %add3A_219 : i32
        %sub3A_221 = arith.constant 1 : i32
        %sub3A_222 = arith.subi %add3A_220, %sub3A_221 : i32
        %mul3A_223 = arith.constant 2 : i32
        %mul3A_224 = arith.muli %sub3A_222, %mul3A_223 : i32
        %add3A_225 = arith.constant 0 : i32
        %add3A_226 = arith.addi %mul3A_224, %add3A_225 : i32
        %dma_start3A_227 = arith.constant 1 : i32
        %dma_start3A_228 = arith.constant 0 : i32
        %dma_start3A_229 = arith.constant 0 : i32
        %dma_start3A_230 = arith.constant 0 : i32
        %dma_start3A_231 = tpu.memref_slice %arg11[%dma_start3A_227, %dma_start3A_228, %dma_start3A_229, %dma_start3A_230] : memref<3x2x128x64xf32, #tpu.memory_space<vmem>> -> memref<1x1x128x64xf32, #tpu.memory_space<vmem>>
        %dma_start3A_232 = tpu.memref_squeeze %dma_start3A_231 : memref<1x1x128x64xf32, #tpu.memory_space<vmem>> -> memref<128x64xf32, #tpu.memory_space<vmem>>
        %dma_start3A_233 = arith.constant 0 : i32
        %dma_start3A_234 = tpu.memref_slice %arg9[%add3A_226, %dma_start3A_233] : memref<80x128xi32, #tpu.memory_space<vmem>> -> memref<1x128xi32, #tpu.memory_space<vmem>>
        %dma_start3A_235 = tpu.memref_squeeze %dma_start3A_234 : memref<1x128xi32, #tpu.memory_space<vmem>> -> memref<128xi32, #tpu.memory_space<vmem>>
        %dma_start3A_236 = arith.constant 0 : i32
        %dma_start3A_237 = arith.constant 0 : i32
        %dma_start3A_238 = tpu.memref_slice %arg2[%dma_start3A_236, %dma_start3A_237] : memref<10000x64xf32, #tpu.memory_space<hbm>> -> memref<10000x64xf32, #tpu.memory_space<hbm>>
        tpu.enqueue_indirect_dma source(%dma_start3A_238 : memref<10000x64xf32, #tpu.memory_space<hbm>>) target(%dma_start3A_232 : memref<128x64xf32, #tpu.memory_space<vmem>>) offsets(%dma_start3A_235 : memref<128xi32, #tpu.memory_space<vmem>>) semaphore(%arg12 : memref<!tpu.dma_semaphore, #tpu.memory_space<semaphore_mem>>)
        %mul3A_239 = arith.constant 2 : i32
        %mul3A_240 = arith.muli %sub3A_222, %mul3A_239 : i32
        %add3A_241 = arith.constant 1 : i32
        %add3A_242 = arith.addi %mul3A_240, %add3A_241 : i32
        %dma_start3A_243 = arith.constant 1 : i32
        %dma_start3A_244 = arith.constant 1 : i32
        %dma_start3A_245 = arith.constant 0 : i32
        %dma_start3A_246 = arith.constant 0 : i32
        %dma_start3A_247 = tpu.memref_slice %arg11[%dma_start3A_243, %dma_start3A_244, %dma_start3A_245, %dma_start3A_246] : memref<3x2x128x64xf32, #tpu.memory_space<vmem>> -> memref<1x1x128x64xf32, #tpu.memory_space<vmem>>
        %dma_start3A_248 = tpu.memref_squeeze %dma_start3A_247 : memref<1x1x128x64xf32, #tpu.memory_space<vmem>> -> memref<128x64xf32, #tpu.memory_space<vmem>>
        %dma_start3A_249 = arith.constant 0 : i32
        %dma_start3A_250 = tpu.memref_slice %arg9[%add3A_242, %dma_start3A_249] : memref<80x128xi32, #tpu.memory_space<vmem>> -> memref<1x128xi32, #tpu.memory_space<vmem>>
        %dma_start3A_251 = tpu.memref_squeeze %dma_start3A_250 : memref<1x128xi32, #tpu.memory_space<vmem>> -> memref<128xi32, #tpu.memory_space<vmem>>
        %dma_start3A_252 = arith.constant 0 : i32
        %dma_start3A_253 = arith.constant 0 : i32
        %dma_start3A_254 = tpu.memref_slice %arg2[%dma_start3A_252, %dma_start3A_253] : memref<10000x64xf32, #tpu.memory_space<hbm>> -> memref<10000x64xf32, #tpu.memory_space<hbm>>
        tpu.enqueue_indirect_dma source(%dma_start3A_254 : memref<10000x64xf32, #tpu.memory_space<hbm>>) target(%dma_start3A_248 : memref<128x64xf32, #tpu.memory_space<vmem>>) offsets(%dma_start3A_251 : memref<128xi32, #tpu.memory_space<vmem>>) semaphore(%arg12 : memref<!tpu.dma_semaphore, #tpu.memory_space<semaphore_mem>>)
      } else {
      }
    }
    %barrier3A_135 = arith.constant 0 : index
    tpu.barrier barrier_id(%barrier3A_135)
    %mul3A_136 = arith.constant 640 : i32
    %mul3A_137 = arith.muli %arg1, %mul3A_136 : i32
    %mul3A_138 = arith.constant 10240 : i32
    %mul3A_139 = arith.muli %arg0, %mul3A_138 : i32
    %mul3A_140 = arith.constant 640 : i32
    %mul3A_141 = arith.muli %arg1, %mul3A_140 : i32
    %add3A_142 = arith.addi %mul3A_139, %mul3A_141 : i32
    "tpu.region"() ({
      %run_scoped3A = tpu.sem_alloc : memref<!tpu.dma_semaphore, #tpu.memory_space<semaphore_mem>>
      %dma_start3A_150 = arith.constant 0 : i32
      %dma_start3A_151 = tpu.memref_slice %arg7[%add3A_142, %dma_start3A_150] : memref<20480x64xf32, #tpu.memory_space<hbm>> -> memref<640x64xf32, #tpu.memory_space<hbm>>
      %dma_start3A_152 = arith.constant 0 : i32
      %dma_start3A_153 = tpu.memref_slice %arg14[%mul3A_137, %dma_start3A_152] : memref<10240x64xf32, #tpu.memory_space<vmem_shared>> -> memref<640x64xf32, #tpu.memory_space<vmem_shared>>
      tpu.enqueue_dma source(%dma_start3A_153 : memref<640x64xf32, #tpu.memory_space<vmem_shared>>) target(%dma_start3A_151 : memref<640x64xf32, #tpu.memory_space<hbm>>) target_semaphore(%run_scoped3A : memref<!tpu.dma_semaphore, #tpu.memory_space<semaphore_mem>>)
      %dma_wait3A = arith.constant 0 : i32
      %dma_wait3A_154 = tpu.memref_slice %arg7[%add3A_142, %dma_wait3A] : memref<20480x64xf32, #tpu.memory_space<hbm>> -> memref<640x64xf32, #tpu.memory_space<hbm>>
      %dma_wait3A_155 = arith.constant 0 : i32
      %dma_wait3A_156 = tpu.memref_slice %arg14[%mul3A_137, %dma_wait3A_155] : memref<10240x64xf32, #tpu.memory_space<vmem_shared>> -> memref<640x64xf32, #tpu.memory_space<vmem_shared>>
      tpu.wait_dma2 semaphore(%run_scoped3A : memref<!tpu.dma_semaphore, #tpu.memory_space<semaphore_mem>>) src(%dma_wait3A_156 : memref<640x64xf32, #tpu.memory_space<vmem_shared>>) dst(%dma_wait3A_154 : memref<640x64xf32, #tpu.memory_space<hbm>>)
      tpu.yield
    }) : () -> ()
    %mul3A_143 = arith.constant 640 : i32
    %mul3A_144 = arith.muli %arg1, %mul3A_143 : i32
    %mul3A_145 = arith.constant 10240 : i32
    %mul3A_146 = arith.muli %arg0, %mul3A_145 : i32
    %mul3A_147 = arith.constant 640 : i32
    %mul3A_148 = arith.muli %arg1, %mul3A_147 : i32
    %add3A_149 = arith.addi %mul3A_146, %mul3A_148 : i32
    "tpu.region"() ({
      %run_scoped3A = tpu.sem_alloc : memref<!tpu.dma_semaphore, #tpu.memory_space<semaphore_mem>>
      %dma_start3A_150 = arith.constant 0 : i32
      %dma_start3A_151 = tpu.memref_slice %arg8[%add3A_149, %dma_start3A_150] : memref<20480x16xf32, #tpu.memory_space<hbm>> -> memref<640x16xf32, #tpu.memory_space<hbm>>
      %dma_start3A_152 = arith.constant 0 : i32
      %dma_start3A_153 = tpu.memref_slice %arg16[%mul3A_144, %dma_start3A_152] : memref<10240x16xf32, #tpu.memory_space<vmem_shared>> -> memref<640x16xf32, #tpu.memory_space<vmem_shared>>
      tpu.enqueue_dma source(%dma_start3A_153 : memref<640x16xf32, #tpu.memory_space<vmem_shared>>) target(%dma_start3A_151 : memref<640x16xf32, #tpu.memory_space<hbm>>) target_semaphore(%run_scoped3A : memref<!tpu.dma_semaphore, #tpu.memory_space<semaphore_mem>>)
      %dma_wait3A = arith.constant 0 : i32
      %dma_wait3A_154 = tpu.memref_slice %arg8[%add3A_149, %dma_wait3A] : memref<20480x16xf32, #tpu.memory_space<hbm>> -> memref<640x16xf32, #tpu.memory_space<hbm>>
      %dma_wait3A_155 = arith.constant 0 : i32
      %dma_wait3A_156 = tpu.memref_slice %arg16[%mul3A_144, %dma_wait3A_155] : memref<10240x16xf32, #tpu.memory_space<vmem_shared>> -> memref<640x16xf32, #tpu.memory_space<vmem_shared>>
      tpu.wait_dma2 semaphore(%run_scoped3A : memref<!tpu.dma_semaphore, #tpu.memory_space<semaphore_mem>>) src(%dma_wait3A_156 : memref<640x16xf32, #tpu.memory_space<vmem_shared>>) dst(%dma_wait3A_154 : memref<640x16xf32, #tpu.memory_space<hbm>>)
      tpu.yield
    }) : () -> ()
    return
  }
}

#map = affine_map<(d0, d1) -> (0, 0)>
#map1 = affine_map<(d0, d1) -> (0, 0, 0)>
module attributes {stable_mosaic.version = 14 : i64} {
  func.func @body(%arg0: i32, %arg1: i32, %arg2: memref<10000x64xf32, #tpu.memory_space<hbm>>, %arg3: memref<2x2500x128xi32, #tpu.memory_space<hbm>>, %arg4: memref<10240x64xf32, #tpu.memory_space<hbm>>, %arg5: memref<20480x64xf32, #tpu.memory_space<hbm>>, %arg6: memref<80x128xi32, #tpu.memory_space<vmem>>, %arg7: memref<80x128xi32, #tpu.memory_space<vmem>>, %arg8: memref<3x2x128x64xf32, #tpu.memory_space<vmem>>, %arg9: memref<!tpu.dma_semaphore, #tpu.memory_space<semaphore_mem>>, %arg10: memref<!tpu.dma_semaphore, #tpu.memory_space<semaphore_mem>>, %arg11: memref<10240x64xf32, #tpu.memory_space<vmem_shared>>) attributes {dimension_semantics = [#tpu.dimension_semantics<core_parallel>, #tpu.dimension_semantics<subcore_parallel>], iteration_bounds = array<i64: 2, 16>, scalar_prefetch = 0 : i64, scratch_operands = 6 : i64, tpu.core_type = #tpu.core_type<sc_vector_subcore>, window_params = [{transform_indices = #map}, {transform_indices = #map1}, {transform_indices = #map}, {transform_indices = #map}]} {
    %mul3A = arith.constant 16 : i32
    %mul3A_0 = arith.muli %arg0, %mul3A : i32
    %add3A = arith.addi %mul3A_0, %arg1 : i32
    %mul3A_1 = arith.constant 640 : i32
    %mul3A_2 = arith.muli %arg1, %mul3A_1 : i32
    %mul3A_3 = arith.constant 640 : i32
    %mul3A_4 = arith.muli %arg1, %mul3A_3 : i32
    "tpu.region"() ({
      %run_scoped3A = tpu.sem_alloc : memref<!tpu.dma_semaphore, #tpu.memory_space<semaphore_mem>>
      %dma_start3A_139 = arith.constant 0 : i32
      %dma_start3A_140 = tpu.memref_slice %arg11[%mul3A_4, %dma_start3A_139] : memref<10240x64xf32, #tpu.memory_space<vmem_shared>> -> memref<640x64xf32, #tpu.memory_space<vmem_shared>>
      %dma_start3A_141 = arith.constant 0 : i32
      %dma_start3A_142 = tpu.memref_slice %arg4[%mul3A_2, %dma_start3A_141] : memref<10240x64xf32, #tpu.memory_space<hbm>> -> memref<640x64xf32, #tpu.memory_space<hbm>>
      tpu.enqueue_dma source(%dma_start3A_142 : memref<640x64xf32, #tpu.memory_space<hbm>>) target(%dma_start3A_140 : memref<640x64xf32, #tpu.memory_space<vmem_shared>>) target_semaphore(%run_scoped3A : memref<!tpu.dma_semaphore, #tpu.memory_space<semaphore_mem>>)
      %dma_wait3A = arith.constant 0 : i32
      %dma_wait3A_143 = tpu.memref_slice %arg11[%mul3A_4, %dma_wait3A] : memref<10240x64xf32, #tpu.memory_space<vmem_shared>> -> memref<640x64xf32, #tpu.memory_space<vmem_shared>>
      %dma_wait3A_144 = arith.constant 0 : i32
      %dma_wait3A_145 = tpu.memref_slice %arg4[%mul3A_2, %dma_wait3A_144] : memref<10240x64xf32, #tpu.memory_space<hbm>> -> memref<640x64xf32, #tpu.memory_space<hbm>>
      tpu.wait_dma2 semaphore(%run_scoped3A : memref<!tpu.dma_semaphore, #tpu.memory_space<semaphore_mem>>) src(%dma_wait3A_145 : memref<640x64xf32, #tpu.memory_space<hbm>>) dst(%dma_wait3A_143 : memref<640x64xf32, #tpu.memory_space<vmem_shared>>)
      tpu.yield
    }) : () -> ()
    %barrier3A = arith.constant 0 : index
    tpu.barrier barrier_id(%barrier3A)
    %mul3A_5 = arith.constant 80 : i32
    %mul3A_6 = arith.muli %add3A, %mul3A_5 : i32
    %eq3A = arith.constant 31 : i32
    %eq3A_7 = arith.cmpi eq, %add3A, %eq3A : i32
    %jit3A = arith.constant 20 : i32
    %jit3A_8 = arith.constant 80 : i32
    %select_n3A = arith.select %eq3A_7, %jit3A, %jit3A_8 : i32
    %jit3A_9 = arith.constant 2 : i32
    %div3A = arith.divsi %select_n3A, %jit3A_9 : i32
    %sign3A = arith.constant 0 : i32
    %sign3A_10 = arith.cmpi sgt, %select_n3A, %sign3A : i32
    %sign3A_11 = arith.extui %sign3A_10 : i1 to i32
    %sign3A_12 = arith.constant 0 : i32
    %sign3A_13 = arith.cmpi slt, %select_n3A, %sign3A_12 : i32
    %sign3A_14 = arith.extui %sign3A_13 : i1 to i32
    %sign3A_15 = arith.subi %sign3A_11, %sign3A_14 : i32
    %sign3A_16 = arith.constant 0 : i32
    %sign3A_17 = arith.cmpi sgt, %jit3A_9, %sign3A_16 : i32
    %sign3A_18 = arith.extui %sign3A_17 : i1 to i32
    %sign3A_19 = arith.constant 0 : i32
    %sign3A_20 = arith.cmpi slt, %jit3A_9, %sign3A_19 : i32
    %sign3A_21 = arith.extui %sign3A_20 : i1 to i32
    %sign3A_22 = arith.subi %sign3A_18, %sign3A_21 : i32
    %ne3A = arith.cmpi ne, %sign3A_15, %sign3A_22 : i32
    %rem3A = arith.remsi %select_n3A, %jit3A_9 : i32
    %ne3A_23 = arith.constant 0 : i32
    %ne3A_24 = arith.cmpi ne, %rem3A, %ne3A_23 : i32
    %and3A = arith.andi %ne3A, %ne3A_24 : i1
    %sub3A = arith.constant 1 : i32
    %sub3A_25 = arith.subi %div3A, %sub3A : i32
    %select_n3A_26 = arith.select %and3A, %sub3A_25, %div3A : i32
    %not3A = arith.constant true
    %not3A_27 = arith.xori %eq3A_7, %not3A : i1
    %convert_element_type3A = arith.extui %not3A_27 : i1 to i32
    %cond3A = arith.constant 0 : i32
    %cond3A_28 = arith.cmpi ne, %convert_element_type3A, %cond3A : i32
    scf.if %cond3A_28 {
      %run_scoped3A = arith.constant 0 : i32
      "tpu.region"() ({
        %run_scoped3A_140 = tpu.sem_alloc : memref<!tpu.dma_semaphore, #tpu.memory_space<semaphore_mem>>
        %dma_start3A_141 = arith.constant 0 : i32
        %dma_start3A_142 = tpu.memref_slice %arg3[%run_scoped3A, %mul3A_6, %dma_start3A_141] : memref<2x2500x128xi32, #tpu.memory_space<hbm>> -> memref<1x80x128xi32, #tpu.memory_space<hbm>>
        %dma_start3A_143 = tpu.memref_squeeze %dma_start3A_142 : memref<1x80x128xi32, #tpu.memory_space<hbm>> -> memref<80x128xi32, #tpu.memory_space<hbm>>
        %dma_start3A_144 = arith.constant 0 : i32
        %dma_start3A_145 = tpu.memref_slice %arg3[%run_scoped3A, %mul3A_6, %dma_start3A_144] : memref<2x2500x128xi32, #tpu.memory_space<hbm>> -> memref<1x80x128xi32, #tpu.memory_space<hbm>>
        %dma_start3A_146 = tpu.memref_squeeze %dma_start3A_145 : memref<1x80x128xi32, #tpu.memory_space<hbm>> -> memref<80x128xi32, #tpu.memory_space<hbm>>
        tpu.enqueue_dma source(%dma_start3A_146 : memref<80x128xi32, #tpu.memory_space<hbm>>) target(%arg6 : memref<80x128xi32, #tpu.memory_space<vmem>>) target_semaphore(%run_scoped3A_140 : memref<!tpu.dma_semaphore, #tpu.memory_space<semaphore_mem>>)
        %dma_wait3A = arith.constant 0 : i32
        %dma_wait3A_147 = tpu.memref_slice %arg3[%run_scoped3A, %mul3A_6, %dma_wait3A] : memref<2x2500x128xi32, #tpu.memory_space<hbm>> -> memref<1x80x128xi32, #tpu.memory_space<hbm>>
        %dma_wait3A_148 = tpu.memref_squeeze %dma_wait3A_147 : memref<1x80x128xi32, #tpu.memory_space<hbm>> -> memref<80x128xi32, #tpu.memory_space<hbm>>
        %dma_wait3A_149 = arith.constant 0 : i32
        %dma_wait3A_150 = tpu.memref_slice %arg3[%run_scoped3A, %mul3A_6, %dma_wait3A_149] : memref<2x2500x128xi32, #tpu.memory_space<hbm>> -> memref<1x80x128xi32, #tpu.memory_space<hbm>>
        %dma_wait3A_151 = tpu.memref_squeeze %dma_wait3A_150 : memref<1x80x128xi32, #tpu.memory_space<hbm>> -> memref<80x128xi32, #tpu.memory_space<hbm>>
        tpu.wait_dma2 semaphore(%run_scoped3A_140 : memref<!tpu.dma_semaphore, #tpu.memory_space<semaphore_mem>>) src(%dma_wait3A_151 : memref<80x128xi32, #tpu.memory_space<hbm>>) dst(%arg6 : memref<80x128xi32, #tpu.memory_space<vmem>>)
        tpu.yield
      }) : () -> ()
      %run_scoped3A_139 = arith.constant 1 : i32
      "tpu.region"() ({
        %run_scoped3A_140 = tpu.sem_alloc : memref<!tpu.dma_semaphore, #tpu.memory_space<semaphore_mem>>
        %dma_start3A_141 = arith.constant 0 : i32
        %dma_start3A_142 = tpu.memref_slice %arg3[%run_scoped3A_139, %mul3A_6, %dma_start3A_141] : memref<2x2500x128xi32, #tpu.memory_space<hbm>> -> memref<1x80x128xi32, #tpu.memory_space<hbm>>
        %dma_start3A_143 = tpu.memref_squeeze %dma_start3A_142 : memref<1x80x128xi32, #tpu.memory_space<hbm>> -> memref<80x128xi32, #tpu.memory_space<hbm>>
        %dma_start3A_144 = arith.constant 0 : i32
        %dma_start3A_145 = tpu.memref_slice %arg3[%run_scoped3A_139, %mul3A_6, %dma_start3A_144] : memref<2x2500x128xi32, #tpu.memory_space<hbm>> -> memref<1x80x128xi32, #tpu.memory_space<hbm>>
        %dma_start3A_146 = tpu.memref_squeeze %dma_start3A_145 : memref<1x80x128xi32, #tpu.memory_space<hbm>> -> memref<80x128xi32, #tpu.memory_space<hbm>>
        tpu.enqueue_dma source(%dma_start3A_146 : memref<80x128xi32, #tpu.memory_space<hbm>>) target(%arg7 : memref<80x128xi32, #tpu.memory_space<vmem>>) target_semaphore(%run_scoped3A_140 : memref<!tpu.dma_semaphore, #tpu.memory_space<semaphore_mem>>)
        %dma_wait3A = arith.constant 0 : i32
        %dma_wait3A_147 = tpu.memref_slice %arg3[%run_scoped3A_139, %mul3A_6, %dma_wait3A] : memref<2x2500x128xi32, #tpu.memory_space<hbm>> -> memref<1x80x128xi32, #tpu.memory_space<hbm>>
        %dma_wait3A_148 = tpu.memref_squeeze %dma_wait3A_147 : memref<1x80x128xi32, #tpu.memory_space<hbm>> -> memref<80x128xi32, #tpu.memory_space<hbm>>
        %dma_wait3A_149 = arith.constant 0 : i32
        %dma_wait3A_150 = tpu.memref_slice %arg3[%run_scoped3A_139, %mul3A_6, %dma_wait3A_149] : memref<2x2500x128xi32, #tpu.memory_space<hbm>> -> memref<1x80x128xi32, #tpu.memory_space<hbm>>
        %dma_wait3A_151 = tpu.memref_squeeze %dma_wait3A_150 : memref<1x80x128xi32, #tpu.memory_space<hbm>> -> memref<80x128xi32, #tpu.memory_space<hbm>>
        tpu.wait_dma2 semaphore(%run_scoped3A_140 : memref<!tpu.dma_semaphore, #tpu.memory_space<semaphore_mem>>) src(%dma_wait3A_151 : memref<80x128xi32, #tpu.memory_space<hbm>>) dst(%arg7 : memref<80x128xi32, #tpu.memory_space<vmem>>)
        tpu.yield
      }) : () -> ()
    } else {
    }
    %convert_element_type3A_29 = arith.extui %eq3A_7 : i1 to i32
    %cond3A_30 = arith.constant 0 : i32
    %cond3A_31 = arith.cmpi ne, %convert_element_type3A_29, %cond3A_30 : i32
    scf.if %cond3A_31 {
      %run_scoped3A = arith.constant 0 : i32
      "tpu.region"() ({
        %run_scoped3A_140 = tpu.sem_alloc : memref<!tpu.dma_semaphore, #tpu.memory_space<semaphore_mem>>
        %dma_start3A_141 = arith.constant 0 : i32
        %dma_start3A_142 = arith.constant 0 : i32
        %dma_start3A_143 = tpu.memref_slice %arg6[%dma_start3A_141, %dma_start3A_142] : memref<80x128xi32, #tpu.memory_space<vmem>> -> memref<20x128xi32, #tpu.memory_space<vmem>>
        %dma_start3A_144 = arith.constant 0 : i32
        %dma_start3A_145 = tpu.memref_slice %arg3[%run_scoped3A, %mul3A_6, %dma_start3A_144] : memref<2x2500x128xi32, #tpu.memory_space<hbm>> -> memref<1x20x128xi32, #tpu.memory_space<hbm>>
        %dma_start3A_146 = tpu.memref_squeeze %dma_start3A_145 : memref<1x20x128xi32, #tpu.memory_space<hbm>> -> memref<20x128xi32, #tpu.memory_space<hbm>>
        %dma_start3A_147 = arith.constant 0 : i32
        %dma_start3A_148 = arith.constant 0 : i32
        %dma_start3A_149 = tpu.memref_slice %arg6[%dma_start3A_147, %dma_start3A_148] : memref<80x128xi32, #tpu.memory_space<vmem>> -> memref<20x128xi32, #tpu.memory_space<vmem>>
        %dma_start3A_150 = arith.constant 0 : i32
        %dma_start3A_151 = tpu.memref_slice %arg3[%run_scoped3A, %mul3A_6, %dma_start3A_150] : memref<2x2500x128xi32, #tpu.memory_space<hbm>> -> memref<1x20x128xi32, #tpu.memory_space<hbm>>
        %dma_start3A_152 = tpu.memref_squeeze %dma_start3A_151 : memref<1x20x128xi32, #tpu.memory_space<hbm>> -> memref<20x128xi32, #tpu.memory_space<hbm>>
        tpu.enqueue_dma source(%dma_start3A_152 : memref<20x128xi32, #tpu.memory_space<hbm>>) target(%dma_start3A_149 : memref<20x128xi32, #tpu.memory_space<vmem>>) target_semaphore(%run_scoped3A_140 : memref<!tpu.dma_semaphore, #tpu.memory_space<semaphore_mem>>)
        %dma_wait3A = arith.constant 0 : i32
        %dma_wait3A_153 = arith.constant 0 : i32
        %dma_wait3A_154 = tpu.memref_slice %arg6[%dma_wait3A, %dma_wait3A_153] : memref<80x128xi32, #tpu.memory_space<vmem>> -> memref<20x128xi32, #tpu.memory_space<vmem>>
        %dma_wait3A_155 = arith.constant 0 : i32
        %dma_wait3A_156 = tpu.memref_slice %arg3[%run_scoped3A, %mul3A_6, %dma_wait3A_155] : memref<2x2500x128xi32, #tpu.memory_space<hbm>> -> memref<1x20x128xi32, #tpu.memory_space<hbm>>
        %dma_wait3A_157 = tpu.memref_squeeze %dma_wait3A_156 : memref<1x20x128xi32, #tpu.memory_space<hbm>> -> memref<20x128xi32, #tpu.memory_space<hbm>>
        %dma_wait3A_158 = arith.constant 0 : i32
        %dma_wait3A_159 = arith.constant 0 : i32
        %dma_wait3A_160 = tpu.memref_slice %arg6[%dma_wait3A_158, %dma_wait3A_159] : memref<80x128xi32, #tpu.memory_space<vmem>> -> memref<20x128xi32, #tpu.memory_space<vmem>>
        %dma_wait3A_161 = arith.constant 0 : i32
        %dma_wait3A_162 = tpu.memref_slice %arg3[%run_scoped3A, %mul3A_6, %dma_wait3A_161] : memref<2x2500x128xi32, #tpu.memory_space<hbm>> -> memref<1x20x128xi32, #tpu.memory_space<hbm>>
        %dma_wait3A_163 = tpu.memref_squeeze %dma_wait3A_162 : memref<1x20x128xi32, #tpu.memory_space<hbm>> -> memref<20x128xi32, #tpu.memory_space<hbm>>
        tpu.wait_dma2 semaphore(%run_scoped3A_140 : memref<!tpu.dma_semaphore, #tpu.memory_space<semaphore_mem>>) src(%dma_wait3A_163 : memref<20x128xi32, #tpu.memory_space<hbm>>) dst(%dma_wait3A_160 : memref<20x128xi32, #tpu.memory_space<vmem>>)
        tpu.yield
      }) : () -> ()
      %run_scoped3A_139 = arith.constant 1 : i32
      "tpu.region"() ({
        %run_scoped3A_140 = tpu.sem_alloc : memref<!tpu.dma_semaphore, #tpu.memory_space<semaphore_mem>>
        %dma_start3A_141 = arith.constant 0 : i32
        %dma_start3A_142 = arith.constant 0 : i32
        %dma_start3A_143 = tpu.memref_slice %arg7[%dma_start3A_141, %dma_start3A_142] : memref<80x128xi32, #tpu.memory_space<vmem>> -> memref<20x128xi32, #tpu.memory_space<vmem>>
        %dma_start3A_144 = arith.constant 0 : i32
        %dma_start3A_145 = tpu.memref_slice %arg3[%run_scoped3A_139, %mul3A_6, %dma_start3A_144] : memref<2x2500x128xi32, #tpu.memory_space<hbm>> -> memref<1x20x128xi32, #tpu.memory_space<hbm>>
        %dma_start3A_146 = tpu.memref_squeeze %dma_start3A_145 : memref<1x20x128xi32, #tpu.memory_space<hbm>> -> memref<20x128xi32, #tpu.memory_space<hbm>>
        %dma_start3A_147 = arith.constant 0 : i32
        %dma_start3A_148 = arith.constant 0 : i32
        %dma_start3A_149 = tpu.memref_slice %arg7[%dma_start3A_147, %dma_start3A_148] : memref<80x128xi32, #tpu.memory_space<vmem>> -> memref<20x128xi32, #tpu.memory_space<vmem>>
        %dma_start3A_150 = arith.constant 0 : i32
        %dma_start3A_151 = tpu.memref_slice %arg3[%run_scoped3A_139, %mul3A_6, %dma_start3A_150] : memref<2x2500x128xi32, #tpu.memory_space<hbm>> -> memref<1x20x128xi32, #tpu.memory_space<hbm>>
        %dma_start3A_152 = tpu.memref_squeeze %dma_start3A_151 : memref<1x20x128xi32, #tpu.memory_space<hbm>> -> memref<20x128xi32, #tpu.memory_space<hbm>>
        tpu.enqueue_dma source(%dma_start3A_152 : memref<20x128xi32, #tpu.memory_space<hbm>>) target(%dma_start3A_149 : memref<20x128xi32, #tpu.memory_space<vmem>>) target_semaphore(%run_scoped3A_140 : memref<!tpu.dma_semaphore, #tpu.memory_space<semaphore_mem>>)
        %dma_wait3A = arith.constant 0 : i32
        %dma_wait3A_153 = arith.constant 0 : i32
        %dma_wait3A_154 = tpu.memref_slice %arg7[%dma_wait3A, %dma_wait3A_153] : memref<80x128xi32, #tpu.memory_space<vmem>> -> memref<20x128xi32, #tpu.memory_space<vmem>>
        %dma_wait3A_155 = arith.constant 0 : i32
        %dma_wait3A_156 = tpu.memref_slice %arg3[%run_scoped3A_139, %mul3A_6, %dma_wait3A_155] : memref<2x2500x128xi32, #tpu.memory_space<hbm>> -> memref<1x20x128xi32, #tpu.memory_space<hbm>>
        %dma_wait3A_157 = tpu.memref_squeeze %dma_wait3A_156 : memref<1x20x128xi32, #tpu.memory_space<hbm>> -> memref<20x128xi32, #tpu.memory_space<hbm>>
        %dma_wait3A_158 = arith.constant 0 : i32
        %dma_wait3A_159 = arith.constant 0 : i32
        %dma_wait3A_160 = tpu.memref_slice %arg7[%dma_wait3A_158, %dma_wait3A_159] : memref<80x128xi32, #tpu.memory_space<vmem>> -> memref<20x128xi32, #tpu.memory_space<vmem>>
        %dma_wait3A_161 = arith.constant 0 : i32
        %dma_wait3A_162 = tpu.memref_slice %arg3[%run_scoped3A_139, %mul3A_6, %dma_wait3A_161] : memref<2x2500x128xi32, #tpu.memory_space<hbm>> -> memref<1x20x128xi32, #tpu.memory_space<hbm>>
        %dma_wait3A_163 = tpu.memref_squeeze %dma_wait3A_162 : memref<1x20x128xi32, #tpu.memory_space<hbm>> -> memref<20x128xi32, #tpu.memory_space<hbm>>
        tpu.wait_dma2 semaphore(%run_scoped3A_140 : memref<!tpu.dma_semaphore, #tpu.memory_space<semaphore_mem>>) src(%dma_wait3A_163 : memref<20x128xi32, #tpu.memory_space<hbm>>) dst(%dma_wait3A_160 : memref<20x128xi32, #tpu.memory_space<vmem>>)
        tpu.yield
      }) : () -> ()
    } else {
    }
    %dma_start3A = arith.constant 0 : i32
    %dma_start3A_32 = arith.constant 0 : i32
    %dma_start3A_33 = arith.constant 0 : i32
    %dma_start3A_34 = arith.constant 0 : i32
    %dma_start3A_35 = arith.constant 0 : i32
    %dma_start3A_36 = tpu.memref_slice %arg8[%dma_start3A_32, %dma_start3A_33, %dma_start3A_34, %dma_start3A_35] : memref<3x2x128x64xf32, #tpu.memory_space<vmem>> -> memref<1x1x128x64xf32, #tpu.memory_space<vmem>>
    %dma_start3A_37 = tpu.memref_squeeze %dma_start3A_36 : memref<1x1x128x64xf32, #tpu.memory_space<vmem>> -> memref<128x64xf32, #tpu.memory_space<vmem>>
    %dma_start3A_38 = arith.constant 0 : i32
    %dma_start3A_39 = tpu.memref_slice %arg6[%dma_start3A, %dma_start3A_38] : memref<80x128xi32, #tpu.memory_space<vmem>> -> memref<1x128xi32, #tpu.memory_space<vmem>>
    %dma_start3A_40 = tpu.memref_squeeze %dma_start3A_39 : memref<1x128xi32, #tpu.memory_space<vmem>> -> memref<128xi32, #tpu.memory_space<vmem>>
    %dma_start3A_41 = arith.constant 0 : i32
    %dma_start3A_42 = arith.constant 0 : i32
    %dma_start3A_43 = tpu.memref_slice %arg2[%dma_start3A_41, %dma_start3A_42] : memref<10000x64xf32, #tpu.memory_space<hbm>> -> memref<10000x64xf32, #tpu.memory_space<hbm>>
    tpu.enqueue_indirect_dma source(%dma_start3A_43 : memref<10000x64xf32, #tpu.memory_space<hbm>>) target(%dma_start3A_37 : memref<128x64xf32, #tpu.memory_space<vmem>>) offsets(%dma_start3A_40 : memref<128xi32, #tpu.memory_space<vmem>>) semaphore(%arg9 : memref<!tpu.dma_semaphore, #tpu.memory_space<semaphore_mem>>)
    %dma_start3A_44 = arith.constant 1 : i32
    %dma_start3A_45 = arith.constant 0 : i32
    %dma_start3A_46 = arith.constant 1 : i32
    %dma_start3A_47 = arith.constant 0 : i32
    %dma_start3A_48 = arith.constant 0 : i32
    %dma_start3A_49 = tpu.memref_slice %arg8[%dma_start3A_45, %dma_start3A_46, %dma_start3A_47, %dma_start3A_48] : memref<3x2x128x64xf32, #tpu.memory_space<vmem>> -> memref<1x1x128x64xf32, #tpu.memory_space<vmem>>
    %dma_start3A_50 = tpu.memref_squeeze %dma_start3A_49 : memref<1x1x128x64xf32, #tpu.memory_space<vmem>> -> memref<128x64xf32, #tpu.memory_space<vmem>>
    %dma_start3A_51 = arith.constant 0 : i32
    %dma_start3A_52 = tpu.memref_slice %arg6[%dma_start3A_44, %dma_start3A_51] : memref<80x128xi32, #tpu.memory_space<vmem>> -> memref<1x128xi32, #tpu.memory_space<vmem>>
    %dma_start3A_53 = tpu.memref_squeeze %dma_start3A_52 : memref<1x128xi32, #tpu.memory_space<vmem>> -> memref<128xi32, #tpu.memory_space<vmem>>
    %dma_start3A_54 = arith.constant 0 : i32
    %dma_start3A_55 = arith.constant 0 : i32
    %dma_start3A_56 = tpu.memref_slice %arg2[%dma_start3A_54, %dma_start3A_55] : memref<10000x64xf32, #tpu.memory_space<hbm>> -> memref<10000x64xf32, #tpu.memory_space<hbm>>
    tpu.enqueue_indirect_dma source(%dma_start3A_56 : memref<10000x64xf32, #tpu.memory_space<hbm>>) target(%dma_start3A_50 : memref<128x64xf32, #tpu.memory_space<vmem>>) offsets(%dma_start3A_53 : memref<128xi32, #tpu.memory_space<vmem>>) semaphore(%arg9 : memref<!tpu.dma_semaphore, #tpu.memory_space<semaphore_mem>>)
    %dma_start3A_57 = arith.constant 2 : i32
    %dma_start3A_58 = arith.constant 1 : i32
    %dma_start3A_59 = arith.constant 0 : i32
    %dma_start3A_60 = arith.constant 0 : i32
    %dma_start3A_61 = arith.constant 0 : i32
    %dma_start3A_62 = tpu.memref_slice %arg8[%dma_start3A_58, %dma_start3A_59, %dma_start3A_60, %dma_start3A_61] : memref<3x2x128x64xf32, #tpu.memory_space<vmem>> -> memref<1x1x128x64xf32, #tpu.memory_space<vmem>>
    %dma_start3A_63 = tpu.memref_squeeze %dma_start3A_62 : memref<1x1x128x64xf32, #tpu.memory_space<vmem>> -> memref<128x64xf32, #tpu.memory_space<vmem>>
    %dma_start3A_64 = arith.constant 0 : i32
    %dma_start3A_65 = tpu.memref_slice %arg6[%dma_start3A_57, %dma_start3A_64] : memref<80x128xi32, #tpu.memory_space<vmem>> -> memref<1x128xi32, #tpu.memory_space<vmem>>
    %dma_start3A_66 = tpu.memref_squeeze %dma_start3A_65 : memref<1x128xi32, #tpu.memory_space<vmem>> -> memref<128xi32, #tpu.memory_space<vmem>>
    %dma_start3A_67 = arith.constant 0 : i32
    %dma_start3A_68 = arith.constant 0 : i32
    %dma_start3A_69 = tpu.memref_slice %arg2[%dma_start3A_67, %dma_start3A_68] : memref<10000x64xf32, #tpu.memory_space<hbm>> -> memref<10000x64xf32, #tpu.memory_space<hbm>>
    tpu.enqueue_indirect_dma source(%dma_start3A_69 : memref<10000x64xf32, #tpu.memory_space<hbm>>) target(%dma_start3A_63 : memref<128x64xf32, #tpu.memory_space<vmem>>) offsets(%dma_start3A_66 : memref<128xi32, #tpu.memory_space<vmem>>) semaphore(%arg9 : memref<!tpu.dma_semaphore, #tpu.memory_space<semaphore_mem>>)
    %dma_start3A_70 = arith.constant 3 : i32
    %dma_start3A_71 = arith.constant 1 : i32
    %dma_start3A_72 = arith.constant 1 : i32
    %dma_start3A_73 = arith.constant 0 : i32
    %dma_start3A_74 = arith.constant 0 : i32
    %dma_start3A_75 = tpu.memref_slice %arg8[%dma_start3A_71, %dma_start3A_72, %dma_start3A_73, %dma_start3A_74] : memref<3x2x128x64xf32, #tpu.memory_space<vmem>> -> memref<1x1x128x64xf32, #tpu.memory_space<vmem>>
    %dma_start3A_76 = tpu.memref_squeeze %dma_start3A_75 : memref<1x1x128x64xf32, #tpu.memory_space<vmem>> -> memref<128x64xf32, #tpu.memory_space<vmem>>
    %dma_start3A_77 = arith.constant 0 : i32
    %dma_start3A_78 = tpu.memref_slice %arg6[%dma_start3A_70, %dma_start3A_77] : memref<80x128xi32, #tpu.memory_space<vmem>> -> memref<1x128xi32, #tpu.memory_space<vmem>>
    %dma_start3A_79 = tpu.memref_squeeze %dma_start3A_78 : memref<1x128xi32, #tpu.memory_space<vmem>> -> memref<128xi32, #tpu.memory_space<vmem>>
    %dma_start3A_80 = arith.constant 0 : i32
    %dma_start3A_81 = arith.constant 0 : i32
    %dma_start3A_82 = tpu.memref_slice %arg2[%dma_start3A_80, %dma_start3A_81] : memref<10000x64xf32, #tpu.memory_space<hbm>> -> memref<10000x64xf32, #tpu.memory_space<hbm>>
    tpu.enqueue_indirect_dma source(%dma_start3A_82 : memref<10000x64xf32, #tpu.memory_space<hbm>>) target(%dma_start3A_76 : memref<128x64xf32, #tpu.memory_space<vmem>>) offsets(%dma_start3A_79 : memref<128xi32, #tpu.memory_space<vmem>>) semaphore(%arg9 : memref<!tpu.dma_semaphore, #tpu.memory_space<semaphore_mem>>)
    %add3A_83 = arith.constant 1 : i32
    %add3A_84 = arith.addi %select_n3A_26, %add3A_83 : i32
    %add3A_85 = arith.constant 3 : i32
    %add3A_86 = arith.addi %add3A_84, %add3A_85 : i32
    %sub3A_87 = arith.constant 1 : i32
    %sub3A_88 = arith.subi %add3A_86, %sub3A_87 : i32
    %jit3A_89 = arith.constant 3 : i32
    %div3A_90 = arith.divsi %sub3A_88, %jit3A_89 : i32
    %sign3A_91 = arith.constant 0 : i32
    %sign3A_92 = arith.cmpi sgt, %sub3A_88, %sign3A_91 : i32
    %sign3A_93 = arith.extui %sign3A_92 : i1 to i32
    %sign3A_94 = arith.constant 0 : i32
    %sign3A_95 = arith.cmpi slt, %sub3A_88, %sign3A_94 : i32
    %sign3A_96 = arith.extui %sign3A_95 : i1 to i32
    %sign3A_97 = arith.subi %sign3A_93, %sign3A_96 : i32
    %sign3A_98 = arith.constant 0 : i32
    %sign3A_99 = arith.cmpi sgt, %jit3A_89, %sign3A_98 : i32
    %sign3A_100 = arith.extui %sign3A_99 : i1 to i32
    %sign3A_101 = arith.constant 0 : i32
    %sign3A_102 = arith.cmpi slt, %jit3A_89, %sign3A_101 : i32
    %sign3A_103 = arith.extui %sign3A_102 : i1 to i32
    %sign3A_104 = arith.subi %sign3A_100, %sign3A_103 : i32
    %ne3A_105 = arith.cmpi ne, %sign3A_97, %sign3A_104 : i32
    %rem3A_106 = arith.remsi %sub3A_88, %jit3A_89 : i32
    %ne3A_107 = arith.constant 0 : i32
    %ne3A_108 = arith.cmpi ne, %rem3A_106, %ne3A_107 : i32
    %and3A_109 = arith.andi %ne3A_105, %ne3A_108 : i1
    %sub3A_110 = arith.constant 1 : i32
    %sub3A_111 = arith.subi %div3A_90, %sub3A_110 : i32
    %select_n3A_112 = arith.select %and3A_109, %sub3A_111, %div3A_90 : i32
    %sub3A_113 = arith.constant 0 : i32
    %sub3A_114 = arith.subi %select_n3A_112, %sub3A_113 : i32
    %sub3A_115 = arith.constant 1 : i32
    %sub3A_116 = arith.constant 1 : i32
    %sub3A_117 = arith.subi %sub3A_115, %sub3A_116 : i32
    %add3A_118 = arith.addi %sub3A_114, %sub3A_117 : i32
    %div3A_119 = arith.constant 1 : i32
    %div3A_120 = arith.divsi %add3A_118, %div3A_119 : i32
    %while3A = arith.constant 1 : i32
    %while3A_121 = arith.constant 0 : i32
    %while3A_122 = arith.constant 0 : i32
    %while3A_123 = arith.subi %div3A_120, %while3A_122 : i32
    %while3A_124 = arith.addi %while3A_122, %while3A_123 : i32
    %while3A_125 = arith.constant 1 : i32
    %while3A_126 = arith.divsi %while3A_123, %while3A_125 : i32
    %while3A_127 = arith.muli %while3A_126, %while3A_125 : i32
    %while3A_128 = arith.addi %while3A_122, %while3A_127 : i32
    %while3A_129 = arith.constant 1 : i32
    scf.for %while3A_139 = %while3A_122 to %while3A_128 step %while3A_129  : i32 {
      %mul3A_140 = arith.muli %while3A_139, %while3A : i32
      %add3A_141 = arith.addi %while3A_121, %mul3A_140 : i32
      %mul3A_142 = arith.constant 3 : i32
      %mul3A_143 = arith.muli %add3A_141, %mul3A_142 : i32
      %add3A_144 = arith.constant 0 : i32
      %add3A_145 = arith.addi %mul3A_143, %add3A_144 : i32
      %lt3A = arith.cmpi slt, %add3A_145, %select_n3A_26 : i32
      %convert_element_type3A_146 = arith.extui %lt3A : i1 to i32
      %cond3A_147 = arith.constant 0 : i32
      %cond3A_148 = arith.cmpi ne, %convert_element_type3A_146, %cond3A_147 : i32
      scf.if %cond3A_148 {
        %mul3A_208 = arith.constant 2 : i32
        %mul3A_209 = arith.muli %add3A_145, %mul3A_208 : i32
        %add3A_210 = arith.constant 0 : i32
        %add3A_211 = arith.addi %mul3A_209, %add3A_210 : i32
        %dma_wait3A = arith.constant 0 : i32
        %dma_wait3A_212 = arith.constant 0 : i32
        %dma_wait3A_213 = arith.constant 0 : i32
        %dma_wait3A_214 = arith.constant 0 : i32
        %dma_wait3A_215 = tpu.memref_slice %arg8[%dma_wait3A, %dma_wait3A_212, %dma_wait3A_213, %dma_wait3A_214] : memref<3x2x128x64xf32, #tpu.memory_space<vmem>> -> memref<1x1x128x64xf32, #tpu.memory_space<vmem>>
        %dma_wait3A_216 = tpu.memref_squeeze %dma_wait3A_215 : memref<1x1x128x64xf32, #tpu.memory_space<vmem>> -> memref<128x64xf32, #tpu.memory_space<vmem>>
        %dma_wait3A_217 = arith.constant 0 : i32
        %dma_wait3A_218 = tpu.memref_slice %arg6[%add3A_211, %dma_wait3A_217] : memref<80x128xi32, #tpu.memory_space<vmem>> -> memref<1x128xi32, #tpu.memory_space<vmem>>
        %dma_wait3A_219 = tpu.memref_squeeze %dma_wait3A_218 : memref<1x128xi32, #tpu.memory_space<vmem>> -> memref<128xi32, #tpu.memory_space<vmem>>
        %dma_wait3A_220 = arith.constant 0 : i32
        %dma_wait3A_221 = arith.constant 0 : i32
        %dma_wait3A_222 = tpu.memref_slice %arg2[%dma_wait3A_220, %dma_wait3A_221] : memref<10000x64xf32, #tpu.memory_space<hbm>> -> memref<10000x64xf32, #tpu.memory_space<hbm>>
        tpu.wait_indirect_dma semaphore(%arg9 : memref<!tpu.dma_semaphore, #tpu.memory_space<semaphore_mem>>) src(%dma_wait3A_222 : memref<10000x64xf32, #tpu.memory_space<hbm>>) dst(%dma_wait3A_216 : memref<128x64xf32, #tpu.memory_space<vmem>>)
        %mul3A_223 = arith.constant 2 : i32
        %mul3A_224 = arith.muli %add3A_145, %mul3A_223 : i32
        %add3A_225 = arith.constant 1 : i32
        %add3A_226 = arith.addi %mul3A_224, %add3A_225 : i32
        %dma_wait3A_227 = arith.constant 0 : i32
        %dma_wait3A_228 = arith.constant 1 : i32
        %dma_wait3A_229 = arith.constant 0 : i32
        %dma_wait3A_230 = arith.constant 0 : i32
        %dma_wait3A_231 = tpu.memref_slice %arg8[%dma_wait3A_227, %dma_wait3A_228, %dma_wait3A_229, %dma_wait3A_230] : memref<3x2x128x64xf32, #tpu.memory_space<vmem>> -> memref<1x1x128x64xf32, #tpu.memory_space<vmem>>
        %dma_wait3A_232 = tpu.memref_squeeze %dma_wait3A_231 : memref<1x1x128x64xf32, #tpu.memory_space<vmem>> -> memref<128x64xf32, #tpu.memory_space<vmem>>
        %dma_wait3A_233 = arith.constant 0 : i32
        %dma_wait3A_234 = tpu.memref_slice %arg6[%add3A_226, %dma_wait3A_233] : memref<80x128xi32, #tpu.memory_space<vmem>> -> memref<1x128xi32, #tpu.memory_space<vmem>>
        %dma_wait3A_235 = tpu.memref_squeeze %dma_wait3A_234 : memref<1x128xi32, #tpu.memory_space<vmem>> -> memref<128xi32, #tpu.memory_space<vmem>>
        %dma_wait3A_236 = arith.constant 0 : i32
        %dma_wait3A_237 = arith.constant 0 : i32
        %dma_wait3A_238 = tpu.memref_slice %arg2[%dma_wait3A_236, %dma_wait3A_237] : memref<10000x64xf32, #tpu.memory_space<hbm>> -> memref<10000x64xf32, #tpu.memory_space<hbm>>
        tpu.wait_indirect_dma semaphore(%arg9 : memref<!tpu.dma_semaphore, #tpu.memory_space<semaphore_mem>>) src(%dma_wait3A_238 : memref<10000x64xf32, #tpu.memory_space<hbm>>) dst(%dma_wait3A_232 : memref<128x64xf32, #tpu.memory_space<vmem>>)
        %mul3A_239 = arith.constant 2 : i32
        %mul3A_240 = arith.muli %add3A_145, %mul3A_239 : i32
        %add3A_241 = arith.constant 0 : i32
        %add3A_242 = arith.addi %mul3A_240, %add3A_241 : i32
        %dma_start3A_243 = arith.constant 0 : i32
        %dma_start3A_244 = arith.constant 0 : i32
        %dma_start3A_245 = arith.constant 0 : i32
        %dma_start3A_246 = arith.constant 0 : i32
        %dma_start3A_247 = tpu.memref_slice %arg8[%dma_start3A_243, %dma_start3A_244, %dma_start3A_245, %dma_start3A_246] : memref<3x2x128x64xf32, #tpu.memory_space<vmem>> -> memref<1x1x128x64xf32, #tpu.memory_space<vmem>>
        %dma_start3A_248 = tpu.memref_squeeze %dma_start3A_247 : memref<1x1x128x64xf32, #tpu.memory_space<vmem>> -> memref<128x64xf32, #tpu.memory_space<vmem>>
        %dma_start3A_249 = arith.constant 0 : i32
        %dma_start3A_250 = tpu.memref_slice %arg7[%add3A_242, %dma_start3A_249] : memref<80x128xi32, #tpu.memory_space<vmem>> -> memref<1x128xi32, #tpu.memory_space<vmem>>
        %dma_start3A_251 = tpu.memref_squeeze %dma_start3A_250 : memref<1x128xi32, #tpu.memory_space<vmem>> -> memref<128xi32, #tpu.memory_space<vmem>>
        %dma_start3A_252 = arith.constant 0 : i32
        %dma_start3A_253 = arith.constant 0 : i32
        %dma_start3A_254 = tpu.memref_slice %arg11[%dma_start3A_252, %dma_start3A_253] : memref<10240x64xf32, #tpu.memory_space<vmem_shared>> -> memref<10240x64xf32, #tpu.memory_space<vmem_shared>>
        tpu.enqueue_indirect_dma source(%dma_start3A_248 : memref<128x64xf32, #tpu.memory_space<vmem>>) target(%dma_start3A_254 : memref<10240x64xf32, #tpu.memory_space<vmem_shared>>) offsets(%dma_start3A_251 : memref<128xi32, #tpu.memory_space<vmem>>) semaphore(%arg10 : memref<!tpu.dma_semaphore, #tpu.memory_space<semaphore_mem>>) {add = true}
        %mul3A_255 = arith.constant 2 : i32
        %mul3A_256 = arith.muli %add3A_145, %mul3A_255 : i32
        %add3A_257 = arith.constant 1 : i32
        %add3A_258 = arith.addi %mul3A_256, %add3A_257 : i32
        %dma_start3A_259 = arith.constant 0 : i32
        %dma_start3A_260 = arith.constant 1 : i32
        %dma_start3A_261 = arith.constant 0 : i32
        %dma_start3A_262 = arith.constant 0 : i32
        %dma_start3A_263 = tpu.memref_slice %arg8[%dma_start3A_259, %dma_start3A_260, %dma_start3A_261, %dma_start3A_262] : memref<3x2x128x64xf32, #tpu.memory_space<vmem>> -> memref<1x1x128x64xf32, #tpu.memory_space<vmem>>
        %dma_start3A_264 = tpu.memref_squeeze %dma_start3A_263 : memref<1x1x128x64xf32, #tpu.memory_space<vmem>> -> memref<128x64xf32, #tpu.memory_space<vmem>>
        %dma_start3A_265 = arith.constant 0 : i32
        %dma_start3A_266 = tpu.memref_slice %arg7[%add3A_258, %dma_start3A_265] : memref<80x128xi32, #tpu.memory_space<vmem>> -> memref<1x128xi32, #tpu.memory_space<vmem>>
        %dma_start3A_267 = tpu.memref_squeeze %dma_start3A_266 : memref<1x128xi32, #tpu.memory_space<vmem>> -> memref<128xi32, #tpu.memory_space<vmem>>
        %dma_start3A_268 = arith.constant 0 : i32
        %dma_start3A_269 = arith.constant 0 : i32
        %dma_start3A_270 = tpu.memref_slice %arg11[%dma_start3A_268, %dma_start3A_269] : memref<10240x64xf32, #tpu.memory_space<vmem_shared>> -> memref<10240x64xf32, #tpu.memory_space<vmem_shared>>
        tpu.enqueue_indirect_dma source(%dma_start3A_264 : memref<128x64xf32, #tpu.memory_space<vmem>>) target(%dma_start3A_270 : memref<10240x64xf32, #tpu.memory_space<vmem_shared>>) offsets(%dma_start3A_267 : memref<128xi32, #tpu.memory_space<vmem>>) semaphore(%arg10 : memref<!tpu.dma_semaphore, #tpu.memory_space<semaphore_mem>>) {add = true}
      } else {
      }
      %ge3A = arith.constant 1 : i32
      %ge3A_149 = arith.cmpi sge, %add3A_145, %ge3A : i32
      %le3A = arith.cmpi sle, %add3A_145, %select_n3A_26 : i32
      %and3A_150 = arith.andi %ge3A_149, %le3A : i1
      %convert_element_type3A_151 = arith.extui %and3A_150 : i1 to i32
      %cond3A_152 = arith.constant 0 : i32
      %cond3A_153 = arith.cmpi ne, %convert_element_type3A_151, %cond3A_152 : i32
      scf.if %cond3A_153 {
        %sub3A_208 = arith.constant 1 : i32
        %sub3A_209 = arith.subi %add3A_145, %sub3A_208 : i32
        %mul3A_210 = arith.constant 2 : i32
        %mul3A_211 = arith.muli %sub3A_209, %mul3A_210 : i32
        %add3A_212 = arith.constant 0 : i32
        %add3A_213 = arith.addi %mul3A_211, %add3A_212 : i32
        %dma_wait3A = arith.constant 2 : i32
        %dma_wait3A_214 = arith.constant 0 : i32
        %dma_wait3A_215 = arith.constant 0 : i32
        %dma_wait3A_216 = arith.constant 0 : i32
        %dma_wait3A_217 = tpu.memref_slice %arg8[%dma_wait3A, %dma_wait3A_214, %dma_wait3A_215, %dma_wait3A_216] : memref<3x2x128x64xf32, #tpu.memory_space<vmem>> -> memref<1x1x128x64xf32, #tpu.memory_space<vmem>>
        %dma_wait3A_218 = tpu.memref_squeeze %dma_wait3A_217 : memref<1x1x128x64xf32, #tpu.memory_space<vmem>> -> memref<128x64xf32, #tpu.memory_space<vmem>>
        %dma_wait3A_219 = arith.constant 0 : i32
        %dma_wait3A_220 = tpu.memref_slice %arg7[%add3A_213, %dma_wait3A_219] : memref<80x128xi32, #tpu.memory_space<vmem>> -> memref<1x128xi32, #tpu.memory_space<vmem>>
        %dma_wait3A_221 = tpu.memref_squeeze %dma_wait3A_220 : memref<1x128xi32, #tpu.memory_space<vmem>> -> memref<128xi32, #tpu.memory_space<vmem>>
        %dma_wait3A_222 = arith.constant 0 : i32
        %dma_wait3A_223 = arith.constant 0 : i32
        %dma_wait3A_224 = tpu.memref_slice %arg11[%dma_wait3A_222, %dma_wait3A_223] : memref<10240x64xf32, #tpu.memory_space<vmem_shared>> -> memref<10240x64xf32, #tpu.memory_space<vmem_shared>>
        tpu.wait_indirect_dma semaphore(%arg10 : memref<!tpu.dma_semaphore, #tpu.memory_space<semaphore_mem>>) src(%dma_wait3A_218 : memref<128x64xf32, #tpu.memory_space<vmem>>) dst(%dma_wait3A_224 : memref<10240x64xf32, #tpu.memory_space<vmem_shared>>)
        %mul3A_225 = arith.constant 2 : i32
        %mul3A_226 = arith.muli %sub3A_209, %mul3A_225 : i32
        %add3A_227 = arith.constant 1 : i32
        %add3A_228 = arith.addi %mul3A_226, %add3A_227 : i32
        %dma_wait3A_229 = arith.constant 2 : i32
        %dma_wait3A_230 = arith.constant 1 : i32
        %dma_wait3A_231 = arith.constant 0 : i32
        %dma_wait3A_232 = arith.constant 0 : i32
        %dma_wait3A_233 = tpu.memref_slice %arg8[%dma_wait3A_229, %dma_wait3A_230, %dma_wait3A_231, %dma_wait3A_232] : memref<3x2x128x64xf32, #tpu.memory_space<vmem>> -> memref<1x1x128x64xf32, #tpu.memory_space<vmem>>
        %dma_wait3A_234 = tpu.memref_squeeze %dma_wait3A_233 : memref<1x1x128x64xf32, #tpu.memory_space<vmem>> -> memref<128x64xf32, #tpu.memory_space<vmem>>
        %dma_wait3A_235 = arith.constant 0 : i32
        %dma_wait3A_236 = tpu.memref_slice %arg7[%add3A_228, %dma_wait3A_235] : memref<80x128xi32, #tpu.memory_space<vmem>> -> memref<1x128xi32, #tpu.memory_space<vmem>>
        %dma_wait3A_237 = tpu.memref_squeeze %dma_wait3A_236 : memref<1x128xi32, #tpu.memory_space<vmem>> -> memref<128xi32, #tpu.memory_space<vmem>>
        %dma_wait3A_238 = arith.constant 0 : i32
        %dma_wait3A_239 = arith.constant 0 : i32
        %dma_wait3A_240 = tpu.memref_slice %arg11[%dma_wait3A_238, %dma_wait3A_239] : memref<10240x64xf32, #tpu.memory_space<vmem_shared>> -> memref<10240x64xf32, #tpu.memory_space<vmem_shared>>
        tpu.wait_indirect_dma semaphore(%arg10 : memref<!tpu.dma_semaphore, #tpu.memory_space<semaphore_mem>>) src(%dma_wait3A_234 : memref<128x64xf32, #tpu.memory_space<vmem>>) dst(%dma_wait3A_240 : memref<10240x64xf32, #tpu.memory_space<vmem_shared>>)
      } else {
      }
      %add3A_154 = arith.constant 3 : i32
      %add3A_155 = arith.addi %add3A_145, %add3A_154 : i32
      %sub3A_156 = arith.constant 1 : i32
      %sub3A_157 = arith.subi %add3A_155, %sub3A_156 : i32
      %lt3A_158 = arith.cmpi slt, %sub3A_157, %select_n3A_26 : i32
      %convert_element_type3A_159 = arith.extui %lt3A_158 : i1 to i32
      %cond3A_160 = arith.constant 0 : i32
      %cond3A_161 = arith.cmpi ne, %convert_element_type3A_159, %cond3A_160 : i32
      scf.if %cond3A_161 {
        %add3A_208 = arith.constant 3 : i32
        %add3A_209 = arith.addi %add3A_145, %add3A_208 : i32
        %sub3A_210 = arith.constant 1 : i32
        %sub3A_211 = arith.subi %add3A_209, %sub3A_210 : i32
        %mul3A_212 = arith.constant 2 : i32
        %mul3A_213 = arith.muli %sub3A_211, %mul3A_212 : i32
        %add3A_214 = arith.constant 0 : i32
        %add3A_215 = arith.addi %mul3A_213, %add3A_214 : i32
        %dma_start3A_216 = arith.constant 2 : i32
        %dma_start3A_217 = arith.constant 0 : i32
        %dma_start3A_218 = arith.constant 0 : i32
        %dma_start3A_219 = arith.constant 0 : i32
        %dma_start3A_220 = tpu.memref_slice %arg8[%dma_start3A_216, %dma_start3A_217, %dma_start3A_218, %dma_start3A_219] : memref<3x2x128x64xf32, #tpu.memory_space<vmem>> -> memref<1x1x128x64xf32, #tpu.memory_space<vmem>>
        %dma_start3A_221 = tpu.memref_squeeze %dma_start3A_220 : memref<1x1x128x64xf32, #tpu.memory_space<vmem>> -> memref<128x64xf32, #tpu.memory_space<vmem>>
        %dma_start3A_222 = arith.constant 0 : i32
        %dma_start3A_223 = tpu.memref_slice %arg6[%add3A_215, %dma_start3A_222] : memref<80x128xi32, #tpu.memory_space<vmem>> -> memref<1x128xi32, #tpu.memory_space<vmem>>
        %dma_start3A_224 = tpu.memref_squeeze %dma_start3A_223 : memref<1x128xi32, #tpu.memory_space<vmem>> -> memref<128xi32, #tpu.memory_space<vmem>>
        %dma_start3A_225 = arith.constant 0 : i32
        %dma_start3A_226 = arith.constant 0 : i32
        %dma_start3A_227 = tpu.memref_slice %arg2[%dma_start3A_225, %dma_start3A_226] : memref<10000x64xf32, #tpu.memory_space<hbm>> -> memref<10000x64xf32, #tpu.memory_space<hbm>>
        tpu.enqueue_indirect_dma source(%dma_start3A_227 : memref<10000x64xf32, #tpu.memory_space<hbm>>) target(%dma_start3A_221 : memref<128x64xf32, #tpu.memory_space<vmem>>) offsets(%dma_start3A_224 : memref<128xi32, #tpu.memory_space<vmem>>) semaphore(%arg9 : memref<!tpu.dma_semaphore, #tpu.memory_space<semaphore_mem>>)
        %mul3A_228 = arith.constant 2 : i32
        %mul3A_229 = arith.muli %sub3A_211, %mul3A_228 : i32
        %add3A_230 = arith.constant 1 : i32
        %add3A_231 = arith.addi %mul3A_229, %add3A_230 : i32
        %dma_start3A_232 = arith.constant 2 : i32
        %dma_start3A_233 = arith.constant 1 : i32
        %dma_start3A_234 = arith.constant 0 : i32
        %dma_start3A_235 = arith.constant 0 : i32
        %dma_start3A_236 = tpu.memref_slice %arg8[%dma_start3A_232, %dma_start3A_233, %dma_start3A_234, %dma_start3A_235] : memref<3x2x128x64xf32, #tpu.memory_space<vmem>> -> memref<1x1x128x64xf32, #tpu.memory_space<vmem>>
        %dma_start3A_237 = tpu.memref_squeeze %dma_start3A_236 : memref<1x1x128x64xf32, #tpu.memory_space<vmem>> -> memref<128x64xf32, #tpu.memory_space<vmem>>
        %dma_start3A_238 = arith.constant 0 : i32
        %dma_start3A_239 = tpu.memref_slice %arg6[%add3A_231, %dma_start3A_238] : memref<80x128xi32, #tpu.memory_space<vmem>> -> memref<1x128xi32, #tpu.memory_space<vmem>>
        %dma_start3A_240 = tpu.memref_squeeze %dma_start3A_239 : memref<1x128xi32, #tpu.memory_space<vmem>> -> memref<128xi32, #tpu.memory_space<vmem>>
        %dma_start3A_241 = arith.constant 0 : i32
        %dma_start3A_242 = arith.constant 0 : i32
        %dma_start3A_243 = tpu.memref_slice %arg2[%dma_start3A_241, %dma_start3A_242] : memref<10000x64xf32, #tpu.memory_space<hbm>> -> memref<10000x64xf32, #tpu.memory_space<hbm>>
        tpu.enqueue_indirect_dma source(%dma_start3A_243 : memref<10000x64xf32, #tpu.memory_space<hbm>>) target(%dma_start3A_237 : memref<128x64xf32, #tpu.memory_space<vmem>>) offsets(%dma_start3A_240 : memref<128xi32, #tpu.memory_space<vmem>>) semaphore(%arg9 : memref<!tpu.dma_semaphore, #tpu.memory_space<semaphore_mem>>)
      } else {
      }
      %mul3A_162 = arith.constant 3 : i32
      %mul3A_163 = arith.muli %add3A_141, %mul3A_162 : i32
      %add3A_164 = arith.constant 1 : i32
      %add3A_165 = arith.addi %mul3A_163, %add3A_164 : i32
      %lt3A_166 = arith.cmpi slt, %add3A_165, %select_n3A_26 : i32
      %convert_element_type3A_167 = arith.extui %lt3A_166 : i1 to i32
      %cond3A_168 = arith.constant 0 : i32
      %cond3A_169 = arith.cmpi ne, %convert_element_type3A_167, %cond3A_168 : i32
      scf.if %cond3A_169 {
        %mul3A_208 = arith.constant 2 : i32
        %mul3A_209 = arith.muli %add3A_165, %mul3A_208 : i32
        %add3A_210 = arith.constant 0 : i32
        %add3A_211 = arith.addi %mul3A_209, %add3A_210 : i32
        %dma_wait3A = arith.constant 1 : i32
        %dma_wait3A_212 = arith.constant 0 : i32
        %dma_wait3A_213 = arith.constant 0 : i32
        %dma_wait3A_214 = arith.constant 0 : i32
        %dma_wait3A_215 = tpu.memref_slice %arg8[%dma_wait3A, %dma_wait3A_212, %dma_wait3A_213, %dma_wait3A_214] : memref<3x2x128x64xf32, #tpu.memory_space<vmem>> -> memref<1x1x128x64xf32, #tpu.memory_space<vmem>>
        %dma_wait3A_216 = tpu.memref_squeeze %dma_wait3A_215 : memref<1x1x128x64xf32, #tpu.memory_space<vmem>> -> memref<128x64xf32, #tpu.memory_space<vmem>>
        %dma_wait3A_217 = arith.constant 0 : i32
        %dma_wait3A_218 = tpu.memref_slice %arg6[%add3A_211, %dma_wait3A_217] : memref<80x128xi32, #tpu.memory_space<vmem>> -> memref<1x128xi32, #tpu.memory_space<vmem>>
        %dma_wait3A_219 = tpu.memref_squeeze %dma_wait3A_218 : memref<1x128xi32, #tpu.memory_space<vmem>> -> memref<128xi32, #tpu.memory_space<vmem>>
        %dma_wait3A_220 = arith.constant 0 : i32
        %dma_wait3A_221 = arith.constant 0 : i32
        %dma_wait3A_222 = tpu.memref_slice %arg2[%dma_wait3A_220, %dma_wait3A_221] : memref<10000x64xf32, #tpu.memory_space<hbm>> -> memref<10000x64xf32, #tpu.memory_space<hbm>>
        tpu.wait_indirect_dma semaphore(%arg9 : memref<!tpu.dma_semaphore, #tpu.memory_space<semaphore_mem>>) src(%dma_wait3A_222 : memref<10000x64xf32, #tpu.memory_space<hbm>>) dst(%dma_wait3A_216 : memref<128x64xf32, #tpu.memory_space<vmem>>)
        %mul3A_223 = arith.constant 2 : i32
        %mul3A_224 = arith.muli %add3A_165, %mul3A_223 : i32
        %add3A_225 = arith.constant 1 : i32
        %add3A_226 = arith.addi %mul3A_224, %add3A_225 : i32
        %dma_wait3A_227 = arith.constant 1 : i32
        %dma_wait3A_228 = arith.constant 1 : i32
        %dma_wait3A_229 = arith.constant 0 : i32
        %dma_wait3A_230 = arith.constant 0 : i32
        %dma_wait3A_231 = tpu.memref_slice %arg8[%dma_wait3A_227, %dma_wait3A_228, %dma_wait3A_229, %dma_wait3A_230] : memref<3x2x128x64xf32, #tpu.memory_space<vmem>> -> memref<1x1x128x64xf32, #tpu.memory_space<vmem>>
        %dma_wait3A_232 = tpu.memref_squeeze %dma_wait3A_231 : memref<1x1x128x64xf32, #tpu.memory_space<vmem>> -> memref<128x64xf32, #tpu.memory_space<vmem>>
        %dma_wait3A_233 = arith.constant 0 : i32
        %dma_wait3A_234 = tpu.memref_slice %arg6[%add3A_226, %dma_wait3A_233] : memref<80x128xi32, #tpu.memory_space<vmem>> -> memref<1x128xi32, #tpu.memory_space<vmem>>
        %dma_wait3A_235 = tpu.memref_squeeze %dma_wait3A_234 : memref<1x128xi32, #tpu.memory_space<vmem>> -> memref<128xi32, #tpu.memory_space<vmem>>
        %dma_wait3A_236 = arith.constant 0 : i32
        %dma_wait3A_237 = arith.constant 0 : i32
        %dma_wait3A_238 = tpu.memref_slice %arg2[%dma_wait3A_236, %dma_wait3A_237] : memref<10000x64xf32, #tpu.memory_space<hbm>> -> memref<10000x64xf32, #tpu.memory_space<hbm>>
        tpu.wait_indirect_dma semaphore(%arg9 : memref<!tpu.dma_semaphore, #tpu.memory_space<semaphore_mem>>) src(%dma_wait3A_238 : memref<10000x64xf32, #tpu.memory_space<hbm>>) dst(%dma_wait3A_232 : memref<128x64xf32, #tpu.memory_space<vmem>>)
        %mul3A_239 = arith.constant 2 : i32
        %mul3A_240 = arith.muli %add3A_165, %mul3A_239 : i32
        %add3A_241 = arith.constant 0 : i32
        %add3A_242 = arith.addi %mul3A_240, %add3A_241 : i32
        %dma_start3A_243 = arith.constant 1 : i32
        %dma_start3A_244 = arith.constant 0 : i32
        %dma_start3A_245 = arith.constant 0 : i32
        %dma_start3A_246 = arith.constant 0 : i32
        %dma_start3A_247 = tpu.memref_slice %arg8[%dma_start3A_243, %dma_start3A_244, %dma_start3A_245, %dma_start3A_246] : memref<3x2x128x64xf32, #tpu.memory_space<vmem>> -> memref<1x1x128x64xf32, #tpu.memory_space<vmem>>
        %dma_start3A_248 = tpu.memref_squeeze %dma_start3A_247 : memref<1x1x128x64xf32, #tpu.memory_space<vmem>> -> memref<128x64xf32, #tpu.memory_space<vmem>>
        %dma_start3A_249 = arith.constant 0 : i32
        %dma_start3A_250 = tpu.memref_slice %arg7[%add3A_242, %dma_start3A_249] : memref<80x128xi32, #tpu.memory_space<vmem>> -> memref<1x128xi32, #tpu.memory_space<vmem>>
        %dma_start3A_251 = tpu.memref_squeeze %dma_start3A_250 : memref<1x128xi32, #tpu.memory_space<vmem>> -> memref<128xi32, #tpu.memory_space<vmem>>
        %dma_start3A_252 = arith.constant 0 : i32
        %dma_start3A_253 = arith.constant 0 : i32
        %dma_start3A_254 = tpu.memref_slice %arg11[%dma_start3A_252, %dma_start3A_253] : memref<10240x64xf32, #tpu.memory_space<vmem_shared>> -> memref<10240x64xf32, #tpu.memory_space<vmem_shared>>
        tpu.enqueue_indirect_dma source(%dma_start3A_248 : memref<128x64xf32, #tpu.memory_space<vmem>>) target(%dma_start3A_254 : memref<10240x64xf32, #tpu.memory_space<vmem_shared>>) offsets(%dma_start3A_251 : memref<128xi32, #tpu.memory_space<vmem>>) semaphore(%arg10 : memref<!tpu.dma_semaphore, #tpu.memory_space<semaphore_mem>>) {add = true}
        %mul3A_255 = arith.constant 2 : i32
        %mul3A_256 = arith.muli %add3A_165, %mul3A_255 : i32
        %add3A_257 = arith.constant 1 : i32
        %add3A_258 = arith.addi %mul3A_256, %add3A_257 : i32
        %dma_start3A_259 = arith.constant 1 : i32
        %dma_start3A_260 = arith.constant 1 : i32
        %dma_start3A_261 = arith.constant 0 : i32
        %dma_start3A_262 = arith.constant 0 : i32
        %dma_start3A_263 = tpu.memref_slice %arg8[%dma_start3A_259, %dma_start3A_260, %dma_start3A_261, %dma_start3A_262] : memref<3x2x128x64xf32, #tpu.memory_space<vmem>> -> memref<1x1x128x64xf32, #tpu.memory_space<vmem>>
        %dma_start3A_264 = tpu.memref_squeeze %dma_start3A_263 : memref<1x1x128x64xf32, #tpu.memory_space<vmem>> -> memref<128x64xf32, #tpu.memory_space<vmem>>
        %dma_start3A_265 = arith.constant 0 : i32
        %dma_start3A_266 = tpu.memref_slice %arg7[%add3A_258, %dma_start3A_265] : memref<80x128xi32, #tpu.memory_space<vmem>> -> memref<1x128xi32, #tpu.memory_space<vmem>>
        %dma_start3A_267 = tpu.memref_squeeze %dma_start3A_266 : memref<1x128xi32, #tpu.memory_space<vmem>> -> memref<128xi32, #tpu.memory_space<vmem>>
        %dma_start3A_268 = arith.constant 0 : i32
        %dma_start3A_269 = arith.constant 0 : i32
        %dma_start3A_270 = tpu.memref_slice %arg11[%dma_start3A_268, %dma_start3A_269] : memref<10240x64xf32, #tpu.memory_space<vmem_shared>> -> memref<10240x64xf32, #tpu.memory_space<vmem_shared>>
        tpu.enqueue_indirect_dma source(%dma_start3A_264 : memref<128x64xf32, #tpu.memory_space<vmem>>) target(%dma_start3A_270 : memref<10240x64xf32, #tpu.memory_space<vmem_shared>>) offsets(%dma_start3A_267 : memref<128xi32, #tpu.memory_space<vmem>>) semaphore(%arg10 : memref<!tpu.dma_semaphore, #tpu.memory_space<semaphore_mem>>) {add = true}
      } else {
      }
      %ge3A_170 = arith.constant 1 : i32
      %ge3A_171 = arith.cmpi sge, %add3A_165, %ge3A_170 : i32
      %le3A_172 = arith.cmpi sle, %add3A_165, %select_n3A_26 : i32
      %and3A_173 = arith.andi %ge3A_171, %le3A_172 : i1
      %convert_element_type3A_174 = arith.extui %and3A_173 : i1 to i32
      %cond3A_175 = arith.constant 0 : i32
      %cond3A_176 = arith.cmpi ne, %convert_element_type3A_174, %cond3A_175 : i32
      scf.if %cond3A_176 {
        %sub3A_208 = arith.constant 1 : i32
        %sub3A_209 = arith.subi %add3A_165, %sub3A_208 : i32
        %mul3A_210 = arith.constant 2 : i32
        %mul3A_211 = arith.muli %sub3A_209, %mul3A_210 : i32
        %add3A_212 = arith.constant 0 : i32
        %add3A_213 = arith.addi %mul3A_211, %add3A_212 : i32
        %dma_wait3A = arith.constant 0 : i32
        %dma_wait3A_214 = arith.constant 0 : i32
        %dma_wait3A_215 = arith.constant 0 : i32
        %dma_wait3A_216 = arith.constant 0 : i32
        %dma_wait3A_217 = tpu.memref_slice %arg8[%dma_wait3A, %dma_wait3A_214, %dma_wait3A_215, %dma_wait3A_216] : memref<3x2x128x64xf32, #tpu.memory_space<vmem>> -> memref<1x1x128x64xf32, #tpu.memory_space<vmem>>
        %dma_wait3A_218 = tpu.memref_squeeze %dma_wait3A_217 : memref<1x1x128x64xf32, #tpu.memory_space<vmem>> -> memref<128x64xf32, #tpu.memory_space<vmem>>
        %dma_wait3A_219 = arith.constant 0 : i32
        %dma_wait3A_220 = tpu.memref_slice %arg7[%add3A_213, %dma_wait3A_219] : memref<80x128xi32, #tpu.memory_space<vmem>> -> memref<1x128xi32, #tpu.memory_space<vmem>>
        %dma_wait3A_221 = tpu.memref_squeeze %dma_wait3A_220 : memref<1x128xi32, #tpu.memory_space<vmem>> -> memref<128xi32, #tpu.memory_space<vmem>>
        %dma_wait3A_222 = arith.constant 0 : i32
        %dma_wait3A_223 = arith.constant 0 : i32
        %dma_wait3A_224 = tpu.memref_slice %arg11[%dma_wait3A_222, %dma_wait3A_223] : memref<10240x64xf32, #tpu.memory_space<vmem_shared>> -> memref<10240x64xf32, #tpu.memory_space<vmem_shared>>
        tpu.wait_indirect_dma semaphore(%arg10 : memref<!tpu.dma_semaphore, #tpu.memory_space<semaphore_mem>>) src(%dma_wait3A_218 : memref<128x64xf32, #tpu.memory_space<vmem>>) dst(%dma_wait3A_224 : memref<10240x64xf32, #tpu.memory_space<vmem_shared>>)
        %mul3A_225 = arith.constant 2 : i32
        %mul3A_226 = arith.muli %sub3A_209, %mul3A_225 : i32
        %add3A_227 = arith.constant 1 : i32
        %add3A_228 = arith.addi %mul3A_226, %add3A_227 : i32
        %dma_wait3A_229 = arith.constant 0 : i32
        %dma_wait3A_230 = arith.constant 1 : i32
        %dma_wait3A_231 = arith.constant 0 : i32
        %dma_wait3A_232 = arith.constant 0 : i32
        %dma_wait3A_233 = tpu.memref_slice %arg8[%dma_wait3A_229, %dma_wait3A_230, %dma_wait3A_231, %dma_wait3A_232] : memref<3x2x128x64xf32, #tpu.memory_space<vmem>> -> memref<1x1x128x64xf32, #tpu.memory_space<vmem>>
        %dma_wait3A_234 = tpu.memref_squeeze %dma_wait3A_233 : memref<1x1x128x64xf32, #tpu.memory_space<vmem>> -> memref<128x64xf32, #tpu.memory_space<vmem>>
        %dma_wait3A_235 = arith.constant 0 : i32
        %dma_wait3A_236 = tpu.memref_slice %arg7[%add3A_228, %dma_wait3A_235] : memref<80x128xi32, #tpu.memory_space<vmem>> -> memref<1x128xi32, #tpu.memory_space<vmem>>
        %dma_wait3A_237 = tpu.memref_squeeze %dma_wait3A_236 : memref<1x128xi32, #tpu.memory_space<vmem>> -> memref<128xi32, #tpu.memory_space<vmem>>
        %dma_wait3A_238 = arith.constant 0 : i32
        %dma_wait3A_239 = arith.constant 0 : i32
        %dma_wait3A_240 = tpu.memref_slice %arg11[%dma_wait3A_238, %dma_wait3A_239] : memref<10240x64xf32, #tpu.memory_space<vmem_shared>> -> memref<10240x64xf32, #tpu.memory_space<vmem_shared>>
        tpu.wait_indirect_dma semaphore(%arg10 : memref<!tpu.dma_semaphore, #tpu.memory_space<semaphore_mem>>) src(%dma_wait3A_234 : memref<128x64xf32, #tpu.memory_space<vmem>>) dst(%dma_wait3A_240 : memref<10240x64xf32, #tpu.memory_space<vmem_shared>>)
      } else {
      }
      %add3A_177 = arith.constant 3 : i32
      %add3A_178 = arith.addi %add3A_165, %add3A_177 : i32
      %sub3A_179 = arith.constant 1 : i32
      %sub3A_180 = arith.subi %add3A_178, %sub3A_179 : i32
      %lt3A_181 = arith.cmpi slt, %sub3A_180, %select_n3A_26 : i32
      %convert_element_type3A_182 = arith.extui %lt3A_181 : i1 to i32
      %cond3A_183 = arith.constant 0 : i32
      %cond3A_184 = arith.cmpi ne, %convert_element_type3A_182, %cond3A_183 : i32
      scf.if %cond3A_184 {
        %add3A_208 = arith.constant 3 : i32
        %add3A_209 = arith.addi %add3A_165, %add3A_208 : i32
        %sub3A_210 = arith.constant 1 : i32
        %sub3A_211 = arith.subi %add3A_209, %sub3A_210 : i32
        %mul3A_212 = arith.constant 2 : i32
        %mul3A_213 = arith.muli %sub3A_211, %mul3A_212 : i32
        %add3A_214 = arith.constant 0 : i32
        %add3A_215 = arith.addi %mul3A_213, %add3A_214 : i32
        %dma_start3A_216 = arith.constant 0 : i32
        %dma_start3A_217 = arith.constant 0 : i32
        %dma_start3A_218 = arith.constant 0 : i32
        %dma_start3A_219 = arith.constant 0 : i32
        %dma_start3A_220 = tpu.memref_slice %arg8[%dma_start3A_216, %dma_start3A_217, %dma_start3A_218, %dma_start3A_219] : memref<3x2x128x64xf32, #tpu.memory_space<vmem>> -> memref<1x1x128x64xf32, #tpu.memory_space<vmem>>
        %dma_start3A_221 = tpu.memref_squeeze %dma_start3A_220 : memref<1x1x128x64xf32, #tpu.memory_space<vmem>> -> memref<128x64xf32, #tpu.memory_space<vmem>>
        %dma_start3A_222 = arith.constant 0 : i32
        %dma_start3A_223 = tpu.memref_slice %arg6[%add3A_215, %dma_start3A_222] : memref<80x128xi32, #tpu.memory_space<vmem>> -> memref<1x128xi32, #tpu.memory_space<vmem>>
        %dma_start3A_224 = tpu.memref_squeeze %dma_start3A_223 : memref<1x128xi32, #tpu.memory_space<vmem>> -> memref<128xi32, #tpu.memory_space<vmem>>
        %dma_start3A_225 = arith.constant 0 : i32
        %dma_start3A_226 = arith.constant 0 : i32
        %dma_start3A_227 = tpu.memref_slice %arg2[%dma_start3A_225, %dma_start3A_226] : memref<10000x64xf32, #tpu.memory_space<hbm>> -> memref<10000x64xf32, #tpu.memory_space<hbm>>
        tpu.enqueue_indirect_dma source(%dma_start3A_227 : memref<10000x64xf32, #tpu.memory_space<hbm>>) target(%dma_start3A_221 : memref<128x64xf32, #tpu.memory_space<vmem>>) offsets(%dma_start3A_224 : memref<128xi32, #tpu.memory_space<vmem>>) semaphore(%arg9 : memref<!tpu.dma_semaphore, #tpu.memory_space<semaphore_mem>>)
        %mul3A_228 = arith.constant 2 : i32
        %mul3A_229 = arith.muli %sub3A_211, %mul3A_228 : i32
        %add3A_230 = arith.constant 1 : i32
        %add3A_231 = arith.addi %mul3A_229, %add3A_230 : i32
        %dma_start3A_232 = arith.constant 0 : i32
        %dma_start3A_233 = arith.constant 1 : i32
        %dma_start3A_234 = arith.constant 0 : i32
        %dma_start3A_235 = arith.constant 0 : i32
        %dma_start3A_236 = tpu.memref_slice %arg8[%dma_start3A_232, %dma_start3A_233, %dma_start3A_234, %dma_start3A_235] : memref<3x2x128x64xf32, #tpu.memory_space<vmem>> -> memref<1x1x128x64xf32, #tpu.memory_space<vmem>>
        %dma_start3A_237 = tpu.memref_squeeze %dma_start3A_236 : memref<1x1x128x64xf32, #tpu.memory_space<vmem>> -> memref<128x64xf32, #tpu.memory_space<vmem>>
        %dma_start3A_238 = arith.constant 0 : i32
        %dma_start3A_239 = tpu.memref_slice %arg6[%add3A_231, %dma_start3A_238] : memref<80x128xi32, #tpu.memory_space<vmem>> -> memref<1x128xi32, #tpu.memory_space<vmem>>
        %dma_start3A_240 = tpu.memref_squeeze %dma_start3A_239 : memref<1x128xi32, #tpu.memory_space<vmem>> -> memref<128xi32, #tpu.memory_space<vmem>>
        %dma_start3A_241 = arith.constant 0 : i32
        %dma_start3A_242 = arith.constant 0 : i32
        %dma_start3A_243 = tpu.memref_slice %arg2[%dma_start3A_241, %dma_start3A_242] : memref<10000x64xf32, #tpu.memory_space<hbm>> -> memref<10000x64xf32, #tpu.memory_space<hbm>>
        tpu.enqueue_indirect_dma source(%dma_start3A_243 : memref<10000x64xf32, #tpu.memory_space<hbm>>) target(%dma_start3A_237 : memref<128x64xf32, #tpu.memory_space<vmem>>) offsets(%dma_start3A_240 : memref<128xi32, #tpu.memory_space<vmem>>) semaphore(%arg9 : memref<!tpu.dma_semaphore, #tpu.memory_space<semaphore_mem>>)
      } else {
      }
      %mul3A_185 = arith.constant 3 : i32
      %mul3A_186 = arith.muli %add3A_141, %mul3A_185 : i32
      %add3A_187 = arith.constant 2 : i32
      %add3A_188 = arith.addi %mul3A_186, %add3A_187 : i32
      %lt3A_189 = arith.cmpi slt, %add3A_188, %select_n3A_26 : i32
      %convert_element_type3A_190 = arith.extui %lt3A_189 : i1 to i32
      %cond3A_191 = arith.constant 0 : i32
      %cond3A_192 = arith.cmpi ne, %convert_element_type3A_190, %cond3A_191 : i32
      scf.if %cond3A_192 {
        %mul3A_208 = arith.constant 2 : i32
        %mul3A_209 = arith.muli %add3A_188, %mul3A_208 : i32
        %add3A_210 = arith.constant 0 : i32
        %add3A_211 = arith.addi %mul3A_209, %add3A_210 : i32
        %dma_wait3A = arith.constant 2 : i32
        %dma_wait3A_212 = arith.constant 0 : i32
        %dma_wait3A_213 = arith.constant 0 : i32
        %dma_wait3A_214 = arith.constant 0 : i32
        %dma_wait3A_215 = tpu.memref_slice %arg8[%dma_wait3A, %dma_wait3A_212, %dma_wait3A_213, %dma_wait3A_214] : memref<3x2x128x64xf32, #tpu.memory_space<vmem>> -> memref<1x1x128x64xf32, #tpu.memory_space<vmem>>
        %dma_wait3A_216 = tpu.memref_squeeze %dma_wait3A_215 : memref<1x1x128x64xf32, #tpu.memory_space<vmem>> -> memref<128x64xf32, #tpu.memory_space<vmem>>
        %dma_wait3A_217 = arith.constant 0 : i32
        %dma_wait3A_218 = tpu.memref_slice %arg6[%add3A_211, %dma_wait3A_217] : memref<80x128xi32, #tpu.memory_space<vmem>> -> memref<1x128xi32, #tpu.memory_space<vmem>>
        %dma_wait3A_219 = tpu.memref_squeeze %dma_wait3A_218 : memref<1x128xi32, #tpu.memory_space<vmem>> -> memref<128xi32, #tpu.memory_space<vmem>>
        %dma_wait3A_220 = arith.constant 0 : i32
        %dma_wait3A_221 = arith.constant 0 : i32
        %dma_wait3A_222 = tpu.memref_slice %arg2[%dma_wait3A_220, %dma_wait3A_221] : memref<10000x64xf32, #tpu.memory_space<hbm>> -> memref<10000x64xf32, #tpu.memory_space<hbm>>
        tpu.wait_indirect_dma semaphore(%arg9 : memref<!tpu.dma_semaphore, #tpu.memory_space<semaphore_mem>>) src(%dma_wait3A_222 : memref<10000x64xf32, #tpu.memory_space<hbm>>) dst(%dma_wait3A_216 : memref<128x64xf32, #tpu.memory_space<vmem>>)
        %mul3A_223 = arith.constant 2 : i32
        %mul3A_224 = arith.muli %add3A_188, %mul3A_223 : i32
        %add3A_225 = arith.constant 1 : i32
        %add3A_226 = arith.addi %mul3A_224, %add3A_225 : i32
        %dma_wait3A_227 = arith.constant 2 : i32
        %dma_wait3A_228 = arith.constant 1 : i32
        %dma_wait3A_229 = arith.constant 0 : i32
        %dma_wait3A_230 = arith.constant 0 : i32
        %dma_wait3A_231 = tpu.memref_slice %arg8[%dma_wait3A_227, %dma_wait3A_228, %dma_wait3A_229, %dma_wait3A_230] : memref<3x2x128x64xf32, #tpu.memory_space<vmem>> -> memref<1x1x128x64xf32, #tpu.memory_space<vmem>>
        %dma_wait3A_232 = tpu.memref_squeeze %dma_wait3A_231 : memref<1x1x128x64xf32, #tpu.memory_space<vmem>> -> memref<128x64xf32, #tpu.memory_space<vmem>>
        %dma_wait3A_233 = arith.constant 0 : i32
        %dma_wait3A_234 = tpu.memref_slice %arg6[%add3A_226, %dma_wait3A_233] : memref<80x128xi32, #tpu.memory_space<vmem>> -> memref<1x128xi32, #tpu.memory_space<vmem>>
        %dma_wait3A_235 = tpu.memref_squeeze %dma_wait3A_234 : memref<1x128xi32, #tpu.memory_space<vmem>> -> memref<128xi32, #tpu.memory_space<vmem>>
        %dma_wait3A_236 = arith.constant 0 : i32
        %dma_wait3A_237 = arith.constant 0 : i32
        %dma_wait3A_238 = tpu.memref_slice %arg2[%dma_wait3A_236, %dma_wait3A_237] : memref<10000x64xf32, #tpu.memory_space<hbm>> -> memref<10000x64xf32, #tpu.memory_space<hbm>>
        tpu.wait_indirect_dma semaphore(%arg9 : memref<!tpu.dma_semaphore, #tpu.memory_space<semaphore_mem>>) src(%dma_wait3A_238 : memref<10000x64xf32, #tpu.memory_space<hbm>>) dst(%dma_wait3A_232 : memref<128x64xf32, #tpu.memory_space<vmem>>)
        %mul3A_239 = arith.constant 2 : i32
        %mul3A_240 = arith.muli %add3A_188, %mul3A_239 : i32
        %add3A_241 = arith.constant 0 : i32
        %add3A_242 = arith.addi %mul3A_240, %add3A_241 : i32
        %dma_start3A_243 = arith.constant 2 : i32
        %dma_start3A_244 = arith.constant 0 : i32
        %dma_start3A_245 = arith.constant 0 : i32
        %dma_start3A_246 = arith.constant 0 : i32
        %dma_start3A_247 = tpu.memref_slice %arg8[%dma_start3A_243, %dma_start3A_244, %dma_start3A_245, %dma_start3A_246] : memref<3x2x128x64xf32, #tpu.memory_space<vmem>> -> memref<1x1x128x64xf32, #tpu.memory_space<vmem>>
        %dma_start3A_248 = tpu.memref_squeeze %dma_start3A_247 : memref<1x1x128x64xf32, #tpu.memory_space<vmem>> -> memref<128x64xf32, #tpu.memory_space<vmem>>
        %dma_start3A_249 = arith.constant 0 : i32
        %dma_start3A_250 = tpu.memref_slice %arg7[%add3A_242, %dma_start3A_249] : memref<80x128xi32, #tpu.memory_space<vmem>> -> memref<1x128xi32, #tpu.memory_space<vmem>>
        %dma_start3A_251 = tpu.memref_squeeze %dma_start3A_250 : memref<1x128xi32, #tpu.memory_space<vmem>> -> memref<128xi32, #tpu.memory_space<vmem>>
        %dma_start3A_252 = arith.constant 0 : i32
        %dma_start3A_253 = arith.constant 0 : i32
        %dma_start3A_254 = tpu.memref_slice %arg11[%dma_start3A_252, %dma_start3A_253] : memref<10240x64xf32, #tpu.memory_space<vmem_shared>> -> memref<10240x64xf32, #tpu.memory_space<vmem_shared>>
        tpu.enqueue_indirect_dma source(%dma_start3A_248 : memref<128x64xf32, #tpu.memory_space<vmem>>) target(%dma_start3A_254 : memref<10240x64xf32, #tpu.memory_space<vmem_shared>>) offsets(%dma_start3A_251 : memref<128xi32, #tpu.memory_space<vmem>>) semaphore(%arg10 : memref<!tpu.dma_semaphore, #tpu.memory_space<semaphore_mem>>) {add = true}
        %mul3A_255 = arith.constant 2 : i32
        %mul3A_256 = arith.muli %add3A_188, %mul3A_255 : i32
        %add3A_257 = arith.constant 1 : i32
        %add3A_258 = arith.addi %mul3A_256, %add3A_257 : i32
        %dma_start3A_259 = arith.constant 2 : i32
        %dma_start3A_260 = arith.constant 1 : i32
        %dma_start3A_261 = arith.constant 0 : i32
        %dma_start3A_262 = arith.constant 0 : i32
        %dma_start3A_263 = tpu.memref_slice %arg8[%dma_start3A_259, %dma_start3A_260, %dma_start3A_261, %dma_start3A_262] : memref<3x2x128x64xf32, #tpu.memory_space<vmem>> -> memref<1x1x128x64xf32, #tpu.memory_space<vmem>>
        %dma_start3A_264 = tpu.memref_squeeze %dma_start3A_263 : memref<1x1x128x64xf32, #tpu.memory_space<vmem>> -> memref<128x64xf32, #tpu.memory_space<vmem>>
        %dma_start3A_265 = arith.constant 0 : i32
        %dma_start3A_266 = tpu.memref_slice %arg7[%add3A_258, %dma_start3A_265] : memref<80x128xi32, #tpu.memory_space<vmem>> -> memref<1x128xi32, #tpu.memory_space<vmem>>
        %dma_start3A_267 = tpu.memref_squeeze %dma_start3A_266 : memref<1x128xi32, #tpu.memory_space<vmem>> -> memref<128xi32, #tpu.memory_space<vmem>>
        %dma_start3A_268 = arith.constant 0 : i32
        %dma_start3A_269 = arith.constant 0 : i32
        %dma_start3A_270 = tpu.memref_slice %arg11[%dma_start3A_268, %dma_start3A_269] : memref<10240x64xf32, #tpu.memory_space<vmem_shared>> -> memref<10240x64xf32, #tpu.memory_space<vmem_shared>>
        tpu.enqueue_indirect_dma source(%dma_start3A_264 : memref<128x64xf32, #tpu.memory_space<vmem>>) target(%dma_start3A_270 : memref<10240x64xf32, #tpu.memory_space<vmem_shared>>) offsets(%dma_start3A_267 : memref<128xi32, #tpu.memory_space<vmem>>) semaphore(%arg10 : memref<!tpu.dma_semaphore, #tpu.memory_space<semaphore_mem>>) {add = true}
      } else {
      }
      %ge3A_193 = arith.constant 1 : i32
      %ge3A_194 = arith.cmpi sge, %add3A_188, %ge3A_193 : i32
      %le3A_195 = arith.cmpi sle, %add3A_188, %select_n3A_26 : i32
      %and3A_196 = arith.andi %ge3A_194, %le3A_195 : i1
      %convert_element_type3A_197 = arith.extui %and3A_196 : i1 to i32
      %cond3A_198 = arith.constant 0 : i32
      %cond3A_199 = arith.cmpi ne, %convert_element_type3A_197, %cond3A_198 : i32
      scf.if %cond3A_199 {
        %sub3A_208 = arith.constant 1 : i32
        %sub3A_209 = arith.subi %add3A_188, %sub3A_208 : i32
        %mul3A_210 = arith.constant 2 : i32
        %mul3A_211 = arith.muli %sub3A_209, %mul3A_210 : i32
        %add3A_212 = arith.constant 0 : i32
        %add3A_213 = arith.addi %mul3A_211, %add3A_212 : i32
        %dma_wait3A = arith.constant 1 : i32
        %dma_wait3A_214 = arith.constant 0 : i32
        %dma_wait3A_215 = arith.constant 0 : i32
        %dma_wait3A_216 = arith.constant 0 : i32
        %dma_wait3A_217 = tpu.memref_slice %arg8[%dma_wait3A, %dma_wait3A_214, %dma_wait3A_215, %dma_wait3A_216] : memref<3x2x128x64xf32, #tpu.memory_space<vmem>> -> memref<1x1x128x64xf32, #tpu.memory_space<vmem>>
        %dma_wait3A_218 = tpu.memref_squeeze %dma_wait3A_217 : memref<1x1x128x64xf32, #tpu.memory_space<vmem>> -> memref<128x64xf32, #tpu.memory_space<vmem>>
        %dma_wait3A_219 = arith.constant 0 : i32
        %dma_wait3A_220 = tpu.memref_slice %arg7[%add3A_213, %dma_wait3A_219] : memref<80x128xi32, #tpu.memory_space<vmem>> -> memref<1x128xi32, #tpu.memory_space<vmem>>
        %dma_wait3A_221 = tpu.memref_squeeze %dma_wait3A_220 : memref<1x128xi32, #tpu.memory_space<vmem>> -> memref<128xi32, #tpu.memory_space<vmem>>
        %dma_wait3A_222 = arith.constant 0 : i32
        %dma_wait3A_223 = arith.constant 0 : i32
        %dma_wait3A_224 = tpu.memref_slice %arg11[%dma_wait3A_222, %dma_wait3A_223] : memref<10240x64xf32, #tpu.memory_space<vmem_shared>> -> memref<10240x64xf32, #tpu.memory_space<vmem_shared>>
        tpu.wait_indirect_dma semaphore(%arg10 : memref<!tpu.dma_semaphore, #tpu.memory_space<semaphore_mem>>) src(%dma_wait3A_218 : memref<128x64xf32, #tpu.memory_space<vmem>>) dst(%dma_wait3A_224 : memref<10240x64xf32, #tpu.memory_space<vmem_shared>>)
        %mul3A_225 = arith.constant 2 : i32
        %mul3A_226 = arith.muli %sub3A_209, %mul3A_225 : i32
        %add3A_227 = arith.constant 1 : i32
        %add3A_228 = arith.addi %mul3A_226, %add3A_227 : i32
        %dma_wait3A_229 = arith.constant 1 : i32
        %dma_wait3A_230 = arith.constant 1 : i32
        %dma_wait3A_231 = arith.constant 0 : i32
        %dma_wait3A_232 = arith.constant 0 : i32
        %dma_wait3A_233 = tpu.memref_slice %arg8[%dma_wait3A_229, %dma_wait3A_230, %dma_wait3A_231, %dma_wait3A_232] : memref<3x2x128x64xf32, #tpu.memory_space<vmem>> -> memref<1x1x128x64xf32, #tpu.memory_space<vmem>>
        %dma_wait3A_234 = tpu.memref_squeeze %dma_wait3A_233 : memref<1x1x128x64xf32, #tpu.memory_space<vmem>> -> memref<128x64xf32, #tpu.memory_space<vmem>>
        %dma_wait3A_235 = arith.constant 0 : i32
        %dma_wait3A_236 = tpu.memref_slice %arg7[%add3A_228, %dma_wait3A_235] : memref<80x128xi32, #tpu.memory_space<vmem>> -> memref<1x128xi32, #tpu.memory_space<vmem>>
        %dma_wait3A_237 = tpu.memref_squeeze %dma_wait3A_236 : memref<1x128xi32, #tpu.memory_space<vmem>> -> memref<128xi32, #tpu.memory_space<vmem>>
        %dma_wait3A_238 = arith.constant 0 : i32
        %dma_wait3A_239 = arith.constant 0 : i32
        %dma_wait3A_240 = tpu.memref_slice %arg11[%dma_wait3A_238, %dma_wait3A_239] : memref<10240x64xf32, #tpu.memory_space<vmem_shared>> -> memref<10240x64xf32, #tpu.memory_space<vmem_shared>>
        tpu.wait_indirect_dma semaphore(%arg10 : memref<!tpu.dma_semaphore, #tpu.memory_space<semaphore_mem>>) src(%dma_wait3A_234 : memref<128x64xf32, #tpu.memory_space<vmem>>) dst(%dma_wait3A_240 : memref<10240x64xf32, #tpu.memory_space<vmem_shared>>)
      } else {
      }
      %add3A_200 = arith.constant 3 : i32
      %add3A_201 = arith.addi %add3A_188, %add3A_200 : i32
      %sub3A_202 = arith.constant 1 : i32
      %sub3A_203 = arith.subi %add3A_201, %sub3A_202 : i32
      %lt3A_204 = arith.cmpi slt, %sub3A_203, %select_n3A_26 : i32
      %convert_element_type3A_205 = arith.extui %lt3A_204 : i1 to i32
      %cond3A_206 = arith.constant 0 : i32
      %cond3A_207 = arith.cmpi ne, %convert_element_type3A_205, %cond3A_206 : i32
      scf.if %cond3A_207 {
        %add3A_208 = arith.constant 3 : i32
        %add3A_209 = arith.addi %add3A_188, %add3A_208 : i32
        %sub3A_210 = arith.constant 1 : i32
        %sub3A_211 = arith.subi %add3A_209, %sub3A_210 : i32
        %mul3A_212 = arith.constant 2 : i32
        %mul3A_213 = arith.muli %sub3A_211, %mul3A_212 : i32
        %add3A_214 = arith.constant 0 : i32
        %add3A_215 = arith.addi %mul3A_213, %add3A_214 : i32
        %dma_start3A_216 = arith.constant 1 : i32
        %dma_start3A_217 = arith.constant 0 : i32
        %dma_start3A_218 = arith.constant 0 : i32
        %dma_start3A_219 = arith.constant 0 : i32
        %dma_start3A_220 = tpu.memref_slice %arg8[%dma_start3A_216, %dma_start3A_217, %dma_start3A_218, %dma_start3A_219] : memref<3x2x128x64xf32, #tpu.memory_space<vmem>> -> memref<1x1x128x64xf32, #tpu.memory_space<vmem>>
        %dma_start3A_221 = tpu.memref_squeeze %dma_start3A_220 : memref<1x1x128x64xf32, #tpu.memory_space<vmem>> -> memref<128x64xf32, #tpu.memory_space<vmem>>
        %dma_start3A_222 = arith.constant 0 : i32
        %dma_start3A_223 = tpu.memref_slice %arg6[%add3A_215, %dma_start3A_222] : memref<80x128xi32, #tpu.memory_space<vmem>> -> memref<1x128xi32, #tpu.memory_space<vmem>>
        %dma_start3A_224 = tpu.memref_squeeze %dma_start3A_223 : memref<1x128xi32, #tpu.memory_space<vmem>> -> memref<128xi32, #tpu.memory_space<vmem>>
        %dma_start3A_225 = arith.constant 0 : i32
        %dma_start3A_226 = arith.constant 0 : i32
        %dma_start3A_227 = tpu.memref_slice %arg2[%dma_start3A_225, %dma_start3A_226] : memref<10000x64xf32, #tpu.memory_space<hbm>> -> memref<10000x64xf32, #tpu.memory_space<hbm>>
        tpu.enqueue_indirect_dma source(%dma_start3A_227 : memref<10000x64xf32, #tpu.memory_space<hbm>>) target(%dma_start3A_221 : memref<128x64xf32, #tpu.memory_space<vmem>>) offsets(%dma_start3A_224 : memref<128xi32, #tpu.memory_space<vmem>>) semaphore(%arg9 : memref<!tpu.dma_semaphore, #tpu.memory_space<semaphore_mem>>)
        %mul3A_228 = arith.constant 2 : i32
        %mul3A_229 = arith.muli %sub3A_211, %mul3A_228 : i32
        %add3A_230 = arith.constant 1 : i32
        %add3A_231 = arith.addi %mul3A_229, %add3A_230 : i32
        %dma_start3A_232 = arith.constant 1 : i32
        %dma_start3A_233 = arith.constant 1 : i32
        %dma_start3A_234 = arith.constant 0 : i32
        %dma_start3A_235 = arith.constant 0 : i32
        %dma_start3A_236 = tpu.memref_slice %arg8[%dma_start3A_232, %dma_start3A_233, %dma_start3A_234, %dma_start3A_235] : memref<3x2x128x64xf32, #tpu.memory_space<vmem>> -> memref<1x1x128x64xf32, #tpu.memory_space<vmem>>
        %dma_start3A_237 = tpu.memref_squeeze %dma_start3A_236 : memref<1x1x128x64xf32, #tpu.memory_space<vmem>> -> memref<128x64xf32, #tpu.memory_space<vmem>>
        %dma_start3A_238 = arith.constant 0 : i32
        %dma_start3A_239 = tpu.memref_slice %arg6[%add3A_231, %dma_start3A_238] : memref<80x128xi32, #tpu.memory_space<vmem>> -> memref<1x128xi32, #tpu.memory_space<vmem>>
        %dma_start3A_240 = tpu.memref_squeeze %dma_start3A_239 : memref<1x128xi32, #tpu.memory_space<vmem>> -> memref<128xi32, #tpu.memory_space<vmem>>
        %dma_start3A_241 = arith.constant 0 : i32
        %dma_start3A_242 = arith.constant 0 : i32
        %dma_start3A_243 = tpu.memref_slice %arg2[%dma_start3A_241, %dma_start3A_242] : memref<10000x64xf32, #tpu.memory_space<hbm>> -> memref<10000x64xf32, #tpu.memory_space<hbm>>
        tpu.enqueue_indirect_dma source(%dma_start3A_243 : memref<10000x64xf32, #tpu.memory_space<hbm>>) target(%dma_start3A_237 : memref<128x64xf32, #tpu.memory_space<vmem>>) offsets(%dma_start3A_240 : memref<128xi32, #tpu.memory_space<vmem>>) semaphore(%arg9 : memref<!tpu.dma_semaphore, #tpu.memory_space<semaphore_mem>>)
      } else {
      }
    }
    %while3A_130 = arith.constant 1 : i32
    scf.for %while3A_139 = %while3A_128 to %while3A_124 step %while3A_130  : i32 {
      %mul3A_140 = arith.muli %while3A_139, %while3A : i32
      %add3A_141 = arith.addi %while3A_121, %mul3A_140 : i32
      %mul3A_142 = arith.constant 3 : i32
      %mul3A_143 = arith.muli %add3A_141, %mul3A_142 : i32
      %add3A_144 = arith.constant 0 : i32
      %add3A_145 = arith.addi %mul3A_143, %add3A_144 : i32
      %lt3A = arith.cmpi slt, %add3A_145, %select_n3A_26 : i32
      %convert_element_type3A_146 = arith.extui %lt3A : i1 to i32
      %cond3A_147 = arith.constant 0 : i32
      %cond3A_148 = arith.cmpi ne, %convert_element_type3A_146, %cond3A_147 : i32
      scf.if %cond3A_148 {
        %mul3A_208 = arith.constant 2 : i32
        %mul3A_209 = arith.muli %add3A_145, %mul3A_208 : i32
        %add3A_210 = arith.constant 0 : i32
        %add3A_211 = arith.addi %mul3A_209, %add3A_210 : i32
        %dma_wait3A = arith.constant 0 : i32
        %dma_wait3A_212 = arith.constant 0 : i32
        %dma_wait3A_213 = arith.constant 0 : i32
        %dma_wait3A_214 = arith.constant 0 : i32
        %dma_wait3A_215 = tpu.memref_slice %arg8[%dma_wait3A, %dma_wait3A_212, %dma_wait3A_213, %dma_wait3A_214] : memref<3x2x128x64xf32, #tpu.memory_space<vmem>> -> memref<1x1x128x64xf32, #tpu.memory_space<vmem>>
        %dma_wait3A_216 = tpu.memref_squeeze %dma_wait3A_215 : memref<1x1x128x64xf32, #tpu.memory_space<vmem>> -> memref<128x64xf32, #tpu.memory_space<vmem>>
        %dma_wait3A_217 = arith.constant 0 : i32
        %dma_wait3A_218 = tpu.memref_slice %arg6[%add3A_211, %dma_wait3A_217] : memref<80x128xi32, #tpu.memory_space<vmem>> -> memref<1x128xi32, #tpu.memory_space<vmem>>
        %dma_wait3A_219 = tpu.memref_squeeze %dma_wait3A_218 : memref<1x128xi32, #tpu.memory_space<vmem>> -> memref<128xi32, #tpu.memory_space<vmem>>
        %dma_wait3A_220 = arith.constant 0 : i32
        %dma_wait3A_221 = arith.constant 0 : i32
        %dma_wait3A_222 = tpu.memref_slice %arg2[%dma_wait3A_220, %dma_wait3A_221] : memref<10000x64xf32, #tpu.memory_space<hbm>> -> memref<10000x64xf32, #tpu.memory_space<hbm>>
        tpu.wait_indirect_dma semaphore(%arg9 : memref<!tpu.dma_semaphore, #tpu.memory_space<semaphore_mem>>) src(%dma_wait3A_222 : memref<10000x64xf32, #tpu.memory_space<hbm>>) dst(%dma_wait3A_216 : memref<128x64xf32, #tpu.memory_space<vmem>>)
        %mul3A_223 = arith.constant 2 : i32
        %mul3A_224 = arith.muli %add3A_145, %mul3A_223 : i32
        %add3A_225 = arith.constant 1 : i32
        %add3A_226 = arith.addi %mul3A_224, %add3A_225 : i32
        %dma_wait3A_227 = arith.constant 0 : i32
        %dma_wait3A_228 = arith.constant 1 : i32
        %dma_wait3A_229 = arith.constant 0 : i32
        %dma_wait3A_230 = arith.constant 0 : i32
        %dma_wait3A_231 = tpu.memref_slice %arg8[%dma_wait3A_227, %dma_wait3A_228, %dma_wait3A_229, %dma_wait3A_230] : memref<3x2x128x64xf32, #tpu.memory_space<vmem>> -> memref<1x1x128x64xf32, #tpu.memory_space<vmem>>
        %dma_wait3A_232 = tpu.memref_squeeze %dma_wait3A_231 : memref<1x1x128x64xf32, #tpu.memory_space<vmem>> -> memref<128x64xf32, #tpu.memory_space<vmem>>
        %dma_wait3A_233 = arith.constant 0 : i32
        %dma_wait3A_234 = tpu.memref_slice %arg6[%add3A_226, %dma_wait3A_233] : memref<80x128xi32, #tpu.memory_space<vmem>> -> memref<1x128xi32, #tpu.memory_space<vmem>>
        %dma_wait3A_235 = tpu.memref_squeeze %dma_wait3A_234 : memref<1x128xi32, #tpu.memory_space<vmem>> -> memref<128xi32, #tpu.memory_space<vmem>>
        %dma_wait3A_236 = arith.constant 0 : i32
        %dma_wait3A_237 = arith.constant 0 : i32
        %dma_wait3A_238 = tpu.memref_slice %arg2[%dma_wait3A_236, %dma_wait3A_237] : memref<10000x64xf32, #tpu.memory_space<hbm>> -> memref<10000x64xf32, #tpu.memory_space<hbm>>
        tpu.wait_indirect_dma semaphore(%arg9 : memref<!tpu.dma_semaphore, #tpu.memory_space<semaphore_mem>>) src(%dma_wait3A_238 : memref<10000x64xf32, #tpu.memory_space<hbm>>) dst(%dma_wait3A_232 : memref<128x64xf32, #tpu.memory_space<vmem>>)
        %mul3A_239 = arith.constant 2 : i32
        %mul3A_240 = arith.muli %add3A_145, %mul3A_239 : i32
        %add3A_241 = arith.constant 0 : i32
        %add3A_242 = arith.addi %mul3A_240, %add3A_241 : i32
        %dma_start3A_243 = arith.constant 0 : i32
        %dma_start3A_244 = arith.constant 0 : i32
        %dma_start3A_245 = arith.constant 0 : i32
        %dma_start3A_246 = arith.constant 0 : i32
        %dma_start3A_247 = tpu.memref_slice %arg8[%dma_start3A_243, %dma_start3A_244, %dma_start3A_245, %dma_start3A_246] : memref<3x2x128x64xf32, #tpu.memory_space<vmem>> -> memref<1x1x128x64xf32, #tpu.memory_space<vmem>>
        %dma_start3A_248 = tpu.memref_squeeze %dma_start3A_247 : memref<1x1x128x64xf32, #tpu.memory_space<vmem>> -> memref<128x64xf32, #tpu.memory_space<vmem>>
        %dma_start3A_249 = arith.constant 0 : i32
        %dma_start3A_250 = tpu.memref_slice %arg7[%add3A_242, %dma_start3A_249] : memref<80x128xi32, #tpu.memory_space<vmem>> -> memref<1x128xi32, #tpu.memory_space<vmem>>
        %dma_start3A_251 = tpu.memref_squeeze %dma_start3A_250 : memref<1x128xi32, #tpu.memory_space<vmem>> -> memref<128xi32, #tpu.memory_space<vmem>>
        %dma_start3A_252 = arith.constant 0 : i32
        %dma_start3A_253 = arith.constant 0 : i32
        %dma_start3A_254 = tpu.memref_slice %arg11[%dma_start3A_252, %dma_start3A_253] : memref<10240x64xf32, #tpu.memory_space<vmem_shared>> -> memref<10240x64xf32, #tpu.memory_space<vmem_shared>>
        tpu.enqueue_indirect_dma source(%dma_start3A_248 : memref<128x64xf32, #tpu.memory_space<vmem>>) target(%dma_start3A_254 : memref<10240x64xf32, #tpu.memory_space<vmem_shared>>) offsets(%dma_start3A_251 : memref<128xi32, #tpu.memory_space<vmem>>) semaphore(%arg10 : memref<!tpu.dma_semaphore, #tpu.memory_space<semaphore_mem>>) {add = true}
        %mul3A_255 = arith.constant 2 : i32
        %mul3A_256 = arith.muli %add3A_145, %mul3A_255 : i32
        %add3A_257 = arith.constant 1 : i32
        %add3A_258 = arith.addi %mul3A_256, %add3A_257 : i32
        %dma_start3A_259 = arith.constant 0 : i32
        %dma_start3A_260 = arith.constant 1 : i32
        %dma_start3A_261 = arith.constant 0 : i32
        %dma_start3A_262 = arith.constant 0 : i32
        %dma_start3A_263 = tpu.memref_slice %arg8[%dma_start3A_259, %dma_start3A_260, %dma_start3A_261, %dma_start3A_262] : memref<3x2x128x64xf32, #tpu.memory_space<vmem>> -> memref<1x1x128x64xf32, #tpu.memory_space<vmem>>
        %dma_start3A_264 = tpu.memref_squeeze %dma_start3A_263 : memref<1x1x128x64xf32, #tpu.memory_space<vmem>> -> memref<128x64xf32, #tpu.memory_space<vmem>>
        %dma_start3A_265 = arith.constant 0 : i32
        %dma_start3A_266 = tpu.memref_slice %arg7[%add3A_258, %dma_start3A_265] : memref<80x128xi32, #tpu.memory_space<vmem>> -> memref<1x128xi32, #tpu.memory_space<vmem>>
        %dma_start3A_267 = tpu.memref_squeeze %dma_start3A_266 : memref<1x128xi32, #tpu.memory_space<vmem>> -> memref<128xi32, #tpu.memory_space<vmem>>
        %dma_start3A_268 = arith.constant 0 : i32
        %dma_start3A_269 = arith.constant 0 : i32
        %dma_start3A_270 = tpu.memref_slice %arg11[%dma_start3A_268, %dma_start3A_269] : memref<10240x64xf32, #tpu.memory_space<vmem_shared>> -> memref<10240x64xf32, #tpu.memory_space<vmem_shared>>
        tpu.enqueue_indirect_dma source(%dma_start3A_264 : memref<128x64xf32, #tpu.memory_space<vmem>>) target(%dma_start3A_270 : memref<10240x64xf32, #tpu.memory_space<vmem_shared>>) offsets(%dma_start3A_267 : memref<128xi32, #tpu.memory_space<vmem>>) semaphore(%arg10 : memref<!tpu.dma_semaphore, #tpu.memory_space<semaphore_mem>>) {add = true}
      } else {
      }
      %ge3A = arith.constant 1 : i32
      %ge3A_149 = arith.cmpi sge, %add3A_145, %ge3A : i32
      %le3A = arith.cmpi sle, %add3A_145, %select_n3A_26 : i32
      %and3A_150 = arith.andi %ge3A_149, %le3A : i1
      %convert_element_type3A_151 = arith.extui %and3A_150 : i1 to i32
      %cond3A_152 = arith.constant 0 : i32
      %cond3A_153 = arith.cmpi ne, %convert_element_type3A_151, %cond3A_152 : i32
      scf.if %cond3A_153 {
        %sub3A_208 = arith.constant 1 : i32
        %sub3A_209 = arith.subi %add3A_145, %sub3A_208 : i32
        %mul3A_210 = arith.constant 2 : i32
        %mul3A_211 = arith.muli %sub3A_209, %mul3A_210 : i32
        %add3A_212 = arith.constant 0 : i32
        %add3A_213 = arith.addi %mul3A_211, %add3A_212 : i32
        %dma_wait3A = arith.constant 2 : i32
        %dma_wait3A_214 = arith.constant 0 : i32
        %dma_wait3A_215 = arith.constant 0 : i32
        %dma_wait3A_216 = arith.constant 0 : i32
        %dma_wait3A_217 = tpu.memref_slice %arg8[%dma_wait3A, %dma_wait3A_214, %dma_wait3A_215, %dma_wait3A_216] : memref<3x2x128x64xf32, #tpu.memory_space<vmem>> -> memref<1x1x128x64xf32, #tpu.memory_space<vmem>>
        %dma_wait3A_218 = tpu.memref_squeeze %dma_wait3A_217 : memref<1x1x128x64xf32, #tpu.memory_space<vmem>> -> memref<128x64xf32, #tpu.memory_space<vmem>>
        %dma_wait3A_219 = arith.constant 0 : i32
        %dma_wait3A_220 = tpu.memref_slice %arg7[%add3A_213, %dma_wait3A_219] : memref<80x128xi32, #tpu.memory_space<vmem>> -> memref<1x128xi32, #tpu.memory_space<vmem>>
        %dma_wait3A_221 = tpu.memref_squeeze %dma_wait3A_220 : memref<1x128xi32, #tpu.memory_space<vmem>> -> memref<128xi32, #tpu.memory_space<vmem>>
        %dma_wait3A_222 = arith.constant 0 : i32
        %dma_wait3A_223 = arith.constant 0 : i32
        %dma_wait3A_224 = tpu.memref_slice %arg11[%dma_wait3A_222, %dma_wait3A_223] : memref<10240x64xf32, #tpu.memory_space<vmem_shared>> -> memref<10240x64xf32, #tpu.memory_space<vmem_shared>>
        tpu.wait_indirect_dma semaphore(%arg10 : memref<!tpu.dma_semaphore, #tpu.memory_space<semaphore_mem>>) src(%dma_wait3A_218 : memref<128x64xf32, #tpu.memory_space<vmem>>) dst(%dma_wait3A_224 : memref<10240x64xf32, #tpu.memory_space<vmem_shared>>)
        %mul3A_225 = arith.constant 2 : i32
        %mul3A_226 = arith.muli %sub3A_209, %mul3A_225 : i32
        %add3A_227 = arith.constant 1 : i32
        %add3A_228 = arith.addi %mul3A_226, %add3A_227 : i32
        %dma_wait3A_229 = arith.constant 2 : i32
        %dma_wait3A_230 = arith.constant 1 : i32
        %dma_wait3A_231 = arith.constant 0 : i32
        %dma_wait3A_232 = arith.constant 0 : i32
        %dma_wait3A_233 = tpu.memref_slice %arg8[%dma_wait3A_229, %dma_wait3A_230, %dma_wait3A_231, %dma_wait3A_232] : memref<3x2x128x64xf32, #tpu.memory_space<vmem>> -> memref<1x1x128x64xf32, #tpu.memory_space<vmem>>
        %dma_wait3A_234 = tpu.memref_squeeze %dma_wait3A_233 : memref<1x1x128x64xf32, #tpu.memory_space<vmem>> -> memref<128x64xf32, #tpu.memory_space<vmem>>
        %dma_wait3A_235 = arith.constant 0 : i32
        %dma_wait3A_236 = tpu.memref_slice %arg7[%add3A_228, %dma_wait3A_235] : memref<80x128xi32, #tpu.memory_space<vmem>> -> memref<1x128xi32, #tpu.memory_space<vmem>>
        %dma_wait3A_237 = tpu.memref_squeeze %dma_wait3A_236 : memref<1x128xi32, #tpu.memory_space<vmem>> -> memref<128xi32, #tpu.memory_space<vmem>>
        %dma_wait3A_238 = arith.constant 0 : i32
        %dma_wait3A_239 = arith.constant 0 : i32
        %dma_wait3A_240 = tpu.memref_slice %arg11[%dma_wait3A_238, %dma_wait3A_239] : memref<10240x64xf32, #tpu.memory_space<vmem_shared>> -> memref<10240x64xf32, #tpu.memory_space<vmem_shared>>
        tpu.wait_indirect_dma semaphore(%arg10 : memref<!tpu.dma_semaphore, #tpu.memory_space<semaphore_mem>>) src(%dma_wait3A_234 : memref<128x64xf32, #tpu.memory_space<vmem>>) dst(%dma_wait3A_240 : memref<10240x64xf32, #tpu.memory_space<vmem_shared>>)
      } else {
      }
      %add3A_154 = arith.constant 3 : i32
      %add3A_155 = arith.addi %add3A_145, %add3A_154 : i32
      %sub3A_156 = arith.constant 1 : i32
      %sub3A_157 = arith.subi %add3A_155, %sub3A_156 : i32
      %lt3A_158 = arith.cmpi slt, %sub3A_157, %select_n3A_26 : i32
      %convert_element_type3A_159 = arith.extui %lt3A_158 : i1 to i32
      %cond3A_160 = arith.constant 0 : i32
      %cond3A_161 = arith.cmpi ne, %convert_element_type3A_159, %cond3A_160 : i32
      scf.if %cond3A_161 {
        %add3A_208 = arith.constant 3 : i32
        %add3A_209 = arith.addi %add3A_145, %add3A_208 : i32
        %sub3A_210 = arith.constant 1 : i32
        %sub3A_211 = arith.subi %add3A_209, %sub3A_210 : i32
        %mul3A_212 = arith.constant 2 : i32
        %mul3A_213 = arith.muli %sub3A_211, %mul3A_212 : i32
        %add3A_214 = arith.constant 0 : i32
        %add3A_215 = arith.addi %mul3A_213, %add3A_214 : i32
        %dma_start3A_216 = arith.constant 2 : i32
        %dma_start3A_217 = arith.constant 0 : i32
        %dma_start3A_218 = arith.constant 0 : i32
        %dma_start3A_219 = arith.constant 0 : i32
        %dma_start3A_220 = tpu.memref_slice %arg8[%dma_start3A_216, %dma_start3A_217, %dma_start3A_218, %dma_start3A_219] : memref<3x2x128x64xf32, #tpu.memory_space<vmem>> -> memref<1x1x128x64xf32, #tpu.memory_space<vmem>>
        %dma_start3A_221 = tpu.memref_squeeze %dma_start3A_220 : memref<1x1x128x64xf32, #tpu.memory_space<vmem>> -> memref<128x64xf32, #tpu.memory_space<vmem>>
        %dma_start3A_222 = arith.constant 0 : i32
        %dma_start3A_223 = tpu.memref_slice %arg6[%add3A_215, %dma_start3A_222] : memref<80x128xi32, #tpu.memory_space<vmem>> -> memref<1x128xi32, #tpu.memory_space<vmem>>
        %dma_start3A_224 = tpu.memref_squeeze %dma_start3A_223 : memref<1x128xi32, #tpu.memory_space<vmem>> -> memref<128xi32, #tpu.memory_space<vmem>>
        %dma_start3A_225 = arith.constant 0 : i32
        %dma_start3A_226 = arith.constant 0 : i32
        %dma_start3A_227 = tpu.memref_slice %arg2[%dma_start3A_225, %dma_start3A_226] : memref<10000x64xf32, #tpu.memory_space<hbm>> -> memref<10000x64xf32, #tpu.memory_space<hbm>>
        tpu.enqueue_indirect_dma source(%dma_start3A_227 : memref<10000x64xf32, #tpu.memory_space<hbm>>) target(%dma_start3A_221 : memref<128x64xf32, #tpu.memory_space<vmem>>) offsets(%dma_start3A_224 : memref<128xi32, #tpu.memory_space<vmem>>) semaphore(%arg9 : memref<!tpu.dma_semaphore, #tpu.memory_space<semaphore_mem>>)
        %mul3A_228 = arith.constant 2 : i32
        %mul3A_229 = arith.muli %sub3A_211, %mul3A_228 : i32
        %add3A_230 = arith.constant 1 : i32
        %add3A_231 = arith.addi %mul3A_229, %add3A_230 : i32
        %dma_start3A_232 = arith.constant 2 : i32
        %dma_start3A_233 = arith.constant 1 : i32
        %dma_start3A_234 = arith.constant 0 : i32
        %dma_start3A_235 = arith.constant 0 : i32
        %dma_start3A_236 = tpu.memref_slice %arg8[%dma_start3A_232, %dma_start3A_233, %dma_start3A_234, %dma_start3A_235] : memref<3x2x128x64xf32, #tpu.memory_space<vmem>> -> memref<1x1x128x64xf32, #tpu.memory_space<vmem>>
        %dma_start3A_237 = tpu.memref_squeeze %dma_start3A_236 : memref<1x1x128x64xf32, #tpu.memory_space<vmem>> -> memref<128x64xf32, #tpu.memory_space<vmem>>
        %dma_start3A_238 = arith.constant 0 : i32
        %dma_start3A_239 = tpu.memref_slice %arg6[%add3A_231, %dma_start3A_238] : memref<80x128xi32, #tpu.memory_space<vmem>> -> memref<1x128xi32, #tpu.memory_space<vmem>>
        %dma_start3A_240 = tpu.memref_squeeze %dma_start3A_239 : memref<1x128xi32, #tpu.memory_space<vmem>> -> memref<128xi32, #tpu.memory_space<vmem>>
        %dma_start3A_241 = arith.constant 0 : i32
        %dma_start3A_242 = arith.constant 0 : i32
        %dma_start3A_243 = tpu.memref_slice %arg2[%dma_start3A_241, %dma_start3A_242] : memref<10000x64xf32, #tpu.memory_space<hbm>> -> memref<10000x64xf32, #tpu.memory_space<hbm>>
        tpu.enqueue_indirect_dma source(%dma_start3A_243 : memref<10000x64xf32, #tpu.memory_space<hbm>>) target(%dma_start3A_237 : memref<128x64xf32, #tpu.memory_space<vmem>>) offsets(%dma_start3A_240 : memref<128xi32, #tpu.memory_space<vmem>>) semaphore(%arg9 : memref<!tpu.dma_semaphore, #tpu.memory_space<semaphore_mem>>)
      } else {
      }
      %mul3A_162 = arith.constant 3 : i32
      %mul3A_163 = arith.muli %add3A_141, %mul3A_162 : i32
      %add3A_164 = arith.constant 1 : i32
      %add3A_165 = arith.addi %mul3A_163, %add3A_164 : i32
      %lt3A_166 = arith.cmpi slt, %add3A_165, %select_n3A_26 : i32
      %convert_element_type3A_167 = arith.extui %lt3A_166 : i1 to i32
      %cond3A_168 = arith.constant 0 : i32
      %cond3A_169 = arith.cmpi ne, %convert_element_type3A_167, %cond3A_168 : i32
      scf.if %cond3A_169 {
        %mul3A_208 = arith.constant 2 : i32
        %mul3A_209 = arith.muli %add3A_165, %mul3A_208 : i32
        %add3A_210 = arith.constant 0 : i32
        %add3A_211 = arith.addi %mul3A_209, %add3A_210 : i32
        %dma_wait3A = arith.constant 1 : i32
        %dma_wait3A_212 = arith.constant 0 : i32
        %dma_wait3A_213 = arith.constant 0 : i32
        %dma_wait3A_214 = arith.constant 0 : i32
        %dma_wait3A_215 = tpu.memref_slice %arg8[%dma_wait3A, %dma_wait3A_212, %dma_wait3A_213, %dma_wait3A_214] : memref<3x2x128x64xf32, #tpu.memory_space<vmem>> -> memref<1x1x128x64xf32, #tpu.memory_space<vmem>>
        %dma_wait3A_216 = tpu.memref_squeeze %dma_wait3A_215 : memref<1x1x128x64xf32, #tpu.memory_space<vmem>> -> memref<128x64xf32, #tpu.memory_space<vmem>>
        %dma_wait3A_217 = arith.constant 0 : i32
        %dma_wait3A_218 = tpu.memref_slice %arg6[%add3A_211, %dma_wait3A_217] : memref<80x128xi32, #tpu.memory_space<vmem>> -> memref<1x128xi32, #tpu.memory_space<vmem>>
        %dma_wait3A_219 = tpu.memref_squeeze %dma_wait3A_218 : memref<1x128xi32, #tpu.memory_space<vmem>> -> memref<128xi32, #tpu.memory_space<vmem>>
        %dma_wait3A_220 = arith.constant 0 : i32
        %dma_wait3A_221 = arith.constant 0 : i32
        %dma_wait3A_222 = tpu.memref_slice %arg2[%dma_wait3A_220, %dma_wait3A_221] : memref<10000x64xf32, #tpu.memory_space<hbm>> -> memref<10000x64xf32, #tpu.memory_space<hbm>>
        tpu.wait_indirect_dma semaphore(%arg9 : memref<!tpu.dma_semaphore, #tpu.memory_space<semaphore_mem>>) src(%dma_wait3A_222 : memref<10000x64xf32, #tpu.memory_space<hbm>>) dst(%dma_wait3A_216 : memref<128x64xf32, #tpu.memory_space<vmem>>)
        %mul3A_223 = arith.constant 2 : i32
        %mul3A_224 = arith.muli %add3A_165, %mul3A_223 : i32
        %add3A_225 = arith.constant 1 : i32
        %add3A_226 = arith.addi %mul3A_224, %add3A_225 : i32
        %dma_wait3A_227 = arith.constant 1 : i32
        %dma_wait3A_228 = arith.constant 1 : i32
        %dma_wait3A_229 = arith.constant 0 : i32
        %dma_wait3A_230 = arith.constant 0 : i32
        %dma_wait3A_231 = tpu.memref_slice %arg8[%dma_wait3A_227, %dma_wait3A_228, %dma_wait3A_229, %dma_wait3A_230] : memref<3x2x128x64xf32, #tpu.memory_space<vmem>> -> memref<1x1x128x64xf32, #tpu.memory_space<vmem>>
        %dma_wait3A_232 = tpu.memref_squeeze %dma_wait3A_231 : memref<1x1x128x64xf32, #tpu.memory_space<vmem>> -> memref<128x64xf32, #tpu.memory_space<vmem>>
        %dma_wait3A_233 = arith.constant 0 : i32
        %dma_wait3A_234 = tpu.memref_slice %arg6[%add3A_226, %dma_wait3A_233] : memref<80x128xi32, #tpu.memory_space<vmem>> -> memref<1x128xi32, #tpu.memory_space<vmem>>
        %dma_wait3A_235 = tpu.memref_squeeze %dma_wait3A_234 : memref<1x128xi32, #tpu.memory_space<vmem>> -> memref<128xi32, #tpu.memory_space<vmem>>
        %dma_wait3A_236 = arith.constant 0 : i32
        %dma_wait3A_237 = arith.constant 0 : i32
        %dma_wait3A_238 = tpu.memref_slice %arg2[%dma_wait3A_236, %dma_wait3A_237] : memref<10000x64xf32, #tpu.memory_space<hbm>> -> memref<10000x64xf32, #tpu.memory_space<hbm>>
        tpu.wait_indirect_dma semaphore(%arg9 : memref<!tpu.dma_semaphore, #tpu.memory_space<semaphore_mem>>) src(%dma_wait3A_238 : memref<10000x64xf32, #tpu.memory_space<hbm>>) dst(%dma_wait3A_232 : memref<128x64xf32, #tpu.memory_space<vmem>>)
        %mul3A_239 = arith.constant 2 : i32
        %mul3A_240 = arith.muli %add3A_165, %mul3A_239 : i32
        %add3A_241 = arith.constant 0 : i32
        %add3A_242 = arith.addi %mul3A_240, %add3A_241 : i32
        %dma_start3A_243 = arith.constant 1 : i32
        %dma_start3A_244 = arith.constant 0 : i32
        %dma_start3A_245 = arith.constant 0 : i32
        %dma_start3A_246 = arith.constant 0 : i32
        %dma_start3A_247 = tpu.memref_slice %arg8[%dma_start3A_243, %dma_start3A_244, %dma_start3A_245, %dma_start3A_246] : memref<3x2x128x64xf32, #tpu.memory_space<vmem>> -> memref<1x1x128x64xf32, #tpu.memory_space<vmem>>
        %dma_start3A_248 = tpu.memref_squeeze %dma_start3A_247 : memref<1x1x128x64xf32, #tpu.memory_space<vmem>> -> memref<128x64xf32, #tpu.memory_space<vmem>>
        %dma_start3A_249 = arith.constant 0 : i32
        %dma_start3A_250 = tpu.memref_slice %arg7[%add3A_242, %dma_start3A_249] : memref<80x128xi32, #tpu.memory_space<vmem>> -> memref<1x128xi32, #tpu.memory_space<vmem>>
        %dma_start3A_251 = tpu.memref_squeeze %dma_start3A_250 : memref<1x128xi32, #tpu.memory_space<vmem>> -> memref<128xi32, #tpu.memory_space<vmem>>
        %dma_start3A_252 = arith.constant 0 : i32
        %dma_start3A_253 = arith.constant 0 : i32
        %dma_start3A_254 = tpu.memref_slice %arg11[%dma_start3A_252, %dma_start3A_253] : memref<10240x64xf32, #tpu.memory_space<vmem_shared>> -> memref<10240x64xf32, #tpu.memory_space<vmem_shared>>
        tpu.enqueue_indirect_dma source(%dma_start3A_248 : memref<128x64xf32, #tpu.memory_space<vmem>>) target(%dma_start3A_254 : memref<10240x64xf32, #tpu.memory_space<vmem_shared>>) offsets(%dma_start3A_251 : memref<128xi32, #tpu.memory_space<vmem>>) semaphore(%arg10 : memref<!tpu.dma_semaphore, #tpu.memory_space<semaphore_mem>>) {add = true}
        %mul3A_255 = arith.constant 2 : i32
        %mul3A_256 = arith.muli %add3A_165, %mul3A_255 : i32
        %add3A_257 = arith.constant 1 : i32
        %add3A_258 = arith.addi %mul3A_256, %add3A_257 : i32
        %dma_start3A_259 = arith.constant 1 : i32
        %dma_start3A_260 = arith.constant 1 : i32
        %dma_start3A_261 = arith.constant 0 : i32
        %dma_start3A_262 = arith.constant 0 : i32
        %dma_start3A_263 = tpu.memref_slice %arg8[%dma_start3A_259, %dma_start3A_260, %dma_start3A_261, %dma_start3A_262] : memref<3x2x128x64xf32, #tpu.memory_space<vmem>> -> memref<1x1x128x64xf32, #tpu.memory_space<vmem>>
        %dma_start3A_264 = tpu.memref_squeeze %dma_start3A_263 : memref<1x1x128x64xf32, #tpu.memory_space<vmem>> -> memref<128x64xf32, #tpu.memory_space<vmem>>
        %dma_start3A_265 = arith.constant 0 : i32
        %dma_start3A_266 = tpu.memref_slice %arg7[%add3A_258, %dma_start3A_265] : memref<80x128xi32, #tpu.memory_space<vmem>> -> memref<1x128xi32, #tpu.memory_space<vmem>>
        %dma_start3A_267 = tpu.memref_squeeze %dma_start3A_266 : memref<1x128xi32, #tpu.memory_space<vmem>> -> memref<128xi32, #tpu.memory_space<vmem>>
        %dma_start3A_268 = arith.constant 0 : i32
        %dma_start3A_269 = arith.constant 0 : i32
        %dma_start3A_270 = tpu.memref_slice %arg11[%dma_start3A_268, %dma_start3A_269] : memref<10240x64xf32, #tpu.memory_space<vmem_shared>> -> memref<10240x64xf32, #tpu.memory_space<vmem_shared>>
        tpu.enqueue_indirect_dma source(%dma_start3A_264 : memref<128x64xf32, #tpu.memory_space<vmem>>) target(%dma_start3A_270 : memref<10240x64xf32, #tpu.memory_space<vmem_shared>>) offsets(%dma_start3A_267 : memref<128xi32, #tpu.memory_space<vmem>>) semaphore(%arg10 : memref<!tpu.dma_semaphore, #tpu.memory_space<semaphore_mem>>) {add = true}
      } else {
      }
      %ge3A_170 = arith.constant 1 : i32
      %ge3A_171 = arith.cmpi sge, %add3A_165, %ge3A_170 : i32
      %le3A_172 = arith.cmpi sle, %add3A_165, %select_n3A_26 : i32
      %and3A_173 = arith.andi %ge3A_171, %le3A_172 : i1
      %convert_element_type3A_174 = arith.extui %and3A_173 : i1 to i32
      %cond3A_175 = arith.constant 0 : i32
      %cond3A_176 = arith.cmpi ne, %convert_element_type3A_174, %cond3A_175 : i32
      scf.if %cond3A_176 {
        %sub3A_208 = arith.constant 1 : i32
        %sub3A_209 = arith.subi %add3A_165, %sub3A_208 : i32
        %mul3A_210 = arith.constant 2 : i32
        %mul3A_211 = arith.muli %sub3A_209, %mul3A_210 : i32
        %add3A_212 = arith.constant 0 : i32
        %add3A_213 = arith.addi %mul3A_211, %add3A_212 : i32
        %dma_wait3A = arith.constant 0 : i32
        %dma_wait3A_214 = arith.constant 0 : i32
        %dma_wait3A_215 = arith.constant 0 : i32
        %dma_wait3A_216 = arith.constant 0 : i32
        %dma_wait3A_217 = tpu.memref_slice %arg8[%dma_wait3A, %dma_wait3A_214, %dma_wait3A_215, %dma_wait3A_216] : memref<3x2x128x64xf32, #tpu.memory_space<vmem>> -> memref<1x1x128x64xf32, #tpu.memory_space<vmem>>
        %dma_wait3A_218 = tpu.memref_squeeze %dma_wait3A_217 : memref<1x1x128x64xf32, #tpu.memory_space<vmem>> -> memref<128x64xf32, #tpu.memory_space<vmem>>
        %dma_wait3A_219 = arith.constant 0 : i32
        %dma_wait3A_220 = tpu.memref_slice %arg7[%add3A_213, %dma_wait3A_219] : memref<80x128xi32, #tpu.memory_space<vmem>> -> memref<1x128xi32, #tpu.memory_space<vmem>>
        %dma_wait3A_221 = tpu.memref_squeeze %dma_wait3A_220 : memref<1x128xi32, #tpu.memory_space<vmem>> -> memref<128xi32, #tpu.memory_space<vmem>>
        %dma_wait3A_222 = arith.constant 0 : i32
        %dma_wait3A_223 = arith.constant 0 : i32
        %dma_wait3A_224 = tpu.memref_slice %arg11[%dma_wait3A_222, %dma_wait3A_223] : memref<10240x64xf32, #tpu.memory_space<vmem_shared>> -> memref<10240x64xf32, #tpu.memory_space<vmem_shared>>
        tpu.wait_indirect_dma semaphore(%arg10 : memref<!tpu.dma_semaphore, #tpu.memory_space<semaphore_mem>>) src(%dma_wait3A_218 : memref<128x64xf32, #tpu.memory_space<vmem>>) dst(%dma_wait3A_224 : memref<10240x64xf32, #tpu.memory_space<vmem_shared>>)
        %mul3A_225 = arith.constant 2 : i32
        %mul3A_226 = arith.muli %sub3A_209, %mul3A_225 : i32
        %add3A_227 = arith.constant 1 : i32
        %add3A_228 = arith.addi %mul3A_226, %add3A_227 : i32
        %dma_wait3A_229 = arith.constant 0 : i32
        %dma_wait3A_230 = arith.constant 1 : i32
        %dma_wait3A_231 = arith.constant 0 : i32
        %dma_wait3A_232 = arith.constant 0 : i32
        %dma_wait3A_233 = tpu.memref_slice %arg8[%dma_wait3A_229, %dma_wait3A_230, %dma_wait3A_231, %dma_wait3A_232] : memref<3x2x128x64xf32, #tpu.memory_space<vmem>> -> memref<1x1x128x64xf32, #tpu.memory_space<vmem>>
        %dma_wait3A_234 = tpu.memref_squeeze %dma_wait3A_233 : memref<1x1x128x64xf32, #tpu.memory_space<vmem>> -> memref<128x64xf32, #tpu.memory_space<vmem>>
        %dma_wait3A_235 = arith.constant 0 : i32
        %dma_wait3A_236 = tpu.memref_slice %arg7[%add3A_228, %dma_wait3A_235] : memref<80x128xi32, #tpu.memory_space<vmem>> -> memref<1x128xi32, #tpu.memory_space<vmem>>
        %dma_wait3A_237 = tpu.memref_squeeze %dma_wait3A_236 : memref<1x128xi32, #tpu.memory_space<vmem>> -> memref<128xi32, #tpu.memory_space<vmem>>
        %dma_wait3A_238 = arith.constant 0 : i32
        %dma_wait3A_239 = arith.constant 0 : i32
        %dma_wait3A_240 = tpu.memref_slice %arg11[%dma_wait3A_238, %dma_wait3A_239] : memref<10240x64xf32, #tpu.memory_space<vmem_shared>> -> memref<10240x64xf32, #tpu.memory_space<vmem_shared>>
        tpu.wait_indirect_dma semaphore(%arg10 : memref<!tpu.dma_semaphore, #tpu.memory_space<semaphore_mem>>) src(%dma_wait3A_234 : memref<128x64xf32, #tpu.memory_space<vmem>>) dst(%dma_wait3A_240 : memref<10240x64xf32, #tpu.memory_space<vmem_shared>>)
      } else {
      }
      %add3A_177 = arith.constant 3 : i32
      %add3A_178 = arith.addi %add3A_165, %add3A_177 : i32
      %sub3A_179 = arith.constant 1 : i32
      %sub3A_180 = arith.subi %add3A_178, %sub3A_179 : i32
      %lt3A_181 = arith.cmpi slt, %sub3A_180, %select_n3A_26 : i32
      %convert_element_type3A_182 = arith.extui %lt3A_181 : i1 to i32
      %cond3A_183 = arith.constant 0 : i32
      %cond3A_184 = arith.cmpi ne, %convert_element_type3A_182, %cond3A_183 : i32
      scf.if %cond3A_184 {
        %add3A_208 = arith.constant 3 : i32
        %add3A_209 = arith.addi %add3A_165, %add3A_208 : i32
        %sub3A_210 = arith.constant 1 : i32
        %sub3A_211 = arith.subi %add3A_209, %sub3A_210 : i32
        %mul3A_212 = arith.constant 2 : i32
        %mul3A_213 = arith.muli %sub3A_211, %mul3A_212 : i32
        %add3A_214 = arith.constant 0 : i32
        %add3A_215 = arith.addi %mul3A_213, %add3A_214 : i32
        %dma_start3A_216 = arith.constant 0 : i32
        %dma_start3A_217 = arith.constant 0 : i32
        %dma_start3A_218 = arith.constant 0 : i32
        %dma_start3A_219 = arith.constant 0 : i32
        %dma_start3A_220 = tpu.memref_slice %arg8[%dma_start3A_216, %dma_start3A_217, %dma_start3A_218, %dma_start3A_219] : memref<3x2x128x64xf32, #tpu.memory_space<vmem>> -> memref<1x1x128x64xf32, #tpu.memory_space<vmem>>
        %dma_start3A_221 = tpu.memref_squeeze %dma_start3A_220 : memref<1x1x128x64xf32, #tpu.memory_space<vmem>> -> memref<128x64xf32, #tpu.memory_space<vmem>>
        %dma_start3A_222 = arith.constant 0 : i32
        %dma_start3A_223 = tpu.memref_slice %arg6[%add3A_215, %dma_start3A_222] : memref<80x128xi32, #tpu.memory_space<vmem>> -> memref<1x128xi32, #tpu.memory_space<vmem>>
        %dma_start3A_224 = tpu.memref_squeeze %dma_start3A_223 : memref<1x128xi32, #tpu.memory_space<vmem>> -> memref<128xi32, #tpu.memory_space<vmem>>
        %dma_start3A_225 = arith.constant 0 : i32
        %dma_start3A_226 = arith.constant 0 : i32
        %dma_start3A_227 = tpu.memref_slice %arg2[%dma_start3A_225, %dma_start3A_226] : memref<10000x64xf32, #tpu.memory_space<hbm>> -> memref<10000x64xf32, #tpu.memory_space<hbm>>
        tpu.enqueue_indirect_dma source(%dma_start3A_227 : memref<10000x64xf32, #tpu.memory_space<hbm>>) target(%dma_start3A_221 : memref<128x64xf32, #tpu.memory_space<vmem>>) offsets(%dma_start3A_224 : memref<128xi32, #tpu.memory_space<vmem>>) semaphore(%arg9 : memref<!tpu.dma_semaphore, #tpu.memory_space<semaphore_mem>>)
        %mul3A_228 = arith.constant 2 : i32
        %mul3A_229 = arith.muli %sub3A_211, %mul3A_228 : i32
        %add3A_230 = arith.constant 1 : i32
        %add3A_231 = arith.addi %mul3A_229, %add3A_230 : i32
        %dma_start3A_232 = arith.constant 0 : i32
        %dma_start3A_233 = arith.constant 1 : i32
        %dma_start3A_234 = arith.constant 0 : i32
        %dma_start3A_235 = arith.constant 0 : i32
        %dma_start3A_236 = tpu.memref_slice %arg8[%dma_start3A_232, %dma_start3A_233, %dma_start3A_234, %dma_start3A_235] : memref<3x2x128x64xf32, #tpu.memory_space<vmem>> -> memref<1x1x128x64xf32, #tpu.memory_space<vmem>>
        %dma_start3A_237 = tpu.memref_squeeze %dma_start3A_236 : memref<1x1x128x64xf32, #tpu.memory_space<vmem>> -> memref<128x64xf32, #tpu.memory_space<vmem>>
        %dma_start3A_238 = arith.constant 0 : i32
        %dma_start3A_239 = tpu.memref_slice %arg6[%add3A_231, %dma_start3A_238] : memref<80x128xi32, #tpu.memory_space<vmem>> -> memref<1x128xi32, #tpu.memory_space<vmem>>
        %dma_start3A_240 = tpu.memref_squeeze %dma_start3A_239 : memref<1x128xi32, #tpu.memory_space<vmem>> -> memref<128xi32, #tpu.memory_space<vmem>>
        %dma_start3A_241 = arith.constant 0 : i32
        %dma_start3A_242 = arith.constant 0 : i32
        %dma_start3A_243 = tpu.memref_slice %arg2[%dma_start3A_241, %dma_start3A_242] : memref<10000x64xf32, #tpu.memory_space<hbm>> -> memref<10000x64xf32, #tpu.memory_space<hbm>>
        tpu.enqueue_indirect_dma source(%dma_start3A_243 : memref<10000x64xf32, #tpu.memory_space<hbm>>) target(%dma_start3A_237 : memref<128x64xf32, #tpu.memory_space<vmem>>) offsets(%dma_start3A_240 : memref<128xi32, #tpu.memory_space<vmem>>) semaphore(%arg9 : memref<!tpu.dma_semaphore, #tpu.memory_space<semaphore_mem>>)
      } else {
      }
      %mul3A_185 = arith.constant 3 : i32
      %mul3A_186 = arith.muli %add3A_141, %mul3A_185 : i32
      %add3A_187 = arith.constant 2 : i32
      %add3A_188 = arith.addi %mul3A_186, %add3A_187 : i32
      %lt3A_189 = arith.cmpi slt, %add3A_188, %select_n3A_26 : i32
      %convert_element_type3A_190 = arith.extui %lt3A_189 : i1 to i32
      %cond3A_191 = arith.constant 0 : i32
      %cond3A_192 = arith.cmpi ne, %convert_element_type3A_190, %cond3A_191 : i32
      scf.if %cond3A_192 {
        %mul3A_208 = arith.constant 2 : i32
        %mul3A_209 = arith.muli %add3A_188, %mul3A_208 : i32
        %add3A_210 = arith.constant 0 : i32
        %add3A_211 = arith.addi %mul3A_209, %add3A_210 : i32
        %dma_wait3A = arith.constant 2 : i32
        %dma_wait3A_212 = arith.constant 0 : i32
        %dma_wait3A_213 = arith.constant 0 : i32
        %dma_wait3A_214 = arith.constant 0 : i32
        %dma_wait3A_215 = tpu.memref_slice %arg8[%dma_wait3A, %dma_wait3A_212, %dma_wait3A_213, %dma_wait3A_214] : memref<3x2x128x64xf32, #tpu.memory_space<vmem>> -> memref<1x1x128x64xf32, #tpu.memory_space<vmem>>
        %dma_wait3A_216 = tpu.memref_squeeze %dma_wait3A_215 : memref<1x1x128x64xf32, #tpu.memory_space<vmem>> -> memref<128x64xf32, #tpu.memory_space<vmem>>
        %dma_wait3A_217 = arith.constant 0 : i32
        %dma_wait3A_218 = tpu.memref_slice %arg6[%add3A_211, %dma_wait3A_217] : memref<80x128xi32, #tpu.memory_space<vmem>> -> memref<1x128xi32, #tpu.memory_space<vmem>>
        %dma_wait3A_219 = tpu.memref_squeeze %dma_wait3A_218 : memref<1x128xi32, #tpu.memory_space<vmem>> -> memref<128xi32, #tpu.memory_space<vmem>>
        %dma_wait3A_220 = arith.constant 0 : i32
        %dma_wait3A_221 = arith.constant 0 : i32
        %dma_wait3A_222 = tpu.memref_slice %arg2[%dma_wait3A_220, %dma_wait3A_221] : memref<10000x64xf32, #tpu.memory_space<hbm>> -> memref<10000x64xf32, #tpu.memory_space<hbm>>
        tpu.wait_indirect_dma semaphore(%arg9 : memref<!tpu.dma_semaphore, #tpu.memory_space<semaphore_mem>>) src(%dma_wait3A_222 : memref<10000x64xf32, #tpu.memory_space<hbm>>) dst(%dma_wait3A_216 : memref<128x64xf32, #tpu.memory_space<vmem>>)
        %mul3A_223 = arith.constant 2 : i32
        %mul3A_224 = arith.muli %add3A_188, %mul3A_223 : i32
        %add3A_225 = arith.constant 1 : i32
        %add3A_226 = arith.addi %mul3A_224, %add3A_225 : i32
        %dma_wait3A_227 = arith.constant 2 : i32
        %dma_wait3A_228 = arith.constant 1 : i32
        %dma_wait3A_229 = arith.constant 0 : i32
        %dma_wait3A_230 = arith.constant 0 : i32
        %dma_wait3A_231 = tpu.memref_slice %arg8[%dma_wait3A_227, %dma_wait3A_228, %dma_wait3A_229, %dma_wait3A_230] : memref<3x2x128x64xf32, #tpu.memory_space<vmem>> -> memref<1x1x128x64xf32, #tpu.memory_space<vmem>>
        %dma_wait3A_232 = tpu.memref_squeeze %dma_wait3A_231 : memref<1x1x128x64xf32, #tpu.memory_space<vmem>> -> memref<128x64xf32, #tpu.memory_space<vmem>>
        %dma_wait3A_233 = arith.constant 0 : i32
        %dma_wait3A_234 = tpu.memref_slice %arg6[%add3A_226, %dma_wait3A_233] : memref<80x128xi32, #tpu.memory_space<vmem>> -> memref<1x128xi32, #tpu.memory_space<vmem>>
        %dma_wait3A_235 = tpu.memref_squeeze %dma_wait3A_234 : memref<1x128xi32, #tpu.memory_space<vmem>> -> memref<128xi32, #tpu.memory_space<vmem>>
        %dma_wait3A_236 = arith.constant 0 : i32
        %dma_wait3A_237 = arith.constant 0 : i32
        %dma_wait3A_238 = tpu.memref_slice %arg2[%dma_wait3A_236, %dma_wait3A_237] : memref<10000x64xf32, #tpu.memory_space<hbm>> -> memref<10000x64xf32, #tpu.memory_space<hbm>>
        tpu.wait_indirect_dma semaphore(%arg9 : memref<!tpu.dma_semaphore, #tpu.memory_space<semaphore_mem>>) src(%dma_wait3A_238 : memref<10000x64xf32, #tpu.memory_space<hbm>>) dst(%dma_wait3A_232 : memref<128x64xf32, #tpu.memory_space<vmem>>)
        %mul3A_239 = arith.constant 2 : i32
        %mul3A_240 = arith.muli %add3A_188, %mul3A_239 : i32
        %add3A_241 = arith.constant 0 : i32
        %add3A_242 = arith.addi %mul3A_240, %add3A_241 : i32
        %dma_start3A_243 = arith.constant 2 : i32
        %dma_start3A_244 = arith.constant 0 : i32
        %dma_start3A_245 = arith.constant 0 : i32
        %dma_start3A_246 = arith.constant 0 : i32
        %dma_start3A_247 = tpu.memref_slice %arg8[%dma_start3A_243, %dma_start3A_244, %dma_start3A_245, %dma_start3A_246] : memref<3x2x128x64xf32, #tpu.memory_space<vmem>> -> memref<1x1x128x64xf32, #tpu.memory_space<vmem>>
        %dma_start3A_248 = tpu.memref_squeeze %dma_start3A_247 : memref<1x1x128x64xf32, #tpu.memory_space<vmem>> -> memref<128x64xf32, #tpu.memory_space<vmem>>
        %dma_start3A_249 = arith.constant 0 : i32
        %dma_start3A_250 = tpu.memref_slice %arg7[%add3A_242, %dma_start3A_249] : memref<80x128xi32, #tpu.memory_space<vmem>> -> memref<1x128xi32, #tpu.memory_space<vmem>>
        %dma_start3A_251 = tpu.memref_squeeze %dma_start3A_250 : memref<1x128xi32, #tpu.memory_space<vmem>> -> memref<128xi32, #tpu.memory_space<vmem>>
        %dma_start3A_252 = arith.constant 0 : i32
        %dma_start3A_253 = arith.constant 0 : i32
        %dma_start3A_254 = tpu.memref_slice %arg11[%dma_start3A_252, %dma_start3A_253] : memref<10240x64xf32, #tpu.memory_space<vmem_shared>> -> memref<10240x64xf32, #tpu.memory_space<vmem_shared>>
        tpu.enqueue_indirect_dma source(%dma_start3A_248 : memref<128x64xf32, #tpu.memory_space<vmem>>) target(%dma_start3A_254 : memref<10240x64xf32, #tpu.memory_space<vmem_shared>>) offsets(%dma_start3A_251 : memref<128xi32, #tpu.memory_space<vmem>>) semaphore(%arg10 : memref<!tpu.dma_semaphore, #tpu.memory_space<semaphore_mem>>) {add = true}
        %mul3A_255 = arith.constant 2 : i32
        %mul3A_256 = arith.muli %add3A_188, %mul3A_255 : i32
        %add3A_257 = arith.constant 1 : i32
        %add3A_258 = arith.addi %mul3A_256, %add3A_257 : i32
        %dma_start3A_259 = arith.constant 2 : i32
        %dma_start3A_260 = arith.constant 1 : i32
        %dma_start3A_261 = arith.constant 0 : i32
        %dma_start3A_262 = arith.constant 0 : i32
        %dma_start3A_263 = tpu.memref_slice %arg8[%dma_start3A_259, %dma_start3A_260, %dma_start3A_261, %dma_start3A_262] : memref<3x2x128x64xf32, #tpu.memory_space<vmem>> -> memref<1x1x128x64xf32, #tpu.memory_space<vmem>>
        %dma_start3A_264 = tpu.memref_squeeze %dma_start3A_263 : memref<1x1x128x64xf32, #tpu.memory_space<vmem>> -> memref<128x64xf32, #tpu.memory_space<vmem>>
        %dma_start3A_265 = arith.constant 0 : i32
        %dma_start3A_266 = tpu.memref_slice %arg7[%add3A_258, %dma_start3A_265] : memref<80x128xi32, #tpu.memory_space<vmem>> -> memref<1x128xi32, #tpu.memory_space<vmem>>
        %dma_start3A_267 = tpu.memref_squeeze %dma_start3A_266 : memref<1x128xi32, #tpu.memory_space<vmem>> -> memref<128xi32, #tpu.memory_space<vmem>>
        %dma_start3A_268 = arith.constant 0 : i32
        %dma_start3A_269 = arith.constant 0 : i32
        %dma_start3A_270 = tpu.memref_slice %arg11[%dma_start3A_268, %dma_start3A_269] : memref<10240x64xf32, #tpu.memory_space<vmem_shared>> -> memref<10240x64xf32, #tpu.memory_space<vmem_shared>>
        tpu.enqueue_indirect_dma source(%dma_start3A_264 : memref<128x64xf32, #tpu.memory_space<vmem>>) target(%dma_start3A_270 : memref<10240x64xf32, #tpu.memory_space<vmem_shared>>) offsets(%dma_start3A_267 : memref<128xi32, #tpu.memory_space<vmem>>) semaphore(%arg10 : memref<!tpu.dma_semaphore, #tpu.memory_space<semaphore_mem>>) {add = true}
      } else {
      }
      %ge3A_193 = arith.constant 1 : i32
      %ge3A_194 = arith.cmpi sge, %add3A_188, %ge3A_193 : i32
      %le3A_195 = arith.cmpi sle, %add3A_188, %select_n3A_26 : i32
      %and3A_196 = arith.andi %ge3A_194, %le3A_195 : i1
      %convert_element_type3A_197 = arith.extui %and3A_196 : i1 to i32
      %cond3A_198 = arith.constant 0 : i32
      %cond3A_199 = arith.cmpi ne, %convert_element_type3A_197, %cond3A_198 : i32
      scf.if %cond3A_199 {
        %sub3A_208 = arith.constant 1 : i32
        %sub3A_209 = arith.subi %add3A_188, %sub3A_208 : i32
        %mul3A_210 = arith.constant 2 : i32
        %mul3A_211 = arith.muli %sub3A_209, %mul3A_210 : i32
        %add3A_212 = arith.constant 0 : i32
        %add3A_213 = arith.addi %mul3A_211, %add3A_212 : i32
        %dma_wait3A = arith.constant 1 : i32
        %dma_wait3A_214 = arith.constant 0 : i32
        %dma_wait3A_215 = arith.constant 0 : i32
        %dma_wait3A_216 = arith.constant 0 : i32
        %dma_wait3A_217 = tpu.memref_slice %arg8[%dma_wait3A, %dma_wait3A_214, %dma_wait3A_215, %dma_wait3A_216] : memref<3x2x128x64xf32, #tpu.memory_space<vmem>> -> memref<1x1x128x64xf32, #tpu.memory_space<vmem>>
        %dma_wait3A_218 = tpu.memref_squeeze %dma_wait3A_217 : memref<1x1x128x64xf32, #tpu.memory_space<vmem>> -> memref<128x64xf32, #tpu.memory_space<vmem>>
        %dma_wait3A_219 = arith.constant 0 : i32
        %dma_wait3A_220 = tpu.memref_slice %arg7[%add3A_213, %dma_wait3A_219] : memref<80x128xi32, #tpu.memory_space<vmem>> -> memref<1x128xi32, #tpu.memory_space<vmem>>
        %dma_wait3A_221 = tpu.memref_squeeze %dma_wait3A_220 : memref<1x128xi32, #tpu.memory_space<vmem>> -> memref<128xi32, #tpu.memory_space<vmem>>
        %dma_wait3A_222 = arith.constant 0 : i32
        %dma_wait3A_223 = arith.constant 0 : i32
        %dma_wait3A_224 = tpu.memref_slice %arg11[%dma_wait3A_222, %dma_wait3A_223] : memref<10240x64xf32, #tpu.memory_space<vmem_shared>> -> memref<10240x64xf32, #tpu.memory_space<vmem_shared>>
        tpu.wait_indirect_dma semaphore(%arg10 : memref<!tpu.dma_semaphore, #tpu.memory_space<semaphore_mem>>) src(%dma_wait3A_218 : memref<128x64xf32, #tpu.memory_space<vmem>>) dst(%dma_wait3A_224 : memref<10240x64xf32, #tpu.memory_space<vmem_shared>>)
        %mul3A_225 = arith.constant 2 : i32
        %mul3A_226 = arith.muli %sub3A_209, %mul3A_225 : i32
        %add3A_227 = arith.constant 1 : i32
        %add3A_228 = arith.addi %mul3A_226, %add3A_227 : i32
        %dma_wait3A_229 = arith.constant 1 : i32
        %dma_wait3A_230 = arith.constant 1 : i32
        %dma_wait3A_231 = arith.constant 0 : i32
        %dma_wait3A_232 = arith.constant 0 : i32
        %dma_wait3A_233 = tpu.memref_slice %arg8[%dma_wait3A_229, %dma_wait3A_230, %dma_wait3A_231, %dma_wait3A_232] : memref<3x2x128x64xf32, #tpu.memory_space<vmem>> -> memref<1x1x128x64xf32, #tpu.memory_space<vmem>>
        %dma_wait3A_234 = tpu.memref_squeeze %dma_wait3A_233 : memref<1x1x128x64xf32, #tpu.memory_space<vmem>> -> memref<128x64xf32, #tpu.memory_space<vmem>>
        %dma_wait3A_235 = arith.constant 0 : i32
        %dma_wait3A_236 = tpu.memref_slice %arg7[%add3A_228, %dma_wait3A_235] : memref<80x128xi32, #tpu.memory_space<vmem>> -> memref<1x128xi32, #tpu.memory_space<vmem>>
        %dma_wait3A_237 = tpu.memref_squeeze %dma_wait3A_236 : memref<1x128xi32, #tpu.memory_space<vmem>> -> memref<128xi32, #tpu.memory_space<vmem>>
        %dma_wait3A_238 = arith.constant 0 : i32
        %dma_wait3A_239 = arith.constant 0 : i32
        %dma_wait3A_240 = tpu.memref_slice %arg11[%dma_wait3A_238, %dma_wait3A_239] : memref<10240x64xf32, #tpu.memory_space<vmem_shared>> -> memref<10240x64xf32, #tpu.memory_space<vmem_shared>>
        tpu.wait_indirect_dma semaphore(%arg10 : memref<!tpu.dma_semaphore, #tpu.memory_space<semaphore_mem>>) src(%dma_wait3A_234 : memref<128x64xf32, #tpu.memory_space<vmem>>) dst(%dma_wait3A_240 : memref<10240x64xf32, #tpu.memory_space<vmem_shared>>)
      } else {
      }
      %add3A_200 = arith.constant 3 : i32
      %add3A_201 = arith.addi %add3A_188, %add3A_200 : i32
      %sub3A_202 = arith.constant 1 : i32
      %sub3A_203 = arith.subi %add3A_201, %sub3A_202 : i32
      %lt3A_204 = arith.cmpi slt, %sub3A_203, %select_n3A_26 : i32
      %convert_element_type3A_205 = arith.extui %lt3A_204 : i1 to i32
      %cond3A_206 = arith.constant 0 : i32
      %cond3A_207 = arith.cmpi ne, %convert_element_type3A_205, %cond3A_206 : i32
      scf.if %cond3A_207 {
        %add3A_208 = arith.constant 3 : i32
        %add3A_209 = arith.addi %add3A_188, %add3A_208 : i32
        %sub3A_210 = arith.constant 1 : i32
        %sub3A_211 = arith.subi %add3A_209, %sub3A_210 : i32
        %mul3A_212 = arith.constant 2 : i32
        %mul3A_213 = arith.muli %sub3A_211, %mul3A_212 : i32
        %add3A_214 = arith.constant 0 : i32
        %add3A_215 = arith.addi %mul3A_213, %add3A_214 : i32
        %dma_start3A_216 = arith.constant 1 : i32
        %dma_start3A_217 = arith.constant 0 : i32
        %dma_start3A_218 = arith.constant 0 : i32
        %dma_start3A_219 = arith.constant 0 : i32
        %dma_start3A_220 = tpu.memref_slice %arg8[%dma_start3A_216, %dma_start3A_217, %dma_start3A_218, %dma_start3A_219] : memref<3x2x128x64xf32, #tpu.memory_space<vmem>> -> memref<1x1x128x64xf32, #tpu.memory_space<vmem>>
        %dma_start3A_221 = tpu.memref_squeeze %dma_start3A_220 : memref<1x1x128x64xf32, #tpu.memory_space<vmem>> -> memref<128x64xf32, #tpu.memory_space<vmem>>
        %dma_start3A_222 = arith.constant 0 : i32
        %dma_start3A_223 = tpu.memref_slice %arg6[%add3A_215, %dma_start3A_222] : memref<80x128xi32, #tpu.memory_space<vmem>> -> memref<1x128xi32, #tpu.memory_space<vmem>>
        %dma_start3A_224 = tpu.memref_squeeze %dma_start3A_223 : memref<1x128xi32, #tpu.memory_space<vmem>> -> memref<128xi32, #tpu.memory_space<vmem>>
        %dma_start3A_225 = arith.constant 0 : i32
        %dma_start3A_226 = arith.constant 0 : i32
        %dma_start3A_227 = tpu.memref_slice %arg2[%dma_start3A_225, %dma_start3A_226] : memref<10000x64xf32, #tpu.memory_space<hbm>> -> memref<10000x64xf32, #tpu.memory_space<hbm>>
        tpu.enqueue_indirect_dma source(%dma_start3A_227 : memref<10000x64xf32, #tpu.memory_space<hbm>>) target(%dma_start3A_221 : memref<128x64xf32, #tpu.memory_space<vmem>>) offsets(%dma_start3A_224 : memref<128xi32, #tpu.memory_space<vmem>>) semaphore(%arg9 : memref<!tpu.dma_semaphore, #tpu.memory_space<semaphore_mem>>)
        %mul3A_228 = arith.constant 2 : i32
        %mul3A_229 = arith.muli %sub3A_211, %mul3A_228 : i32
        %add3A_230 = arith.constant 1 : i32
        %add3A_231 = arith.addi %mul3A_229, %add3A_230 : i32
        %dma_start3A_232 = arith.constant 1 : i32
        %dma_start3A_233 = arith.constant 1 : i32
        %dma_start3A_234 = arith.constant 0 : i32
        %dma_start3A_235 = arith.constant 0 : i32
        %dma_start3A_236 = tpu.memref_slice %arg8[%dma_start3A_232, %dma_start3A_233, %dma_start3A_234, %dma_start3A_235] : memref<3x2x128x64xf32, #tpu.memory_space<vmem>> -> memref<1x1x128x64xf32, #tpu.memory_space<vmem>>
        %dma_start3A_237 = tpu.memref_squeeze %dma_start3A_236 : memref<1x1x128x64xf32, #tpu.memory_space<vmem>> -> memref<128x64xf32, #tpu.memory_space<vmem>>
        %dma_start3A_238 = arith.constant 0 : i32
        %dma_start3A_239 = tpu.memref_slice %arg6[%add3A_231, %dma_start3A_238] : memref<80x128xi32, #tpu.memory_space<vmem>> -> memref<1x128xi32, #tpu.memory_space<vmem>>
        %dma_start3A_240 = tpu.memref_squeeze %dma_start3A_239 : memref<1x128xi32, #tpu.memory_space<vmem>> -> memref<128xi32, #tpu.memory_space<vmem>>
        %dma_start3A_241 = arith.constant 0 : i32
        %dma_start3A_242 = arith.constant 0 : i32
        %dma_start3A_243 = tpu.memref_slice %arg2[%dma_start3A_241, %dma_start3A_242] : memref<10000x64xf32, #tpu.memory_space<hbm>> -> memref<10000x64xf32, #tpu.memory_space<hbm>>
        tpu.enqueue_indirect_dma source(%dma_start3A_243 : memref<10000x64xf32, #tpu.memory_space<hbm>>) target(%dma_start3A_237 : memref<128x64xf32, #tpu.memory_space<vmem>>) offsets(%dma_start3A_240 : memref<128xi32, #tpu.memory_space<vmem>>) semaphore(%arg9 : memref<!tpu.dma_semaphore, #tpu.memory_space<semaphore_mem>>)
      } else {
      }
    }
    %barrier3A_131 = arith.constant 0 : index
    tpu.barrier barrier_id(%barrier3A_131)
    %mul3A_132 = arith.constant 640 : i32
    %mul3A_133 = arith.muli %arg1, %mul3A_132 : i32
    %mul3A_134 = arith.constant 10240 : i32
    %mul3A_135 = arith.muli %arg0, %mul3A_134 : i32
    %mul3A_136 = arith.constant 640 : i32
    %mul3A_137 = arith.muli %arg1, %mul3A_136 : i32
    %add3A_138 = arith.addi %mul3A_135, %mul3A_137 : i32
    "tpu.region"() ({
      %run_scoped3A = tpu.sem_alloc : memref<!tpu.dma_semaphore, #tpu.memory_space<semaphore_mem>>
      %dma_start3A_139 = arith.constant 0 : i32
      %dma_start3A_140 = tpu.memref_slice %arg5[%add3A_138, %dma_start3A_139] : memref<20480x64xf32, #tpu.memory_space<hbm>> -> memref<640x64xf32, #tpu.memory_space<hbm>>
      %dma_start3A_141 = arith.constant 0 : i32
      %dma_start3A_142 = tpu.memref_slice %arg11[%mul3A_133, %dma_start3A_141] : memref<10240x64xf32, #tpu.memory_space<vmem_shared>> -> memref<640x64xf32, #tpu.memory_space<vmem_shared>>
      tpu.enqueue_dma source(%dma_start3A_142 : memref<640x64xf32, #tpu.memory_space<vmem_shared>>) target(%dma_start3A_140 : memref<640x64xf32, #tpu.memory_space<hbm>>) target_semaphore(%run_scoped3A : memref<!tpu.dma_semaphore, #tpu.memory_space<semaphore_mem>>)
      %dma_wait3A = arith.constant 0 : i32
      %dma_wait3A_143 = tpu.memref_slice %arg5[%add3A_138, %dma_wait3A] : memref<20480x64xf32, #tpu.memory_space<hbm>> -> memref<640x64xf32, #tpu.memory_space<hbm>>
      %dma_wait3A_144 = arith.constant 0 : i32
      %dma_wait3A_145 = tpu.memref_slice %arg11[%mul3A_133, %dma_wait3A_144] : memref<10240x64xf32, #tpu.memory_space<vmem_shared>> -> memref<640x64xf32, #tpu.memory_space<vmem_shared>>
      tpu.wait_dma2 semaphore(%run_scoped3A : memref<!tpu.dma_semaphore, #tpu.memory_space<semaphore_mem>>) src(%dma_wait3A_145 : memref<640x64xf32, #tpu.memory_space<vmem_shared>>) dst(%dma_wait3A_143 : memref<640x64xf32, #tpu.memory_space<hbm>>)
      tpu.yield
    }) : () -> ()
    return
  }
}

#map = affine_map<(d0, d1) -> (0, 0)>
#map1 = affine_map<(d0, d1) -> (0, 0, 0)>
module attributes {stable_mosaic.version = 14 : i64} {
  func.func @body(%arg0: i32, %arg1: i32, %arg2: memref<10000x32xf32, #tpu.memory_space<hbm>>, %arg3: memref<2x2500x128xi32, #tpu.memory_space<hbm>>, %arg4: memref<10240x32xf32, #tpu.memory_space<hbm>>, %arg5: memref<20480x32xf32, #tpu.memory_space<hbm>>, %arg6: memref<80x128xi32, #tpu.memory_space<vmem>>, %arg7: memref<80x128xi32, #tpu.memory_space<vmem>>, %arg8: memref<3x2x128x32xf32, #tpu.memory_space<vmem>>, %arg9: memref<!tpu.dma_semaphore, #tpu.memory_space<semaphore_mem>>, %arg10: memref<!tpu.dma_semaphore, #tpu.memory_space<semaphore_mem>>, %arg11: memref<10240x32xf32, #tpu.memory_space<vmem_shared>>) attributes {dimension_semantics = [#tpu.dimension_semantics<core_parallel>, #tpu.dimension_semantics<subcore_parallel>], iteration_bounds = array<i64: 2, 16>, scalar_prefetch = 0 : i64, scratch_operands = 6 : i64, tpu.core_type = #tpu.core_type<sc_vector_subcore>, window_params = [{transform_indices = #map}, {transform_indices = #map1}, {transform_indices = #map}, {transform_indices = #map}]} {
    %mul3A = arith.constant 16 : i32
    %mul3A_0 = arith.muli %arg0, %mul3A : i32
    %add3A = arith.addi %mul3A_0, %arg1 : i32
    %mul3A_1 = arith.constant 640 : i32
    %mul3A_2 = arith.muli %arg1, %mul3A_1 : i32
    %mul3A_3 = arith.constant 640 : i32
    %mul3A_4 = arith.muli %arg1, %mul3A_3 : i32
    "tpu.region"() ({
      %run_scoped3A = tpu.sem_alloc : memref<!tpu.dma_semaphore, #tpu.memory_space<semaphore_mem>>
      %dma_start3A_139 = arith.constant 0 : i32
      %dma_start3A_140 = tpu.memref_slice %arg11[%mul3A_4, %dma_start3A_139] : memref<10240x32xf32, #tpu.memory_space<vmem_shared>> -> memref<640x32xf32, #tpu.memory_space<vmem_shared>>
      %dma_start3A_141 = arith.constant 0 : i32
      %dma_start3A_142 = tpu.memref_slice %arg4[%mul3A_2, %dma_start3A_141] : memref<10240x32xf32, #tpu.memory_space<hbm>> -> memref<640x32xf32, #tpu.memory_space<hbm>>
      tpu.enqueue_dma source(%dma_start3A_142 : memref<640x32xf32, #tpu.memory_space<hbm>>) target(%dma_start3A_140 : memref<640x32xf32, #tpu.memory_space<vmem_shared>>) target_semaphore(%run_scoped3A : memref<!tpu.dma_semaphore, #tpu.memory_space<semaphore_mem>>)
      %dma_wait3A = arith.constant 0 : i32
      %dma_wait3A_143 = tpu.memref_slice %arg11[%mul3A_4, %dma_wait3A] : memref<10240x32xf32, #tpu.memory_space<vmem_shared>> -> memref<640x32xf32, #tpu.memory_space<vmem_shared>>
      %dma_wait3A_144 = arith.constant 0 : i32
      %dma_wait3A_145 = tpu.memref_slice %arg4[%mul3A_2, %dma_wait3A_144] : memref<10240x32xf32, #tpu.memory_space<hbm>> -> memref<640x32xf32, #tpu.memory_space<hbm>>
      tpu.wait_dma2 semaphore(%run_scoped3A : memref<!tpu.dma_semaphore, #tpu.memory_space<semaphore_mem>>) src(%dma_wait3A_145 : memref<640x32xf32, #tpu.memory_space<hbm>>) dst(%dma_wait3A_143 : memref<640x32xf32, #tpu.memory_space<vmem_shared>>)
      tpu.yield
    }) : () -> ()
    %barrier3A = arith.constant 0 : index
    tpu.barrier barrier_id(%barrier3A)
    %mul3A_5 = arith.constant 80 : i32
    %mul3A_6 = arith.muli %add3A, %mul3A_5 : i32
    %eq3A = arith.constant 31 : i32
    %eq3A_7 = arith.cmpi eq, %add3A, %eq3A : i32
    %jit3A = arith.constant 20 : i32
    %jit3A_8 = arith.constant 80 : i32
    %select_n3A = arith.select %eq3A_7, %jit3A, %jit3A_8 : i32
    %jit3A_9 = arith.constant 2 : i32
    %div3A = arith.divsi %select_n3A, %jit3A_9 : i32
    %sign3A = arith.constant 0 : i32
    %sign3A_10 = arith.cmpi sgt, %select_n3A, %sign3A : i32
    %sign3A_11 = arith.extui %sign3A_10 : i1 to i32
    %sign3A_12 = arith.constant 0 : i32
    %sign3A_13 = arith.cmpi slt, %select_n3A, %sign3A_12 : i32
    %sign3A_14 = arith.extui %sign3A_13 : i1 to i32
    %sign3A_15 = arith.subi %sign3A_11, %sign3A_14 : i32
    %sign3A_16 = arith.constant 0 : i32
    %sign3A_17 = arith.cmpi sgt, %jit3A_9, %sign3A_16 : i32
    %sign3A_18 = arith.extui %sign3A_17 : i1 to i32
    %sign3A_19 = arith.constant 0 : i32
    %sign3A_20 = arith.cmpi slt, %jit3A_9, %sign3A_19 : i32
    %sign3A_21 = arith.extui %sign3A_20 : i1 to i32
    %sign3A_22 = arith.subi %sign3A_18, %sign3A_21 : i32
    %ne3A = arith.cmpi ne, %sign3A_15, %sign3A_22 : i32
    %rem3A = arith.remsi %select_n3A, %jit3A_9 : i32
    %ne3A_23 = arith.constant 0 : i32
    %ne3A_24 = arith.cmpi ne, %rem3A, %ne3A_23 : i32
    %and3A = arith.andi %ne3A, %ne3A_24 : i1
    %sub3A = arith.constant 1 : i32
    %sub3A_25 = arith.subi %div3A, %sub3A : i32
    %select_n3A_26 = arith.select %and3A, %sub3A_25, %div3A : i32
    %not3A = arith.constant true
    %not3A_27 = arith.xori %eq3A_7, %not3A : i1
    %convert_element_type3A = arith.extui %not3A_27 : i1 to i32
    %cond3A = arith.constant 0 : i32
    %cond3A_28 = arith.cmpi ne, %convert_element_type3A, %cond3A : i32
    scf.if %cond3A_28 {
      %run_scoped3A = arith.constant 0 : i32
      "tpu.region"() ({
        %run_scoped3A_140 = tpu.sem_alloc : memref<!tpu.dma_semaphore, #tpu.memory_space<semaphore_mem>>
        %dma_start3A_141 = arith.constant 0 : i32
        %dma_start3A_142 = tpu.memref_slice %arg3[%run_scoped3A, %mul3A_6, %dma_start3A_141] : memref<2x2500x128xi32, #tpu.memory_space<hbm>> -> memref<1x80x128xi32, #tpu.memory_space<hbm>>
        %dma_start3A_143 = tpu.memref_squeeze %dma_start3A_142 : memref<1x80x128xi32, #tpu.memory_space<hbm>> -> memref<80x128xi32, #tpu.memory_space<hbm>>
        %dma_start3A_144 = arith.constant 0 : i32
        %dma_start3A_145 = tpu.memref_slice %arg3[%run_scoped3A, %mul3A_6, %dma_start3A_144] : memref<2x2500x128xi32, #tpu.memory_space<hbm>> -> memref<1x80x128xi32, #tpu.memory_space<hbm>>
        %dma_start3A_146 = tpu.memref_squeeze %dma_start3A_145 : memref<1x80x128xi32, #tpu.memory_space<hbm>> -> memref<80x128xi32, #tpu.memory_space<hbm>>
        tpu.enqueue_dma source(%dma_start3A_146 : memref<80x128xi32, #tpu.memory_space<hbm>>) target(%arg6 : memref<80x128xi32, #tpu.memory_space<vmem>>) target_semaphore(%run_scoped3A_140 : memref<!tpu.dma_semaphore, #tpu.memory_space<semaphore_mem>>)
        %dma_wait3A = arith.constant 0 : i32
        %dma_wait3A_147 = tpu.memref_slice %arg3[%run_scoped3A, %mul3A_6, %dma_wait3A] : memref<2x2500x128xi32, #tpu.memory_space<hbm>> -> memref<1x80x128xi32, #tpu.memory_space<hbm>>
        %dma_wait3A_148 = tpu.memref_squeeze %dma_wait3A_147 : memref<1x80x128xi32, #tpu.memory_space<hbm>> -> memref<80x128xi32, #tpu.memory_space<hbm>>
        %dma_wait3A_149 = arith.constant 0 : i32
        %dma_wait3A_150 = tpu.memref_slice %arg3[%run_scoped3A, %mul3A_6, %dma_wait3A_149] : memref<2x2500x128xi32, #tpu.memory_space<hbm>> -> memref<1x80x128xi32, #tpu.memory_space<hbm>>
        %dma_wait3A_151 = tpu.memref_squeeze %dma_wait3A_150 : memref<1x80x128xi32, #tpu.memory_space<hbm>> -> memref<80x128xi32, #tpu.memory_space<hbm>>
        tpu.wait_dma2 semaphore(%run_scoped3A_140 : memref<!tpu.dma_semaphore, #tpu.memory_space<semaphore_mem>>) src(%dma_wait3A_151 : memref<80x128xi32, #tpu.memory_space<hbm>>) dst(%arg6 : memref<80x128xi32, #tpu.memory_space<vmem>>)
        tpu.yield
      }) : () -> ()
      %run_scoped3A_139 = arith.constant 1 : i32
      "tpu.region"() ({
        %run_scoped3A_140 = tpu.sem_alloc : memref<!tpu.dma_semaphore, #tpu.memory_space<semaphore_mem>>
        %dma_start3A_141 = arith.constant 0 : i32
        %dma_start3A_142 = tpu.memref_slice %arg3[%run_scoped3A_139, %mul3A_6, %dma_start3A_141] : memref<2x2500x128xi32, #tpu.memory_space<hbm>> -> memref<1x80x128xi32, #tpu.memory_space<hbm>>
        %dma_start3A_143 = tpu.memref_squeeze %dma_start3A_142 : memref<1x80x128xi32, #tpu.memory_space<hbm>> -> memref<80x128xi32, #tpu.memory_space<hbm>>
        %dma_start3A_144 = arith.constant 0 : i32
        %dma_start3A_145 = tpu.memref_slice %arg3[%run_scoped3A_139, %mul3A_6, %dma_start3A_144] : memref<2x2500x128xi32, #tpu.memory_space<hbm>> -> memref<1x80x128xi32, #tpu.memory_space<hbm>>
        %dma_start3A_146 = tpu.memref_squeeze %dma_start3A_145 : memref<1x80x128xi32, #tpu.memory_space<hbm>> -> memref<80x128xi32, #tpu.memory_space<hbm>>
        tpu.enqueue_dma source(%dma_start3A_146 : memref<80x128xi32, #tpu.memory_space<hbm>>) target(%arg7 : memref<80x128xi32, #tpu.memory_space<vmem>>) target_semaphore(%run_scoped3A_140 : memref<!tpu.dma_semaphore, #tpu.memory_space<semaphore_mem>>)
        %dma_wait3A = arith.constant 0 : i32
        %dma_wait3A_147 = tpu.memref_slice %arg3[%run_scoped3A_139, %mul3A_6, %dma_wait3A] : memref<2x2500x128xi32, #tpu.memory_space<hbm>> -> memref<1x80x128xi32, #tpu.memory_space<hbm>>
        %dma_wait3A_148 = tpu.memref_squeeze %dma_wait3A_147 : memref<1x80x128xi32, #tpu.memory_space<hbm>> -> memref<80x128xi32, #tpu.memory_space<hbm>>
        %dma_wait3A_149 = arith.constant 0 : i32
        %dma_wait3A_150 = tpu.memref_slice %arg3[%run_scoped3A_139, %mul3A_6, %dma_wait3A_149] : memref<2x2500x128xi32, #tpu.memory_space<hbm>> -> memref<1x80x128xi32, #tpu.memory_space<hbm>>
        %dma_wait3A_151 = tpu.memref_squeeze %dma_wait3A_150 : memref<1x80x128xi32, #tpu.memory_space<hbm>> -> memref<80x128xi32, #tpu.memory_space<hbm>>
        tpu.wait_dma2 semaphore(%run_scoped3A_140 : memref<!tpu.dma_semaphore, #tpu.memory_space<semaphore_mem>>) src(%dma_wait3A_151 : memref<80x128xi32, #tpu.memory_space<hbm>>) dst(%arg7 : memref<80x128xi32, #tpu.memory_space<vmem>>)
        tpu.yield
      }) : () -> ()
    } else {
    }
    %convert_element_type3A_29 = arith.extui %eq3A_7 : i1 to i32
    %cond3A_30 = arith.constant 0 : i32
    %cond3A_31 = arith.cmpi ne, %convert_element_type3A_29, %cond3A_30 : i32
    scf.if %cond3A_31 {
      %run_scoped3A = arith.constant 0 : i32
      "tpu.region"() ({
        %run_scoped3A_140 = tpu.sem_alloc : memref<!tpu.dma_semaphore, #tpu.memory_space<semaphore_mem>>
        %dma_start3A_141 = arith.constant 0 : i32
        %dma_start3A_142 = arith.constant 0 : i32
        %dma_start3A_143 = tpu.memref_slice %arg6[%dma_start3A_141, %dma_start3A_142] : memref<80x128xi32, #tpu.memory_space<vmem>> -> memref<20x128xi32, #tpu.memory_space<vmem>>
        %dma_start3A_144 = arith.constant 0 : i32
        %dma_start3A_145 = tpu.memref_slice %arg3[%run_scoped3A, %mul3A_6, %dma_start3A_144] : memref<2x2500x128xi32, #tpu.memory_space<hbm>> -> memref<1x20x128xi32, #tpu.memory_space<hbm>>
        %dma_start3A_146 = tpu.memref_squeeze %dma_start3A_145 : memref<1x20x128xi32, #tpu.memory_space<hbm>> -> memref<20x128xi32, #tpu.memory_space<hbm>>
        %dma_start3A_147 = arith.constant 0 : i32
        %dma_start3A_148 = arith.constant 0 : i32
        %dma_start3A_149 = tpu.memref_slice %arg6[%dma_start3A_147, %dma_start3A_148] : memref<80x128xi32, #tpu.memory_space<vmem>> -> memref<20x128xi32, #tpu.memory_space<vmem>>
        %dma_start3A_150 = arith.constant 0 : i32
        %dma_start3A_151 = tpu.memref_slice %arg3[%run_scoped3A, %mul3A_6, %dma_start3A_150] : memref<2x2500x128xi32, #tpu.memory_space<hbm>> -> memref<1x20x128xi32, #tpu.memory_space<hbm>>
        %dma_start3A_152 = tpu.memref_squeeze %dma_start3A_151 : memref<1x20x128xi32, #tpu.memory_space<hbm>> -> memref<20x128xi32, #tpu.memory_space<hbm>>
        tpu.enqueue_dma source(%dma_start3A_152 : memref<20x128xi32, #tpu.memory_space<hbm>>) target(%dma_start3A_149 : memref<20x128xi32, #tpu.memory_space<vmem>>) target_semaphore(%run_scoped3A_140 : memref<!tpu.dma_semaphore, #tpu.memory_space<semaphore_mem>>)
        %dma_wait3A = arith.constant 0 : i32
        %dma_wait3A_153 = arith.constant 0 : i32
        %dma_wait3A_154 = tpu.memref_slice %arg6[%dma_wait3A, %dma_wait3A_153] : memref<80x128xi32, #tpu.memory_space<vmem>> -> memref<20x128xi32, #tpu.memory_space<vmem>>
        %dma_wait3A_155 = arith.constant 0 : i32
        %dma_wait3A_156 = tpu.memref_slice %arg3[%run_scoped3A, %mul3A_6, %dma_wait3A_155] : memref<2x2500x128xi32, #tpu.memory_space<hbm>> -> memref<1x20x128xi32, #tpu.memory_space<hbm>>
        %dma_wait3A_157 = tpu.memref_squeeze %dma_wait3A_156 : memref<1x20x128xi32, #tpu.memory_space<hbm>> -> memref<20x128xi32, #tpu.memory_space<hbm>>
        %dma_wait3A_158 = arith.constant 0 : i32
        %dma_wait3A_159 = arith.constant 0 : i32
        %dma_wait3A_160 = tpu.memref_slice %arg6[%dma_wait3A_158, %dma_wait3A_159] : memref<80x128xi32, #tpu.memory_space<vmem>> -> memref<20x128xi32, #tpu.memory_space<vmem>>
        %dma_wait3A_161 = arith.constant 0 : i32
        %dma_wait3A_162 = tpu.memref_slice %arg3[%run_scoped3A, %mul3A_6, %dma_wait3A_161] : memref<2x2500x128xi32, #tpu.memory_space<hbm>> -> memref<1x20x128xi32, #tpu.memory_space<hbm>>
        %dma_wait3A_163 = tpu.memref_squeeze %dma_wait3A_162 : memref<1x20x128xi32, #tpu.memory_space<hbm>> -> memref<20x128xi32, #tpu.memory_space<hbm>>
        tpu.wait_dma2 semaphore(%run_scoped3A_140 : memref<!tpu.dma_semaphore, #tpu.memory_space<semaphore_mem>>) src(%dma_wait3A_163 : memref<20x128xi32, #tpu.memory_space<hbm>>) dst(%dma_wait3A_160 : memref<20x128xi32, #tpu.memory_space<vmem>>)
        tpu.yield
      }) : () -> ()
      %run_scoped3A_139 = arith.constant 1 : i32
      "tpu.region"() ({
        %run_scoped3A_140 = tpu.sem_alloc : memref<!tpu.dma_semaphore, #tpu.memory_space<semaphore_mem>>
        %dma_start3A_141 = arith.constant 0 : i32
        %dma_start3A_142 = arith.constant 0 : i32
        %dma_start3A_143 = tpu.memref_slice %arg7[%dma_start3A_141, %dma_start3A_142] : memref<80x128xi32, #tpu.memory_space<vmem>> -> memref<20x128xi32, #tpu.memory_space<vmem>>
        %dma_start3A_144 = arith.constant 0 : i32
        %dma_start3A_145 = tpu.memref_slice %arg3[%run_scoped3A_139, %mul3A_6, %dma_start3A_144] : memref<2x2500x128xi32, #tpu.memory_space<hbm>> -> memref<1x20x128xi32, #tpu.memory_space<hbm>>
        %dma_start3A_146 = tpu.memref_squeeze %dma_start3A_145 : memref<1x20x128xi32, #tpu.memory_space<hbm>> -> memref<20x128xi32, #tpu.memory_space<hbm>>
        %dma_start3A_147 = arith.constant 0 : i32
        %dma_start3A_148 = arith.constant 0 : i32
        %dma_start3A_149 = tpu.memref_slice %arg7[%dma_start3A_147, %dma_start3A_148] : memref<80x128xi32, #tpu.memory_space<vmem>> -> memref<20x128xi32, #tpu.memory_space<vmem>>
        %dma_start3A_150 = arith.constant 0 : i32
        %dma_start3A_151 = tpu.memref_slice %arg3[%run_scoped3A_139, %mul3A_6, %dma_start3A_150] : memref<2x2500x128xi32, #tpu.memory_space<hbm>> -> memref<1x20x128xi32, #tpu.memory_space<hbm>>
        %dma_start3A_152 = tpu.memref_squeeze %dma_start3A_151 : memref<1x20x128xi32, #tpu.memory_space<hbm>> -> memref<20x128xi32, #tpu.memory_space<hbm>>
        tpu.enqueue_dma source(%dma_start3A_152 : memref<20x128xi32, #tpu.memory_space<hbm>>) target(%dma_start3A_149 : memref<20x128xi32, #tpu.memory_space<vmem>>) target_semaphore(%run_scoped3A_140 : memref<!tpu.dma_semaphore, #tpu.memory_space<semaphore_mem>>)
        %dma_wait3A = arith.constant 0 : i32
        %dma_wait3A_153 = arith.constant 0 : i32
        %dma_wait3A_154 = tpu.memref_slice %arg7[%dma_wait3A, %dma_wait3A_153] : memref<80x128xi32, #tpu.memory_space<vmem>> -> memref<20x128xi32, #tpu.memory_space<vmem>>
        %dma_wait3A_155 = arith.constant 0 : i32
        %dma_wait3A_156 = tpu.memref_slice %arg3[%run_scoped3A_139, %mul3A_6, %dma_wait3A_155] : memref<2x2500x128xi32, #tpu.memory_space<hbm>> -> memref<1x20x128xi32, #tpu.memory_space<hbm>>
        %dma_wait3A_157 = tpu.memref_squeeze %dma_wait3A_156 : memref<1x20x128xi32, #tpu.memory_space<hbm>> -> memref<20x128xi32, #tpu.memory_space<hbm>>
        %dma_wait3A_158 = arith.constant 0 : i32
        %dma_wait3A_159 = arith.constant 0 : i32
        %dma_wait3A_160 = tpu.memref_slice %arg7[%dma_wait3A_158, %dma_wait3A_159] : memref<80x128xi32, #tpu.memory_space<vmem>> -> memref<20x128xi32, #tpu.memory_space<vmem>>
        %dma_wait3A_161 = arith.constant 0 : i32
        %dma_wait3A_162 = tpu.memref_slice %arg3[%run_scoped3A_139, %mul3A_6, %dma_wait3A_161] : memref<2x2500x128xi32, #tpu.memory_space<hbm>> -> memref<1x20x128xi32, #tpu.memory_space<hbm>>
        %dma_wait3A_163 = tpu.memref_squeeze %dma_wait3A_162 : memref<1x20x128xi32, #tpu.memory_space<hbm>> -> memref<20x128xi32, #tpu.memory_space<hbm>>
        tpu.wait_dma2 semaphore(%run_scoped3A_140 : memref<!tpu.dma_semaphore, #tpu.memory_space<semaphore_mem>>) src(%dma_wait3A_163 : memref<20x128xi32, #tpu.memory_space<hbm>>) dst(%dma_wait3A_160 : memref<20x128xi32, #tpu.memory_space<vmem>>)
        tpu.yield
      }) : () -> ()
    } else {
    }
    %dma_start3A = arith.constant 0 : i32
    %dma_start3A_32 = arith.constant 0 : i32
    %dma_start3A_33 = arith.constant 0 : i32
    %dma_start3A_34 = arith.constant 0 : i32
    %dma_start3A_35 = arith.constant 0 : i32
    %dma_start3A_36 = tpu.memref_slice %arg8[%dma_start3A_32, %dma_start3A_33, %dma_start3A_34, %dma_start3A_35] : memref<3x2x128x32xf32, #tpu.memory_space<vmem>> -> memref<1x1x128x32xf32, #tpu.memory_space<vmem>>
    %dma_start3A_37 = tpu.memref_squeeze %dma_start3A_36 : memref<1x1x128x32xf32, #tpu.memory_space<vmem>> -> memref<128x32xf32, #tpu.memory_space<vmem>>
    %dma_start3A_38 = arith.constant 0 : i32
    %dma_start3A_39 = tpu.memref_slice %arg6[%dma_start3A, %dma_start3A_38] : memref<80x128xi32, #tpu.memory_space<vmem>> -> memref<1x128xi32, #tpu.memory_space<vmem>>
    %dma_start3A_40 = tpu.memref_squeeze %dma_start3A_39 : memref<1x128xi32, #tpu.memory_space<vmem>> -> memref<128xi32, #tpu.memory_space<vmem>>
    %dma_start3A_41 = arith.constant 0 : i32
    %dma_start3A_42 = arith.constant 0 : i32
    %dma_start3A_43 = tpu.memref_slice %arg2[%dma_start3A_41, %dma_start3A_42] : memref<10000x32xf32, #tpu.memory_space<hbm>> -> memref<10000x32xf32, #tpu.memory_space<hbm>>
    tpu.enqueue_indirect_dma source(%dma_start3A_43 : memref<10000x32xf32, #tpu.memory_space<hbm>>) target(%dma_start3A_37 : memref<128x32xf32, #tpu.memory_space<vmem>>) offsets(%dma_start3A_40 : memref<128xi32, #tpu.memory_space<vmem>>) semaphore(%arg9 : memref<!tpu.dma_semaphore, #tpu.memory_space<semaphore_mem>>)
    %dma_start3A_44 = arith.constant 1 : i32
    %dma_start3A_45 = arith.constant 0 : i32
    %dma_start3A_46 = arith.constant 1 : i32
    %dma_start3A_47 = arith.constant 0 : i32
    %dma_start3A_48 = arith.constant 0 : i32
    %dma_start3A_49 = tpu.memref_slice %arg8[%dma_start3A_45, %dma_start3A_46, %dma_start3A_47, %dma_start3A_48] : memref<3x2x128x32xf32, #tpu.memory_space<vmem>> -> memref<1x1x128x32xf32, #tpu.memory_space<vmem>>
    %dma_start3A_50 = tpu.memref_squeeze %dma_start3A_49 : memref<1x1x128x32xf32, #tpu.memory_space<vmem>> -> memref<128x32xf32, #tpu.memory_space<vmem>>
    %dma_start3A_51 = arith.constant 0 : i32
    %dma_start3A_52 = tpu.memref_slice %arg6[%dma_start3A_44, %dma_start3A_51] : memref<80x128xi32, #tpu.memory_space<vmem>> -> memref<1x128xi32, #tpu.memory_space<vmem>>
    %dma_start3A_53 = tpu.memref_squeeze %dma_start3A_52 : memref<1x128xi32, #tpu.memory_space<vmem>> -> memref<128xi32, #tpu.memory_space<vmem>>
    %dma_start3A_54 = arith.constant 0 : i32
    %dma_start3A_55 = arith.constant 0 : i32
    %dma_start3A_56 = tpu.memref_slice %arg2[%dma_start3A_54, %dma_start3A_55] : memref<10000x32xf32, #tpu.memory_space<hbm>> -> memref<10000x32xf32, #tpu.memory_space<hbm>>
    tpu.enqueue_indirect_dma source(%dma_start3A_56 : memref<10000x32xf32, #tpu.memory_space<hbm>>) target(%dma_start3A_50 : memref<128x32xf32, #tpu.memory_space<vmem>>) offsets(%dma_start3A_53 : memref<128xi32, #tpu.memory_space<vmem>>) semaphore(%arg9 : memref<!tpu.dma_semaphore, #tpu.memory_space<semaphore_mem>>)
    %dma_start3A_57 = arith.constant 2 : i32
    %dma_start3A_58 = arith.constant 1 : i32
    %dma_start3A_59 = arith.constant 0 : i32
    %dma_start3A_60 = arith.constant 0 : i32
    %dma_start3A_61 = arith.constant 0 : i32
    %dma_start3A_62 = tpu.memref_slice %arg8[%dma_start3A_58, %dma_start3A_59, %dma_start3A_60, %dma_start3A_61] : memref<3x2x128x32xf32, #tpu.memory_space<vmem>> -> memref<1x1x128x32xf32, #tpu.memory_space<vmem>>
    %dma_start3A_63 = tpu.memref_squeeze %dma_start3A_62 : memref<1x1x128x32xf32, #tpu.memory_space<vmem>> -> memref<128x32xf32, #tpu.memory_space<vmem>>
    %dma_start3A_64 = arith.constant 0 : i32
    %dma_start3A_65 = tpu.memref_slice %arg6[%dma_start3A_57, %dma_start3A_64] : memref<80x128xi32, #tpu.memory_space<vmem>> -> memref<1x128xi32, #tpu.memory_space<vmem>>
    %dma_start3A_66 = tpu.memref_squeeze %dma_start3A_65 : memref<1x128xi32, #tpu.memory_space<vmem>> -> memref<128xi32, #tpu.memory_space<vmem>>
    %dma_start3A_67 = arith.constant 0 : i32
    %dma_start3A_68 = arith.constant 0 : i32
    %dma_start3A_69 = tpu.memref_slice %arg2[%dma_start3A_67, %dma_start3A_68] : memref<10000x32xf32, #tpu.memory_space<hbm>> -> memref<10000x32xf32, #tpu.memory_space<hbm>>
    tpu.enqueue_indirect_dma source(%dma_start3A_69 : memref<10000x32xf32, #tpu.memory_space<hbm>>) target(%dma_start3A_63 : memref<128x32xf32, #tpu.memory_space<vmem>>) offsets(%dma_start3A_66 : memref<128xi32, #tpu.memory_space<vmem>>) semaphore(%arg9 : memref<!tpu.dma_semaphore, #tpu.memory_space<semaphore_mem>>)
    %dma_start3A_70 = arith.constant 3 : i32
    %dma_start3A_71 = arith.constant 1 : i32
    %dma_start3A_72 = arith.constant 1 : i32
    %dma_start3A_73 = arith.constant 0 : i32
    %dma_start3A_74 = arith.constant 0 : i32
    %dma_start3A_75 = tpu.memref_slice %arg8[%dma_start3A_71, %dma_start3A_72, %dma_start3A_73, %dma_start3A_74] : memref<3x2x128x32xf32, #tpu.memory_space<vmem>> -> memref<1x1x128x32xf32, #tpu.memory_space<vmem>>
    %dma_start3A_76 = tpu.memref_squeeze %dma_start3A_75 : memref<1x1x128x32xf32, #tpu.memory_space<vmem>> -> memref<128x32xf32, #tpu.memory_space<vmem>>
    %dma_start3A_77 = arith.constant 0 : i32
    %dma_start3A_78 = tpu.memref_slice %arg6[%dma_start3A_70, %dma_start3A_77] : memref<80x128xi32, #tpu.memory_space<vmem>> -> memref<1x128xi32, #tpu.memory_space<vmem>>
    %dma_start3A_79 = tpu.memref_squeeze %dma_start3A_78 : memref<1x128xi32, #tpu.memory_space<vmem>> -> memref<128xi32, #tpu.memory_space<vmem>>
    %dma_start3A_80 = arith.constant 0 : i32
    %dma_start3A_81 = arith.constant 0 : i32
    %dma_start3A_82 = tpu.memref_slice %arg2[%dma_start3A_80, %dma_start3A_81] : memref<10000x32xf32, #tpu.memory_space<hbm>> -> memref<10000x32xf32, #tpu.memory_space<hbm>>
    tpu.enqueue_indirect_dma source(%dma_start3A_82 : memref<10000x32xf32, #tpu.memory_space<hbm>>) target(%dma_start3A_76 : memref<128x32xf32, #tpu.memory_space<vmem>>) offsets(%dma_start3A_79 : memref<128xi32, #tpu.memory_space<vmem>>) semaphore(%arg9 : memref<!tpu.dma_semaphore, #tpu.memory_space<semaphore_mem>>)
    %add3A_83 = arith.constant 1 : i32
    %add3A_84 = arith.addi %select_n3A_26, %add3A_83 : i32
    %add3A_85 = arith.constant 3 : i32
    %add3A_86 = arith.addi %add3A_84, %add3A_85 : i32
    %sub3A_87 = arith.constant 1 : i32
    %sub3A_88 = arith.subi %add3A_86, %sub3A_87 : i32
    %jit3A_89 = arith.constant 3 : i32
    %div3A_90 = arith.divsi %sub3A_88, %jit3A_89 : i32
    %sign3A_91 = arith.constant 0 : i32
    %sign3A_92 = arith.cmpi sgt, %sub3A_88, %sign3A_91 : i32
    %sign3A_93 = arith.extui %sign3A_92 : i1 to i32
    %sign3A_94 = arith.constant 0 : i32
    %sign3A_95 = arith.cmpi slt, %sub3A_88, %sign3A_94 : i32
    %sign3A_96 = arith.extui %sign3A_95 : i1 to i32
    %sign3A_97 = arith.subi %sign3A_93, %sign3A_96 : i32
    %sign3A_98 = arith.constant 0 : i32
    %sign3A_99 = arith.cmpi sgt, %jit3A_89, %sign3A_98 : i32
    %sign3A_100 = arith.extui %sign3A_99 : i1 to i32
    %sign3A_101 = arith.constant 0 : i32
    %sign3A_102 = arith.cmpi slt, %jit3A_89, %sign3A_101 : i32
    %sign3A_103 = arith.extui %sign3A_102 : i1 to i32
    %sign3A_104 = arith.subi %sign3A_100, %sign3A_103 : i32
    %ne3A_105 = arith.cmpi ne, %sign3A_97, %sign3A_104 : i32
    %rem3A_106 = arith.remsi %sub3A_88, %jit3A_89 : i32
    %ne3A_107 = arith.constant 0 : i32
    %ne3A_108 = arith.cmpi ne, %rem3A_106, %ne3A_107 : i32
    %and3A_109 = arith.andi %ne3A_105, %ne3A_108 : i1
    %sub3A_110 = arith.constant 1 : i32
    %sub3A_111 = arith.subi %div3A_90, %sub3A_110 : i32
    %select_n3A_112 = arith.select %and3A_109, %sub3A_111, %div3A_90 : i32
    %sub3A_113 = arith.constant 0 : i32
    %sub3A_114 = arith.subi %select_n3A_112, %sub3A_113 : i32
    %sub3A_115 = arith.constant 1 : i32
    %sub3A_116 = arith.constant 1 : i32
    %sub3A_117 = arith.subi %sub3A_115, %sub3A_116 : i32
    %add3A_118 = arith.addi %sub3A_114, %sub3A_117 : i32
    %div3A_119 = arith.constant 1 : i32
    %div3A_120 = arith.divsi %add3A_118, %div3A_119 : i32
    %while3A = arith.constant 1 : i32
    %while3A_121 = arith.constant 0 : i32
    %while3A_122 = arith.constant 0 : i32
    %while3A_123 = arith.subi %div3A_120, %while3A_122 : i32
    %while3A_124 = arith.addi %while3A_122, %while3A_123 : i32
    %while3A_125 = arith.constant 1 : i32
    %while3A_126 = arith.divsi %while3A_123, %while3A_125 : i32
    %while3A_127 = arith.muli %while3A_126, %while3A_125 : i32
    %while3A_128 = arith.addi %while3A_122, %while3A_127 : i32
    %while3A_129 = arith.constant 1 : i32
    scf.for %while3A_139 = %while3A_122 to %while3A_128 step %while3A_129  : i32 {
      %mul3A_140 = arith.muli %while3A_139, %while3A : i32
      %add3A_141 = arith.addi %while3A_121, %mul3A_140 : i32
      %mul3A_142 = arith.constant 3 : i32
      %mul3A_143 = arith.muli %add3A_141, %mul3A_142 : i32
      %add3A_144 = arith.constant 0 : i32
      %add3A_145 = arith.addi %mul3A_143, %add3A_144 : i32
      %lt3A = arith.cmpi slt, %add3A_145, %select_n3A_26 : i32
      %convert_element_type3A_146 = arith.extui %lt3A : i1 to i32
      %cond3A_147 = arith.constant 0 : i32
      %cond3A_148 = arith.cmpi ne, %convert_element_type3A_146, %cond3A_147 : i32
      scf.if %cond3A_148 {
        %mul3A_208 = arith.constant 2 : i32
        %mul3A_209 = arith.muli %add3A_145, %mul3A_208 : i32
        %add3A_210 = arith.constant 0 : i32
        %add3A_211 = arith.addi %mul3A_209, %add3A_210 : i32
        %dma_wait3A = arith.constant 0 : i32
        %dma_wait3A_212 = arith.constant 0 : i32
        %dma_wait3A_213 = arith.constant 0 : i32
        %dma_wait3A_214 = arith.constant 0 : i32
        %dma_wait3A_215 = tpu.memref_slice %arg8[%dma_wait3A, %dma_wait3A_212, %dma_wait3A_213, %dma_wait3A_214] : memref<3x2x128x32xf32, #tpu.memory_space<vmem>> -> memref<1x1x128x32xf32, #tpu.memory_space<vmem>>
        %dma_wait3A_216 = tpu.memref_squeeze %dma_wait3A_215 : memref<1x1x128x32xf32, #tpu.memory_space<vmem>> -> memref<128x32xf32, #tpu.memory_space<vmem>>
        %dma_wait3A_217 = arith.constant 0 : i32
        %dma_wait3A_218 = tpu.memref_slice %arg6[%add3A_211, %dma_wait3A_217] : memref<80x128xi32, #tpu.memory_space<vmem>> -> memref<1x128xi32, #tpu.memory_space<vmem>>
        %dma_wait3A_219 = tpu.memref_squeeze %dma_wait3A_218 : memref<1x128xi32, #tpu.memory_space<vmem>> -> memref<128xi32, #tpu.memory_space<vmem>>
        %dma_wait3A_220 = arith.constant 0 : i32
        %dma_wait3A_221 = arith.constant 0 : i32
        %dma_wait3A_222 = tpu.memref_slice %arg2[%dma_wait3A_220, %dma_wait3A_221] : memref<10000x32xf32, #tpu.memory_space<hbm>> -> memref<10000x32xf32, #tpu.memory_space<hbm>>
        tpu.wait_indirect_dma semaphore(%arg9 : memref<!tpu.dma_semaphore, #tpu.memory_space<semaphore_mem>>) src(%dma_wait3A_222 : memref<10000x32xf32, #tpu.memory_space<hbm>>) dst(%dma_wait3A_216 : memref<128x32xf32, #tpu.memory_space<vmem>>)
        %mul3A_223 = arith.constant 2 : i32
        %mul3A_224 = arith.muli %add3A_145, %mul3A_223 : i32
        %add3A_225 = arith.constant 1 : i32
        %add3A_226 = arith.addi %mul3A_224, %add3A_225 : i32
        %dma_wait3A_227 = arith.constant 0 : i32
        %dma_wait3A_228 = arith.constant 1 : i32
        %dma_wait3A_229 = arith.constant 0 : i32
        %dma_wait3A_230 = arith.constant 0 : i32
        %dma_wait3A_231 = tpu.memref_slice %arg8[%dma_wait3A_227, %dma_wait3A_228, %dma_wait3A_229, %dma_wait3A_230] : memref<3x2x128x32xf32, #tpu.memory_space<vmem>> -> memref<1x1x128x32xf32, #tpu.memory_space<vmem>>
        %dma_wait3A_232 = tpu.memref_squeeze %dma_wait3A_231 : memref<1x1x128x32xf32, #tpu.memory_space<vmem>> -> memref<128x32xf32, #tpu.memory_space<vmem>>
        %dma_wait3A_233 = arith.constant 0 : i32
        %dma_wait3A_234 = tpu.memref_slice %arg6[%add3A_226, %dma_wait3A_233] : memref<80x128xi32, #tpu.memory_space<vmem>> -> memref<1x128xi32, #tpu.memory_space<vmem>>
        %dma_wait3A_235 = tpu.memref_squeeze %dma_wait3A_234 : memref<1x128xi32, #tpu.memory_space<vmem>> -> memref<128xi32, #tpu.memory_space<vmem>>
        %dma_wait3A_236 = arith.constant 0 : i32
        %dma_wait3A_237 = arith.constant 0 : i32
        %dma_wait3A_238 = tpu.memref_slice %arg2[%dma_wait3A_236, %dma_wait3A_237] : memref<10000x32xf32, #tpu.memory_space<hbm>> -> memref<10000x32xf32, #tpu.memory_space<hbm>>
        tpu.wait_indirect_dma semaphore(%arg9 : memref<!tpu.dma_semaphore, #tpu.memory_space<semaphore_mem>>) src(%dma_wait3A_238 : memref<10000x32xf32, #tpu.memory_space<hbm>>) dst(%dma_wait3A_232 : memref<128x32xf32, #tpu.memory_space<vmem>>)
        %mul3A_239 = arith.constant 2 : i32
        %mul3A_240 = arith.muli %add3A_145, %mul3A_239 : i32
        %add3A_241 = arith.constant 0 : i32
        %add3A_242 = arith.addi %mul3A_240, %add3A_241 : i32
        %dma_start3A_243 = arith.constant 0 : i32
        %dma_start3A_244 = arith.constant 0 : i32
        %dma_start3A_245 = arith.constant 0 : i32
        %dma_start3A_246 = arith.constant 0 : i32
        %dma_start3A_247 = tpu.memref_slice %arg8[%dma_start3A_243, %dma_start3A_244, %dma_start3A_245, %dma_start3A_246] : memref<3x2x128x32xf32, #tpu.memory_space<vmem>> -> memref<1x1x128x32xf32, #tpu.memory_space<vmem>>
        %dma_start3A_248 = tpu.memref_squeeze %dma_start3A_247 : memref<1x1x128x32xf32, #tpu.memory_space<vmem>> -> memref<128x32xf32, #tpu.memory_space<vmem>>
        %dma_start3A_249 = arith.constant 0 : i32
        %dma_start3A_250 = tpu.memref_slice %arg7[%add3A_242, %dma_start3A_249] : memref<80x128xi32, #tpu.memory_space<vmem>> -> memref<1x128xi32, #tpu.memory_space<vmem>>
        %dma_start3A_251 = tpu.memref_squeeze %dma_start3A_250 : memref<1x128xi32, #tpu.memory_space<vmem>> -> memref<128xi32, #tpu.memory_space<vmem>>
        %dma_start3A_252 = arith.constant 0 : i32
        %dma_start3A_253 = arith.constant 0 : i32
        %dma_start3A_254 = tpu.memref_slice %arg11[%dma_start3A_252, %dma_start3A_253] : memref<10240x32xf32, #tpu.memory_space<vmem_shared>> -> memref<10240x32xf32, #tpu.memory_space<vmem_shared>>
        tpu.enqueue_indirect_dma source(%dma_start3A_248 : memref<128x32xf32, #tpu.memory_space<vmem>>) target(%dma_start3A_254 : memref<10240x32xf32, #tpu.memory_space<vmem_shared>>) offsets(%dma_start3A_251 : memref<128xi32, #tpu.memory_space<vmem>>) semaphore(%arg10 : memref<!tpu.dma_semaphore, #tpu.memory_space<semaphore_mem>>) {add = true}
        %mul3A_255 = arith.constant 2 : i32
        %mul3A_256 = arith.muli %add3A_145, %mul3A_255 : i32
        %add3A_257 = arith.constant 1 : i32
        %add3A_258 = arith.addi %mul3A_256, %add3A_257 : i32
        %dma_start3A_259 = arith.constant 0 : i32
        %dma_start3A_260 = arith.constant 1 : i32
        %dma_start3A_261 = arith.constant 0 : i32
        %dma_start3A_262 = arith.constant 0 : i32
        %dma_start3A_263 = tpu.memref_slice %arg8[%dma_start3A_259, %dma_start3A_260, %dma_start3A_261, %dma_start3A_262] : memref<3x2x128x32xf32, #tpu.memory_space<vmem>> -> memref<1x1x128x32xf32, #tpu.memory_space<vmem>>
        %dma_start3A_264 = tpu.memref_squeeze %dma_start3A_263 : memref<1x1x128x32xf32, #tpu.memory_space<vmem>> -> memref<128x32xf32, #tpu.memory_space<vmem>>
        %dma_start3A_265 = arith.constant 0 : i32
        %dma_start3A_266 = tpu.memref_slice %arg7[%add3A_258, %dma_start3A_265] : memref<80x128xi32, #tpu.memory_space<vmem>> -> memref<1x128xi32, #tpu.memory_space<vmem>>
        %dma_start3A_267 = tpu.memref_squeeze %dma_start3A_266 : memref<1x128xi32, #tpu.memory_space<vmem>> -> memref<128xi32, #tpu.memory_space<vmem>>
        %dma_start3A_268 = arith.constant 0 : i32
        %dma_start3A_269 = arith.constant 0 : i32
        %dma_start3A_270 = tpu.memref_slice %arg11[%dma_start3A_268, %dma_start3A_269] : memref<10240x32xf32, #tpu.memory_space<vmem_shared>> -> memref<10240x32xf32, #tpu.memory_space<vmem_shared>>
        tpu.enqueue_indirect_dma source(%dma_start3A_264 : memref<128x32xf32, #tpu.memory_space<vmem>>) target(%dma_start3A_270 : memref<10240x32xf32, #tpu.memory_space<vmem_shared>>) offsets(%dma_start3A_267 : memref<128xi32, #tpu.memory_space<vmem>>) semaphore(%arg10 : memref<!tpu.dma_semaphore, #tpu.memory_space<semaphore_mem>>) {add = true}
      } else {
      }
      %ge3A = arith.constant 1 : i32
      %ge3A_149 = arith.cmpi sge, %add3A_145, %ge3A : i32
      %le3A = arith.cmpi sle, %add3A_145, %select_n3A_26 : i32
      %and3A_150 = arith.andi %ge3A_149, %le3A : i1
      %convert_element_type3A_151 = arith.extui %and3A_150 : i1 to i32
      %cond3A_152 = arith.constant 0 : i32
      %cond3A_153 = arith.cmpi ne, %convert_element_type3A_151, %cond3A_152 : i32
      scf.if %cond3A_153 {
        %sub3A_208 = arith.constant 1 : i32
        %sub3A_209 = arith.subi %add3A_145, %sub3A_208 : i32
        %mul3A_210 = arith.constant 2 : i32
        %mul3A_211 = arith.muli %sub3A_209, %mul3A_210 : i32
        %add3A_212 = arith.constant 0 : i32
        %add3A_213 = arith.addi %mul3A_211, %add3A_212 : i32
        %dma_wait3A = arith.constant 2 : i32
        %dma_wait3A_214 = arith.constant 0 : i32
        %dma_wait3A_215 = arith.constant 0 : i32
        %dma_wait3A_216 = arith.constant 0 : i32
        %dma_wait3A_217 = tpu.memref_slice %arg8[%dma_wait3A, %dma_wait3A_214, %dma_wait3A_215, %dma_wait3A_216] : memref<3x2x128x32xf32, #tpu.memory_space<vmem>> -> memref<1x1x128x32xf32, #tpu.memory_space<vmem>>
        %dma_wait3A_218 = tpu.memref_squeeze %dma_wait3A_217 : memref<1x1x128x32xf32, #tpu.memory_space<vmem>> -> memref<128x32xf32, #tpu.memory_space<vmem>>
        %dma_wait3A_219 = arith.constant 0 : i32
        %dma_wait3A_220 = tpu.memref_slice %arg7[%add3A_213, %dma_wait3A_219] : memref<80x128xi32, #tpu.memory_space<vmem>> -> memref<1x128xi32, #tpu.memory_space<vmem>>
        %dma_wait3A_221 = tpu.memref_squeeze %dma_wait3A_220 : memref<1x128xi32, #tpu.memory_space<vmem>> -> memref<128xi32, #tpu.memory_space<vmem>>
        %dma_wait3A_222 = arith.constant 0 : i32
        %dma_wait3A_223 = arith.constant 0 : i32
        %dma_wait3A_224 = tpu.memref_slice %arg11[%dma_wait3A_222, %dma_wait3A_223] : memref<10240x32xf32, #tpu.memory_space<vmem_shared>> -> memref<10240x32xf32, #tpu.memory_space<vmem_shared>>
        tpu.wait_indirect_dma semaphore(%arg10 : memref<!tpu.dma_semaphore, #tpu.memory_space<semaphore_mem>>) src(%dma_wait3A_218 : memref<128x32xf32, #tpu.memory_space<vmem>>) dst(%dma_wait3A_224 : memref<10240x32xf32, #tpu.memory_space<vmem_shared>>)
        %mul3A_225 = arith.constant 2 : i32
        %mul3A_226 = arith.muli %sub3A_209, %mul3A_225 : i32
        %add3A_227 = arith.constant 1 : i32
        %add3A_228 = arith.addi %mul3A_226, %add3A_227 : i32
        %dma_wait3A_229 = arith.constant 2 : i32
        %dma_wait3A_230 = arith.constant 1 : i32
        %dma_wait3A_231 = arith.constant 0 : i32
        %dma_wait3A_232 = arith.constant 0 : i32
        %dma_wait3A_233 = tpu.memref_slice %arg8[%dma_wait3A_229, %dma_wait3A_230, %dma_wait3A_231, %dma_wait3A_232] : memref<3x2x128x32xf32, #tpu.memory_space<vmem>> -> memref<1x1x128x32xf32, #tpu.memory_space<vmem>>
        %dma_wait3A_234 = tpu.memref_squeeze %dma_wait3A_233 : memref<1x1x128x32xf32, #tpu.memory_space<vmem>> -> memref<128x32xf32, #tpu.memory_space<vmem>>
        %dma_wait3A_235 = arith.constant 0 : i32
        %dma_wait3A_236 = tpu.memref_slice %arg7[%add3A_228, %dma_wait3A_235] : memref<80x128xi32, #tpu.memory_space<vmem>> -> memref<1x128xi32, #tpu.memory_space<vmem>>
        %dma_wait3A_237 = tpu.memref_squeeze %dma_wait3A_236 : memref<1x128xi32, #tpu.memory_space<vmem>> -> memref<128xi32, #tpu.memory_space<vmem>>
        %dma_wait3A_238 = arith.constant 0 : i32
        %dma_wait3A_239 = arith.constant 0 : i32
        %dma_wait3A_240 = tpu.memref_slice %arg11[%dma_wait3A_238, %dma_wait3A_239] : memref<10240x32xf32, #tpu.memory_space<vmem_shared>> -> memref<10240x32xf32, #tpu.memory_space<vmem_shared>>
        tpu.wait_indirect_dma semaphore(%arg10 : memref<!tpu.dma_semaphore, #tpu.memory_space<semaphore_mem>>) src(%dma_wait3A_234 : memref<128x32xf32, #tpu.memory_space<vmem>>) dst(%dma_wait3A_240 : memref<10240x32xf32, #tpu.memory_space<vmem_shared>>)
      } else {
      }
      %add3A_154 = arith.constant 3 : i32
      %add3A_155 = arith.addi %add3A_145, %add3A_154 : i32
      %sub3A_156 = arith.constant 1 : i32
      %sub3A_157 = arith.subi %add3A_155, %sub3A_156 : i32
      %lt3A_158 = arith.cmpi slt, %sub3A_157, %select_n3A_26 : i32
      %convert_element_type3A_159 = arith.extui %lt3A_158 : i1 to i32
      %cond3A_160 = arith.constant 0 : i32
      %cond3A_161 = arith.cmpi ne, %convert_element_type3A_159, %cond3A_160 : i32
      scf.if %cond3A_161 {
        %add3A_208 = arith.constant 3 : i32
        %add3A_209 = arith.addi %add3A_145, %add3A_208 : i32
        %sub3A_210 = arith.constant 1 : i32
        %sub3A_211 = arith.subi %add3A_209, %sub3A_210 : i32
        %mul3A_212 = arith.constant 2 : i32
        %mul3A_213 = arith.muli %sub3A_211, %mul3A_212 : i32
        %add3A_214 = arith.constant 0 : i32
        %add3A_215 = arith.addi %mul3A_213, %add3A_214 : i32
        %dma_start3A_216 = arith.constant 2 : i32
        %dma_start3A_217 = arith.constant 0 : i32
        %dma_start3A_218 = arith.constant 0 : i32
        %dma_start3A_219 = arith.constant 0 : i32
        %dma_start3A_220 = tpu.memref_slice %arg8[%dma_start3A_216, %dma_start3A_217, %dma_start3A_218, %dma_start3A_219] : memref<3x2x128x32xf32, #tpu.memory_space<vmem>> -> memref<1x1x128x32xf32, #tpu.memory_space<vmem>>
        %dma_start3A_221 = tpu.memref_squeeze %dma_start3A_220 : memref<1x1x128x32xf32, #tpu.memory_space<vmem>> -> memref<128x32xf32, #tpu.memory_space<vmem>>
        %dma_start3A_222 = arith.constant 0 : i32
        %dma_start3A_223 = tpu.memref_slice %arg6[%add3A_215, %dma_start3A_222] : memref<80x128xi32, #tpu.memory_space<vmem>> -> memref<1x128xi32, #tpu.memory_space<vmem>>
        %dma_start3A_224 = tpu.memref_squeeze %dma_start3A_223 : memref<1x128xi32, #tpu.memory_space<vmem>> -> memref<128xi32, #tpu.memory_space<vmem>>
        %dma_start3A_225 = arith.constant 0 : i32
        %dma_start3A_226 = arith.constant 0 : i32
        %dma_start3A_227 = tpu.memref_slice %arg2[%dma_start3A_225, %dma_start3A_226] : memref<10000x32xf32, #tpu.memory_space<hbm>> -> memref<10000x32xf32, #tpu.memory_space<hbm>>
        tpu.enqueue_indirect_dma source(%dma_start3A_227 : memref<10000x32xf32, #tpu.memory_space<hbm>>) target(%dma_start3A_221 : memref<128x32xf32, #tpu.memory_space<vmem>>) offsets(%dma_start3A_224 : memref<128xi32, #tpu.memory_space<vmem>>) semaphore(%arg9 : memref<!tpu.dma_semaphore, #tpu.memory_space<semaphore_mem>>)
        %mul3A_228 = arith.constant 2 : i32
        %mul3A_229 = arith.muli %sub3A_211, %mul3A_228 : i32
        %add3A_230 = arith.constant 1 : i32
        %add3A_231 = arith.addi %mul3A_229, %add3A_230 : i32
        %dma_start3A_232 = arith.constant 2 : i32
        %dma_start3A_233 = arith.constant 1 : i32
        %dma_start3A_234 = arith.constant 0 : i32
        %dma_start3A_235 = arith.constant 0 : i32
        %dma_start3A_236 = tpu.memref_slice %arg8[%dma_start3A_232, %dma_start3A_233, %dma_start3A_234, %dma_start3A_235] : memref<3x2x128x32xf32, #tpu.memory_space<vmem>> -> memref<1x1x128x32xf32, #tpu.memory_space<vmem>>
        %dma_start3A_237 = tpu.memref_squeeze %dma_start3A_236 : memref<1x1x128x32xf32, #tpu.memory_space<vmem>> -> memref<128x32xf32, #tpu.memory_space<vmem>>
        %dma_start3A_238 = arith.constant 0 : i32
        %dma_start3A_239 = tpu.memref_slice %arg6[%add3A_231, %dma_start3A_238] : memref<80x128xi32, #tpu.memory_space<vmem>> -> memref<1x128xi32, #tpu.memory_space<vmem>>
        %dma_start3A_240 = tpu.memref_squeeze %dma_start3A_239 : memref<1x128xi32, #tpu.memory_space<vmem>> -> memref<128xi32, #tpu.memory_space<vmem>>
        %dma_start3A_241 = arith.constant 0 : i32
        %dma_start3A_242 = arith.constant 0 : i32
        %dma_start3A_243 = tpu.memref_slice %arg2[%dma_start3A_241, %dma_start3A_242] : memref<10000x32xf32, #tpu.memory_space<hbm>> -> memref<10000x32xf32, #tpu.memory_space<hbm>>
        tpu.enqueue_indirect_dma source(%dma_start3A_243 : memref<10000x32xf32, #tpu.memory_space<hbm>>) target(%dma_start3A_237 : memref<128x32xf32, #tpu.memory_space<vmem>>) offsets(%dma_start3A_240 : memref<128xi32, #tpu.memory_space<vmem>>) semaphore(%arg9 : memref<!tpu.dma_semaphore, #tpu.memory_space<semaphore_mem>>)
      } else {
      }
      %mul3A_162 = arith.constant 3 : i32
      %mul3A_163 = arith.muli %add3A_141, %mul3A_162 : i32
      %add3A_164 = arith.constant 1 : i32
      %add3A_165 = arith.addi %mul3A_163, %add3A_164 : i32
      %lt3A_166 = arith.cmpi slt, %add3A_165, %select_n3A_26 : i32
      %convert_element_type3A_167 = arith.extui %lt3A_166 : i1 to i32
      %cond3A_168 = arith.constant 0 : i32
      %cond3A_169 = arith.cmpi ne, %convert_element_type3A_167, %cond3A_168 : i32
      scf.if %cond3A_169 {
        %mul3A_208 = arith.constant 2 : i32
        %mul3A_209 = arith.muli %add3A_165, %mul3A_208 : i32
        %add3A_210 = arith.constant 0 : i32
        %add3A_211 = arith.addi %mul3A_209, %add3A_210 : i32
        %dma_wait3A = arith.constant 1 : i32
        %dma_wait3A_212 = arith.constant 0 : i32
        %dma_wait3A_213 = arith.constant 0 : i32
        %dma_wait3A_214 = arith.constant 0 : i32
        %dma_wait3A_215 = tpu.memref_slice %arg8[%dma_wait3A, %dma_wait3A_212, %dma_wait3A_213, %dma_wait3A_214] : memref<3x2x128x32xf32, #tpu.memory_space<vmem>> -> memref<1x1x128x32xf32, #tpu.memory_space<vmem>>
        %dma_wait3A_216 = tpu.memref_squeeze %dma_wait3A_215 : memref<1x1x128x32xf32, #tpu.memory_space<vmem>> -> memref<128x32xf32, #tpu.memory_space<vmem>>
        %dma_wait3A_217 = arith.constant 0 : i32
        %dma_wait3A_218 = tpu.memref_slice %arg6[%add3A_211, %dma_wait3A_217] : memref<80x128xi32, #tpu.memory_space<vmem>> -> memref<1x128xi32, #tpu.memory_space<vmem>>
        %dma_wait3A_219 = tpu.memref_squeeze %dma_wait3A_218 : memref<1x128xi32, #tpu.memory_space<vmem>> -> memref<128xi32, #tpu.memory_space<vmem>>
        %dma_wait3A_220 = arith.constant 0 : i32
        %dma_wait3A_221 = arith.constant 0 : i32
        %dma_wait3A_222 = tpu.memref_slice %arg2[%dma_wait3A_220, %dma_wait3A_221] : memref<10000x32xf32, #tpu.memory_space<hbm>> -> memref<10000x32xf32, #tpu.memory_space<hbm>>
        tpu.wait_indirect_dma semaphore(%arg9 : memref<!tpu.dma_semaphore, #tpu.memory_space<semaphore_mem>>) src(%dma_wait3A_222 : memref<10000x32xf32, #tpu.memory_space<hbm>>) dst(%dma_wait3A_216 : memref<128x32xf32, #tpu.memory_space<vmem>>)
        %mul3A_223 = arith.constant 2 : i32
        %mul3A_224 = arith.muli %add3A_165, %mul3A_223 : i32
        %add3A_225 = arith.constant 1 : i32
        %add3A_226 = arith.addi %mul3A_224, %add3A_225 : i32
        %dma_wait3A_227 = arith.constant 1 : i32
        %dma_wait3A_228 = arith.constant 1 : i32
        %dma_wait3A_229 = arith.constant 0 : i32
        %dma_wait3A_230 = arith.constant 0 : i32
        %dma_wait3A_231 = tpu.memref_slice %arg8[%dma_wait3A_227, %dma_wait3A_228, %dma_wait3A_229, %dma_wait3A_230] : memref<3x2x128x32xf32, #tpu.memory_space<vmem>> -> memref<1x1x128x32xf32, #tpu.memory_space<vmem>>
        %dma_wait3A_232 = tpu.memref_squeeze %dma_wait3A_231 : memref<1x1x128x32xf32, #tpu.memory_space<vmem>> -> memref<128x32xf32, #tpu.memory_space<vmem>>
        %dma_wait3A_233 = arith.constant 0 : i32
        %dma_wait3A_234 = tpu.memref_slice %arg6[%add3A_226, %dma_wait3A_233] : memref<80x128xi32, #tpu.memory_space<vmem>> -> memref<1x128xi32, #tpu.memory_space<vmem>>
        %dma_wait3A_235 = tpu.memref_squeeze %dma_wait3A_234 : memref<1x128xi32, #tpu.memory_space<vmem>> -> memref<128xi32, #tpu.memory_space<vmem>>
        %dma_wait3A_236 = arith.constant 0 : i32
        %dma_wait3A_237 = arith.constant 0 : i32
        %dma_wait3A_238 = tpu.memref_slice %arg2[%dma_wait3A_236, %dma_wait3A_237] : memref<10000x32xf32, #tpu.memory_space<hbm>> -> memref<10000x32xf32, #tpu.memory_space<hbm>>
        tpu.wait_indirect_dma semaphore(%arg9 : memref<!tpu.dma_semaphore, #tpu.memory_space<semaphore_mem>>) src(%dma_wait3A_238 : memref<10000x32xf32, #tpu.memory_space<hbm>>) dst(%dma_wait3A_232 : memref<128x32xf32, #tpu.memory_space<vmem>>)
        %mul3A_239 = arith.constant 2 : i32
        %mul3A_240 = arith.muli %add3A_165, %mul3A_239 : i32
        %add3A_241 = arith.constant 0 : i32
        %add3A_242 = arith.addi %mul3A_240, %add3A_241 : i32
        %dma_start3A_243 = arith.constant 1 : i32
        %dma_start3A_244 = arith.constant 0 : i32
        %dma_start3A_245 = arith.constant 0 : i32
        %dma_start3A_246 = arith.constant 0 : i32
        %dma_start3A_247 = tpu.memref_slice %arg8[%dma_start3A_243, %dma_start3A_244, %dma_start3A_245, %dma_start3A_246] : memref<3x2x128x32xf32, #tpu.memory_space<vmem>> -> memref<1x1x128x32xf32, #tpu.memory_space<vmem>>
        %dma_start3A_248 = tpu.memref_squeeze %dma_start3A_247 : memref<1x1x128x32xf32, #tpu.memory_space<vmem>> -> memref<128x32xf32, #tpu.memory_space<vmem>>
        %dma_start3A_249 = arith.constant 0 : i32
        %dma_start3A_250 = tpu.memref_slice %arg7[%add3A_242, %dma_start3A_249] : memref<80x128xi32, #tpu.memory_space<vmem>> -> memref<1x128xi32, #tpu.memory_space<vmem>>
        %dma_start3A_251 = tpu.memref_squeeze %dma_start3A_250 : memref<1x128xi32, #tpu.memory_space<vmem>> -> memref<128xi32, #tpu.memory_space<vmem>>
        %dma_start3A_252 = arith.constant 0 : i32
        %dma_start3A_253 = arith.constant 0 : i32
        %dma_start3A_254 = tpu.memref_slice %arg11[%dma_start3A_252, %dma_start3A_253] : memref<10240x32xf32, #tpu.memory_space<vmem_shared>> -> memref<10240x32xf32, #tpu.memory_space<vmem_shared>>
        tpu.enqueue_indirect_dma source(%dma_start3A_248 : memref<128x32xf32, #tpu.memory_space<vmem>>) target(%dma_start3A_254 : memref<10240x32xf32, #tpu.memory_space<vmem_shared>>) offsets(%dma_start3A_251 : memref<128xi32, #tpu.memory_space<vmem>>) semaphore(%arg10 : memref<!tpu.dma_semaphore, #tpu.memory_space<semaphore_mem>>) {add = true}
        %mul3A_255 = arith.constant 2 : i32
        %mul3A_256 = arith.muli %add3A_165, %mul3A_255 : i32
        %add3A_257 = arith.constant 1 : i32
        %add3A_258 = arith.addi %mul3A_256, %add3A_257 : i32
        %dma_start3A_259 = arith.constant 1 : i32
        %dma_start3A_260 = arith.constant 1 : i32
        %dma_start3A_261 = arith.constant 0 : i32
        %dma_start3A_262 = arith.constant 0 : i32
        %dma_start3A_263 = tpu.memref_slice %arg8[%dma_start3A_259, %dma_start3A_260, %dma_start3A_261, %dma_start3A_262] : memref<3x2x128x32xf32, #tpu.memory_space<vmem>> -> memref<1x1x128x32xf32, #tpu.memory_space<vmem>>
        %dma_start3A_264 = tpu.memref_squeeze %dma_start3A_263 : memref<1x1x128x32xf32, #tpu.memory_space<vmem>> -> memref<128x32xf32, #tpu.memory_space<vmem>>
        %dma_start3A_265 = arith.constant 0 : i32
        %dma_start3A_266 = tpu.memref_slice %arg7[%add3A_258, %dma_start3A_265] : memref<80x128xi32, #tpu.memory_space<vmem>> -> memref<1x128xi32, #tpu.memory_space<vmem>>
        %dma_start3A_267 = tpu.memref_squeeze %dma_start3A_266 : memref<1x128xi32, #tpu.memory_space<vmem>> -> memref<128xi32, #tpu.memory_space<vmem>>
        %dma_start3A_268 = arith.constant 0 : i32
        %dma_start3A_269 = arith.constant 0 : i32
        %dma_start3A_270 = tpu.memref_slice %arg11[%dma_start3A_268, %dma_start3A_269] : memref<10240x32xf32, #tpu.memory_space<vmem_shared>> -> memref<10240x32xf32, #tpu.memory_space<vmem_shared>>
        tpu.enqueue_indirect_dma source(%dma_start3A_264 : memref<128x32xf32, #tpu.memory_space<vmem>>) target(%dma_start3A_270 : memref<10240x32xf32, #tpu.memory_space<vmem_shared>>) offsets(%dma_start3A_267 : memref<128xi32, #tpu.memory_space<vmem>>) semaphore(%arg10 : memref<!tpu.dma_semaphore, #tpu.memory_space<semaphore_mem>>) {add = true}
      } else {
      }
      %ge3A_170 = arith.constant 1 : i32
      %ge3A_171 = arith.cmpi sge, %add3A_165, %ge3A_170 : i32
      %le3A_172 = arith.cmpi sle, %add3A_165, %select_n3A_26 : i32
      %and3A_173 = arith.andi %ge3A_171, %le3A_172 : i1
      %convert_element_type3A_174 = arith.extui %and3A_173 : i1 to i32
      %cond3A_175 = arith.constant 0 : i32
      %cond3A_176 = arith.cmpi ne, %convert_element_type3A_174, %cond3A_175 : i32
      scf.if %cond3A_176 {
        %sub3A_208 = arith.constant 1 : i32
        %sub3A_209 = arith.subi %add3A_165, %sub3A_208 : i32
        %mul3A_210 = arith.constant 2 : i32
        %mul3A_211 = arith.muli %sub3A_209, %mul3A_210 : i32
        %add3A_212 = arith.constant 0 : i32
        %add3A_213 = arith.addi %mul3A_211, %add3A_212 : i32
        %dma_wait3A = arith.constant 0 : i32
        %dma_wait3A_214 = arith.constant 0 : i32
        %dma_wait3A_215 = arith.constant 0 : i32
        %dma_wait3A_216 = arith.constant 0 : i32
        %dma_wait3A_217 = tpu.memref_slice %arg8[%dma_wait3A, %dma_wait3A_214, %dma_wait3A_215, %dma_wait3A_216] : memref<3x2x128x32xf32, #tpu.memory_space<vmem>> -> memref<1x1x128x32xf32, #tpu.memory_space<vmem>>
        %dma_wait3A_218 = tpu.memref_squeeze %dma_wait3A_217 : memref<1x1x128x32xf32, #tpu.memory_space<vmem>> -> memref<128x32xf32, #tpu.memory_space<vmem>>
        %dma_wait3A_219 = arith.constant 0 : i32
        %dma_wait3A_220 = tpu.memref_slice %arg7[%add3A_213, %dma_wait3A_219] : memref<80x128xi32, #tpu.memory_space<vmem>> -> memref<1x128xi32, #tpu.memory_space<vmem>>
        %dma_wait3A_221 = tpu.memref_squeeze %dma_wait3A_220 : memref<1x128xi32, #tpu.memory_space<vmem>> -> memref<128xi32, #tpu.memory_space<vmem>>
        %dma_wait3A_222 = arith.constant 0 : i32
        %dma_wait3A_223 = arith.constant 0 : i32
        %dma_wait3A_224 = tpu.memref_slice %arg11[%dma_wait3A_222, %dma_wait3A_223] : memref<10240x32xf32, #tpu.memory_space<vmem_shared>> -> memref<10240x32xf32, #tpu.memory_space<vmem_shared>>
        tpu.wait_indirect_dma semaphore(%arg10 : memref<!tpu.dma_semaphore, #tpu.memory_space<semaphore_mem>>) src(%dma_wait3A_218 : memref<128x32xf32, #tpu.memory_space<vmem>>) dst(%dma_wait3A_224 : memref<10240x32xf32, #tpu.memory_space<vmem_shared>>)
        %mul3A_225 = arith.constant 2 : i32
        %mul3A_226 = arith.muli %sub3A_209, %mul3A_225 : i32
        %add3A_227 = arith.constant 1 : i32
        %add3A_228 = arith.addi %mul3A_226, %add3A_227 : i32
        %dma_wait3A_229 = arith.constant 0 : i32
        %dma_wait3A_230 = arith.constant 1 : i32
        %dma_wait3A_231 = arith.constant 0 : i32
        %dma_wait3A_232 = arith.constant 0 : i32
        %dma_wait3A_233 = tpu.memref_slice %arg8[%dma_wait3A_229, %dma_wait3A_230, %dma_wait3A_231, %dma_wait3A_232] : memref<3x2x128x32xf32, #tpu.memory_space<vmem>> -> memref<1x1x128x32xf32, #tpu.memory_space<vmem>>
        %dma_wait3A_234 = tpu.memref_squeeze %dma_wait3A_233 : memref<1x1x128x32xf32, #tpu.memory_space<vmem>> -> memref<128x32xf32, #tpu.memory_space<vmem>>
        %dma_wait3A_235 = arith.constant 0 : i32
        %dma_wait3A_236 = tpu.memref_slice %arg7[%add3A_228, %dma_wait3A_235] : memref<80x128xi32, #tpu.memory_space<vmem>> -> memref<1x128xi32, #tpu.memory_space<vmem>>
        %dma_wait3A_237 = tpu.memref_squeeze %dma_wait3A_236 : memref<1x128xi32, #tpu.memory_space<vmem>> -> memref<128xi32, #tpu.memory_space<vmem>>
        %dma_wait3A_238 = arith.constant 0 : i32
        %dma_wait3A_239 = arith.constant 0 : i32
        %dma_wait3A_240 = tpu.memref_slice %arg11[%dma_wait3A_238, %dma_wait3A_239] : memref<10240x32xf32, #tpu.memory_space<vmem_shared>> -> memref<10240x32xf32, #tpu.memory_space<vmem_shared>>
        tpu.wait_indirect_dma semaphore(%arg10 : memref<!tpu.dma_semaphore, #tpu.memory_space<semaphore_mem>>) src(%dma_wait3A_234 : memref<128x32xf32, #tpu.memory_space<vmem>>) dst(%dma_wait3A_240 : memref<10240x32xf32, #tpu.memory_space<vmem_shared>>)
      } else {
      }
      %add3A_177 = arith.constant 3 : i32
      %add3A_178 = arith.addi %add3A_165, %add3A_177 : i32
      %sub3A_179 = arith.constant 1 : i32
      %sub3A_180 = arith.subi %add3A_178, %sub3A_179 : i32
      %lt3A_181 = arith.cmpi slt, %sub3A_180, %select_n3A_26 : i32
      %convert_element_type3A_182 = arith.extui %lt3A_181 : i1 to i32
      %cond3A_183 = arith.constant 0 : i32
      %cond3A_184 = arith.cmpi ne, %convert_element_type3A_182, %cond3A_183 : i32
      scf.if %cond3A_184 {
        %add3A_208 = arith.constant 3 : i32
        %add3A_209 = arith.addi %add3A_165, %add3A_208 : i32
        %sub3A_210 = arith.constant 1 : i32
        %sub3A_211 = arith.subi %add3A_209, %sub3A_210 : i32
        %mul3A_212 = arith.constant 2 : i32
        %mul3A_213 = arith.muli %sub3A_211, %mul3A_212 : i32
        %add3A_214 = arith.constant 0 : i32
        %add3A_215 = arith.addi %mul3A_213, %add3A_214 : i32
        %dma_start3A_216 = arith.constant 0 : i32
        %dma_start3A_217 = arith.constant 0 : i32
        %dma_start3A_218 = arith.constant 0 : i32
        %dma_start3A_219 = arith.constant 0 : i32
        %dma_start3A_220 = tpu.memref_slice %arg8[%dma_start3A_216, %dma_start3A_217, %dma_start3A_218, %dma_start3A_219] : memref<3x2x128x32xf32, #tpu.memory_space<vmem>> -> memref<1x1x128x32xf32, #tpu.memory_space<vmem>>
        %dma_start3A_221 = tpu.memref_squeeze %dma_start3A_220 : memref<1x1x128x32xf32, #tpu.memory_space<vmem>> -> memref<128x32xf32, #tpu.memory_space<vmem>>
        %dma_start3A_222 = arith.constant 0 : i32
        %dma_start3A_223 = tpu.memref_slice %arg6[%add3A_215, %dma_start3A_222] : memref<80x128xi32, #tpu.memory_space<vmem>> -> memref<1x128xi32, #tpu.memory_space<vmem>>
        %dma_start3A_224 = tpu.memref_squeeze %dma_start3A_223 : memref<1x128xi32, #tpu.memory_space<vmem>> -> memref<128xi32, #tpu.memory_space<vmem>>
        %dma_start3A_225 = arith.constant 0 : i32
        %dma_start3A_226 = arith.constant 0 : i32
        %dma_start3A_227 = tpu.memref_slice %arg2[%dma_start3A_225, %dma_start3A_226] : memref<10000x32xf32, #tpu.memory_space<hbm>> -> memref<10000x32xf32, #tpu.memory_space<hbm>>
        tpu.enqueue_indirect_dma source(%dma_start3A_227 : memref<10000x32xf32, #tpu.memory_space<hbm>>) target(%dma_start3A_221 : memref<128x32xf32, #tpu.memory_space<vmem>>) offsets(%dma_start3A_224 : memref<128xi32, #tpu.memory_space<vmem>>) semaphore(%arg9 : memref<!tpu.dma_semaphore, #tpu.memory_space<semaphore_mem>>)
        %mul3A_228 = arith.constant 2 : i32
        %mul3A_229 = arith.muli %sub3A_211, %mul3A_228 : i32
        %add3A_230 = arith.constant 1 : i32
        %add3A_231 = arith.addi %mul3A_229, %add3A_230 : i32
        %dma_start3A_232 = arith.constant 0 : i32
        %dma_start3A_233 = arith.constant 1 : i32
        %dma_start3A_234 = arith.constant 0 : i32
        %dma_start3A_235 = arith.constant 0 : i32
        %dma_start3A_236 = tpu.memref_slice %arg8[%dma_start3A_232, %dma_start3A_233, %dma_start3A_234, %dma_start3A_235] : memref<3x2x128x32xf32, #tpu.memory_space<vmem>> -> memref<1x1x128x32xf32, #tpu.memory_space<vmem>>
        %dma_start3A_237 = tpu.memref_squeeze %dma_start3A_236 : memref<1x1x128x32xf32, #tpu.memory_space<vmem>> -> memref<128x32xf32, #tpu.memory_space<vmem>>
        %dma_start3A_238 = arith.constant 0 : i32
        %dma_start3A_239 = tpu.memref_slice %arg6[%add3A_231, %dma_start3A_238] : memref<80x128xi32, #tpu.memory_space<vmem>> -> memref<1x128xi32, #tpu.memory_space<vmem>>
        %dma_start3A_240 = tpu.memref_squeeze %dma_start3A_239 : memref<1x128xi32, #tpu.memory_space<vmem>> -> memref<128xi32, #tpu.memory_space<vmem>>
        %dma_start3A_241 = arith.constant 0 : i32
        %dma_start3A_242 = arith.constant 0 : i32
        %dma_start3A_243 = tpu.memref_slice %arg2[%dma_start3A_241, %dma_start3A_242] : memref<10000x32xf32, #tpu.memory_space<hbm>> -> memref<10000x32xf32, #tpu.memory_space<hbm>>
        tpu.enqueue_indirect_dma source(%dma_start3A_243 : memref<10000x32xf32, #tpu.memory_space<hbm>>) target(%dma_start3A_237 : memref<128x32xf32, #tpu.memory_space<vmem>>) offsets(%dma_start3A_240 : memref<128xi32, #tpu.memory_space<vmem>>) semaphore(%arg9 : memref<!tpu.dma_semaphore, #tpu.memory_space<semaphore_mem>>)
      } else {
      }
      %mul3A_185 = arith.constant 3 : i32
      %mul3A_186 = arith.muli %add3A_141, %mul3A_185 : i32
      %add3A_187 = arith.constant 2 : i32
      %add3A_188 = arith.addi %mul3A_186, %add3A_187 : i32
      %lt3A_189 = arith.cmpi slt, %add3A_188, %select_n3A_26 : i32
      %convert_element_type3A_190 = arith.extui %lt3A_189 : i1 to i32
      %cond3A_191 = arith.constant 0 : i32
      %cond3A_192 = arith.cmpi ne, %convert_element_type3A_190, %cond3A_191 : i32
      scf.if %cond3A_192 {
        %mul3A_208 = arith.constant 2 : i32
        %mul3A_209 = arith.muli %add3A_188, %mul3A_208 : i32
        %add3A_210 = arith.constant 0 : i32
        %add3A_211 = arith.addi %mul3A_209, %add3A_210 : i32
        %dma_wait3A = arith.constant 2 : i32
        %dma_wait3A_212 = arith.constant 0 : i32
        %dma_wait3A_213 = arith.constant 0 : i32
        %dma_wait3A_214 = arith.constant 0 : i32
        %dma_wait3A_215 = tpu.memref_slice %arg8[%dma_wait3A, %dma_wait3A_212, %dma_wait3A_213, %dma_wait3A_214] : memref<3x2x128x32xf32, #tpu.memory_space<vmem>> -> memref<1x1x128x32xf32, #tpu.memory_space<vmem>>
        %dma_wait3A_216 = tpu.memref_squeeze %dma_wait3A_215 : memref<1x1x128x32xf32, #tpu.memory_space<vmem>> -> memref<128x32xf32, #tpu.memory_space<vmem>>
        %dma_wait3A_217 = arith.constant 0 : i32
        %dma_wait3A_218 = tpu.memref_slice %arg6[%add3A_211, %dma_wait3A_217] : memref<80x128xi32, #tpu.memory_space<vmem>> -> memref<1x128xi32, #tpu.memory_space<vmem>>
        %dma_wait3A_219 = tpu.memref_squeeze %dma_wait3A_218 : memref<1x128xi32, #tpu.memory_space<vmem>> -> memref<128xi32, #tpu.memory_space<vmem>>
        %dma_wait3A_220 = arith.constant 0 : i32
        %dma_wait3A_221 = arith.constant 0 : i32
        %dma_wait3A_222 = tpu.memref_slice %arg2[%dma_wait3A_220, %dma_wait3A_221] : memref<10000x32xf32, #tpu.memory_space<hbm>> -> memref<10000x32xf32, #tpu.memory_space<hbm>>
        tpu.wait_indirect_dma semaphore(%arg9 : memref<!tpu.dma_semaphore, #tpu.memory_space<semaphore_mem>>) src(%dma_wait3A_222 : memref<10000x32xf32, #tpu.memory_space<hbm>>) dst(%dma_wait3A_216 : memref<128x32xf32, #tpu.memory_space<vmem>>)
        %mul3A_223 = arith.constant 2 : i32
        %mul3A_224 = arith.muli %add3A_188, %mul3A_223 : i32
        %add3A_225 = arith.constant 1 : i32
        %add3A_226 = arith.addi %mul3A_224, %add3A_225 : i32
        %dma_wait3A_227 = arith.constant 2 : i32
        %dma_wait3A_228 = arith.constant 1 : i32
        %dma_wait3A_229 = arith.constant 0 : i32
        %dma_wait3A_230 = arith.constant 0 : i32
        %dma_wait3A_231 = tpu.memref_slice %arg8[%dma_wait3A_227, %dma_wait3A_228, %dma_wait3A_229, %dma_wait3A_230] : memref<3x2x128x32xf32, #tpu.memory_space<vmem>> -> memref<1x1x128x32xf32, #tpu.memory_space<vmem>>
        %dma_wait3A_232 = tpu.memref_squeeze %dma_wait3A_231 : memref<1x1x128x32xf32, #tpu.memory_space<vmem>> -> memref<128x32xf32, #tpu.memory_space<vmem>>
        %dma_wait3A_233 = arith.constant 0 : i32
        %dma_wait3A_234 = tpu.memref_slice %arg6[%add3A_226, %dma_wait3A_233] : memref<80x128xi32, #tpu.memory_space<vmem>> -> memref<1x128xi32, #tpu.memory_space<vmem>>
        %dma_wait3A_235 = tpu.memref_squeeze %dma_wait3A_234 : memref<1x128xi32, #tpu.memory_space<vmem>> -> memref<128xi32, #tpu.memory_space<vmem>>
        %dma_wait3A_236 = arith.constant 0 : i32
        %dma_wait3A_237 = arith.constant 0 : i32
        %dma_wait3A_238 = tpu.memref_slice %arg2[%dma_wait3A_236, %dma_wait3A_237] : memref<10000x32xf32, #tpu.memory_space<hbm>> -> memref<10000x32xf32, #tpu.memory_space<hbm>>
        tpu.wait_indirect_dma semaphore(%arg9 : memref<!tpu.dma_semaphore, #tpu.memory_space<semaphore_mem>>) src(%dma_wait3A_238 : memref<10000x32xf32, #tpu.memory_space<hbm>>) dst(%dma_wait3A_232 : memref<128x32xf32, #tpu.memory_space<vmem>>)
        %mul3A_239 = arith.constant 2 : i32
        %mul3A_240 = arith.muli %add3A_188, %mul3A_239 : i32
        %add3A_241 = arith.constant 0 : i32
        %add3A_242 = arith.addi %mul3A_240, %add3A_241 : i32
        %dma_start3A_243 = arith.constant 2 : i32
        %dma_start3A_244 = arith.constant 0 : i32
        %dma_start3A_245 = arith.constant 0 : i32
        %dma_start3A_246 = arith.constant 0 : i32
        %dma_start3A_247 = tpu.memref_slice %arg8[%dma_start3A_243, %dma_start3A_244, %dma_start3A_245, %dma_start3A_246] : memref<3x2x128x32xf32, #tpu.memory_space<vmem>> -> memref<1x1x128x32xf32, #tpu.memory_space<vmem>>
        %dma_start3A_248 = tpu.memref_squeeze %dma_start3A_247 : memref<1x1x128x32xf32, #tpu.memory_space<vmem>> -> memref<128x32xf32, #tpu.memory_space<vmem>>
        %dma_start3A_249 = arith.constant 0 : i32
        %dma_start3A_250 = tpu.memref_slice %arg7[%add3A_242, %dma_start3A_249] : memref<80x128xi32, #tpu.memory_space<vmem>> -> memref<1x128xi32, #tpu.memory_space<vmem>>
        %dma_start3A_251 = tpu.memref_squeeze %dma_start3A_250 : memref<1x128xi32, #tpu.memory_space<vmem>> -> memref<128xi32, #tpu.memory_space<vmem>>
        %dma_start3A_252 = arith.constant 0 : i32
        %dma_start3A_253 = arith.constant 0 : i32
        %dma_start3A_254 = tpu.memref_slice %arg11[%dma_start3A_252, %dma_start3A_253] : memref<10240x32xf32, #tpu.memory_space<vmem_shared>> -> memref<10240x32xf32, #tpu.memory_space<vmem_shared>>
        tpu.enqueue_indirect_dma source(%dma_start3A_248 : memref<128x32xf32, #tpu.memory_space<vmem>>) target(%dma_start3A_254 : memref<10240x32xf32, #tpu.memory_space<vmem_shared>>) offsets(%dma_start3A_251 : memref<128xi32, #tpu.memory_space<vmem>>) semaphore(%arg10 : memref<!tpu.dma_semaphore, #tpu.memory_space<semaphore_mem>>) {add = true}
        %mul3A_255 = arith.constant 2 : i32
        %mul3A_256 = arith.muli %add3A_188, %mul3A_255 : i32
        %add3A_257 = arith.constant 1 : i32
        %add3A_258 = arith.addi %mul3A_256, %add3A_257 : i32
        %dma_start3A_259 = arith.constant 2 : i32
        %dma_start3A_260 = arith.constant 1 : i32
        %dma_start3A_261 = arith.constant 0 : i32
        %dma_start3A_262 = arith.constant 0 : i32
        %dma_start3A_263 = tpu.memref_slice %arg8[%dma_start3A_259, %dma_start3A_260, %dma_start3A_261, %dma_start3A_262] : memref<3x2x128x32xf32, #tpu.memory_space<vmem>> -> memref<1x1x128x32xf32, #tpu.memory_space<vmem>>
        %dma_start3A_264 = tpu.memref_squeeze %dma_start3A_263 : memref<1x1x128x32xf32, #tpu.memory_space<vmem>> -> memref<128x32xf32, #tpu.memory_space<vmem>>
        %dma_start3A_265 = arith.constant 0 : i32
        %dma_start3A_266 = tpu.memref_slice %arg7[%add3A_258, %dma_start3A_265] : memref<80x128xi32, #tpu.memory_space<vmem>> -> memref<1x128xi32, #tpu.memory_space<vmem>>
        %dma_start3A_267 = tpu.memref_squeeze %dma_start3A_266 : memref<1x128xi32, #tpu.memory_space<vmem>> -> memref<128xi32, #tpu.memory_space<vmem>>
        %dma_start3A_268 = arith.constant 0 : i32
        %dma_start3A_269 = arith.constant 0 : i32
        %dma_start3A_270 = tpu.memref_slice %arg11[%dma_start3A_268, %dma_start3A_269] : memref<10240x32xf32, #tpu.memory_space<vmem_shared>> -> memref<10240x32xf32, #tpu.memory_space<vmem_shared>>
        tpu.enqueue_indirect_dma source(%dma_start3A_264 : memref<128x32xf32, #tpu.memory_space<vmem>>) target(%dma_start3A_270 : memref<10240x32xf32, #tpu.memory_space<vmem_shared>>) offsets(%dma_start3A_267 : memref<128xi32, #tpu.memory_space<vmem>>) semaphore(%arg10 : memref<!tpu.dma_semaphore, #tpu.memory_space<semaphore_mem>>) {add = true}
      } else {
      }
      %ge3A_193 = arith.constant 1 : i32
      %ge3A_194 = arith.cmpi sge, %add3A_188, %ge3A_193 : i32
      %le3A_195 = arith.cmpi sle, %add3A_188, %select_n3A_26 : i32
      %and3A_196 = arith.andi %ge3A_194, %le3A_195 : i1
      %convert_element_type3A_197 = arith.extui %and3A_196 : i1 to i32
      %cond3A_198 = arith.constant 0 : i32
      %cond3A_199 = arith.cmpi ne, %convert_element_type3A_197, %cond3A_198 : i32
      scf.if %cond3A_199 {
        %sub3A_208 = arith.constant 1 : i32
        %sub3A_209 = arith.subi %add3A_188, %sub3A_208 : i32
        %mul3A_210 = arith.constant 2 : i32
        %mul3A_211 = arith.muli %sub3A_209, %mul3A_210 : i32
        %add3A_212 = arith.constant 0 : i32
        %add3A_213 = arith.addi %mul3A_211, %add3A_212 : i32
        %dma_wait3A = arith.constant 1 : i32
        %dma_wait3A_214 = arith.constant 0 : i32
        %dma_wait3A_215 = arith.constant 0 : i32
        %dma_wait3A_216 = arith.constant 0 : i32
        %dma_wait3A_217 = tpu.memref_slice %arg8[%dma_wait3A, %dma_wait3A_214, %dma_wait3A_215, %dma_wait3A_216] : memref<3x2x128x32xf32, #tpu.memory_space<vmem>> -> memref<1x1x128x32xf32, #tpu.memory_space<vmem>>
        %dma_wait3A_218 = tpu.memref_squeeze %dma_wait3A_217 : memref<1x1x128x32xf32, #tpu.memory_space<vmem>> -> memref<128x32xf32, #tpu.memory_space<vmem>>
        %dma_wait3A_219 = arith.constant 0 : i32
        %dma_wait3A_220 = tpu.memref_slice %arg7[%add3A_213, %dma_wait3A_219] : memref<80x128xi32, #tpu.memory_space<vmem>> -> memref<1x128xi32, #tpu.memory_space<vmem>>
        %dma_wait3A_221 = tpu.memref_squeeze %dma_wait3A_220 : memref<1x128xi32, #tpu.memory_space<vmem>> -> memref<128xi32, #tpu.memory_space<vmem>>
        %dma_wait3A_222 = arith.constant 0 : i32
        %dma_wait3A_223 = arith.constant 0 : i32
        %dma_wait3A_224 = tpu.memref_slice %arg11[%dma_wait3A_222, %dma_wait3A_223] : memref<10240x32xf32, #tpu.memory_space<vmem_shared>> -> memref<10240x32xf32, #tpu.memory_space<vmem_shared>>
        tpu.wait_indirect_dma semaphore(%arg10 : memref<!tpu.dma_semaphore, #tpu.memory_space<semaphore_mem>>) src(%dma_wait3A_218 : memref<128x32xf32, #tpu.memory_space<vmem>>) dst(%dma_wait3A_224 : memref<10240x32xf32, #tpu.memory_space<vmem_shared>>)
        %mul3A_225 = arith.constant 2 : i32
        %mul3A_226 = arith.muli %sub3A_209, %mul3A_225 : i32
        %add3A_227 = arith.constant 1 : i32
        %add3A_228 = arith.addi %mul3A_226, %add3A_227 : i32
        %dma_wait3A_229 = arith.constant 1 : i32
        %dma_wait3A_230 = arith.constant 1 : i32
        %dma_wait3A_231 = arith.constant 0 : i32
        %dma_wait3A_232 = arith.constant 0 : i32
        %dma_wait3A_233 = tpu.memref_slice %arg8[%dma_wait3A_229, %dma_wait3A_230, %dma_wait3A_231, %dma_wait3A_232] : memref<3x2x128x32xf32, #tpu.memory_space<vmem>> -> memref<1x1x128x32xf32, #tpu.memory_space<vmem>>
        %dma_wait3A_234 = tpu.memref_squeeze %dma_wait3A_233 : memref<1x1x128x32xf32, #tpu.memory_space<vmem>> -> memref<128x32xf32, #tpu.memory_space<vmem>>
        %dma_wait3A_235 = arith.constant 0 : i32
        %dma_wait3A_236 = tpu.memref_slice %arg7[%add3A_228, %dma_wait3A_235] : memref<80x128xi32, #tpu.memory_space<vmem>> -> memref<1x128xi32, #tpu.memory_space<vmem>>
        %dma_wait3A_237 = tpu.memref_squeeze %dma_wait3A_236 : memref<1x128xi32, #tpu.memory_space<vmem>> -> memref<128xi32, #tpu.memory_space<vmem>>
        %dma_wait3A_238 = arith.constant 0 : i32
        %dma_wait3A_239 = arith.constant 0 : i32
        %dma_wait3A_240 = tpu.memref_slice %arg11[%dma_wait3A_238, %dma_wait3A_239] : memref<10240x32xf32, #tpu.memory_space<vmem_shared>> -> memref<10240x32xf32, #tpu.memory_space<vmem_shared>>
        tpu.wait_indirect_dma semaphore(%arg10 : memref<!tpu.dma_semaphore, #tpu.memory_space<semaphore_mem>>) src(%dma_wait3A_234 : memref<128x32xf32, #tpu.memory_space<vmem>>) dst(%dma_wait3A_240 : memref<10240x32xf32, #tpu.memory_space<vmem_shared>>)
      } else {
      }
      %add3A_200 = arith.constant 3 : i32
      %add3A_201 = arith.addi %add3A_188, %add3A_200 : i32
      %sub3A_202 = arith.constant 1 : i32
      %sub3A_203 = arith.subi %add3A_201, %sub3A_202 : i32
      %lt3A_204 = arith.cmpi slt, %sub3A_203, %select_n3A_26 : i32
      %convert_element_type3A_205 = arith.extui %lt3A_204 : i1 to i32
      %cond3A_206 = arith.constant 0 : i32
      %cond3A_207 = arith.cmpi ne, %convert_element_type3A_205, %cond3A_206 : i32
      scf.if %cond3A_207 {
        %add3A_208 = arith.constant 3 : i32
        %add3A_209 = arith.addi %add3A_188, %add3A_208 : i32
        %sub3A_210 = arith.constant 1 : i32
        %sub3A_211 = arith.subi %add3A_209, %sub3A_210 : i32
        %mul3A_212 = arith.constant 2 : i32
        %mul3A_213 = arith.muli %sub3A_211, %mul3A_212 : i32
        %add3A_214 = arith.constant 0 : i32
        %add3A_215 = arith.addi %mul3A_213, %add3A_214 : i32
        %dma_start3A_216 = arith.constant 1 : i32
        %dma_start3A_217 = arith.constant 0 : i32
        %dma_start3A_218 = arith.constant 0 : i32
        %dma_start3A_219 = arith.constant 0 : i32
        %dma_start3A_220 = tpu.memref_slice %arg8[%dma_start3A_216, %dma_start3A_217, %dma_start3A_218, %dma_start3A_219] : memref<3x2x128x32xf32, #tpu.memory_space<vmem>> -> memref<1x1x128x32xf32, #tpu.memory_space<vmem>>
        %dma_start3A_221 = tpu.memref_squeeze %dma_start3A_220 : memref<1x1x128x32xf32, #tpu.memory_space<vmem>> -> memref<128x32xf32, #tpu.memory_space<vmem>>
        %dma_start3A_222 = arith.constant 0 : i32
        %dma_start3A_223 = tpu.memref_slice %arg6[%add3A_215, %dma_start3A_222] : memref<80x128xi32, #tpu.memory_space<vmem>> -> memref<1x128xi32, #tpu.memory_space<vmem>>
        %dma_start3A_224 = tpu.memref_squeeze %dma_start3A_223 : memref<1x128xi32, #tpu.memory_space<vmem>> -> memref<128xi32, #tpu.memory_space<vmem>>
        %dma_start3A_225 = arith.constant 0 : i32
        %dma_start3A_226 = arith.constant 0 : i32
        %dma_start3A_227 = tpu.memref_slice %arg2[%dma_start3A_225, %dma_start3A_226] : memref<10000x32xf32, #tpu.memory_space<hbm>> -> memref<10000x32xf32, #tpu.memory_space<hbm>>
        tpu.enqueue_indirect_dma source(%dma_start3A_227 : memref<10000x32xf32, #tpu.memory_space<hbm>>) target(%dma_start3A_221 : memref<128x32xf32, #tpu.memory_space<vmem>>) offsets(%dma_start3A_224 : memref<128xi32, #tpu.memory_space<vmem>>) semaphore(%arg9 : memref<!tpu.dma_semaphore, #tpu.memory_space<semaphore_mem>>)
        %mul3A_228 = arith.constant 2 : i32
        %mul3A_229 = arith.muli %sub3A_211, %mul3A_228 : i32
        %add3A_230 = arith.constant 1 : i32
        %add3A_231 = arith.addi %mul3A_229, %add3A_230 : i32
        %dma_start3A_232 = arith.constant 1 : i32
        %dma_start3A_233 = arith.constant 1 : i32
        %dma_start3A_234 = arith.constant 0 : i32
        %dma_start3A_235 = arith.constant 0 : i32
        %dma_start3A_236 = tpu.memref_slice %arg8[%dma_start3A_232, %dma_start3A_233, %dma_start3A_234, %dma_start3A_235] : memref<3x2x128x32xf32, #tpu.memory_space<vmem>> -> memref<1x1x128x32xf32, #tpu.memory_space<vmem>>
        %dma_start3A_237 = tpu.memref_squeeze %dma_start3A_236 : memref<1x1x128x32xf32, #tpu.memory_space<vmem>> -> memref<128x32xf32, #tpu.memory_space<vmem>>
        %dma_start3A_238 = arith.constant 0 : i32
        %dma_start3A_239 = tpu.memref_slice %arg6[%add3A_231, %dma_start3A_238] : memref<80x128xi32, #tpu.memory_space<vmem>> -> memref<1x128xi32, #tpu.memory_space<vmem>>
        %dma_start3A_240 = tpu.memref_squeeze %dma_start3A_239 : memref<1x128xi32, #tpu.memory_space<vmem>> -> memref<128xi32, #tpu.memory_space<vmem>>
        %dma_start3A_241 = arith.constant 0 : i32
        %dma_start3A_242 = arith.constant 0 : i32
        %dma_start3A_243 = tpu.memref_slice %arg2[%dma_start3A_241, %dma_start3A_242] : memref<10000x32xf32, #tpu.memory_space<hbm>> -> memref<10000x32xf32, #tpu.memory_space<hbm>>
        tpu.enqueue_indirect_dma source(%dma_start3A_243 : memref<10000x32xf32, #tpu.memory_space<hbm>>) target(%dma_start3A_237 : memref<128x32xf32, #tpu.memory_space<vmem>>) offsets(%dma_start3A_240 : memref<128xi32, #tpu.memory_space<vmem>>) semaphore(%arg9 : memref<!tpu.dma_semaphore, #tpu.memory_space<semaphore_mem>>)
      } else {
      }
    }
    %while3A_130 = arith.constant 1 : i32
    scf.for %while3A_139 = %while3A_128 to %while3A_124 step %while3A_130  : i32 {
      %mul3A_140 = arith.muli %while3A_139, %while3A : i32
      %add3A_141 = arith.addi %while3A_121, %mul3A_140 : i32
      %mul3A_142 = arith.constant 3 : i32
      %mul3A_143 = arith.muli %add3A_141, %mul3A_142 : i32
      %add3A_144 = arith.constant 0 : i32
      %add3A_145 = arith.addi %mul3A_143, %add3A_144 : i32
      %lt3A = arith.cmpi slt, %add3A_145, %select_n3A_26 : i32
      %convert_element_type3A_146 = arith.extui %lt3A : i1 to i32
      %cond3A_147 = arith.constant 0 : i32
      %cond3A_148 = arith.cmpi ne, %convert_element_type3A_146, %cond3A_147 : i32
      scf.if %cond3A_148 {
        %mul3A_208 = arith.constant 2 : i32
        %mul3A_209 = arith.muli %add3A_145, %mul3A_208 : i32
        %add3A_210 = arith.constant 0 : i32
        %add3A_211 = arith.addi %mul3A_209, %add3A_210 : i32
        %dma_wait3A = arith.constant 0 : i32
        %dma_wait3A_212 = arith.constant 0 : i32
        %dma_wait3A_213 = arith.constant 0 : i32
        %dma_wait3A_214 = arith.constant 0 : i32
        %dma_wait3A_215 = tpu.memref_slice %arg8[%dma_wait3A, %dma_wait3A_212, %dma_wait3A_213, %dma_wait3A_214] : memref<3x2x128x32xf32, #tpu.memory_space<vmem>> -> memref<1x1x128x32xf32, #tpu.memory_space<vmem>>
        %dma_wait3A_216 = tpu.memref_squeeze %dma_wait3A_215 : memref<1x1x128x32xf32, #tpu.memory_space<vmem>> -> memref<128x32xf32, #tpu.memory_space<vmem>>
        %dma_wait3A_217 = arith.constant 0 : i32
        %dma_wait3A_218 = tpu.memref_slice %arg6[%add3A_211, %dma_wait3A_217] : memref<80x128xi32, #tpu.memory_space<vmem>> -> memref<1x128xi32, #tpu.memory_space<vmem>>
        %dma_wait3A_219 = tpu.memref_squeeze %dma_wait3A_218 : memref<1x128xi32, #tpu.memory_space<vmem>> -> memref<128xi32, #tpu.memory_space<vmem>>
        %dma_wait3A_220 = arith.constant 0 : i32
        %dma_wait3A_221 = arith.constant 0 : i32
        %dma_wait3A_222 = tpu.memref_slice %arg2[%dma_wait3A_220, %dma_wait3A_221] : memref<10000x32xf32, #tpu.memory_space<hbm>> -> memref<10000x32xf32, #tpu.memory_space<hbm>>
        tpu.wait_indirect_dma semaphore(%arg9 : memref<!tpu.dma_semaphore, #tpu.memory_space<semaphore_mem>>) src(%dma_wait3A_222 : memref<10000x32xf32, #tpu.memory_space<hbm>>) dst(%dma_wait3A_216 : memref<128x32xf32, #tpu.memory_space<vmem>>)
        %mul3A_223 = arith.constant 2 : i32
        %mul3A_224 = arith.muli %add3A_145, %mul3A_223 : i32
        %add3A_225 = arith.constant 1 : i32
        %add3A_226 = arith.addi %mul3A_224, %add3A_225 : i32
        %dma_wait3A_227 = arith.constant 0 : i32
        %dma_wait3A_228 = arith.constant 1 : i32
        %dma_wait3A_229 = arith.constant 0 : i32
        %dma_wait3A_230 = arith.constant 0 : i32
        %dma_wait3A_231 = tpu.memref_slice %arg8[%dma_wait3A_227, %dma_wait3A_228, %dma_wait3A_229, %dma_wait3A_230] : memref<3x2x128x32xf32, #tpu.memory_space<vmem>> -> memref<1x1x128x32xf32, #tpu.memory_space<vmem>>
        %dma_wait3A_232 = tpu.memref_squeeze %dma_wait3A_231 : memref<1x1x128x32xf32, #tpu.memory_space<vmem>> -> memref<128x32xf32, #tpu.memory_space<vmem>>
        %dma_wait3A_233 = arith.constant 0 : i32
        %dma_wait3A_234 = tpu.memref_slice %arg6[%add3A_226, %dma_wait3A_233] : memref<80x128xi32, #tpu.memory_space<vmem>> -> memref<1x128xi32, #tpu.memory_space<vmem>>
        %dma_wait3A_235 = tpu.memref_squeeze %dma_wait3A_234 : memref<1x128xi32, #tpu.memory_space<vmem>> -> memref<128xi32, #tpu.memory_space<vmem>>
        %dma_wait3A_236 = arith.constant 0 : i32
        %dma_wait3A_237 = arith.constant 0 : i32
        %dma_wait3A_238 = tpu.memref_slice %arg2[%dma_wait3A_236, %dma_wait3A_237] : memref<10000x32xf32, #tpu.memory_space<hbm>> -> memref<10000x32xf32, #tpu.memory_space<hbm>>
        tpu.wait_indirect_dma semaphore(%arg9 : memref<!tpu.dma_semaphore, #tpu.memory_space<semaphore_mem>>) src(%dma_wait3A_238 : memref<10000x32xf32, #tpu.memory_space<hbm>>) dst(%dma_wait3A_232 : memref<128x32xf32, #tpu.memory_space<vmem>>)
        %mul3A_239 = arith.constant 2 : i32
        %mul3A_240 = arith.muli %add3A_145, %mul3A_239 : i32
        %add3A_241 = arith.constant 0 : i32
        %add3A_242 = arith.addi %mul3A_240, %add3A_241 : i32
        %dma_start3A_243 = arith.constant 0 : i32
        %dma_start3A_244 = arith.constant 0 : i32
        %dma_start3A_245 = arith.constant 0 : i32
        %dma_start3A_246 = arith.constant 0 : i32
        %dma_start3A_247 = tpu.memref_slice %arg8[%dma_start3A_243, %dma_start3A_244, %dma_start3A_245, %dma_start3A_246] : memref<3x2x128x32xf32, #tpu.memory_space<vmem>> -> memref<1x1x128x32xf32, #tpu.memory_space<vmem>>
        %dma_start3A_248 = tpu.memref_squeeze %dma_start3A_247 : memref<1x1x128x32xf32, #tpu.memory_space<vmem>> -> memref<128x32xf32, #tpu.memory_space<vmem>>
        %dma_start3A_249 = arith.constant 0 : i32
        %dma_start3A_250 = tpu.memref_slice %arg7[%add3A_242, %dma_start3A_249] : memref<80x128xi32, #tpu.memory_space<vmem>> -> memref<1x128xi32, #tpu.memory_space<vmem>>
        %dma_start3A_251 = tpu.memref_squeeze %dma_start3A_250 : memref<1x128xi32, #tpu.memory_space<vmem>> -> memref<128xi32, #tpu.memory_space<vmem>>
        %dma_start3A_252 = arith.constant 0 : i32
        %dma_start3A_253 = arith.constant 0 : i32
        %dma_start3A_254 = tpu.memref_slice %arg11[%dma_start3A_252, %dma_start3A_253] : memref<10240x32xf32, #tpu.memory_space<vmem_shared>> -> memref<10240x32xf32, #tpu.memory_space<vmem_shared>>
        tpu.enqueue_indirect_dma source(%dma_start3A_248 : memref<128x32xf32, #tpu.memory_space<vmem>>) target(%dma_start3A_254 : memref<10240x32xf32, #tpu.memory_space<vmem_shared>>) offsets(%dma_start3A_251 : memref<128xi32, #tpu.memory_space<vmem>>) semaphore(%arg10 : memref<!tpu.dma_semaphore, #tpu.memory_space<semaphore_mem>>) {add = true}
        %mul3A_255 = arith.constant 2 : i32
        %mul3A_256 = arith.muli %add3A_145, %mul3A_255 : i32
        %add3A_257 = arith.constant 1 : i32
        %add3A_258 = arith.addi %mul3A_256, %add3A_257 : i32
        %dma_start3A_259 = arith.constant 0 : i32
        %dma_start3A_260 = arith.constant 1 : i32
        %dma_start3A_261 = arith.constant 0 : i32
        %dma_start3A_262 = arith.constant 0 : i32
        %dma_start3A_263 = tpu.memref_slice %arg8[%dma_start3A_259, %dma_start3A_260, %dma_start3A_261, %dma_start3A_262] : memref<3x2x128x32xf32, #tpu.memory_space<vmem>> -> memref<1x1x128x32xf32, #tpu.memory_space<vmem>>
        %dma_start3A_264 = tpu.memref_squeeze %dma_start3A_263 : memref<1x1x128x32xf32, #tpu.memory_space<vmem>> -> memref<128x32xf32, #tpu.memory_space<vmem>>
        %dma_start3A_265 = arith.constant 0 : i32
        %dma_start3A_266 = tpu.memref_slice %arg7[%add3A_258, %dma_start3A_265] : memref<80x128xi32, #tpu.memory_space<vmem>> -> memref<1x128xi32, #tpu.memory_space<vmem>>
        %dma_start3A_267 = tpu.memref_squeeze %dma_start3A_266 : memref<1x128xi32, #tpu.memory_space<vmem>> -> memref<128xi32, #tpu.memory_space<vmem>>
        %dma_start3A_268 = arith.constant 0 : i32
        %dma_start3A_269 = arith.constant 0 : i32
        %dma_start3A_270 = tpu.memref_slice %arg11[%dma_start3A_268, %dma_start3A_269] : memref<10240x32xf32, #tpu.memory_space<vmem_shared>> -> memref<10240x32xf32, #tpu.memory_space<vmem_shared>>
        tpu.enqueue_indirect_dma source(%dma_start3A_264 : memref<128x32xf32, #tpu.memory_space<vmem>>) target(%dma_start3A_270 : memref<10240x32xf32, #tpu.memory_space<vmem_shared>>) offsets(%dma_start3A_267 : memref<128xi32, #tpu.memory_space<vmem>>) semaphore(%arg10 : memref<!tpu.dma_semaphore, #tpu.memory_space<semaphore_mem>>) {add = true}
      } else {
      }
      %ge3A = arith.constant 1 : i32
      %ge3A_149 = arith.cmpi sge, %add3A_145, %ge3A : i32
      %le3A = arith.cmpi sle, %add3A_145, %select_n3A_26 : i32
      %and3A_150 = arith.andi %ge3A_149, %le3A : i1
      %convert_element_type3A_151 = arith.extui %and3A_150 : i1 to i32
      %cond3A_152 = arith.constant 0 : i32
      %cond3A_153 = arith.cmpi ne, %convert_element_type3A_151, %cond3A_152 : i32
      scf.if %cond3A_153 {
        %sub3A_208 = arith.constant 1 : i32
        %sub3A_209 = arith.subi %add3A_145, %sub3A_208 : i32
        %mul3A_210 = arith.constant 2 : i32
        %mul3A_211 = arith.muli %sub3A_209, %mul3A_210 : i32
        %add3A_212 = arith.constant 0 : i32
        %add3A_213 = arith.addi %mul3A_211, %add3A_212 : i32
        %dma_wait3A = arith.constant 2 : i32
        %dma_wait3A_214 = arith.constant 0 : i32
        %dma_wait3A_215 = arith.constant 0 : i32
        %dma_wait3A_216 = arith.constant 0 : i32
        %dma_wait3A_217 = tpu.memref_slice %arg8[%dma_wait3A, %dma_wait3A_214, %dma_wait3A_215, %dma_wait3A_216] : memref<3x2x128x32xf32, #tpu.memory_space<vmem>> -> memref<1x1x128x32xf32, #tpu.memory_space<vmem>>
        %dma_wait3A_218 = tpu.memref_squeeze %dma_wait3A_217 : memref<1x1x128x32xf32, #tpu.memory_space<vmem>> -> memref<128x32xf32, #tpu.memory_space<vmem>>
        %dma_wait3A_219 = arith.constant 0 : i32
        %dma_wait3A_220 = tpu.memref_slice %arg7[%add3A_213, %dma_wait3A_219] : memref<80x128xi32, #tpu.memory_space<vmem>> -> memref<1x128xi32, #tpu.memory_space<vmem>>
        %dma_wait3A_221 = tpu.memref_squeeze %dma_wait3A_220 : memref<1x128xi32, #tpu.memory_space<vmem>> -> memref<128xi32, #tpu.memory_space<vmem>>
        %dma_wait3A_222 = arith.constant 0 : i32
        %dma_wait3A_223 = arith.constant 0 : i32
        %dma_wait3A_224 = tpu.memref_slice %arg11[%dma_wait3A_222, %dma_wait3A_223] : memref<10240x32xf32, #tpu.memory_space<vmem_shared>> -> memref<10240x32xf32, #tpu.memory_space<vmem_shared>>
        tpu.wait_indirect_dma semaphore(%arg10 : memref<!tpu.dma_semaphore, #tpu.memory_space<semaphore_mem>>) src(%dma_wait3A_218 : memref<128x32xf32, #tpu.memory_space<vmem>>) dst(%dma_wait3A_224 : memref<10240x32xf32, #tpu.memory_space<vmem_shared>>)
        %mul3A_225 = arith.constant 2 : i32
        %mul3A_226 = arith.muli %sub3A_209, %mul3A_225 : i32
        %add3A_227 = arith.constant 1 : i32
        %add3A_228 = arith.addi %mul3A_226, %add3A_227 : i32
        %dma_wait3A_229 = arith.constant 2 : i32
        %dma_wait3A_230 = arith.constant 1 : i32
        %dma_wait3A_231 = arith.constant 0 : i32
        %dma_wait3A_232 = arith.constant 0 : i32
        %dma_wait3A_233 = tpu.memref_slice %arg8[%dma_wait3A_229, %dma_wait3A_230, %dma_wait3A_231, %dma_wait3A_232] : memref<3x2x128x32xf32, #tpu.memory_space<vmem>> -> memref<1x1x128x32xf32, #tpu.memory_space<vmem>>
        %dma_wait3A_234 = tpu.memref_squeeze %dma_wait3A_233 : memref<1x1x128x32xf32, #tpu.memory_space<vmem>> -> memref<128x32xf32, #tpu.memory_space<vmem>>
        %dma_wait3A_235 = arith.constant 0 : i32
        %dma_wait3A_236 = tpu.memref_slice %arg7[%add3A_228, %dma_wait3A_235] : memref<80x128xi32, #tpu.memory_space<vmem>> -> memref<1x128xi32, #tpu.memory_space<vmem>>
        %dma_wait3A_237 = tpu.memref_squeeze %dma_wait3A_236 : memref<1x128xi32, #tpu.memory_space<vmem>> -> memref<128xi32, #tpu.memory_space<vmem>>
        %dma_wait3A_238 = arith.constant 0 : i32
        %dma_wait3A_239 = arith.constant 0 : i32
        %dma_wait3A_240 = tpu.memref_slice %arg11[%dma_wait3A_238, %dma_wait3A_239] : memref<10240x32xf32, #tpu.memory_space<vmem_shared>> -> memref<10240x32xf32, #tpu.memory_space<vmem_shared>>
        tpu.wait_indirect_dma semaphore(%arg10 : memref<!tpu.dma_semaphore, #tpu.memory_space<semaphore_mem>>) src(%dma_wait3A_234 : memref<128x32xf32, #tpu.memory_space<vmem>>) dst(%dma_wait3A_240 : memref<10240x32xf32, #tpu.memory_space<vmem_shared>>)
      } else {
      }
      %add3A_154 = arith.constant 3 : i32
      %add3A_155 = arith.addi %add3A_145, %add3A_154 : i32
      %sub3A_156 = arith.constant 1 : i32
      %sub3A_157 = arith.subi %add3A_155, %sub3A_156 : i32
      %lt3A_158 = arith.cmpi slt, %sub3A_157, %select_n3A_26 : i32
      %convert_element_type3A_159 = arith.extui %lt3A_158 : i1 to i32
      %cond3A_160 = arith.constant 0 : i32
      %cond3A_161 = arith.cmpi ne, %convert_element_type3A_159, %cond3A_160 : i32
      scf.if %cond3A_161 {
        %add3A_208 = arith.constant 3 : i32
        %add3A_209 = arith.addi %add3A_145, %add3A_208 : i32
        %sub3A_210 = arith.constant 1 : i32
        %sub3A_211 = arith.subi %add3A_209, %sub3A_210 : i32
        %mul3A_212 = arith.constant 2 : i32
        %mul3A_213 = arith.muli %sub3A_211, %mul3A_212 : i32
        %add3A_214 = arith.constant 0 : i32
        %add3A_215 = arith.addi %mul3A_213, %add3A_214 : i32
        %dma_start3A_216 = arith.constant 2 : i32
        %dma_start3A_217 = arith.constant 0 : i32
        %dma_start3A_218 = arith.constant 0 : i32
        %dma_start3A_219 = arith.constant 0 : i32
        %dma_start3A_220 = tpu.memref_slice %arg8[%dma_start3A_216, %dma_start3A_217, %dma_start3A_218, %dma_start3A_219] : memref<3x2x128x32xf32, #tpu.memory_space<vmem>> -> memref<1x1x128x32xf32, #tpu.memory_space<vmem>>
        %dma_start3A_221 = tpu.memref_squeeze %dma_start3A_220 : memref<1x1x128x32xf32, #tpu.memory_space<vmem>> -> memref<128x32xf32, #tpu.memory_space<vmem>>
        %dma_start3A_222 = arith.constant 0 : i32
        %dma_start3A_223 = tpu.memref_slice %arg6[%add3A_215, %dma_start3A_222] : memref<80x128xi32, #tpu.memory_space<vmem>> -> memref<1x128xi32, #tpu.memory_space<vmem>>
        %dma_start3A_224 = tpu.memref_squeeze %dma_start3A_223 : memref<1x128xi32, #tpu.memory_space<vmem>> -> memref<128xi32, #tpu.memory_space<vmem>>
        %dma_start3A_225 = arith.constant 0 : i32
        %dma_start3A_226 = arith.constant 0 : i32
        %dma_start3A_227 = tpu.memref_slice %arg2[%dma_start3A_225, %dma_start3A_226] : memref<10000x32xf32, #tpu.memory_space<hbm>> -> memref<10000x32xf32, #tpu.memory_space<hbm>>
        tpu.enqueue_indirect_dma source(%dma_start3A_227 : memref<10000x32xf32, #tpu.memory_space<hbm>>) target(%dma_start3A_221 : memref<128x32xf32, #tpu.memory_space<vmem>>) offsets(%dma_start3A_224 : memref<128xi32, #tpu.memory_space<vmem>>) semaphore(%arg9 : memref<!tpu.dma_semaphore, #tpu.memory_space<semaphore_mem>>)
        %mul3A_228 = arith.constant 2 : i32
        %mul3A_229 = arith.muli %sub3A_211, %mul3A_228 : i32
        %add3A_230 = arith.constant 1 : i32
        %add3A_231 = arith.addi %mul3A_229, %add3A_230 : i32
        %dma_start3A_232 = arith.constant 2 : i32
        %dma_start3A_233 = arith.constant 1 : i32
        %dma_start3A_234 = arith.constant 0 : i32
        %dma_start3A_235 = arith.constant 0 : i32
        %dma_start3A_236 = tpu.memref_slice %arg8[%dma_start3A_232, %dma_start3A_233, %dma_start3A_234, %dma_start3A_235] : memref<3x2x128x32xf32, #tpu.memory_space<vmem>> -> memref<1x1x128x32xf32, #tpu.memory_space<vmem>>
        %dma_start3A_237 = tpu.memref_squeeze %dma_start3A_236 : memref<1x1x128x32xf32, #tpu.memory_space<vmem>> -> memref<128x32xf32, #tpu.memory_space<vmem>>
        %dma_start3A_238 = arith.constant 0 : i32
        %dma_start3A_239 = tpu.memref_slice %arg6[%add3A_231, %dma_start3A_238] : memref<80x128xi32, #tpu.memory_space<vmem>> -> memref<1x128xi32, #tpu.memory_space<vmem>>
        %dma_start3A_240 = tpu.memref_squeeze %dma_start3A_239 : memref<1x128xi32, #tpu.memory_space<vmem>> -> memref<128xi32, #tpu.memory_space<vmem>>
        %dma_start3A_241 = arith.constant 0 : i32
        %dma_start3A_242 = arith.constant 0 : i32
        %dma_start3A_243 = tpu.memref_slice %arg2[%dma_start3A_241, %dma_start3A_242] : memref<10000x32xf32, #tpu.memory_space<hbm>> -> memref<10000x32xf32, #tpu.memory_space<hbm>>
        tpu.enqueue_indirect_dma source(%dma_start3A_243 : memref<10000x32xf32, #tpu.memory_space<hbm>>) target(%dma_start3A_237 : memref<128x32xf32, #tpu.memory_space<vmem>>) offsets(%dma_start3A_240 : memref<128xi32, #tpu.memory_space<vmem>>) semaphore(%arg9 : memref<!tpu.dma_semaphore, #tpu.memory_space<semaphore_mem>>)
      } else {
      }
      %mul3A_162 = arith.constant 3 : i32
      %mul3A_163 = arith.muli %add3A_141, %mul3A_162 : i32
      %add3A_164 = arith.constant 1 : i32
      %add3A_165 = arith.addi %mul3A_163, %add3A_164 : i32
      %lt3A_166 = arith.cmpi slt, %add3A_165, %select_n3A_26 : i32
      %convert_element_type3A_167 = arith.extui %lt3A_166 : i1 to i32
      %cond3A_168 = arith.constant 0 : i32
      %cond3A_169 = arith.cmpi ne, %convert_element_type3A_167, %cond3A_168 : i32
      scf.if %cond3A_169 {
        %mul3A_208 = arith.constant 2 : i32
        %mul3A_209 = arith.muli %add3A_165, %mul3A_208 : i32
        %add3A_210 = arith.constant 0 : i32
        %add3A_211 = arith.addi %mul3A_209, %add3A_210 : i32
        %dma_wait3A = arith.constant 1 : i32
        %dma_wait3A_212 = arith.constant 0 : i32
        %dma_wait3A_213 = arith.constant 0 : i32
        %dma_wait3A_214 = arith.constant 0 : i32
        %dma_wait3A_215 = tpu.memref_slice %arg8[%dma_wait3A, %dma_wait3A_212, %dma_wait3A_213, %dma_wait3A_214] : memref<3x2x128x32xf32, #tpu.memory_space<vmem>> -> memref<1x1x128x32xf32, #tpu.memory_space<vmem>>
        %dma_wait3A_216 = tpu.memref_squeeze %dma_wait3A_215 : memref<1x1x128x32xf32, #tpu.memory_space<vmem>> -> memref<128x32xf32, #tpu.memory_space<vmem>>
        %dma_wait3A_217 = arith.constant 0 : i32
        %dma_wait3A_218 = tpu.memref_slice %arg6[%add3A_211, %dma_wait3A_217] : memref<80x128xi32, #tpu.memory_space<vmem>> -> memref<1x128xi32, #tpu.memory_space<vmem>>
        %dma_wait3A_219 = tpu.memref_squeeze %dma_wait3A_218 : memref<1x128xi32, #tpu.memory_space<vmem>> -> memref<128xi32, #tpu.memory_space<vmem>>
        %dma_wait3A_220 = arith.constant 0 : i32
        %dma_wait3A_221 = arith.constant 0 : i32
        %dma_wait3A_222 = tpu.memref_slice %arg2[%dma_wait3A_220, %dma_wait3A_221] : memref<10000x32xf32, #tpu.memory_space<hbm>> -> memref<10000x32xf32, #tpu.memory_space<hbm>>
        tpu.wait_indirect_dma semaphore(%arg9 : memref<!tpu.dma_semaphore, #tpu.memory_space<semaphore_mem>>) src(%dma_wait3A_222 : memref<10000x32xf32, #tpu.memory_space<hbm>>) dst(%dma_wait3A_216 : memref<128x32xf32, #tpu.memory_space<vmem>>)
        %mul3A_223 = arith.constant 2 : i32
        %mul3A_224 = arith.muli %add3A_165, %mul3A_223 : i32
        %add3A_225 = arith.constant 1 : i32
        %add3A_226 = arith.addi %mul3A_224, %add3A_225 : i32
        %dma_wait3A_227 = arith.constant 1 : i32
        %dma_wait3A_228 = arith.constant 1 : i32
        %dma_wait3A_229 = arith.constant 0 : i32
        %dma_wait3A_230 = arith.constant 0 : i32
        %dma_wait3A_231 = tpu.memref_slice %arg8[%dma_wait3A_227, %dma_wait3A_228, %dma_wait3A_229, %dma_wait3A_230] : memref<3x2x128x32xf32, #tpu.memory_space<vmem>> -> memref<1x1x128x32xf32, #tpu.memory_space<vmem>>
        %dma_wait3A_232 = tpu.memref_squeeze %dma_wait3A_231 : memref<1x1x128x32xf32, #tpu.memory_space<vmem>> -> memref<128x32xf32, #tpu.memory_space<vmem>>
        %dma_wait3A_233 = arith.constant 0 : i32
        %dma_wait3A_234 = tpu.memref_slice %arg6[%add3A_226, %dma_wait3A_233] : memref<80x128xi32, #tpu.memory_space<vmem>> -> memref<1x128xi32, #tpu.memory_space<vmem>>
        %dma_wait3A_235 = tpu.memref_squeeze %dma_wait3A_234 : memref<1x128xi32, #tpu.memory_space<vmem>> -> memref<128xi32, #tpu.memory_space<vmem>>
        %dma_wait3A_236 = arith.constant 0 : i32
        %dma_wait3A_237 = arith.constant 0 : i32
        %dma_wait3A_238 = tpu.memref_slice %arg2[%dma_wait3A_236, %dma_wait3A_237] : memref<10000x32xf32, #tpu.memory_space<hbm>> -> memref<10000x32xf32, #tpu.memory_space<hbm>>
        tpu.wait_indirect_dma semaphore(%arg9 : memref<!tpu.dma_semaphore, #tpu.memory_space<semaphore_mem>>) src(%dma_wait3A_238 : memref<10000x32xf32, #tpu.memory_space<hbm>>) dst(%dma_wait3A_232 : memref<128x32xf32, #tpu.memory_space<vmem>>)
        %mul3A_239 = arith.constant 2 : i32
        %mul3A_240 = arith.muli %add3A_165, %mul3A_239 : i32
        %add3A_241 = arith.constant 0 : i32
        %add3A_242 = arith.addi %mul3A_240, %add3A_241 : i32
        %dma_start3A_243 = arith.constant 1 : i32
        %dma_start3A_244 = arith.constant 0 : i32
        %dma_start3A_245 = arith.constant 0 : i32
        %dma_start3A_246 = arith.constant 0 : i32
        %dma_start3A_247 = tpu.memref_slice %arg8[%dma_start3A_243, %dma_start3A_244, %dma_start3A_245, %dma_start3A_246] : memref<3x2x128x32xf32, #tpu.memory_space<vmem>> -> memref<1x1x128x32xf32, #tpu.memory_space<vmem>>
        %dma_start3A_248 = tpu.memref_squeeze %dma_start3A_247 : memref<1x1x128x32xf32, #tpu.memory_space<vmem>> -> memref<128x32xf32, #tpu.memory_space<vmem>>
        %dma_start3A_249 = arith.constant 0 : i32
        %dma_start3A_250 = tpu.memref_slice %arg7[%add3A_242, %dma_start3A_249] : memref<80x128xi32, #tpu.memory_space<vmem>> -> memref<1x128xi32, #tpu.memory_space<vmem>>
        %dma_start3A_251 = tpu.memref_squeeze %dma_start3A_250 : memref<1x128xi32, #tpu.memory_space<vmem>> -> memref<128xi32, #tpu.memory_space<vmem>>
        %dma_start3A_252 = arith.constant 0 : i32
        %dma_start3A_253 = arith.constant 0 : i32
        %dma_start3A_254 = tpu.memref_slice %arg11[%dma_start3A_252, %dma_start3A_253] : memref<10240x32xf32, #tpu.memory_space<vmem_shared>> -> memref<10240x32xf32, #tpu.memory_space<vmem_shared>>
        tpu.enqueue_indirect_dma source(%dma_start3A_248 : memref<128x32xf32, #tpu.memory_space<vmem>>) target(%dma_start3A_254 : memref<10240x32xf32, #tpu.memory_space<vmem_shared>>) offsets(%dma_start3A_251 : memref<128xi32, #tpu.memory_space<vmem>>) semaphore(%arg10 : memref<!tpu.dma_semaphore, #tpu.memory_space<semaphore_mem>>) {add = true}
        %mul3A_255 = arith.constant 2 : i32
        %mul3A_256 = arith.muli %add3A_165, %mul3A_255 : i32
        %add3A_257 = arith.constant 1 : i32
        %add3A_258 = arith.addi %mul3A_256, %add3A_257 : i32
        %dma_start3A_259 = arith.constant 1 : i32
        %dma_start3A_260 = arith.constant 1 : i32
        %dma_start3A_261 = arith.constant 0 : i32
        %dma_start3A_262 = arith.constant 0 : i32
        %dma_start3A_263 = tpu.memref_slice %arg8[%dma_start3A_259, %dma_start3A_260, %dma_start3A_261, %dma_start3A_262] : memref<3x2x128x32xf32, #tpu.memory_space<vmem>> -> memref<1x1x128x32xf32, #tpu.memory_space<vmem>>
        %dma_start3A_264 = tpu.memref_squeeze %dma_start3A_263 : memref<1x1x128x32xf32, #tpu.memory_space<vmem>> -> memref<128x32xf32, #tpu.memory_space<vmem>>
        %dma_start3A_265 = arith.constant 0 : i32
        %dma_start3A_266 = tpu.memref_slice %arg7[%add3A_258, %dma_start3A_265] : memref<80x128xi32, #tpu.memory_space<vmem>> -> memref<1x128xi32, #tpu.memory_space<vmem>>
        %dma_start3A_267 = tpu.memref_squeeze %dma_start3A_266 : memref<1x128xi32, #tpu.memory_space<vmem>> -> memref<128xi32, #tpu.memory_space<vmem>>
        %dma_start3A_268 = arith.constant 0 : i32
        %dma_start3A_269 = arith.constant 0 : i32
        %dma_start3A_270 = tpu.memref_slice %arg11[%dma_start3A_268, %dma_start3A_269] : memref<10240x32xf32, #tpu.memory_space<vmem_shared>> -> memref<10240x32xf32, #tpu.memory_space<vmem_shared>>
        tpu.enqueue_indirect_dma source(%dma_start3A_264 : memref<128x32xf32, #tpu.memory_space<vmem>>) target(%dma_start3A_270 : memref<10240x32xf32, #tpu.memory_space<vmem_shared>>) offsets(%dma_start3A_267 : memref<128xi32, #tpu.memory_space<vmem>>) semaphore(%arg10 : memref<!tpu.dma_semaphore, #tpu.memory_space<semaphore_mem>>) {add = true}
      } else {
      }
      %ge3A_170 = arith.constant 1 : i32
      %ge3A_171 = arith.cmpi sge, %add3A_165, %ge3A_170 : i32
      %le3A_172 = arith.cmpi sle, %add3A_165, %select_n3A_26 : i32
      %and3A_173 = arith.andi %ge3A_171, %le3A_172 : i1
      %convert_element_type3A_174 = arith.extui %and3A_173 : i1 to i32
      %cond3A_175 = arith.constant 0 : i32
      %cond3A_176 = arith.cmpi ne, %convert_element_type3A_174, %cond3A_175 : i32
      scf.if %cond3A_176 {
        %sub3A_208 = arith.constant 1 : i32
        %sub3A_209 = arith.subi %add3A_165, %sub3A_208 : i32
        %mul3A_210 = arith.constant 2 : i32
        %mul3A_211 = arith.muli %sub3A_209, %mul3A_210 : i32
        %add3A_212 = arith.constant 0 : i32
        %add3A_213 = arith.addi %mul3A_211, %add3A_212 : i32
        %dma_wait3A = arith.constant 0 : i32
        %dma_wait3A_214 = arith.constant 0 : i32
        %dma_wait3A_215 = arith.constant 0 : i32
        %dma_wait3A_216 = arith.constant 0 : i32
        %dma_wait3A_217 = tpu.memref_slice %arg8[%dma_wait3A, %dma_wait3A_214, %dma_wait3A_215, %dma_wait3A_216] : memref<3x2x128x32xf32, #tpu.memory_space<vmem>> -> memref<1x1x128x32xf32, #tpu.memory_space<vmem>>
        %dma_wait3A_218 = tpu.memref_squeeze %dma_wait3A_217 : memref<1x1x128x32xf32, #tpu.memory_space<vmem>> -> memref<128x32xf32, #tpu.memory_space<vmem>>
        %dma_wait3A_219 = arith.constant 0 : i32
        %dma_wait3A_220 = tpu.memref_slice %arg7[%add3A_213, %dma_wait3A_219] : memref<80x128xi32, #tpu.memory_space<vmem>> -> memref<1x128xi32, #tpu.memory_space<vmem>>
        %dma_wait3A_221 = tpu.memref_squeeze %dma_wait3A_220 : memref<1x128xi32, #tpu.memory_space<vmem>> -> memref<128xi32, #tpu.memory_space<vmem>>
        %dma_wait3A_222 = arith.constant 0 : i32
        %dma_wait3A_223 = arith.constant 0 : i32
        %dma_wait3A_224 = tpu.memref_slice %arg11[%dma_wait3A_222, %dma_wait3A_223] : memref<10240x32xf32, #tpu.memory_space<vmem_shared>> -> memref<10240x32xf32, #tpu.memory_space<vmem_shared>>
        tpu.wait_indirect_dma semaphore(%arg10 : memref<!tpu.dma_semaphore, #tpu.memory_space<semaphore_mem>>) src(%dma_wait3A_218 : memref<128x32xf32, #tpu.memory_space<vmem>>) dst(%dma_wait3A_224 : memref<10240x32xf32, #tpu.memory_space<vmem_shared>>)
        %mul3A_225 = arith.constant 2 : i32
        %mul3A_226 = arith.muli %sub3A_209, %mul3A_225 : i32
        %add3A_227 = arith.constant 1 : i32
        %add3A_228 = arith.addi %mul3A_226, %add3A_227 : i32
        %dma_wait3A_229 = arith.constant 0 : i32
        %dma_wait3A_230 = arith.constant 1 : i32
        %dma_wait3A_231 = arith.constant 0 : i32
        %dma_wait3A_232 = arith.constant 0 : i32
        %dma_wait3A_233 = tpu.memref_slice %arg8[%dma_wait3A_229, %dma_wait3A_230, %dma_wait3A_231, %dma_wait3A_232] : memref<3x2x128x32xf32, #tpu.memory_space<vmem>> -> memref<1x1x128x32xf32, #tpu.memory_space<vmem>>
        %dma_wait3A_234 = tpu.memref_squeeze %dma_wait3A_233 : memref<1x1x128x32xf32, #tpu.memory_space<vmem>> -> memref<128x32xf32, #tpu.memory_space<vmem>>
        %dma_wait3A_235 = arith.constant 0 : i32
        %dma_wait3A_236 = tpu.memref_slice %arg7[%add3A_228, %dma_wait3A_235] : memref<80x128xi32, #tpu.memory_space<vmem>> -> memref<1x128xi32, #tpu.memory_space<vmem>>
        %dma_wait3A_237 = tpu.memref_squeeze %dma_wait3A_236 : memref<1x128xi32, #tpu.memory_space<vmem>> -> memref<128xi32, #tpu.memory_space<vmem>>
        %dma_wait3A_238 = arith.constant 0 : i32
        %dma_wait3A_239 = arith.constant 0 : i32
        %dma_wait3A_240 = tpu.memref_slice %arg11[%dma_wait3A_238, %dma_wait3A_239] : memref<10240x32xf32, #tpu.memory_space<vmem_shared>> -> memref<10240x32xf32, #tpu.memory_space<vmem_shared>>
        tpu.wait_indirect_dma semaphore(%arg10 : memref<!tpu.dma_semaphore, #tpu.memory_space<semaphore_mem>>) src(%dma_wait3A_234 : memref<128x32xf32, #tpu.memory_space<vmem>>) dst(%dma_wait3A_240 : memref<10240x32xf32, #tpu.memory_space<vmem_shared>>)
      } else {
      }
      %add3A_177 = arith.constant 3 : i32
      %add3A_178 = arith.addi %add3A_165, %add3A_177 : i32
      %sub3A_179 = arith.constant 1 : i32
      %sub3A_180 = arith.subi %add3A_178, %sub3A_179 : i32
      %lt3A_181 = arith.cmpi slt, %sub3A_180, %select_n3A_26 : i32
      %convert_element_type3A_182 = arith.extui %lt3A_181 : i1 to i32
      %cond3A_183 = arith.constant 0 : i32
      %cond3A_184 = arith.cmpi ne, %convert_element_type3A_182, %cond3A_183 : i32
      scf.if %cond3A_184 {
        %add3A_208 = arith.constant 3 : i32
        %add3A_209 = arith.addi %add3A_165, %add3A_208 : i32
        %sub3A_210 = arith.constant 1 : i32
        %sub3A_211 = arith.subi %add3A_209, %sub3A_210 : i32
        %mul3A_212 = arith.constant 2 : i32
        %mul3A_213 = arith.muli %sub3A_211, %mul3A_212 : i32
        %add3A_214 = arith.constant 0 : i32
        %add3A_215 = arith.addi %mul3A_213, %add3A_214 : i32
        %dma_start3A_216 = arith.constant 0 : i32
        %dma_start3A_217 = arith.constant 0 : i32
        %dma_start3A_218 = arith.constant 0 : i32
        %dma_start3A_219 = arith.constant 0 : i32
        %dma_start3A_220 = tpu.memref_slice %arg8[%dma_start3A_216, %dma_start3A_217, %dma_start3A_218, %dma_start3A_219] : memref<3x2x128x32xf32, #tpu.memory_space<vmem>> -> memref<1x1x128x32xf32, #tpu.memory_space<vmem>>
        %dma_start3A_221 = tpu.memref_squeeze %dma_start3A_220 : memref<1x1x128x32xf32, #tpu.memory_space<vmem>> -> memref<128x32xf32, #tpu.memory_space<vmem>>
        %dma_start3A_222 = arith.constant 0 : i32
        %dma_start3A_223 = tpu.memref_slice %arg6[%add3A_215, %dma_start3A_222] : memref<80x128xi32, #tpu.memory_space<vmem>> -> memref<1x128xi32, #tpu.memory_space<vmem>>
        %dma_start3A_224 = tpu.memref_squeeze %dma_start3A_223 : memref<1x128xi32, #tpu.memory_space<vmem>> -> memref<128xi32, #tpu.memory_space<vmem>>
        %dma_start3A_225 = arith.constant 0 : i32
        %dma_start3A_226 = arith.constant 0 : i32
        %dma_start3A_227 = tpu.memref_slice %arg2[%dma_start3A_225, %dma_start3A_226] : memref<10000x32xf32, #tpu.memory_space<hbm>> -> memref<10000x32xf32, #tpu.memory_space<hbm>>
        tpu.enqueue_indirect_dma source(%dma_start3A_227 : memref<10000x32xf32, #tpu.memory_space<hbm>>) target(%dma_start3A_221 : memref<128x32xf32, #tpu.memory_space<vmem>>) offsets(%dma_start3A_224 : memref<128xi32, #tpu.memory_space<vmem>>) semaphore(%arg9 : memref<!tpu.dma_semaphore, #tpu.memory_space<semaphore_mem>>)
        %mul3A_228 = arith.constant 2 : i32
        %mul3A_229 = arith.muli %sub3A_211, %mul3A_228 : i32
        %add3A_230 = arith.constant 1 : i32
        %add3A_231 = arith.addi %mul3A_229, %add3A_230 : i32
        %dma_start3A_232 = arith.constant 0 : i32
        %dma_start3A_233 = arith.constant 1 : i32
        %dma_start3A_234 = arith.constant 0 : i32
        %dma_start3A_235 = arith.constant 0 : i32
        %dma_start3A_236 = tpu.memref_slice %arg8[%dma_start3A_232, %dma_start3A_233, %dma_start3A_234, %dma_start3A_235] : memref<3x2x128x32xf32, #tpu.memory_space<vmem>> -> memref<1x1x128x32xf32, #tpu.memory_space<vmem>>
        %dma_start3A_237 = tpu.memref_squeeze %dma_start3A_236 : memref<1x1x128x32xf32, #tpu.memory_space<vmem>> -> memref<128x32xf32, #tpu.memory_space<vmem>>
        %dma_start3A_238 = arith.constant 0 : i32
        %dma_start3A_239 = tpu.memref_slice %arg6[%add3A_231, %dma_start3A_238] : memref<80x128xi32, #tpu.memory_space<vmem>> -> memref<1x128xi32, #tpu.memory_space<vmem>>
        %dma_start3A_240 = tpu.memref_squeeze %dma_start3A_239 : memref<1x128xi32, #tpu.memory_space<vmem>> -> memref<128xi32, #tpu.memory_space<vmem>>
        %dma_start3A_241 = arith.constant 0 : i32
        %dma_start3A_242 = arith.constant 0 : i32
        %dma_start3A_243 = tpu.memref_slice %arg2[%dma_start3A_241, %dma_start3A_242] : memref<10000x32xf32, #tpu.memory_space<hbm>> -> memref<10000x32xf32, #tpu.memory_space<hbm>>
        tpu.enqueue_indirect_dma source(%dma_start3A_243 : memref<10000x32xf32, #tpu.memory_space<hbm>>) target(%dma_start3A_237 : memref<128x32xf32, #tpu.memory_space<vmem>>) offsets(%dma_start3A_240 : memref<128xi32, #tpu.memory_space<vmem>>) semaphore(%arg9 : memref<!tpu.dma_semaphore, #tpu.memory_space<semaphore_mem>>)
      } else {
      }
      %mul3A_185 = arith.constant 3 : i32
      %mul3A_186 = arith.muli %add3A_141, %mul3A_185 : i32
      %add3A_187 = arith.constant 2 : i32
      %add3A_188 = arith.addi %mul3A_186, %add3A_187 : i32
      %lt3A_189 = arith.cmpi slt, %add3A_188, %select_n3A_26 : i32
      %convert_element_type3A_190 = arith.extui %lt3A_189 : i1 to i32
      %cond3A_191 = arith.constant 0 : i32
      %cond3A_192 = arith.cmpi ne, %convert_element_type3A_190, %cond3A_191 : i32
      scf.if %cond3A_192 {
        %mul3A_208 = arith.constant 2 : i32
        %mul3A_209 = arith.muli %add3A_188, %mul3A_208 : i32
        %add3A_210 = arith.constant 0 : i32
        %add3A_211 = arith.addi %mul3A_209, %add3A_210 : i32
        %dma_wait3A = arith.constant 2 : i32
        %dma_wait3A_212 = arith.constant 0 : i32
        %dma_wait3A_213 = arith.constant 0 : i32
        %dma_wait3A_214 = arith.constant 0 : i32
        %dma_wait3A_215 = tpu.memref_slice %arg8[%dma_wait3A, %dma_wait3A_212, %dma_wait3A_213, %dma_wait3A_214] : memref<3x2x128x32xf32, #tpu.memory_space<vmem>> -> memref<1x1x128x32xf32, #tpu.memory_space<vmem>>
        %dma_wait3A_216 = tpu.memref_squeeze %dma_wait3A_215 : memref<1x1x128x32xf32, #tpu.memory_space<vmem>> -> memref<128x32xf32, #tpu.memory_space<vmem>>
        %dma_wait3A_217 = arith.constant 0 : i32
        %dma_wait3A_218 = tpu.memref_slice %arg6[%add3A_211, %dma_wait3A_217] : memref<80x128xi32, #tpu.memory_space<vmem>> -> memref<1x128xi32, #tpu.memory_space<vmem>>
        %dma_wait3A_219 = tpu.memref_squeeze %dma_wait3A_218 : memref<1x128xi32, #tpu.memory_space<vmem>> -> memref<128xi32, #tpu.memory_space<vmem>>
        %dma_wait3A_220 = arith.constant 0 : i32
        %dma_wait3A_221 = arith.constant 0 : i32
        %dma_wait3A_222 = tpu.memref_slice %arg2[%dma_wait3A_220, %dma_wait3A_221] : memref<10000x32xf32, #tpu.memory_space<hbm>> -> memref<10000x32xf32, #tpu.memory_space<hbm>>
        tpu.wait_indirect_dma semaphore(%arg9 : memref<!tpu.dma_semaphore, #tpu.memory_space<semaphore_mem>>) src(%dma_wait3A_222 : memref<10000x32xf32, #tpu.memory_space<hbm>>) dst(%dma_wait3A_216 : memref<128x32xf32, #tpu.memory_space<vmem>>)
        %mul3A_223 = arith.constant 2 : i32
        %mul3A_224 = arith.muli %add3A_188, %mul3A_223 : i32
        %add3A_225 = arith.constant 1 : i32
        %add3A_226 = arith.addi %mul3A_224, %add3A_225 : i32
        %dma_wait3A_227 = arith.constant 2 : i32
        %dma_wait3A_228 = arith.constant 1 : i32
        %dma_wait3A_229 = arith.constant 0 : i32
        %dma_wait3A_230 = arith.constant 0 : i32
        %dma_wait3A_231 = tpu.memref_slice %arg8[%dma_wait3A_227, %dma_wait3A_228, %dma_wait3A_229, %dma_wait3A_230] : memref<3x2x128x32xf32, #tpu.memory_space<vmem>> -> memref<1x1x128x32xf32, #tpu.memory_space<vmem>>
        %dma_wait3A_232 = tpu.memref_squeeze %dma_wait3A_231 : memref<1x1x128x32xf32, #tpu.memory_space<vmem>> -> memref<128x32xf32, #tpu.memory_space<vmem>>
        %dma_wait3A_233 = arith.constant 0 : i32
        %dma_wait3A_234 = tpu.memref_slice %arg6[%add3A_226, %dma_wait3A_233] : memref<80x128xi32, #tpu.memory_space<vmem>> -> memref<1x128xi32, #tpu.memory_space<vmem>>
        %dma_wait3A_235 = tpu.memref_squeeze %dma_wait3A_234 : memref<1x128xi32, #tpu.memory_space<vmem>> -> memref<128xi32, #tpu.memory_space<vmem>>
        %dma_wait3A_236 = arith.constant 0 : i32
        %dma_wait3A_237 = arith.constant 0 : i32
        %dma_wait3A_238 = tpu.memref_slice %arg2[%dma_wait3A_236, %dma_wait3A_237] : memref<10000x32xf32, #tpu.memory_space<hbm>> -> memref<10000x32xf32, #tpu.memory_space<hbm>>
        tpu.wait_indirect_dma semaphore(%arg9 : memref<!tpu.dma_semaphore, #tpu.memory_space<semaphore_mem>>) src(%dma_wait3A_238 : memref<10000x32xf32, #tpu.memory_space<hbm>>) dst(%dma_wait3A_232 : memref<128x32xf32, #tpu.memory_space<vmem>>)
        %mul3A_239 = arith.constant 2 : i32
        %mul3A_240 = arith.muli %add3A_188, %mul3A_239 : i32
        %add3A_241 = arith.constant 0 : i32
        %add3A_242 = arith.addi %mul3A_240, %add3A_241 : i32
        %dma_start3A_243 = arith.constant 2 : i32
        %dma_start3A_244 = arith.constant 0 : i32
        %dma_start3A_245 = arith.constant 0 : i32
        %dma_start3A_246 = arith.constant 0 : i32
        %dma_start3A_247 = tpu.memref_slice %arg8[%dma_start3A_243, %dma_start3A_244, %dma_start3A_245, %dma_start3A_246] : memref<3x2x128x32xf32, #tpu.memory_space<vmem>> -> memref<1x1x128x32xf32, #tpu.memory_space<vmem>>
        %dma_start3A_248 = tpu.memref_squeeze %dma_start3A_247 : memref<1x1x128x32xf32, #tpu.memory_space<vmem>> -> memref<128x32xf32, #tpu.memory_space<vmem>>
        %dma_start3A_249 = arith.constant 0 : i32
        %dma_start3A_250 = tpu.memref_slice %arg7[%add3A_242, %dma_start3A_249] : memref<80x128xi32, #tpu.memory_space<vmem>> -> memref<1x128xi32, #tpu.memory_space<vmem>>
        %dma_start3A_251 = tpu.memref_squeeze %dma_start3A_250 : memref<1x128xi32, #tpu.memory_space<vmem>> -> memref<128xi32, #tpu.memory_space<vmem>>
        %dma_start3A_252 = arith.constant 0 : i32
        %dma_start3A_253 = arith.constant 0 : i32
        %dma_start3A_254 = tpu.memref_slice %arg11[%dma_start3A_252, %dma_start3A_253] : memref<10240x32xf32, #tpu.memory_space<vmem_shared>> -> memref<10240x32xf32, #tpu.memory_space<vmem_shared>>
        tpu.enqueue_indirect_dma source(%dma_start3A_248 : memref<128x32xf32, #tpu.memory_space<vmem>>) target(%dma_start3A_254 : memref<10240x32xf32, #tpu.memory_space<vmem_shared>>) offsets(%dma_start3A_251 : memref<128xi32, #tpu.memory_space<vmem>>) semaphore(%arg10 : memref<!tpu.dma_semaphore, #tpu.memory_space<semaphore_mem>>) {add = true}
        %mul3A_255 = arith.constant 2 : i32
        %mul3A_256 = arith.muli %add3A_188, %mul3A_255 : i32
        %add3A_257 = arith.constant 1 : i32
        %add3A_258 = arith.addi %mul3A_256, %add3A_257 : i32
        %dma_start3A_259 = arith.constant 2 : i32
        %dma_start3A_260 = arith.constant 1 : i32
        %dma_start3A_261 = arith.constant 0 : i32
        %dma_start3A_262 = arith.constant 0 : i32
        %dma_start3A_263 = tpu.memref_slice %arg8[%dma_start3A_259, %dma_start3A_260, %dma_start3A_261, %dma_start3A_262] : memref<3x2x128x32xf32, #tpu.memory_space<vmem>> -> memref<1x1x128x32xf32, #tpu.memory_space<vmem>>
        %dma_start3A_264 = tpu.memref_squeeze %dma_start3A_263 : memref<1x1x128x32xf32, #tpu.memory_space<vmem>> -> memref<128x32xf32, #tpu.memory_space<vmem>>
        %dma_start3A_265 = arith.constant 0 : i32
        %dma_start3A_266 = tpu.memref_slice %arg7[%add3A_258, %dma_start3A_265] : memref<80x128xi32, #tpu.memory_space<vmem>> -> memref<1x128xi32, #tpu.memory_space<vmem>>
        %dma_start3A_267 = tpu.memref_squeeze %dma_start3A_266 : memref<1x128xi32, #tpu.memory_space<vmem>> -> memref<128xi32, #tpu.memory_space<vmem>>
        %dma_start3A_268 = arith.constant 0 : i32
        %dma_start3A_269 = arith.constant 0 : i32
        %dma_start3A_270 = tpu.memref_slice %arg11[%dma_start3A_268, %dma_start3A_269] : memref<10240x32xf32, #tpu.memory_space<vmem_shared>> -> memref<10240x32xf32, #tpu.memory_space<vmem_shared>>
        tpu.enqueue_indirect_dma source(%dma_start3A_264 : memref<128x32xf32, #tpu.memory_space<vmem>>) target(%dma_start3A_270 : memref<10240x32xf32, #tpu.memory_space<vmem_shared>>) offsets(%dma_start3A_267 : memref<128xi32, #tpu.memory_space<vmem>>) semaphore(%arg10 : memref<!tpu.dma_semaphore, #tpu.memory_space<semaphore_mem>>) {add = true}
      } else {
      }
      %ge3A_193 = arith.constant 1 : i32
      %ge3A_194 = arith.cmpi sge, %add3A_188, %ge3A_193 : i32
      %le3A_195 = arith.cmpi sle, %add3A_188, %select_n3A_26 : i32
      %and3A_196 = arith.andi %ge3A_194, %le3A_195 : i1
      %convert_element_type3A_197 = arith.extui %and3A_196 : i1 to i32
      %cond3A_198 = arith.constant 0 : i32
      %cond3A_199 = arith.cmpi ne, %convert_element_type3A_197, %cond3A_198 : i32
      scf.if %cond3A_199 {
        %sub3A_208 = arith.constant 1 : i32
        %sub3A_209 = arith.subi %add3A_188, %sub3A_208 : i32
        %mul3A_210 = arith.constant 2 : i32
        %mul3A_211 = arith.muli %sub3A_209, %mul3A_210 : i32
        %add3A_212 = arith.constant 0 : i32
        %add3A_213 = arith.addi %mul3A_211, %add3A_212 : i32
        %dma_wait3A = arith.constant 1 : i32
        %dma_wait3A_214 = arith.constant 0 : i32
        %dma_wait3A_215 = arith.constant 0 : i32
        %dma_wait3A_216 = arith.constant 0 : i32
        %dma_wait3A_217 = tpu.memref_slice %arg8[%dma_wait3A, %dma_wait3A_214, %dma_wait3A_215, %dma_wait3A_216] : memref<3x2x128x32xf32, #tpu.memory_space<vmem>> -> memref<1x1x128x32xf32, #tpu.memory_space<vmem>>
        %dma_wait3A_218 = tpu.memref_squeeze %dma_wait3A_217 : memref<1x1x128x32xf32, #tpu.memory_space<vmem>> -> memref<128x32xf32, #tpu.memory_space<vmem>>
        %dma_wait3A_219 = arith.constant 0 : i32
        %dma_wait3A_220 = tpu.memref_slice %arg7[%add3A_213, %dma_wait3A_219] : memref<80x128xi32, #tpu.memory_space<vmem>> -> memref<1x128xi32, #tpu.memory_space<vmem>>
        %dma_wait3A_221 = tpu.memref_squeeze %dma_wait3A_220 : memref<1x128xi32, #tpu.memory_space<vmem>> -> memref<128xi32, #tpu.memory_space<vmem>>
        %dma_wait3A_222 = arith.constant 0 : i32
        %dma_wait3A_223 = arith.constant 0 : i32
        %dma_wait3A_224 = tpu.memref_slice %arg11[%dma_wait3A_222, %dma_wait3A_223] : memref<10240x32xf32, #tpu.memory_space<vmem_shared>> -> memref<10240x32xf32, #tpu.memory_space<vmem_shared>>
        tpu.wait_indirect_dma semaphore(%arg10 : memref<!tpu.dma_semaphore, #tpu.memory_space<semaphore_mem>>) src(%dma_wait3A_218 : memref<128x32xf32, #tpu.memory_space<vmem>>) dst(%dma_wait3A_224 : memref<10240x32xf32, #tpu.memory_space<vmem_shared>>)
        %mul3A_225 = arith.constant 2 : i32
        %mul3A_226 = arith.muli %sub3A_209, %mul3A_225 : i32
        %add3A_227 = arith.constant 1 : i32
        %add3A_228 = arith.addi %mul3A_226, %add3A_227 : i32
        %dma_wait3A_229 = arith.constant 1 : i32
        %dma_wait3A_230 = arith.constant 1 : i32
        %dma_wait3A_231 = arith.constant 0 : i32
        %dma_wait3A_232 = arith.constant 0 : i32
        %dma_wait3A_233 = tpu.memref_slice %arg8[%dma_wait3A_229, %dma_wait3A_230, %dma_wait3A_231, %dma_wait3A_232] : memref<3x2x128x32xf32, #tpu.memory_space<vmem>> -> memref<1x1x128x32xf32, #tpu.memory_space<vmem>>
        %dma_wait3A_234 = tpu.memref_squeeze %dma_wait3A_233 : memref<1x1x128x32xf32, #tpu.memory_space<vmem>> -> memref<128x32xf32, #tpu.memory_space<vmem>>
        %dma_wait3A_235 = arith.constant 0 : i32
        %dma_wait3A_236 = tpu.memref_slice %arg7[%add3A_228, %dma_wait3A_235] : memref<80x128xi32, #tpu.memory_space<vmem>> -> memref<1x128xi32, #tpu.memory_space<vmem>>
        %dma_wait3A_237 = tpu.memref_squeeze %dma_wait3A_236 : memref<1x128xi32, #tpu.memory_space<vmem>> -> memref<128xi32, #tpu.memory_space<vmem>>
        %dma_wait3A_238 = arith.constant 0 : i32
        %dma_wait3A_239 = arith.constant 0 : i32
        %dma_wait3A_240 = tpu.memref_slice %arg11[%dma_wait3A_238, %dma_wait3A_239] : memref<10240x32xf32, #tpu.memory_space<vmem_shared>> -> memref<10240x32xf32, #tpu.memory_space<vmem_shared>>
        tpu.wait_indirect_dma semaphore(%arg10 : memref<!tpu.dma_semaphore, #tpu.memory_space<semaphore_mem>>) src(%dma_wait3A_234 : memref<128x32xf32, #tpu.memory_space<vmem>>) dst(%dma_wait3A_240 : memref<10240x32xf32, #tpu.memory_space<vmem_shared>>)
      } else {
      }
      %add3A_200 = arith.constant 3 : i32
      %add3A_201 = arith.addi %add3A_188, %add3A_200 : i32
      %sub3A_202 = arith.constant 1 : i32
      %sub3A_203 = arith.subi %add3A_201, %sub3A_202 : i32
      %lt3A_204 = arith.cmpi slt, %sub3A_203, %select_n3A_26 : i32
      %convert_element_type3A_205 = arith.extui %lt3A_204 : i1 to i32
      %cond3A_206 = arith.constant 0 : i32
      %cond3A_207 = arith.cmpi ne, %convert_element_type3A_205, %cond3A_206 : i32
      scf.if %cond3A_207 {
        %add3A_208 = arith.constant 3 : i32
        %add3A_209 = arith.addi %add3A_188, %add3A_208 : i32
        %sub3A_210 = arith.constant 1 : i32
        %sub3A_211 = arith.subi %add3A_209, %sub3A_210 : i32
        %mul3A_212 = arith.constant 2 : i32
        %mul3A_213 = arith.muli %sub3A_211, %mul3A_212 : i32
        %add3A_214 = arith.constant 0 : i32
        %add3A_215 = arith.addi %mul3A_213, %add3A_214 : i32
        %dma_start3A_216 = arith.constant 1 : i32
        %dma_start3A_217 = arith.constant 0 : i32
        %dma_start3A_218 = arith.constant 0 : i32
        %dma_start3A_219 = arith.constant 0 : i32
        %dma_start3A_220 = tpu.memref_slice %arg8[%dma_start3A_216, %dma_start3A_217, %dma_start3A_218, %dma_start3A_219] : memref<3x2x128x32xf32, #tpu.memory_space<vmem>> -> memref<1x1x128x32xf32, #tpu.memory_space<vmem>>
        %dma_start3A_221 = tpu.memref_squeeze %dma_start3A_220 : memref<1x1x128x32xf32, #tpu.memory_space<vmem>> -> memref<128x32xf32, #tpu.memory_space<vmem>>
        %dma_start3A_222 = arith.constant 0 : i32
        %dma_start3A_223 = tpu.memref_slice %arg6[%add3A_215, %dma_start3A_222] : memref<80x128xi32, #tpu.memory_space<vmem>> -> memref<1x128xi32, #tpu.memory_space<vmem>>
        %dma_start3A_224 = tpu.memref_squeeze %dma_start3A_223 : memref<1x128xi32, #tpu.memory_space<vmem>> -> memref<128xi32, #tpu.memory_space<vmem>>
        %dma_start3A_225 = arith.constant 0 : i32
        %dma_start3A_226 = arith.constant 0 : i32
        %dma_start3A_227 = tpu.memref_slice %arg2[%dma_start3A_225, %dma_start3A_226] : memref<10000x32xf32, #tpu.memory_space<hbm>> -> memref<10000x32xf32, #tpu.memory_space<hbm>>
        tpu.enqueue_indirect_dma source(%dma_start3A_227 : memref<10000x32xf32, #tpu.memory_space<hbm>>) target(%dma_start3A_221 : memref<128x32xf32, #tpu.memory_space<vmem>>) offsets(%dma_start3A_224 : memref<128xi32, #tpu.memory_space<vmem>>) semaphore(%arg9 : memref<!tpu.dma_semaphore, #tpu.memory_space<semaphore_mem>>)
        %mul3A_228 = arith.constant 2 : i32
        %mul3A_229 = arith.muli %sub3A_211, %mul3A_228 : i32
        %add3A_230 = arith.constant 1 : i32
        %add3A_231 = arith.addi %mul3A_229, %add3A_230 : i32
        %dma_start3A_232 = arith.constant 1 : i32
        %dma_start3A_233 = arith.constant 1 : i32
        %dma_start3A_234 = arith.constant 0 : i32
        %dma_start3A_235 = arith.constant 0 : i32
        %dma_start3A_236 = tpu.memref_slice %arg8[%dma_start3A_232, %dma_start3A_233, %dma_start3A_234, %dma_start3A_235] : memref<3x2x128x32xf32, #tpu.memory_space<vmem>> -> memref<1x1x128x32xf32, #tpu.memory_space<vmem>>
        %dma_start3A_237 = tpu.memref_squeeze %dma_start3A_236 : memref<1x1x128x32xf32, #tpu.memory_space<vmem>> -> memref<128x32xf32, #tpu.memory_space<vmem>>
        %dma_start3A_238 = arith.constant 0 : i32
        %dma_start3A_239 = tpu.memref_slice %arg6[%add3A_231, %dma_start3A_238] : memref<80x128xi32, #tpu.memory_space<vmem>> -> memref<1x128xi32, #tpu.memory_space<vmem>>
        %dma_start3A_240 = tpu.memref_squeeze %dma_start3A_239 : memref<1x128xi32, #tpu.memory_space<vmem>> -> memref<128xi32, #tpu.memory_space<vmem>>
        %dma_start3A_241 = arith.constant 0 : i32
        %dma_start3A_242 = arith.constant 0 : i32
        %dma_start3A_243 = tpu.memref_slice %arg2[%dma_start3A_241, %dma_start3A_242] : memref<10000x32xf32, #tpu.memory_space<hbm>> -> memref<10000x32xf32, #tpu.memory_space<hbm>>
        tpu.enqueue_indirect_dma source(%dma_start3A_243 : memref<10000x32xf32, #tpu.memory_space<hbm>>) target(%dma_start3A_237 : memref<128x32xf32, #tpu.memory_space<vmem>>) offsets(%dma_start3A_240 : memref<128xi32, #tpu.memory_space<vmem>>) semaphore(%arg9 : memref<!tpu.dma_semaphore, #tpu.memory_space<semaphore_mem>>)
      } else {
      }
    }
    %barrier3A_131 = arith.constant 0 : index
    tpu.barrier barrier_id(%barrier3A_131)
    %mul3A_132 = arith.constant 640 : i32
    %mul3A_133 = arith.muli %arg1, %mul3A_132 : i32
    %mul3A_134 = arith.constant 10240 : i32
    %mul3A_135 = arith.muli %arg0, %mul3A_134 : i32
    %mul3A_136 = arith.constant 640 : i32
    %mul3A_137 = arith.muli %arg1, %mul3A_136 : i32
    %add3A_138 = arith.addi %mul3A_135, %mul3A_137 : i32
    "tpu.region"() ({
      %run_scoped3A = tpu.sem_alloc : memref<!tpu.dma_semaphore, #tpu.memory_space<semaphore_mem>>
      %dma_start3A_139 = arith.constant 0 : i32
      %dma_start3A_140 = tpu.memref_slice %arg5[%add3A_138, %dma_start3A_139] : memref<20480x32xf32, #tpu.memory_space<hbm>> -> memref<640x32xf32, #tpu.memory_space<hbm>>
      %dma_start3A_141 = arith.constant 0 : i32
      %dma_start3A_142 = tpu.memref_slice %arg11[%mul3A_133, %dma_start3A_141] : memref<10240x32xf32, #tpu.memory_space<vmem_shared>> -> memref<640x32xf32, #tpu.memory_space<vmem_shared>>
      tpu.enqueue_dma source(%dma_start3A_142 : memref<640x32xf32, #tpu.memory_space<vmem_shared>>) target(%dma_start3A_140 : memref<640x32xf32, #tpu.memory_space<hbm>>) target_semaphore(%run_scoped3A : memref<!tpu.dma_semaphore, #tpu.memory_space<semaphore_mem>>)
      %dma_wait3A = arith.constant 0 : i32
      %dma_wait3A_143 = tpu.memref_slice %arg5[%add3A_138, %dma_wait3A] : memref<20480x32xf32, #tpu.memory_space<hbm>> -> memref<640x32xf32, #tpu.memory_space<hbm>>
      %dma_wait3A_144 = arith.constant 0 : i32
      %dma_wait3A_145 = tpu.memref_slice %arg11[%mul3A_133, %dma_wait3A_144] : memref<10240x32xf32, #tpu.memory_space<vmem_shared>> -> memref<640x32xf32, #tpu.memory_space<vmem_shared>>
      tpu.wait_dma2 semaphore(%run_scoped3A : memref<!tpu.dma_semaphore, #tpu.memory_space<semaphore_mem>>) src(%dma_wait3A_145 : memref<640x32xf32, #tpu.memory_space<vmem_shared>>) dst(%dma_wait3A_143 : memref<640x32xf32, #tpu.memory_space<hbm>>)
      tpu.yield
    }) : () -> ()
    return
  }
}

module attributes {stable_mosaic.version = 14 : i64} {
  func.func @body(%arg0: memref<10000x128xf32, #tpu.memory_space<vmem>>, %arg1: memref<128x64xf32, #tpu.memory_space<vmem>>, %arg2: memref<128x64xf32, #tpu.memory_space<vmem>>, %arg3: memref<64xf32, #tpu.memory_space<vmem>>, %arg4: memref<10000x64xf32, #tpu.memory_space<vmem>>, %arg5: memref<10000x64xf32, #tpu.memory_space<vmem>>) attributes {dimension_semantics = [], scalar_prefetch = 0 : i64, scratch_operands = 0 : i64, tpu.core_type = #tpu.core_type<tc>} {
    %get3A = arith.constant 0 : index
    %get3A_0 = arith.constant 0 : index
    %get3A_1 = vector.load %arg0[%get3A, %get3A_0] : memref<10000x128xf32, #tpu.memory_space<vmem>>, vector<10000x128xf32>
    %get3A_2 = arith.constant 0 : index
    %get3A_3 = arith.constant 0 : index
    %get3A_4 = vector.load %arg1[%get3A_2, %get3A_3] : memref<128x64xf32, #tpu.memory_space<vmem>>, vector<128x64xf32>
    %dot_general3A = arith.constant dense<0.000000e+00> : vector<10000x64xf32>
    %dot_general3A_5 = tpu.matmul %get3A_1, %get3A_4, %dot_general3A {dimension_numbers = #tpu.dot_dimension_numbers<[1], [0], [0], [1], [0, 0, 1, 1], [], []>, transpose_lhs_hint = false} : vector<10000x128xf32>, vector<128x64xf32>, vector<10000x64xf32> -> vector<10000x64xf32>
    %swap3A = arith.constant 0 : index
    %swap3A_6 = arith.constant 0 : index
    %swap3A_7 = vector.load %arg4[%swap3A, %swap3A_6] : memref<10000x64xf32, #tpu.memory_space<vmem>>, vector<10000x64xf32>
    tpu.vector_store %arg4[%swap3A, %swap3A_6], %dot_general3A_5 {strides = array<i32>} : memref<10000x64xf32, #tpu.memory_space<vmem>>, vector<10000x64xf32>,
    %get3A_8 = arith.constant 0 : index
    %get3A_9 = arith.constant 0 : index
    %get3A_10 = vector.load %arg2[%get3A_8, %get3A_9] : memref<128x64xf32, #tpu.memory_space<vmem>>, vector<128x64xf32>
    %dot_general3A_11 = arith.constant dense<0.000000e+00> : vector<10000x64xf32>
    %dot_general3A_12 = tpu.matmul %get3A_1, %get3A_10, %dot_general3A_11 {dimension_numbers = #tpu.dot_dimension_numbers<[1], [0], [0], [1], [0, 0, 1, 1], [], []>, transpose_lhs_hint = false} : vector<10000x128xf32>, vector<128x64xf32>, vector<10000x64xf32> -> vector<10000x64xf32>
    %get3A_13 = arith.constant 0 : index
    %get3A_14 = vector.load %arg3[%get3A_13] : memref<64xf32, #tpu.memory_space<vmem>>, vector<64xf32>
    %broadcast_in_dim3A = vector.shape_cast %get3A_14 : vector<64xf32> to vector<1x64xf32>
    %add3A = vector.broadcast %broadcast_in_dim3A : vector<1x64xf32> to vector<10000x64xf32>
    %add3A_15 = arith.addf %dot_general3A_12, %add3A : vector<10000x64xf32>
    %swap3A_16 = arith.constant 0 : index
    %swap3A_17 = arith.constant 0 : index
    %swap3A_18 = vector.load %arg5[%swap3A_16, %swap3A_17] : memref<10000x64xf32, #tpu.memory_space<vmem>>, vector<10000x64xf32>
    tpu.vector_store %arg5[%swap3A_16, %swap3A_17], %add3A_15 {strides = array<i32>} : memref<10000x64xf32, #tpu.memory_space<vmem>>, vector<10000x64xf32>,
    return
  }
}

module attributes {stable_mosaic.version = 14 : i64} {
  func.func @body(%arg0: memref<20480x64xf32, #tpu.memory_space<vmem>>, %arg1: memref<20480x16xf32, #tpu.memory_space<vmem>>, %arg2: memref<10000x64xf32, #tpu.memory_space<vmem>>, %arg3: memref<64x64xf32, #tpu.memory_space<vmem>>, %arg4: memref<64x64xf32, #tpu.memory_space<vmem>>, %arg5: memref<64xf32, #tpu.memory_space<vmem>>, %arg6: memref<10000x64xf32, #tpu.memory_space<vmem>>, %arg7: memref<10000x64xf32, #tpu.memory_space<vmem>>, %arg8: memref<10000x1xf32, #tpu.memory_space<vmem>>) attributes {dimension_semantics = [], scalar_prefetch = 0 : i64, scratch_operands = 0 : i64, tpu.core_type = #tpu.core_type<tc>} {
    %get3A = arith.constant 0 : index
    %get3A_0 = arith.constant 0 : index
    %get3A_1 = vector.load %arg0[%get3A, %get3A_0] : memref<20480x64xf32, #tpu.memory_space<vmem>>, vector<10000x64xf32>
    %get3A_2 = arith.constant 10240 : index
    %get3A_3 = arith.constant 0 : index
    %get3A_4 = vector.load %arg0[%get3A_2, %get3A_3] : memref<20480x64xf32, #tpu.memory_space<vmem>>, vector<10000x64xf32>
    %add3A = arith.addf %get3A_1, %get3A_4 : vector<10000x64xf32>
    %get3A_5 = arith.constant 0 : index
    %get3A_6 = arith.constant 0 : index
    %get3A_7 = vector.load %arg1[%get3A_5, %get3A_6] : memref<20480x16xf32, #tpu.memory_space<vmem>>, vector<10000x1xf32>
    %get3A_8 = arith.constant 10240 : index
    %get3A_9 = arith.constant 0 : index
    %get3A_10 = vector.load %arg1[%get3A_8, %get3A_9] : memref<20480x16xf32, #tpu.memory_space<vmem>>, vector<10000x1xf32>
    %add3A_11 = arith.addf %get3A_7, %get3A_10 : vector<10000x1xf32>
    %max3A = arith.constant 1.000000e+00 : f32
    %max3A_12 = vector.broadcast %max3A : f32 to vector<10000x1xf32>
    %max3A_13 = arith.maximumf %add3A_11, %max3A_12 : vector<10000x1xf32>
    %div3A = arith.constant 1.000000e+00 : f32
    %div3A_14 = vector.broadcast %div3A : f32 to vector<10000x1xf32>
    %div3A_15 = arith.divf %div3A_14, %max3A_13 : vector<10000x1xf32>
    %swap3A = arith.constant 0 : index
    %swap3A_16 = arith.constant 0 : index
    %swap3A_17 = vector.load %arg8[%swap3A, %swap3A_16] : memref<10000x1xf32, #tpu.memory_space<vmem>>, vector<10000x1xf32>
    tpu.vector_store %arg8[%swap3A, %swap3A_16], %div3A_15 {strides = array<i32>} : memref<10000x1xf32, #tpu.memory_space<vmem>>, vector<10000x1xf32>,
    %mul3A = vector.broadcast %div3A_15 : vector<10000x1xf32> to vector<10000x64xf32>
    %mul3A_18 = arith.mulf %add3A, %mul3A : vector<10000x64xf32>
    %get3A_19 = arith.constant 0 : index
    %get3A_20 = arith.constant 0 : index
    %get3A_21 = vector.load %arg2[%get3A_19, %get3A_20] : memref<10000x64xf32, #tpu.memory_space<vmem>>, vector<10000x64xf32>
    %add3A_22 = arith.addf %mul3A_18, %get3A_21 : vector<10000x64xf32>
    %max3A_23 = arith.constant 0.000000e+00 : f32
    %max3A_24 = vector.broadcast %max3A_23 : f32 to vector<10000x64xf32>
    %max3A_25 = arith.maximumf %add3A_22, %max3A_24 : vector<10000x64xf32>
    %get3A_26 = arith.constant 0 : index
    %get3A_27 = arith.constant 0 : index
    %get3A_28 = vector.load %arg3[%get3A_26, %get3A_27] : memref<64x64xf32, #tpu.memory_space<vmem>>, vector<64x64xf32>
    %dot_general3A = arith.constant dense<0.000000e+00> : vector<10000x64xf32>
    %dot_general3A_29 = tpu.matmul %max3A_25, %get3A_28, %dot_general3A {dimension_numbers = #tpu.dot_dimension_numbers<[1], [0], [0], [1], [0, 0, 1, 1], [], []>, transpose_lhs_hint = false} : vector<10000x64xf32>, vector<64x64xf32>, vector<10000x64xf32> -> vector<10000x64xf32>
    %swap3A_30 = arith.constant 0 : index
    %swap3A_31 = arith.constant 0 : index
    %swap3A_32 = vector.load %arg6[%swap3A_30, %swap3A_31] : memref<10000x64xf32, #tpu.memory_space<vmem>>, vector<10000x64xf32>
    tpu.vector_store %arg6[%swap3A_30, %swap3A_31], %dot_general3A_29 {strides = array<i32>} : memref<10000x64xf32, #tpu.memory_space<vmem>>, vector<10000x64xf32>,
    %get3A_33 = arith.constant 0 : index
    %get3A_34 = arith.constant 0 : index
    %get3A_35 = vector.load %arg4[%get3A_33, %get3A_34] : memref<64x64xf32, #tpu.memory_space<vmem>>, vector<64x64xf32>
    %dot_general3A_36 = arith.constant dense<0.000000e+00> : vector<10000x64xf32>
    %dot_general3A_37 = tpu.matmul %max3A_25, %get3A_35, %dot_general3A_36 {dimension_numbers = #tpu.dot_dimension_numbers<[1], [0], [0], [1], [0, 0, 1, 1], [], []>, transpose_lhs_hint = false} : vector<10000x64xf32>, vector<64x64xf32>, vector<10000x64xf32> -> vector<10000x64xf32>
    %get3A_38 = arith.constant 0 : index
    %get3A_39 = vector.load %arg5[%get3A_38] : memref<64xf32, #tpu.memory_space<vmem>>, vector<64xf32>
    %broadcast_in_dim3A = vector.shape_cast %get3A_39 : vector<64xf32> to vector<1x64xf32>
    %add3A_40 = vector.broadcast %broadcast_in_dim3A : vector<1x64xf32> to vector<10000x64xf32>
    %add3A_41 = arith.addf %dot_general3A_37, %add3A_40 : vector<10000x64xf32>
    %swap3A_42 = arith.constant 0 : index
    %swap3A_43 = arith.constant 0 : index
    %swap3A_44 = vector.load %arg7[%swap3A_42, %swap3A_43] : memref<10000x64xf32, #tpu.memory_space<vmem>>, vector<10000x64xf32>
    tpu.vector_store %arg7[%swap3A_42, %swap3A_43], %add3A_41 {strides = array<i32>} : memref<10000x64xf32, #tpu.memory_space<vmem>>, vector<10000x64xf32>,
    return
  }
}

module attributes {stable_mosaic.version = 14 : i64} {
  func.func @body(%arg0: memref<20480x64xf32, #tpu.memory_space<vmem>>, %arg1: memref<10000x1xf32, #tpu.memory_space<vmem>>, %arg2: memref<10000x64xf32, #tpu.memory_space<vmem>>, %arg3: memref<64x32xf32, #tpu.memory_space<vmem>>, %arg4: memref<64x32xf32, #tpu.memory_space<vmem>>, %arg5: memref<32xf32, #tpu.memory_space<vmem>>, %arg6: memref<10000x32xf32, #tpu.memory_space<vmem>>, %arg7: memref<10000x32xf32, #tpu.memory_space<vmem>>) attributes {dimension_semantics = [], scalar_prefetch = 0 : i64, scratch_operands = 0 : i64, tpu.core_type = #tpu.core_type<tc>} {
    %get3A = arith.constant 0 : index
    %get3A_0 = arith.constant 0 : index
    %get3A_1 = vector.load %arg0[%get3A, %get3A_0] : memref<20480x64xf32, #tpu.memory_space<vmem>>, vector<10000x64xf32>
    %get3A_2 = arith.constant 10240 : index
    %get3A_3 = arith.constant 0 : index
    %get3A_4 = vector.load %arg0[%get3A_2, %get3A_3] : memref<20480x64xf32, #tpu.memory_space<vmem>>, vector<10000x64xf32>
    %add3A = arith.addf %get3A_1, %get3A_4 : vector<10000x64xf32>
    %get3A_5 = arith.constant 0 : index
    %get3A_6 = arith.constant 0 : index
    %get3A_7 = vector.load %arg1[%get3A_5, %get3A_6] : memref<10000x1xf32, #tpu.memory_space<vmem>>, vector<10000x1xf32>
    %mul3A = vector.broadcast %get3A_7 : vector<10000x1xf32> to vector<10000x64xf32>
    %mul3A_8 = arith.mulf %add3A, %mul3A : vector<10000x64xf32>
    %get3A_9 = arith.constant 0 : index
    %get3A_10 = arith.constant 0 : index
    %get3A_11 = vector.load %arg2[%get3A_9, %get3A_10] : memref<10000x64xf32, #tpu.memory_space<vmem>>, vector<10000x64xf32>
    %add3A_12 = arith.addf %mul3A_8, %get3A_11 : vector<10000x64xf32>
    %max3A = arith.constant 0.000000e+00 : f32
    %max3A_13 = vector.broadcast %max3A : f32 to vector<10000x64xf32>
    %max3A_14 = arith.maximumf %add3A_12, %max3A_13 : vector<10000x64xf32>
    %get3A_15 = arith.constant 0 : index
    %get3A_16 = arith.constant 0 : index
    %get3A_17 = vector.load %arg3[%get3A_15, %get3A_16] : memref<64x32xf32, #tpu.memory_space<vmem>>, vector<64x32xf32>
    %dot_general3A = arith.constant dense<0.000000e+00> : vector<10000x32xf32>
    %dot_general3A_18 = tpu.matmul %max3A_14, %get3A_17, %dot_general3A {dimension_numbers = #tpu.dot_dimension_numbers<[1], [0], [0], [1], [0, 0, 1, 1], [], []>, transpose_lhs_hint = false} : vector<10000x64xf32>, vector<64x32xf32>, vector<10000x32xf32> -> vector<10000x32xf32>
    %swap3A = arith.constant 0 : index
    %swap3A_19 = arith.constant 0 : index
    %swap3A_20 = vector.load %arg6[%swap3A, %swap3A_19] : memref<10000x32xf32, #tpu.memory_space<vmem>>, vector<10000x32xf32>
    tpu.vector_store %arg6[%swap3A, %swap3A_19], %dot_general3A_18 {strides = array<i32>} : memref<10000x32xf32, #tpu.memory_space<vmem>>, vector<10000x32xf32>,
    %get3A_21 = arith.constant 0 : index
    %get3A_22 = arith.constant 0 : index
    %get3A_23 = vector.load %arg4[%get3A_21, %get3A_22] : memref<64x32xf32, #tpu.memory_space<vmem>>, vector<64x32xf32>
    %dot_general3A_24 = arith.constant dense<0.000000e+00> : vector<10000x32xf32>
    %dot_general3A_25 = tpu.matmul %max3A_14, %get3A_23, %dot_general3A_24 {dimension_numbers = #tpu.dot_dimension_numbers<[1], [0], [0], [1], [0, 0, 1, 1], [], []>, transpose_lhs_hint = false} : vector<10000x64xf32>, vector<64x32xf32>, vector<10000x32xf32> -> vector<10000x32xf32>
    %get3A_26 = arith.constant 0 : index
    %get3A_27 = vector.load %arg5[%get3A_26] : memref<32xf32, #tpu.memory_space<vmem>>, vector<32xf32>
    %broadcast_in_dim3A = vector.shape_cast %get3A_27 : vector<32xf32> to vector<1x32xf32>
    %add3A_28 = vector.broadcast %broadcast_in_dim3A : vector<1x32xf32> to vector<10000x32xf32>
    %add3A_29 = arith.addf %dot_general3A_25, %add3A_28 : vector<10000x32xf32>
    %swap3A_30 = arith.constant 0 : index
    %swap3A_31 = arith.constant 0 : index
    %swap3A_32 = vector.load %arg7[%swap3A_30, %swap3A_31] : memref<10000x32xf32, #tpu.memory_space<vmem>>, vector<10000x32xf32>
    tpu.vector_store %arg7[%swap3A_30, %swap3A_31], %add3A_29 {strides = array<i32>} : memref<10000x32xf32, #tpu.memory_space<vmem>>, vector<10000x32xf32>,
    return
  }
}

module attributes {stable_mosaic.version = 14 : i64} {
  func.func @body(%arg0: memref<20480x32xf32, #tpu.memory_space<vmem>>, %arg1: memref<10000x1xf32, #tpu.memory_space<vmem>>, %arg2: memref<10000x32xf32, #tpu.memory_space<vmem>>, %arg3: memref<32x1xf32, #tpu.memory_space<vmem>>, %arg4: memref<1xf32, #tpu.memory_space<vmem>>, %arg5: memref<10000xf32, #tpu.memory_space<vmem>>) attributes {dimension_semantics = [], scalar_prefetch = 0 : i64, scratch_operands = 0 : i64, tpu.core_type = #tpu.core_type<tc>} {
    %get3A = arith.constant 0 : index
    %get3A_0 = arith.constant 0 : index
    %get3A_1 = vector.load %arg0[%get3A, %get3A_0] : memref<20480x32xf32, #tpu.memory_space<vmem>>, vector<10000x32xf32>
    %get3A_2 = arith.constant 10240 : index
    %get3A_3 = arith.constant 0 : index
    %get3A_4 = vector.load %arg0[%get3A_2, %get3A_3] : memref<20480x32xf32, #tpu.memory_space<vmem>>, vector<10000x32xf32>
    %add3A = arith.addf %get3A_1, %get3A_4 : vector<10000x32xf32>
    %get3A_5 = arith.constant 0 : index
    %get3A_6 = arith.constant 0 : index
    %get3A_7 = vector.load %arg1[%get3A_5, %get3A_6] : memref<10000x1xf32, #tpu.memory_space<vmem>>, vector<10000x1xf32>
    %mul3A = vector.broadcast %get3A_7 : vector<10000x1xf32> to vector<10000x32xf32>
    %mul3A_8 = arith.mulf %add3A, %mul3A : vector<10000x32xf32>
    %get3A_9 = arith.constant 0 : index
    %get3A_10 = arith.constant 0 : index
    %get3A_11 = vector.load %arg2[%get3A_9, %get3A_10] : memref<10000x32xf32, #tpu.memory_space<vmem>>, vector<10000x32xf32>
    %add3A_12 = arith.addf %mul3A_8, %get3A_11 : vector<10000x32xf32>
    %max3A = arith.constant 0.000000e+00 : f32
    %max3A_13 = vector.broadcast %max3A : f32 to vector<10000x32xf32>
    %max3A_14 = arith.maximumf %add3A_12, %max3A_13 : vector<10000x32xf32>
    %get3A_15 = arith.constant 0 : index
    %get3A_16 = arith.constant 0 : index
    %get3A_17 = vector.load %arg3[%get3A_15, %get3A_16] : memref<32x1xf32, #tpu.memory_space<vmem>>, vector<32x1xf32>
    %squeeze3A = vector.shape_cast %get3A_17 : vector<32x1xf32> to vector<32xf32>
    %broadcast_in_dim3A = vector.shape_cast %squeeze3A : vector<32xf32> to vector<1x32xf32>
    %mul3A_18 = vector.broadcast %broadcast_in_dim3A : vector<1x32xf32> to vector<10000x32xf32>
    %mul3A_19 = arith.mulf %max3A_14, %mul3A_18 : vector<10000x32xf32>
    %reduce_sum3A = arith.constant dense<0.000000e+00> : vector<10000xf32>
    %reduce_sum3A_20 = vector.multi_reduction <add>, %mul3A_19, %reduce_sum3A [1] : vector<10000x32xf32> to vector<10000xf32>
    %get3A_21 = arith.constant 0 : index
    %get3A_22 = vector.load %arg4[%get3A_21] : memref<1xf32, #tpu.memory_space<vmem>>, vector<1xf32>
    %get3A_23 = vector.extract %get3A_22[0] : f32 from vector<1xf32>
    %add3A_24 = vector.broadcast %get3A_23 : f32 to vector<10000xf32>
    %add3A_25 = arith.addf %reduce_sum3A_20, %add3A_24 : vector<10000xf32>
    %swap3A = arith.constant 0 : index
    %swap3A_26 = vector.load %arg5[%swap3A] : memref<10000xf32, #tpu.memory_space<vmem>>, vector<10000xf32>
    tpu.vector_store %arg5[%swap3A], %add3A_25 {strides = array<i32>} : memref<10000xf32, #tpu.memory_space<vmem>>, vector<10000xf32>,
    return
  }
}

</mosaic_0001>

<sc_bundles>
// kernel: kernel.12.cloned.1.call-start
scs
__scs_entry_jumppad:
0x0: {  	(pc) =	sbr.rel $0x88, $3  }
0x1: {  	(tag) =	ssettag $0x0;
	lr =	simm.s32 $0x1  }
0x2: {  	[smem:$0x3F94] =	sst lr;
	_ =	strace $0xD0000000  }
0x3: {  	_ = 	snop  }
0x4: {  	_ = 	snop  }
0x5: {  	_ = 	snop  }
0x6: {  	_ = 	snop  }
0x7: {  	_ = 	snop  }
__scs_overlays_trampoline_lowered:
0x8: {  	[smem:$0x3FA3] =	sst s0  }
0x9: {  	[smem:$0x3FA4] =	sst s1  }
0xa: {  	[smem:$0x3FA5] =	sst s2  }
0xb: {  	[smem:$0x3FA6] =	sst s3  }
0xc: {  	[smem:$0x3FA7] =	sst s4  }
0xd: {  	[smem:$0x3FA8] =	sst s5  }
0xe: {  	[smem:$0x3FA9] =	sst s6  }
0xf: {  	[smem:$0x3FAA] =	sst s7  }
0x10: {  	[smem:$0x3FAB] =	sst s8  }
0x11: {  	[smem:$0x3FAC] =	sst s9;
	s0 =	simm.s32 @!p0 $0x0  }
0x12: {  	s1 =	sld [smem:$0x3F92];
	s0 =	simm.s32 @p0 $0x1  }
0x13: {  	[smem:$0x3FAD] =	sst s0;
	s0 =	simm.s32 @!p1 $0x0  }
0x14: {  	s2 =	sld [smem:$0x3F91];
	s0 =	simm.s32 @p1 $0x1  }
0x15: {  	[smem:$0x3FAE] =	sst s0;
	s0 =	simm.s32 @!p2 $0x0  }
0x16: {  	s3 =	sld [smem:$0x3FDB];
	s0 =	simm.s32 @p2 $0x1  }
0x17: {  	s4 =	simm.s32 $0x1BF5;
	[smem:$0x3FB0] =	sst s0  }
0x18: {  	s0 =	sld [smem:$0x3F93];
	_ =	swait.ge [sflag:s4], $0x0  }
0x19: {  	s7 =	sld [smem:$0x3F94]  }
0x1a: {  	s8 =	sadd.s32 $0xFFFFE003, lr  }
0x1b: {  	s9 =	sadd.s32 $0xFFFFFEF7, lr;
	s5 =	simm.s32 $0xFFFFFFFF;
	p2 =	slt.u32 s8, $0xFFFFF086  }
0x1c: {  	p1 =	slt.u32 s9, $0xF7A;
	s5 =	simm.s32 @!p2 $0x0  }
0x1d: {  	s5 =	simm.s32 @p1 $0x1;
	p0 =	seq.s32 s7, s2  }
0x1e: {  	s7 =	smul.u32 @!p0 $0xF7A, s2;
	p2 =	seq.s32 @!p0 s5, $0x0  }
0x1f: {  	s9 =	smul.u32 $0xF7A, s1;
	s8 =	simm.s32 @!p0 $0x1BF5;
	p2 =	por !p2, p0  }
0x20: {  	[sflag:s8] =	ssyncset.s32 @!p0 $0xFFFFF086;
	s6 =	sadd.s32 @!p0 s3, s7;
	s7 =	simm.s32 @!p0 $0x108  }
0x21: {  	s3 =	sadd.s32 s3, s9;
	s6 =	sadd.s32 @!p0 $0x88, s6;
	s7 =	simm.s32 @p2 $0x1082  }
0x22: {  	[simem:s7], [sflag:s8] =	dma.local @!p0 [hbm:s6], $0xF7A  }
0x23: {  	s9 =	sor.u32 $0xD0000000, s2;
	s6 =	simm.s32 $0x108;
	_ =	swait.ge @!p0 [sflag:s8], $0x0  }
0x24: {  	s3 =	sadd.s32 $0x88, s3;
	s6 =	simm.s32 @!p1 $0x1082;
	[sflag:s4] =	ssyncset.s32 $0xFFFFF086  }
0x25: {  	[simem:s6], [sflag:s4] =	dma.local [hbm:s3], $0xF7A  }
0x26: {  	[smem:$0x3F94] =	sst s1;
	(tag) =	ssettag s2;
	_ =	strace s9  }
0x27: {  	s1 =	sld [smem:$0x3FA4]  }
0x28: {  	s2 =	sld [smem:$0x3FA5]  }
0x29: {  	s4 =	sld [smem:$0x3FA7]  }
0x2a: {  	p0 =	seq.s32 s5, $0x0;
	s5 =	sld [smem:$0x3FA8]  }
0x2b: {  	s6 =	sld [smem:$0x3FA9]  }
0x2c: {  	s7 =	sld [smem:$0x3FAA]  }
0x2d: {  	s3 =	simm.s32 $0x108;
	s8 =	sld [smem:$0x3FAB]  }
0x2e: {  	s3 =	simm.s32 @!p0 $0x1082;
	s9 =	sld [smem:$0x3FAC]  }
0x2f: {  	lr =	sadd.s32 s0, s3;
	s0 =	sld [smem:$0x3FA3]  }
0x30: {  	s3 =	sld [smem:$0x3FA6]  }
0x31: {  	[smem:$0x3FAF] =	sst s10  }
0x32: {  	s10 =	sld [smem:$0x3FAD];
	_ =	sdelay $0x3  }
0x33: {  	p0 =	seq.s32 s10, $0x1;
	s10 =	sld [smem:$0x3FAF];
	_ =	sdelay $0x3  }
0x34: {  	[smem:$0x3FAF] =	sst s10  }
0x35: {  	s10 =	sld [smem:$0x3FAE];
	_ =	sdelay $0x3  }
0x36: {  	p1 =	seq.s32 s10, $0x1;
	s10 =	sld [smem:$0x3FAF];
	_ =	sdelay $0x3  }
0x37: {  	[smem:$0x3FAF] =	sst s10  }
0x38: {  	s10 =	sld [smem:$0x3FB0]  }
0x39: {  	_ = 	snop;
	(pc) =	sbr.ind lr, $3  }
0x3a: {  	_ = 	snop  }
0x3b: {  	_ = 	snop  }
0x3c: {  	p2 =	seq.s32 s10, $0x1;
	s10 =	sld [smem:$0x3FAF]  }
0x3d: {  	_ =	shalt  }
0x3e: {  	_ =	shalt  }
0x3f: {  	_ =	shalt  }
0x40: {  	_ =	shalt  }
0x41: {  	_ =	shalt  }
0x42: {  	_ =	shalt  }
0x43: {  	_ =	shalt  }
0x44: {  	_ =	shalt  }
0x45: {  	_ =	shalt  }
0x46: {  	_ =	shalt  }
0x47: {  	_ =	shalt  }
0x48: {  	_ =	shalt  }
0x49: {  	_ =	shalt  }
0x4a: {  	_ =	shalt  }
0x4b: {  	_ =	shalt  }
0x4c: {  	_ =	shalt  }
0x4d: {  	_ =	shalt  }
0x4e: {  	_ =	shalt  }
0x4f: {  	_ =	shalt  }
0x50: {  	_ =	shalt  }
0x51: {  	_ =	shalt  }
0x52: {  	_ =	shalt  }
0x53: {  	_ =	shalt  }
0x54: {  	_ =	shalt  }
0x55: {  	_ =	shalt  }
0x56: {  	_ =	shalt  }
0x57: {  	_ =	shalt  }
0x58: {  	_ =	shalt  }
0x59: {  	_ =	shalt  }
0x5a: {  	_ =	shalt  }
0x5b: {  	_ =	shalt  }
0x5c: {  	_ =	shalt  }
0x5d: {  	_ =	shalt  }
0x5e: {  	_ =	shalt  }
0x5f: {  	_ =	shalt  }
0x60: {  	_ =	shalt  }
0x61: {  	_ =	shalt  }
0x62: {  	_ =	shalt  }
0x63: {  	_ =	shalt  }
0x64: {  	_ =	shalt  }
0x65: {  	_ =	shalt  }
0x66: {  	_ =	shalt  }
0x67: {  	_ =	shalt  }
0x68: {  	_ =	shalt  }
0x69: {  	_ =	shalt  }
0x6a: {  	_ =	shalt  }
0x6b: {  	_ =	shalt  }
0x6c: {  	_ =	shalt  }
0x6d: {  	_ =	shalt  }
0x6e: {  	_ =	shalt  }
0x6f: {  	_ =	shalt  }
0x70: {  	_ =	shalt  }
0x71: {  	_ =	shalt  }
0x72: {  	_ =	shalt  }
0x73: {  	_ =	shalt  }
0x74: {  	_ =	shalt  }
0x75: {  	_ =	shalt  }
0x76: {  	_ =	shalt  }
0x77: {  	_ =	shalt  }
0x78: {  	_ =	shalt  }
0x79: {  	_ =	shalt  }
0x7a: {  	_ =	shalt  }
0x7b: {  	_ =	shalt  }
0x7c: {  	_ =	shalt  }
0x7d: {  	_ =	shalt  }
0x7e: {  	_ =	shalt  }
0x7f: {  	_ =	shalt  }
0x80: {  	_ =	shalt  }
0x81: {  	_ =	shalt  }
0x82: {  	_ =	shalt  }
0x83: {  	_ =	shalt  }
0x84: {  	_ =	shalt  }
0x85: {  	_ =	shalt  }
0x86: {  	_ =	shalt  }
0x87: {  	_ =	shalt  }
.Lfunc_end0:
.L_simem_size_0:
called_computation.1_lowered:
.L_overlay_start_0:
0x88: {  	s2 =	sld [smem:$0x3FD9]  }
0x89: {  	s3 =	sld [smem:$0x3FFE];
	_ =	sdelay $0x1  }
0x8a: {  	s1 =	srdreg.scid  }
0x8b: {  	s0 =	sand.u32 $0x1, s1  }
0x8c: {  	s16 =	sshll.u32 s0, $0xA;
	s2 =	sadd.s32 s3, s2  }
0x8d: {  	s2 =	sadd.s32 s2, s16  }
0x8e: {  	[smem:$0x3FBB] =	sst s2  }
0x8f: {  	_ = 	snop  }
0x90: {  	(tm) =	ssettm $0x1  }
0x91: {  	s17 =	sld [smem:$0x3FFB];
	_ =	sdelay $0x3  }
0x92: {  	_ =	strace s17  }
0x93: {  	s2 =	sld [smem:$0x3FFC];
	_ =	sdelay $0x3  }
0x94: {  	_ =	strace s2  }
0x95: {  	s2 =	sld [smem:$0x3FFD];
	_ =	sdelay $0x3  }
0x96: {  	_ =	strace s2  }
0x97: {  	_ =	strace $0x8FFFFFFF  }
0x98: {  	s18 =	sld [smem:$0x3FDB];
	_ =	sdelay $0x1  }
0x99: {  	s19 =	simm.s32 $_scs_section_size  }
0x9a: {  	s4 =	simm.s32 $_size__tile_overlayer_lowered;
	s5 =	simm.s32 $_tile_overlayer_lowered  }
0x9b: {  	s22 =	simm.s32 $0x1BFF;
	s21 =	sshll.u32 s5, $0x1;
	s2 =	sadd.s32 s19, s18  }
0x9c: {  	s6 =	simm.s32 $0x0;
	s20 =	sshll.u32 s4, $0x1;
	s4 =	sadd.s32 s21, s2  }
0x9d: {  	[timem:s6], [sflag:s22] =	dma.local [hbm:s4], s20  }
0x9e: {  	_ =	swait.ge [sflag:s22], s20  }
0x9f: {  	s3 =	ssub.s32 $0x0, s20;
	[sflag:s22] =	ssyncset.done $0x0  }
0xa0: {  	[sflag:s22] =	ssyncadd.s32 s3;
	_ =	sdelay $0x1  }
0xa1: {  	s23 =	simm.s32 $0x1B8B  }
0xa2: {  	_ =	swait.ge [sflag:s23], $0x1  }
0xa3: {  	[sflag:s23] =	ssyncset.done $0x0  }
0xa4: {  	s25 =	simm.s32 $0x1B8E;
	s24 =	sld [smem:$0x3FFE];
	[sflag:s23] =	ssyncadd.s32 $0xFFFFFFFF  }
0xa5: {  	s26 =	simm.s32 $execute0_lowered;
	[smem:$0x3FD2] =	sst s25  }
0xa6: {  	s4 =	sshll.u32 s26, $0x1;
	_ =	strace $0x80000049;
	[dreg:$0x1] =	wrdreg $0xFFFFFFFF  }
0xa7: {  	s28 =	simm.s32 $_size_execute0_lowered;
	s2 =	sadd.s32 s2, s4;
	[dreg:$0x0] =	wrdreg $0x0  }
0xa8: {  	s4 =	sshll.u32 s28, $0x1;
	[dreg:$0x2] =	wrdreg s2  }
0xa9: {  	[dreg:$0x3] =	wrdreg s4  }
0xaa: {  	[dreg:$0x4] =	wrdreg $0xC0  }
0xab: {  	_ =	task [dreg:s6], $0x5FFFF  }
0xac: {  	[dreg:$0x1] =	wrdreg $0xFFFFFFFF  }
0xad: {  	[dreg:$0x0] =	wrdreg $0x60  }
0xae: {  	[dreg:$0x2] =	wrdreg s24  }
0xaf: {  	[dreg:$0x3] =	wrdreg $0x110000  }
0xb0: {  	[dreg:$0x4] =	wrdreg $0x9  }
0xb1: {  	_ =	task.clear_ibuf [dreg:s6], $0x5FFFF;
	_ =	strace $0x90000049  }
0xb2: {  	s29 =	simm.s32 $0x9;
	_ =	strace $0x8000004B  }
0xb3: {  	_ =	swait.ge [sflag:s29], $0x1  }
0xb4: {  	[sflag:s29] =	ssyncadd.s32 $0xFFFFFFFF  }
0xb5: {  	_ =	strace $0x9000004B  }
0xb6: {  	_ =	sfence  }
0xb7: {  	s30 =	sld [smem:$0x0];
	_ =	sdelay $0x2  }
0xb8: {  	s31 =	sshll.u32 s1, $0xD;
	s1 =	sshrl.u32 s1, $0x2  }
0xb9: {  	s3 =	sand.u32 $0x4000, s31;
	s1 =	sadd.s32 s1, s30  }
0xba: {  	s0 =	sor.u32 s3, s0;
	s1 =	sshll.u32 s1, $0x11  }
0xbb: {  	s0 =	sor.u32 s1, s0  }
0xbc: {  	s0 =	sadd.s32 $0x8F2B, s0  }
0xbd: {  	[sflag:s0] =	ssyncadd.remote.s32 $0x1  }
0xbe: {  	_ =	sfence.sel $0xFFFF  }
0xbf: {  	[dreg:$0x0] =	wrdreg $0xFFFFFFFF;
	(pc) =	sbr.abs _section_cstart, $3  }
0xc0: {  	[dreg:$0x1] =	wrdreg $0xFFFFFFFF  }
0xc1: {  	_ =	task.clear_ibuf [dreg:s6], $0x2FFFF;
	_ =	strace $0x9FFFFFFF  }
0xc2: {  	(tm) =	ssettm $0x7FFFFFFF  }
0xc3: {  	_ =	shalt  }
tec
execute0_lowered:
.L_overlay_start_1:
0x0: {  	(tag) =	ssettag $0x1  }
0x1: {  	s0 =	srdreg.scid  }
0x2: {  	s11 =	rddreg [dreg:$0x0];
	s24 =	stileid.u32  }
0x3: {  	s2 =	rddreg [dreg:$0x1];
	s25 =	simm.s32 $0x0;
	s18 =	simm.s32 $0x7000  }
0x4: {  	s19 =	simm.s32 $0x100;
	s20 =	simm.s32 $0x9000;
	s21 =	simm.s32 $0x180  }
0x5: {  	s22 =	simm.s32 $0xB000;
	s23 =	simm.s32 $0x0;
	s8 =	smul.u32 $0xA000, s24  }
0x6: {  	s6 =	sand.u32 $0x1, s0;
	[smem:$0x7FF] =	sst s25;
	s26 =	smul.u32 $0x1400, s24  }
0x7: {  	s29 =	sshll.u32 s24, $0x6;
	s1 =	sshll.u32 s6, $0x4;
	_ =	strace $0x8000004A  }
0x8: {  	s10 =	smul.u32 $0x14000, s6;
	s6 =	ssub.s32 $0x2, s6;
	s5 =	sor.u32 s24, s1  }
0x9: {  	s12 =	sshrl.u32 s8, $0x3;
	s28 =	sshrl.u32 s6, $0x1;
	s16 =	sadd.s32 s8, s2  }
0xa: {  	s4 =	smul.u32 $0x2800, s5;
	p0 =	seq.s32 s5, $0x1F;
	s5 =	simm.s32 $0xA  }
0xb: {  	s12 =	sadd.s32 s12, s11;
	s15 =	ssub.s32 s6, s28;
	s5 =	simm.s32 @!p0 $0x28  }
0xc: {  	s6 =	sadd.s32 $0x2A200, s12;
	s7 =	sshrl.u32 s4, $0x3;
	s13 =	smul.u32 $0x56, s5  }
0xd: {  	s4 =	sadd.s32 $0x16800, s11;
	s9 =	sadd.s32 s7, s11;
	s7 =	sadd.s32 s26, s10  }
0xe: {  	s10 =	sadd.s32 $0xC900, s11;
	s14 =	sadd.s32 s7, s11;
	s30 =	sadd.s32 $0x102, s13  }
0xf: {  	s7 =	sor.u32 $0x1C03, s29;
	s8 =	sadd.s32 $0x2E00, s9;
	s31 =	sshrl.u32 s30, $0x8  }
0x10: {  	s9 =	sadd.s32 $0xCA40, s9;
	s11 =	sadd.s32 $0x16540, s11;
	s17 =	smul.u32 $0xC00, s31  }
0x11: {  	s13 =	smax.u32 s15, $0x1;
	s15 =	simm.s32 $0x3;
	s12 =	sadd.s32 $0x3E200, s14  }
0x12: {  	s14 =	sshrl.u32 s16, $0x3;
	s16 =	simm.s32 $0x80;
	[dreg:$0x3] =	wrdreg s17  }
.LBB2_1:
0x13: {  	[spmem:s14], [sflag:s7] =	dma.local [hbm:s6], $0x1400  }
0x14: {  	_ =	swait.ge [sflag:s15], $0x1400  }
0x15: {  	[sflag:s15] =	ssyncset.done $0x0  }
0x16: {  	[sflag:s15] =	ssyncadd.s32 $0xFFFFEC00  }
0x17: {  	s24 =	simm.s32 @p0 $0x0;
	s25 =	simm.s32 @p0 $0x3;
	[bflag:$0x0] =	sbarrier.arrive $0xFFFF  }
0x18: {  	[tilespmem:s24], [sflag:$0x3] =	stream.linear.gather @p0 [hbm4b:s10+s24], $0xA00, $0x38;
	[tilespmem:$0x1B000] =	vst v63  }
0x19: {  	_ =	swait.ge @p0 [sflag:s25], $0xA00  }
0x1a: {  	[sflag:s25] =	ssyncset.done @p0 $0x0  }
0x1b: {  	s26 =	simm.s32 @p0 $0x2800;
	[sflag:s25] =	ssyncadd.s32 @p0 $0xFFFFF600  }
0x1c: {  	[tilespmem:s26], [sflag:$0x3] =	stream.linear.gather @p0 [hbm4b:s11+s24], $0xA00, $0x38;
	[tilespmem:$0x1B000] =	vst v63  }
0x1d: {  	_ =	swait.ge @p0 [sflag:s25], $0xA00  }
0x1e: {  	[sflag:s25] =	ssyncset.done @p0 $0x0  }
0x1f: {  	s24 =	simm.s32 @!p0 $0x0;
	[sflag:s25] =	ssyncadd.s32 @p0 $0xFFFFF600;
	s25 =	simm.s32 @!p0 $0x3  }
0x20: {  	[tilespmem:s24], [sflag:$0x3] =	stream.linear.gather @!p0 [hbm4b:s8+s24], $0x2800, $0x38;
	[tilespmem:$0x1B000] =	vst v63  }
0x21: {  	_ =	swait.ge @!p0 [sflag:s25], $0x2800  }
0x22: {  	[sflag:s25] =	ssyncset.done @!p0 $0x0  }
0x23: {  	s26 =	simm.s32 @!p0 $0x2800;
	[sflag:s25] =	ssyncadd.s32 @!p0 $0xFFFFD800  }
0x24: {  	[tilespmem:s26], [sflag:$0x3] =	stream.linear.gather @!p0 [hbm4b:s9+s24], $0x2800, $0x38;
	[tilespmem:$0x1B000] =	vst v63  }
0x25: {  	_ =	swait.ge @!p0 [sflag:s25], $0x2800  }
0x26: {  	[sflag:s25] =	ssyncset.done @!p0 $0x0  }
0x27: {  	s0 =	simm.s32 $0x0;
	s1 =	simm.s32 $0x5000;
	[sflag:s25] =	ssyncadd.s32 @!p0 $0xFFFFD800  }
0x28: {  	[tilespmem:s1], [sflag:$0x1] =	stream.indirect.gather [hbm4b:s4+s16], $0x40, s0, s16, $0xb8;
	[tilespmem:$0x1B000] =	vst v63  }
0x29: {  	_ = 	snop  }
0x2a: {  	[tilespmem:s18], [sflag:$0x1] =	stream.indirect.gather [hbm4b:s4+s16], $0x40, s16, s16, $0xb8;
	[tilespmem:$0x1B000] =	vst v63  }
0x2b: {  	_ = 	snop  }
0x2c: {  	[tilespmem:s20], [sflag:$0x1] =	stream.indirect.gather [hbm4b:s4+s16], $0x40, s19, s16, $0xb8;
	[tilespmem:$0x1B000] =	vst v63  }
0x2d: {  	s24 =	simm.s32 $0x4;
	s25 =	simm.s32 $0x0  }
0x2e: {  	[tilespmem:s22], [sflag:$0x1] =	stream.indirect.gather [hbm4b:s4+s16], $0x40, s21, s16, $0xb8;
	[tilespmem:$0x1B000] =	vst v63  }
.LBB2_2:
0x2f: {  	s26 =	sadd.s32 $0xFFFFFFFC, s24  }
0x30: {  	p1 =	sge.u32 s26, s5  }
0x31: {  	s28 =	simm.s32 @!p1 $0x1  }
0x32: {  	_ =	swait.ge @!p1 [sflag:s28], $0x2000  }
0x33: {  	[sflag:s28] =	ssyncset.done @!p1 $0x0  }
0x34: {  	[sflag:s28] =	ssyncadd.s32 @!p1 $0xFFFFE000  }
0x35: {  	p2 =	seq.s32 s25, $0x0;
	_ =	swait.ge @!p1 [sflag:s28], $0x2000  }
0x36: {  	p3 =	sgt.u32 @!p2 s26, s5;
	[sflag:s28] =	ssyncset.done @!p1 $0x0  }
0x37: {  	s30 =	simm.s32 @!p1 $0x80;
	[sflag:s28] =	ssyncadd.s32 @!p1 $0xFFFFE000;
	s28 =	sshra.s32 @!p1 s25, $0x2  }
0x38: {  	s31 =	simm.s32 @!p1 $0x5000;
	p3 =	por p3, p2;
	s29 =	sadd.s32 @!p1 $0x2800, s28  }
0x39: {  	[spmem:s2] =	stream.indirect.scatter.add.f32 @!p1 [tilespmem:s31], [sflag:$0x2], $0x40, s29, s30, $0xb8;
	[tilespmem:$0x1B000] =	vst v63  }
0x3a: {  	s26 =	simm.s32 @!p3 $0x2;
	s28 =	sadd.s32 @!p1 $0x2880, s28;
	s29 =	simm.s32 @!p1 $0x7000  }
0x3b: {  	[spmem:s2] =	stream.indirect.scatter.add.f32 @!p1 [tilespmem:s29], [sflag:$0x2], $0x40, s28, s30, $0xb8;
	[tilespmem:$0x1B000] =	vst v63  }
0x3c: {  	_ =	swait.ge @!p3 [sflag:s26], $0x2000  }
0x3d: {  	[sflag:s26] =	ssyncset.done @!p3 $0x0  }
0x3e: {  	[sflag:s26] =	ssyncadd.s32 @!p3 $0xFFFFE000  }
0x3f: {  	s28 =	sadd.s32 $0xFFFFFFFE, s24;
	_ =	swait.ge @!p3 [sflag:s26], $0x2000  }
0x40: {  	p2 =	sge.u32 s28, s5;
	[sflag:s26] =	ssyncset.done @!p3 $0x0  }
0x41: {  	s17 =	sadd.s32 $0xFFFFFFFD, s24;
	[sflag:s26] =	ssyncadd.s32 @!p3 $0xFFFFE000;
	s26 =	sshra.s32 @!p2 s25, $0x2  }
0x42: {  	s30 =	simm.s32 @!p2 $0x80;
	s31 =	simm.s32 @!p2 $0xD000;
	s29 =	sadd.s32 @!p2 $0x200, s26  }
0x43: {  	[tilespmem:s31], [sflag:$0x1] =	stream.indirect.gather @!p2 [hbm4b:s4+s30], $0x40, s29, s30, $0xb8;
	[tilespmem:$0x1B000] =	vst v63  }
0x44: {  	s1 =	simm.s32 @!p2 $0xF000;
	p3 =	sge.u32 s17, s5;
	s29 =	sadd.s32 @!p2 $0x280, s26  }
0x45: {  	[tilespmem:s1], [sflag:$0x1] =	stream.indirect.gather @!p2 [hbm4b:s4+s30], $0x40, s29, s30, $0xb8;
	[tilespmem:$0x1B000] =	vst v63  }
0x46: {  	s29 =	simm.s32 @!p3 $0x1  }
0x47: {  	_ =	swait.ge @!p3 [sflag:s29], $0x2000  }
0x48: {  	[sflag:s29] =	ssyncset.done @!p3 $0x0  }
0x49: {  	[sflag:s29] =	ssyncadd.s32 @!p3 $0xFFFFE000  }
0x4a: {  	_ =	swait.ge @!p3 [sflag:s29], $0x2000  }
0x4b: {  	[sflag:s29] =	ssyncset.done @!p3 $0x0  }
0x4c: {  	[sflag:s29] =	ssyncadd.s32 @!p3 $0xFFFFE000;
	s29 =	sshra.s32 @!p3 s25, $0x2  }
0x4d: {  	s3 =	simm.s32 @!p3 $0x80;
	s17 =	simm.s32 @!p3 $0x9000;
	s0 =	sadd.s32 @!p3 $0x2900, s29  }
0x4e: {  	[spmem:s2] =	stream.indirect.scatter.add.f32 @!p3 [tilespmem:s17], [sflag:$0x2], $0x40, s0, s3, $0xb8;
	[tilespmem:$0x1B000] =	vst v63  }
0x4f: {  	s0 =	sadd.s32 @!p3 $0x2980, s29;
	s17 =	simm.s32 @!p3 $0xB000  }
0x50: {  	[spmem:s2] =	stream.indirect.scatter.add.f32 @!p3 [tilespmem:s17], [sflag:$0x2], $0x40, s0, s3, $0xb8;
	[tilespmem:$0x1B000] =	vst v63  }
0x51: {  	s0 =	simm.s32 @!p1 $0x2  }
0x52: {  	_ =	swait.ge @!p1 [sflag:s0], $0x2000  }
0x53: {  	[sflag:s0] =	ssyncset.done @!p1 $0x0  }
0x54: {  	[sflag:s0] =	ssyncadd.s32 @!p1 $0xFFFFE000  }
0x55: {  	s29 =	sadd.s32 $0xFFFFFFFF, s24;
	_ =	swait.ge @!p1 [sflag:s0], $0x2000  }
0x56: {  	p3 =	sge.u32 s29, s5;
	[sflag:s0] =	ssyncset.done @!p1 $0x0  }
0x57: {  	[sflag:s0] =	ssyncadd.s32 @!p1 $0xFFFFE000;
	s0 =	sshra.s32 @!p3 s25, $0x2  }
0x58: {  	s17 =	simm.s32 @!p3 $0x80;
	s29 =	simm.s32 @!p3 $0x5000;
	s3 =	sadd.s32 @!p3 $0x300, s0  }
0x59: {  	[tilespmem:s29], [sflag:$0x1] =	stream.indirect.gather @!p3 [hbm4b:s4+s17], $0x40, s3, s17, $0xb8;
	[tilespmem:$0x1B000] =	vst v63  }
0x5a: {  	s0 =	sadd.s32 @!p3 $0x380, s0;
	s3 =	simm.s32 @!p3 $0x7000  }
0x5b: {  	[tilespmem:s3], [sflag:$0x1] =	stream.indirect.gather @!p3 [hbm4b:s4+s17], $0x40, s0, s17, $0xb8;
	[tilespmem:$0x1B000] =	vst v63  }
0x5c: {  	s0 =	simm.s32 @!p2 $0x1  }
0x5d: {  	_ =	swait.ge @!p2 [sflag:s0], $0x2000  }
0x5e: {  	[sflag:s0] =	ssyncset.done @!p2 $0x0  }
0x5f: {  	[sflag:s0] =	ssyncadd.s32 @!p2 $0xFFFFE000  }
0x60: {  	_ =	swait.ge @!p2 [sflag:s0], $0x2000  }
0x61: {  	[sflag:s0] =	ssyncset.done @!p2 $0x0  }
0x62: {  	[sflag:s0] =	ssyncadd.s32 @!p2 $0xFFFFE000;
	s0 =	sadd.s32 @!p2 $0x2A00, s26  }
0x63: {  	[spmem:s2] =	stream.indirect.scatter.add.f32 @!p2 [tilespmem:s31], [sflag:$0x2], $0x40, s0, s30, $0xb8;
	[tilespmem:$0x1B000] =	vst v63  }
0x64: {  	p1 =	sgt.u32 s28, s5;
	s0 =	sadd.s32 @!p2 $0x2A80, s26  }
0x65: {  	[spmem:s2] =	stream.indirect.scatter.add.f32 @!p2 [tilespmem:s1], [sflag:$0x2], $0x40, s0, s30, $0xb8;
	[tilespmem:$0x1B000] =	vst v63  }
0x66: {  	s0 =	simm.s32 @!p1 $0x2  }
0x67: {  	_ =	swait.ge @!p1 [sflag:s0], $0x2000  }
0x68: {  	[sflag:s0] =	ssyncset.done @!p1 $0x0  }
0x69: {  	[sflag:s0] =	ssyncadd.s32 @!p1 $0xFFFFE000  }
0x6a: {  	_ =	swait.ge @!p1 [sflag:s0], $0x2000  }
0x6b: {  	p2 =	sge.u32 s24, s5;
	[sflag:s0] =	ssyncset.done @!p1 $0x0;
	s31 =	rddreg [dreg:$0x3]  }
0x6c: {  	[sflag:s0] =	ssyncadd.s32 @!p1 $0xFFFFE000;
	s0 =	sshra.s32 @!p2 s25, $0x2;
	s25 =	sadd.s32 $0xC00, s25  }
0x6d: {  	p1 =	sne.s32 s31, s25  }
.Ltmp0:
0x6e: {  	_ = 	snop;
	(pc) =	sbr.rel @p1 .LBB2_2-.Ltmp0, $4  }
0x6f: {  	s3 =	simm.s32 @!p2 $0x80;
	s17 =	simm.s32 @!p2 $0x9000;
	s1 =	sadd.s32 @!p2 $0x400, s0  }
0x70: {  	[tilespmem:s17], [sflag:$0x1] =	stream.indirect.gather @!p2 [hbm4b:s4+s3], $0x40, s1, s3, $0xb8;
	[tilespmem:$0x1B000] =	vst v63  }
0x71: {  	s24 =	sadd.s32 $0x3, s24;
	s0 =	sadd.s32 @!p2 $0x480, s0;
	s1 =	simm.s32 @!p2 $0xB000  }
0x72: {  	[tilespmem:s1], [sflag:$0x1] =	stream.indirect.gather @!p2 [hbm4b:s4+s3], $0x40, s0, s3, $0xb8;
	[tilespmem:$0x1B000] =	vst v63  }
0x73: {  	s23 =	sadd.s32 $0x1, s23  }
0x74: {  	p1 =	sne.s32 s23, s13  }
.Ltmp1:
0x75: {  	[bflag:$0x0] =	sbarrier.arrive $0xFFFF;
	(pc) =	sbr.rel @p1 .LBB2_1-.Ltmp1, $4  }
0x76: {  	[hbm:s12], [sflag:s7] =	dma.local [spmem:s14], $0x1400  }
0x77: {  	_ =	swait.ge [sflag:s15], $0x1400  }
0x78: {  	[sflag:s15] =	ssyncset.done $0x0  }
0x79: {  	[sflag:s15] =	ssyncadd.s32 $0xFFFFEC00  }
0x7a: {  	_ =	sfence.sel $0x180000  }
0x7b: {  	[bflag:$0x0] =	sbarrier.arrive $0xFFFF  }
0x7c: {  	_ =	strace $0x9000004A  }
0x7d: {  	s0 =	stileid.u32;
	[bflag:$0x2] =	sbarrier.arrive $0xFFFF  }
0x7e: {  	p0 =	sne.s32 s0, $0x0;
	s0 =	rddreg [dreg:$0x2]  }
0x7f: {  	s0 =	sadd.s32 @!p0 $0x100000, s0  }
0x80: {  	[sflag:s0] =	ssyncadd.tile.s32 @!p0 $0x1;
	_ =	shalt  }
.Lfunc_end2:
_tile_overlayer_lowered:
.L_overlay_start_2:
0x81: {  	(tag) =	ssettag $0x2  }
0x82: {  	s0 =	rddreg [dreg:$0x0];
	s2 =	stileid.u32  }
0x83: {  	s1 =	rddreg [dreg:$0x1];
	p0 =	sne.s32 s2, $0x0  }
0x84: {  	s3 =	rddreg [dreg:$0x2];
	[bflag:$0x3] =	sbarrier.arrive $0xFFFF;
	s2 =	simm.s32 @!p0 $0x1C03  }
0x85: {  	[timem:s3], [sflag:s2] =	dma.local @!p0 [hbm:s0], s1  }
0x86: {  	s0 =	simm.s32 @!p0 $0x3  }
0x87: {  	_ =	swait.ge @!p0 [sflag:s0], s1  }
0x88: {  	s1 =	ssub.s32 @!p0 $0x0, s1;
	[sflag:s0] =	ssyncset.done @!p0 $0x0  }
0x89: {  	[sflag:s0] =	ssyncadd.s32 @!p0 s1  }
0x8a: {  	[bflag:$0x3] =	sbarrier.arrive $0xFFFF  }
0x8b: {  	_ =	shalt  }

// kernel: kernel.15.cloned.1.call-start
scs
__scs_entry_jumppad:
0x0: {  	(pc) =	sbr.rel $0x88, $3  }
0x1: {  	(tag) =	ssettag $0x0;
	lr =	simm.s32 $0x1  }
0x2: {  	[smem:$0x3F94] =	sst lr;
	_ =	strace $0xD0000000  }
0x3: {  	_ = 	snop  }
0x4: {  	_ = 	snop  }
0x5: {  	_ = 	snop  }
0x6: {  	_ = 	snop  }
0x7: {  	_ = 	snop  }
__scs_overlays_trampoline_lowered:
0x8: {  	[smem:$0x3FA3] =	sst s0  }
0x9: {  	[smem:$0x3FA4] =	sst s1  }
0xa: {  	[smem:$0x3FA5] =	sst s2  }
0xb: {  	[smem:$0x3FA6] =	sst s3  }
0xc: {  	[smem:$0x3FA7] =	sst s4  }
0xd: {  	[smem:$0x3FA8] =	sst s5  }
0xe: {  	[smem:$0x3FA9] =	sst s6  }
0xf: {  	[smem:$0x3FAA] =	sst s7  }
0x10: {  	[smem:$0x3FAB] =	sst s8  }
0x11: {  	[smem:$0x3FAC] =	sst s9;
	s0 =	simm.s32 @!p0 $0x0  }
0x12: {  	s1 =	sld [smem:$0x3F92];
	s0 =	simm.s32 @p0 $0x1  }
0x13: {  	[smem:$0x3FAD] =	sst s0;
	s0 =	simm.s32 @!p1 $0x0  }
0x14: {  	s2 =	sld [smem:$0x3F91];
	s0 =	simm.s32 @p1 $0x1  }
0x15: {  	[smem:$0x3FAE] =	sst s0;
	s0 =	simm.s32 @!p2 $0x0  }
0x16: {  	s3 =	sld [smem:$0x3FDB];
	s0 =	simm.s32 @p2 $0x1  }
0x17: {  	s4 =	simm.s32 $0x1BF5;
	[smem:$0x3FB0] =	sst s0  }
0x18: {  	s0 =	sld [smem:$0x3F93];
	_ =	swait.ge [sflag:s4], $0x0  }
0x19: {  	s7 =	sld [smem:$0x3F94]  }
0x1a: {  	s8 =	sadd.s32 $0xFFFFE003, lr  }
0x1b: {  	s9 =	sadd.s32 $0xFFFFFEF7, lr;
	s5 =	simm.s32 $0xFFFFFFFF;
	p2 =	slt.u32 s8, $0xFFFFF086  }
0x1c: {  	p1 =	slt.u32 s9, $0xF7A;
	s5 =	simm.s32 @!p2 $0x0  }
0x1d: {  	s5 =	simm.s32 @p1 $0x1;
	p0 =	seq.s32 s7, s2  }
0x1e: {  	s7 =	smul.u32 @!p0 $0xF7A, s2;
	p2 =	seq.s32 @!p0 s5, $0x0  }
0x1f: {  	s9 =	smul.u32 $0xF7A, s1;
	s8 =	simm.s32 @!p0 $0x1BF5;
	p2 =	por !p2, p0  }
0x20: {  	[sflag:s8] =	ssyncset.s32 @!p0 $0xFFFFF086;
	s6 =	sadd.s32 @!p0 s3, s7;
	s7 =	simm.s32 @!p0 $0x108  }
0x21: {  	s3 =	sadd.s32 s3, s9;
	s6 =	sadd.s32 @!p0 $0x88, s6;
	s7 =	simm.s32 @p2 $0x1082  }
0x22: {  	[simem:s7], [sflag:s8] =	dma.local @!p0 [hbm:s6], $0xF7A  }
0x23: {  	s9 =	sor.u32 $0xD0000000, s2;
	s6 =	simm.s32 $0x108;
	_ =	swait.ge @!p0 [sflag:s8], $0x0  }
0x24: {  	s3 =	sadd.s32 $0x88, s3;
	s6 =	simm.s32 @!p1 $0x1082;
	[sflag:s4] =	ssyncset.s32 $0xFFFFF086  }
0x25: {  	[simem:s6], [sflag:s4] =	dma.local [hbm:s3], $0xF7A  }
0x26: {  	[smem:$0x3F94] =	sst s1;
	(tag) =	ssettag s2;
	_ =	strace s9  }
0x27: {  	s1 =	sld [smem:$0x3FA4]  }
0x28: {  	s2 =	sld [smem:$0x3FA5]  }
0x29: {  	s4 =	sld [smem:$0x3FA7]  }
0x2a: {  	p0 =	seq.s32 s5, $0x0;
	s5 =	sld [smem:$0x3FA8]  }
0x2b: {  	s6 =	sld [smem:$0x3FA9]  }
0x2c: {  	s7 =	sld [smem:$0x3FAA]  }
0x2d: {  	s3 =	simm.s32 $0x108;
	s8 =	sld [smem:$0x3FAB]  }
0x2e: {  	s3 =	simm.s32 @!p0 $0x1082;
	s9 =	sld [smem:$0x3FAC]  }
0x2f: {  	lr =	sadd.s32 s0, s3;
	s0 =	sld [smem:$0x3FA3]  }
0x30: {  	s3 =	sld [smem:$0x3FA6]  }
0x31: {  	[smem:$0x3FAF] =	sst s10  }
0x32: {  	s10 =	sld [smem:$0x3FAD];
	_ =	sdelay $0x3  }
0x33: {  	p0 =	seq.s32 s10, $0x1;
	s10 =	sld [smem:$0x3FAF];
	_ =	sdelay $0x3  }
0x34: {  	[smem:$0x3FAF] =	sst s10  }
0x35: {  	s10 =	sld [smem:$0x3FAE];
	_ =	sdelay $0x3  }
0x36: {  	p1 =	seq.s32 s10, $0x1;
	s10 =	sld [smem:$0x3FAF];
	_ =	sdelay $0x3  }
0x37: {  	[smem:$0x3FAF] =	sst s10  }
0x38: {  	s10 =	sld [smem:$0x3FB0]  }
0x39: {  	_ = 	snop;
	(pc) =	sbr.ind lr, $3  }
0x3a: {  	_ = 	snop  }
0x3b: {  	_ = 	snop  }
0x3c: {  	p2 =	seq.s32 s10, $0x1;
	s10 =	sld [smem:$0x3FAF]  }
0x3d: {  	_ =	shalt  }
0x3e: {  	_ =	shalt  }
0x3f: {  	_ =	shalt  }
0x40: {  	_ =	shalt  }
0x41: {  	_ =	shalt  }
0x42: {  	_ =	shalt  }
0x43: {  	_ =	shalt  }
0x44: {  	_ =	shalt  }
0x45: {  	_ =	shalt  }
0x46: {  	_ =	shalt  }
0x47: {  	_ =	shalt  }
0x48: {  	_ =	shalt  }
0x49: {  	_ =	shalt  }
0x4a: {  	_ =	shalt  }
0x4b: {  	_ =	shalt  }
0x4c: {  	_ =	shalt  }
0x4d: {  	_ =	shalt  }
0x4e: {  	_ =	shalt  }
0x4f: {  	_ =	shalt  }
0x50: {  	_ =	shalt  }
0x51: {  	_ =	shalt  }
0x52: {  	_ =	shalt  }
0x53: {  	_ =	shalt  }
0x54: {  	_ =	shalt  }
0x55: {  	_ =	shalt  }
0x56: {  	_ =	shalt  }
0x57: {  	_ =	shalt  }
0x58: {  	_ =	shalt  }
0x59: {  	_ =	shalt  }
0x5a: {  	_ =	shalt  }
0x5b: {  	_ =	shalt  }
0x5c: {  	_ =	shalt  }
0x5d: {  	_ =	shalt  }
0x5e: {  	_ =	shalt  }
0x5f: {  	_ =	shalt  }
0x60: {  	_ =	shalt  }
0x61: {  	_ =	shalt  }
0x62: {  	_ =	shalt  }
0x63: {  	_ =	shalt  }
0x64: {  	_ =	shalt  }
0x65: {  	_ =	shalt  }
0x66: {  	_ =	shalt  }
0x67: {  	_ =	shalt  }
0x68: {  	_ =	shalt  }
0x69: {  	_ =	shalt  }
0x6a: {  	_ =	shalt  }
0x6b: {  	_ =	shalt  }
0x6c: {  	_ =	shalt  }
0x6d: {  	_ =	shalt  }
0x6e: {  	_ =	shalt  }
0x6f: {  	_ =	shalt  }
0x70: {  	_ =	shalt  }
0x71: {  	_ =	shalt  }
0x72: {  	_ =	shalt  }
0x73: {  	_ =	shalt  }
0x74: {  	_ =	shalt  }
0x75: {  	_ =	shalt  }
0x76: {  	_ =	shalt  }
0x77: {  	_ =	shalt  }
0x78: {  	_ =	shalt  }
0x79: {  	_ =	shalt  }
0x7a: {  	_ =	shalt  }
0x7b: {  	_ =	shalt  }
0x7c: {  	_ =	shalt  }
0x7d: {  	_ =	shalt  }
0x7e: {  	_ =	shalt  }
0x7f: {  	_ =	shalt  }
0x80: {  	_ =	shalt  }
0x81: {  	_ =	shalt  }
0x82: {  	_ =	shalt  }
0x83: {  	_ =	shalt  }
0x84: {  	_ =	shalt  }
0x85: {  	_ =	shalt  }
0x86: {  	_ =	shalt  }
0x87: {  	_ =	shalt  }
.Lfunc_end0:
.L_simem_size_0:
called_computation.2_lowered:
.L_overlay_start_0:
0x88: {  	s2 =	sld [smem:$0x3FD9]  }
0x89: {  	s3 =	sld [smem:$0x3FFE];
	_ =	sdelay $0x1  }
0x8a: {  	s1 =	srdreg.scid  }
0x8b: {  	s0 =	sand.u32 $0x1, s1  }
0x8c: {  	s16 =	sshll.u32 s0, $0xA;
	s2 =	sadd.s32 s3, s2  }
0x8d: {  	s2 =	sadd.s32 s2, s16  }
0x8e: {  	[smem:$0x3FBB] =	sst s2  }
0x8f: {  	_ = 	snop  }
0x90: {  	(tm) =	ssettm $0x1  }
0x91: {  	s17 =	sld [smem:$0x3FFB];
	_ =	sdelay $0x3  }
0x92: {  	_ =	strace s17  }
0x93: {  	s2 =	sld [smem:$0x3FFC];
	_ =	sdelay $0x3  }
0x94: {  	_ =	strace s2  }
0x95: {  	s2 =	sld [smem:$0x3FFD];
	_ =	sdelay $0x3  }
0x96: {  	_ =	strace s2  }
0x97: {  	_ =	strace $0x8FFFFFFF  }
0x98: {  	s18 =	sld [smem:$0x3FDB];
	_ =	sdelay $0x1  }
0x99: {  	s19 =	simm.s32 $_scs_section_size  }
0x9a: {  	s4 =	simm.s32 $_size__tile_overlayer_lowered;
	s5 =	simm.s32 $_tile_overlayer_lowered  }
0x9b: {  	s22 =	simm.s32 $0x1BFF;
	s21 =	sshll.u32 s5, $0x1;
	s2 =	sadd.s32 s19, s18  }
0x9c: {  	s6 =	simm.s32 $0x0;
	s20 =	sshll.u32 s4, $0x1;
	s4 =	sadd.s32 s21, s2  }
0x9d: {  	[timem:s6], [sflag:s22] =	dma.local [hbm:s4], s20  }
0x9e: {  	_ =	swait.ge [sflag:s22], s20  }
0x9f: {  	s3 =	ssub.s32 $0x0, s20;
	[sflag:s22] =	ssyncset.done $0x0  }
0xa0: {  	[sflag:s22] =	ssyncadd.s32 s3;
	_ =	sdelay $0x1  }
0xa1: {  	s23 =	simm.s32 $0x1B8B  }
0xa2: {  	_ =	swait.ge [sflag:s23], $0x1  }
0xa3: {  	[sflag:s23] =	ssyncset.done $0x0  }
0xa4: {  	s25 =	simm.s32 $0x1B8E;
	s24 =	sld [smem:$0x3FFE];
	[sflag:s23] =	ssyncadd.s32 $0xFFFFFFFF  }
0xa5: {  	s26 =	simm.s32 $execute0_lowered;
	[smem:$0x3FD2] =	sst s25  }
0xa6: {  	s4 =	sshll.u32 s26, $0x1;
	_ =	strace $0x8000004C;
	[dreg:$0x1] =	wrdreg $0xFFFFFFFF  }
0xa7: {  	s28 =	simm.s32 $_size_execute0_lowered;
	s2 =	sadd.s32 s2, s4;
	[dreg:$0x0] =	wrdreg $0x0  }
0xa8: {  	s4 =	sshll.u32 s28, $0x1;
	[dreg:$0x2] =	wrdreg s2  }
0xa9: {  	[dreg:$0x3] =	wrdreg s4  }
0xaa: {  	[dreg:$0x4] =	wrdreg $0xC0  }
0xab: {  	_ =	task [dreg:s6], $0x5FFFF  }
0xac: {  	[dreg:$0x1] =	wrdreg $0xFFFFFFFF  }
0xad: {  	[dreg:$0x0] =	wrdreg $0x60  }
0xae: {  	[dreg:$0x2] =	wrdreg s24  }
0xaf: {  	[dreg:$0x3] =	wrdreg $0xB0000  }
0xb0: {  	[dreg:$0x4] =	wrdreg $0x9  }
0xb1: {  	_ =	task.clear_ibuf [dreg:s6], $0x5FFFF;
	_ =	strace $0x9000004C  }
0xb2: {  	s29 =	simm.s32 $0x9;
	_ =	strace $0x8000004E  }
0xb3: {  	_ =	swait.ge [sflag:s29], $0x1  }
0xb4: {  	[sflag:s29] =	ssyncadd.s32 $0xFFFFFFFF  }
0xb5: {  	_ =	strace $0x9000004E  }
0xb6: {  	_ =	sfence  }
0xb7: {  	s30 =	sld [smem:$0x0];
	_ =	sdelay $0x2  }
0xb8: {  	s31 =	sshll.u32 s1, $0xD;
	s1 =	sshrl.u32 s1, $0x2  }
0xb9: {  	s3 =	sand.u32 $0x4000, s31;
	s1 =	sadd.s32 s1, s30  }
0xba: {  	s0 =	sor.u32 s3, s0;
	s1 =	sshll.u32 s1, $0x11  }
0xbb: {  	s0 =	sor.u32 s1, s0  }
0xbc: {  	s0 =	sadd.s32 $0x8F2B, s0  }
0xbd: {  	[sflag:s0] =	ssyncadd.remote.s32 $0x1  }
0xbe: {  	_ =	sfence.sel $0xFFFF  }
0xbf: {  	[dreg:$0x0] =	wrdreg $0xFFFFFFFF;
	(pc) =	sbr.abs _section_cstart, $3  }
0xc0: {  	[dreg:$0x1] =	wrdreg $0xFFFFFFFF  }
0xc1: {  	_ =	task.clear_ibuf [dreg:s6], $0x2FFFF;
	_ =	strace $0x9FFFFFFF  }
0xc2: {  	(tm) =	ssettm $0x7FFFFFFF  }
0xc3: {  	_ =	shalt  }
tec
execute0_lowered:
.L_overlay_start_1:
0x0: {  	(tag) =	ssettag $0x1  }
0x1: {  	s0 =	srdreg.scid  }
0x2: {  	s11 =	rddreg [dreg:$0x0];
	s24 =	stileid.u32  }
0x3: {  	s2 =	rddreg [dreg:$0x1];
	s25 =	simm.s32 $0x0;
	s18 =	simm.s32 $0x6000  }
0x4: {  	s19 =	simm.s32 $0x100;
	s20 =	simm.s32 $0x7000;
	s21 =	simm.s32 $0x180  }
0x5: {  	s22 =	simm.s32 $0x8000;
	s23 =	simm.s32 $0x0;
	s8 =	smul.u32 $0x5000, s24  }
0x6: {  	s6 =	sand.u32 $0x1, s0;
	[smem:$0x7FF] =	sst s25;
	s26 =	smul.u32 $0xA00, s24  }
0x7: {  	s29 =	sshll.u32 s24, $0x6;
	s1 =	sshll.u32 s6, $0x4;
	_ =	strace $0x8000004D  }
0x8: {  	s10 =	smul.u32 $0xA000, s6;
	s6 =	ssub.s32 $0x2, s6;
	s5 =	sor.u32 s24, s1  }
0x9: {  	s12 =	sshrl.u32 s8, $0x3;
	s28 =	sshrl.u32 s6, $0x1;
	s16 =	sadd.s32 s8, s2  }
0xa: {  	s4 =	smul.u32 $0x2800, s5;
	p0 =	seq.s32 s5, $0x1F;
	s5 =	simm.s32 $0xA  }
0xb: {  	s12 =	sadd.s32 s12, s11;
	s15 =	ssub.s32 s6, s28;
	s5 =	simm.s32 @!p0 $0x28  }
0xc: {  	s6 =	sadd.s32 $0x20600, s12;
	s7 =	sshrl.u32 s4, $0x3;
	s13 =	smul.u32 $0x56, s5  }
0xd: {  	s4 =	sadd.s32 $0x16800, s11;
	s9 =	sadd.s32 s7, s11;
	s7 =	sadd.s32 s26, s10  }
0xe: {  	s10 =	sadd.s32 $0xC900, s11;
	s14 =	sadd.s32 s7, s11;
	s30 =	sadd.s32 $0x102, s13  }
0xf: {  	s7 =	sor.u32 $0x1C03, s29;
	s8 =	sadd.s32 $0x2E00, s9;
	s31 =	sshrl.u32 s30, $0x8  }
0x10: {  	s9 =	sadd.s32 $0xCA40, s9;
	s11 =	sadd.s32 $0x16540, s11;
	s17 =	smul.u32 $0xC00, s31  }
0x11: {  	s13 =	smax.u32 s15, $0x1;
	s15 =	simm.s32 $0x3;
	s12 =	sadd.s32 $0x2A600, s14  }
0x12: {  	s14 =	sshrl.u32 s16, $0x3;
	s16 =	simm.s32 $0x80;
	[dreg:$0x3] =	wrdreg s17  }
.LBB2_1:
0x13: {  	[spmem:s14], [sflag:s7] =	dma.local [hbm:s6], $0xA00  }
0x14: {  	_ =	swait.ge [sflag:s15], $0xA00  }
0x15: {  	[sflag:s15] =	ssyncset.done $0x0  }
0x16: {  	[sflag:s15] =	ssyncadd.s32 $0xFFFFF600  }
0x17: {  	s24 =	simm.s32 @p0 $0x0;
	s25 =	simm.s32 @p0 $0x3;
	[bflag:$0x0] =	sbarrier.arrive $0xFFFF  }
0x18: {  	[tilespmem:s24], [sflag:$0x3] =	stream.linear.gather @p0 [hbm4b:s10+s24], $0xA00, $0x38;
	[tilespmem:$0x10000] =	vst v63  }
0x19: {  	_ =	swait.ge @p0 [sflag:s25], $0xA00  }
0x1a: {  	[sflag:s25] =	ssyncset.done @p0 $0x0  }
0x1b: {  	s26 =	simm.s32 @p0 $0x2800;
	[sflag:s25] =	ssyncadd.s32 @p0 $0xFFFFF600  }
0x1c: {  	[tilespmem:s26], [sflag:$0x3] =	stream.linear.gather @p0 [hbm4b:s11+s24], $0xA00, $0x38;
	[tilespmem:$0x10000] =	vst v63  }
0x1d: {  	_ =	swait.ge @p0 [sflag:s25], $0xA00  }
0x1e: {  	[sflag:s25] =	ssyncset.done @p0 $0x0  }
0x1f: {  	s24 =	simm.s32 @!p0 $0x0;
	[sflag:s25] =	ssyncadd.s32 @p0 $0xFFFFF600;
	s25 =	simm.s32 @!p0 $0x3  }
0x20: {  	[tilespmem:s24], [sflag:$0x3] =	stream.linear.gather @!p0 [hbm4b:s8+s24], $0x2800, $0x38;
	[tilespmem:$0x10000] =	vst v63  }
0x21: {  	_ =	swait.ge @!p0 [sflag:s25], $0x2800  }
0x22: {  	[sflag:s25] =	ssyncset.done @!p0 $0x0  }
0x23: {  	s26 =	simm.s32 @!p0 $0x2800;
	[sflag:s25] =	ssyncadd.s32 @!p0 $0xFFFFD800  }
0x24: {  	[tilespmem:s26], [sflag:$0x3] =	stream.linear.gather @!p0 [hbm4b:s9+s24], $0x2800, $0x38;
	[tilespmem:$0x10000] =	vst v63  }
0x25: {  	_ =	swait.ge @!p0 [sflag:s25], $0x2800  }
0x26: {  	[sflag:s25] =	ssyncset.done @!p0 $0x0  }
0x27: {  	s0 =	simm.s32 $0x0;
	s1 =	simm.s32 $0x5000;
	[sflag:s25] =	ssyncadd.s32 @!p0 $0xFFFFD800  }
0x28: {  	[tilespmem:s1], [sflag:$0x1] =	stream.indirect.gather [hbm4b:s4+s16], $0x20, s0, s16, $0xb8;
	[tilespmem:$0x10000] =	vst v63  }
0x29: {  	_ = 	snop  }
0x2a: {  	[tilespmem:s18], [sflag:$0x1] =	stream.indirect.gather [hbm4b:s4+s16], $0x20, s16, s16, $0xb8;
	[tilespmem:$0x10000] =	vst v63  }
0x2b: {  	_ = 	snop  }
0x2c: {  	[tilespmem:s20], [sflag:$0x1] =	stream.indirect.gather [hbm4b:s4+s16], $0x20, s19, s16, $0xb8;
	[tilespmem:$0x10000] =	vst v63  }
0x2d: {  	s24 =	simm.s32 $0x4;
	s25 =	simm.s32 $0x0  }
0x2e: {  	[tilespmem:s22], [sflag:$0x1] =	stream.indirect.gather [hbm4b:s4+s16], $0x20, s21, s16, $0xb8;
	[tilespmem:$0x10000] =	vst v63  }
.LBB2_2:
0x2f: {  	s26 =	sadd.s32 $0xFFFFFFFC, s24  }
0x30: {  	p1 =	sge.u32 s26, s5  }
0x31: {  	s28 =	simm.s32 @!p1 $0x1  }
0x32: {  	_ =	swait.ge @!p1 [sflag:s28], $0x1000  }
0x33: {  	[sflag:s28] =	ssyncset.done @!p1 $0x0  }
0x34: {  	[sflag:s28] =	ssyncadd.s32 @!p1 $0xFFFFF000  }
0x35: {  	p2 =	seq.s32 s25, $0x0;
	_ =	swait.ge @!p1 [sflag:s28], $0x1000  }
0x36: {  	p3 =	sgt.u32 @!p2 s26, s5;
	[sflag:s28] =	ssyncset.done @!p1 $0x0  }
0x37: {  	s30 =	simm.s32 @!p1 $0x80;
	[sflag:s28] =	ssyncadd.s32 @!p1 $0xFFFFF000;
	s28 =	sshra.s32 @!p1 s25, $0x2  }
0x38: {  	s31 =	simm.s32 @!p1 $0x5000;
	p3 =	por p3, p2;
	s29 =	sadd.s32 @!p1 $0x2800, s28  }
0x39: {  	[spmem:s2] =	stream.indirect.scatter.add.f32 @!p1 [tilespmem:s31], [sflag:$0x2], $0x20, s29, s30, $0xb8;
	[tilespmem:$0x10000] =	vst v63  }
0x3a: {  	s26 =	simm.s32 @!p3 $0x2;
	s28 =	sadd.s32 @!p1 $0x2880, s28;
	s29 =	simm.s32 @!p1 $0x6000  }
0x3b: {  	[spmem:s2] =	stream.indirect.scatter.add.f32 @!p1 [tilespmem:s29], [sflag:$0x2], $0x20, s28, s30, $0xb8;
	[tilespmem:$0x10000] =	vst v63  }
0x3c: {  	_ =	swait.ge @!p3 [sflag:s26], $0x1000  }
0x3d: {  	[sflag:s26] =	ssyncset.done @!p3 $0x0  }
0x3e: {  	[sflag:s26] =	ssyncadd.s32 @!p3 $0xFFFFF000  }
0x3f: {  	s28 =	sadd.s32 $0xFFFFFFFE, s24;
	_ =	swait.ge @!p3 [sflag:s26], $0x1000  }
0x40: {  	p2 =	sge.u32 s28, s5;
	[sflag:s26] =	ssyncset.done @!p3 $0x0  }
0x41: {  	s17 =	sadd.s32 $0xFFFFFFFD, s24;
	[sflag:s26] =	ssyncadd.s32 @!p3 $0xFFFFF000;
	s26 =	sshra.s32 @!p2 s25, $0x2  }
0x42: {  	s30 =	simm.s32 @!p2 $0x80;
	s31 =	simm.s32 @!p2 $0x9000;
	s29 =	sadd.s32 @!p2 $0x200, s26  }
0x43: {  	[tilespmem:s31], [sflag:$0x1] =	stream.indirect.gather @!p2 [hbm4b:s4+s30], $0x20, s29, s30, $0xb8;
	[tilespmem:$0x10000] =	vst v63  }
0x44: {  	s1 =	simm.s32 @!p2 $0xA000;
	p3 =	sge.u32 s17, s5;
	s29 =	sadd.s32 @!p2 $0x280, s26  }
0x45: {  	[tilespmem:s1], [sflag:$0x1] =	stream.indirect.gather @!p2 [hbm4b:s4+s30], $0x20, s29, s30, $0xb8;
	[tilespmem:$0x10000] =	vst v63  }
0x46: {  	s29 =	simm.s32 @!p3 $0x1  }
0x47: {  	_ =	swait.ge @!p3 [sflag:s29], $0x1000  }
0x48: {  	[sflag:s29] =	ssyncset.done @!p3 $0x0  }
0x49: {  	[sflag:s29] =	ssyncadd.s32 @!p3 $0xFFFFF000  }
0x4a: {  	_ =	swait.ge @!p3 [sflag:s29], $0x1000  }
0x4b: {  	[sflag:s29] =	ssyncset.done @!p3 $0x0  }
0x4c: {  	[sflag:s29] =	ssyncadd.s32 @!p3 $0xFFFFF000;
	s29 =	sshra.s32 @!p3 s25, $0x2  }
0x4d: {  	s3 =	simm.s32 @!p3 $0x80;
	s17 =	simm.s32 @!p3 $0x7000;
	s0 =	sadd.s32 @!p3 $0x2900, s29  }
0x4e: {  	[spmem:s2] =	stream.indirect.scatter.add.f32 @!p3 [tilespmem:s17], [sflag:$0x2], $0x20, s0, s3, $0xb8;
	[tilespmem:$0x10000] =	vst v63  }
0x4f: {  	s0 =	sadd.s32 @!p3 $0x2980, s29;
	s17 =	simm.s32 @!p3 $0x8000  }
0x50: {  	[spmem:s2] =	stream.indirect.scatter.add.f32 @!p3 [tilespmem:s17], [sflag:$0x2], $0x20, s0, s3, $0xb8;
	[tilespmem:$0x10000] =	vst v63  }
0x51: {  	s0 =	simm.s32 @!p1 $0x2  }
0x52: {  	_ =	swait.ge @!p1 [sflag:s0], $0x1000  }
0x53: {  	[sflag:s0] =	ssyncset.done @!p1 $0x0  }
0x54: {  	[sflag:s0] =	ssyncadd.s32 @!p1 $0xFFFFF000  }
0x55: {  	s29 =	sadd.s32 $0xFFFFFFFF, s24;
	_ =	swait.ge @!p1 [sflag:s0], $0x1000  }
0x56: {  	p3 =	sge.u32 s29, s5;
	[sflag:s0] =	ssyncset.done @!p1 $0x0  }
0x57: {  	[sflag:s0] =	ssyncadd.s32 @!p1 $0xFFFFF000;
	s0 =	sshra.s32 @!p3 s25, $0x2  }
0x58: {  	s17 =	simm.s32 @!p3 $0x80;
	s29 =	simm.s32 @!p3 $0x5000;
	s3 =	sadd.s32 @!p3 $0x300, s0  }
0x59: {  	[tilespmem:s29], [sflag:$0x1] =	stream.indirect.gather @!p3 [hbm4b:s4+s17], $0x20, s3, s17, $0xb8;
	[tilespmem:$0x10000] =	vst v63  }
0x5a: {  	s0 =	sadd.s32 @!p3 $0x380, s0;
	s3 =	simm.s32 @!p3 $0x6000  }
0x5b: {  	[tilespmem:s3], [sflag:$0x1] =	stream.indirect.gather @!p3 [hbm4b:s4+s17], $0x20, s0, s17, $0xb8;
	[tilespmem:$0x10000] =	vst v63  }
0x5c: {  	s0 =	simm.s32 @!p2 $0x1  }
0x5d: {  	_ =	swait.ge @!p2 [sflag:s0], $0x1000  }
0x5e: {  	[sflag:s0] =	ssyncset.done @!p2 $0x0  }
0x5f: {  	[sflag:s0] =	ssyncadd.s32 @!p2 $0xFFFFF000  }
0x60: {  	_ =	swait.ge @!p2 [sflag:s0], $0x1000  }
0x61: {  	[sflag:s0] =	ssyncset.done @!p2 $0x0  }
0x62: {  	[sflag:s0] =	ssyncadd.s32 @!p2 $0xFFFFF000;
	s0 =	sadd.s32 @!p2 $0x2A00, s26  }
0x63: {  	[spmem:s2] =	stream.indirect.scatter.add.f32 @!p2 [tilespmem:s31], [sflag:$0x2], $0x20, s0, s30, $0xb8;
	[tilespmem:$0x10000] =	vst v63  }
0x64: {  	p1 =	sgt.u32 s28, s5;
	s0 =	sadd.s32 @!p2 $0x2A80, s26  }
0x65: {  	[spmem:s2] =	stream.indirect.scatter.add.f32 @!p2 [tilespmem:s1], [sflag:$0x2], $0x20, s0, s30, $0xb8;
	[tilespmem:$0x10000] =	vst v63  }
0x66: {  	s0 =	simm.s32 @!p1 $0x2  }
0x67: {  	_ =	swait.ge @!p1 [sflag:s0], $0x1000  }
0x68: {  	[sflag:s0] =	ssyncset.done @!p1 $0x0  }
0x69: {  	[sflag:s0] =	ssyncadd.s32 @!p1 $0xFFFFF000  }
0x6a: {  	_ =	swait.ge @!p1 [sflag:s0], $0x1000  }
0x6b: {  	p2 =	sge.u32 s24, s5;
	[sflag:s0] =	ssyncset.done @!p1 $0x0;
	s31 =	rddreg [dreg:$0x3]  }
0x6c: {  	[sflag:s0] =	ssyncadd.s32 @!p1 $0xFFFFF000;
	s0 =	sshra.s32 @!p2 s25, $0x2;
	s25 =	sadd.s32 $0xC00, s25  }
0x6d: {  	p1 =	sne.s32 s31, s25  }
.Ltmp0:
0x6e: {  	_ = 	snop;
	(pc) =	sbr.rel @p1 .LBB2_2-.Ltmp0, $4  }
0x6f: {  	s3 =	simm.s32 @!p2 $0x80;
	s17 =	simm.s32 @!p2 $0x7000;
	s1 =	sadd.s32 @!p2 $0x400, s0  }
0x70: {  	[tilespmem:s17], [sflag:$0x1] =	stream.indirect.gather @!p2 [hbm4b:s4+s3], $0x20, s1, s3, $0xb8;
	[tilespmem:$0x10000] =	vst v63  }
0x71: {  	s24 =	sadd.s32 $0x3, s24;
	s0 =	sadd.s32 @!p2 $0x480, s0;
	s1 =	simm.s32 @!p2 $0x8000  }
0x72: {  	[tilespmem:s1], [sflag:$0x1] =	stream.indirect.gather @!p2 [hbm4b:s4+s3], $0x20, s0, s3, $0xb8;
	[tilespmem:$0x10000] =	vst v63  }
0x73: {  	s23 =	sadd.s32 $0x1, s23  }
0x74: {  	p1 =	sne.s32 s23, s13  }
.Ltmp1:
0x75: {  	[bflag:$0x0] =	sbarrier.arrive $0xFFFF;
	(pc) =	sbr.rel @p1 .LBB2_1-.Ltmp1, $4  }
0x76: {  	[hbm:s12], [sflag:s7] =	dma.local [spmem:s14], $0xA00  }
0x77: {  	_ =	swait.ge [sflag:s15], $0xA00  }
0x78: {  	[sflag:s15] =	ssyncset.done $0x0  }
0x79: {  	[sflag:s15] =	ssyncadd.s32 $0xFFFFF600  }
0x7a: {  	_ =	sfence.sel $0x180000  }
0x7b: {  	[bflag:$0x0] =	sbarrier.arrive $0xFFFF  }
0x7c: {  	_ =	strace $0x9000004D  }
0x7d: {  	s0 =	stileid.u32;
	[bflag:$0x2] =	sbarrier.arrive $0xFFFF  }
0x7e: {  	p0 =	sne.s32 s0, $0x0;
	s0 =	rddreg [dreg:$0x2]  }
0x7f: {  	s0 =	sadd.s32 @!p0 $0x100000, s0  }
0x80: {  	[sflag:s0] =	ssyncadd.tile.s32 @!p0 $0x1;
	_ =	shalt  }
.Lfunc_end2:
_tile_overlayer_lowered:
.L_overlay_start_2:
0x81: {  	(tag) =	ssettag $0x2  }
0x82: {  	s0 =	rddreg [dreg:$0x0];
	s2 =	stileid.u32  }
0x83: {  	s1 =	rddreg [dreg:$0x1];
	p0 =	sne.s32 s2, $0x0  }
0x84: {  	s3 =	rddreg [dreg:$0x2];
	[bflag:$0x3] =	sbarrier.arrive $0xFFFF;
	s2 =	simm.s32 @!p0 $0x1C03  }
0x85: {  	[timem:s3], [sflag:s2] =	dma.local @!p0 [hbm:s0], s1  }
0x86: {  	s0 =	simm.s32 @!p0 $0x3  }
0x87: {  	_ =	swait.ge @!p0 [sflag:s0], s1  }
0x88: {  	s1 =	ssub.s32 @!p0 $0x0, s1;
	[sflag:s0] =	ssyncset.done @!p0 $0x0  }
0x89: {  	[sflag:s0] =	ssyncadd.s32 @!p0 s1  }
0x8a: {  	[bflag:$0x3] =	sbarrier.arrive $0xFFFF  }
0x8b: {  	_ =	shalt  }

// kernel: kernel.9.cloned.1.call-start
scs
__scs_entry_jumppad:
0x0: {  	(pc) =	sbr.rel $0x88, $3  }
0x1: {  	(tag) =	ssettag $0x0;
	lr =	simm.s32 $0x1  }
0x2: {  	[smem:$0x3F94] =	sst lr;
	_ =	strace $0xD0000000  }
0x3: {  	_ = 	snop  }
0x4: {  	_ = 	snop  }
0x5: {  	_ = 	snop  }
0x6: {  	_ = 	snop  }
0x7: {  	_ = 	snop  }
__scs_overlays_trampoline_lowered:
0x8: {  	[smem:$0x3FA3] =	sst s0  }
0x9: {  	[smem:$0x3FA4] =	sst s1  }
0xa: {  	[smem:$0x3FA5] =	sst s2  }
0xb: {  	[smem:$0x3FA6] =	sst s3  }
0xc: {  	[smem:$0x3FA7] =	sst s4  }
0xd: {  	[smem:$0x3FA8] =	sst s5  }
0xe: {  	[smem:$0x3FA9] =	sst s6  }
0xf: {  	[smem:$0x3FAA] =	sst s7  }
0x10: {  	[smem:$0x3FAB] =	sst s8  }
0x11: {  	[smem:$0x3FAC] =	sst s9;
	s0 =	simm.s32 @!p0 $0x0  }
0x12: {  	s1 =	sld [smem:$0x3F92];
	s0 =	simm.s32 @p0 $0x1  }
0x13: {  	[smem:$0x3FAD] =	sst s0;
	s0 =	simm.s32 @!p1 $0x0  }
0x14: {  	s2 =	sld [smem:$0x3F91];
	s0 =	simm.s32 @p1 $0x1  }
0x15: {  	[smem:$0x3FAE] =	sst s0;
	s0 =	simm.s32 @!p2 $0x0  }
0x16: {  	s3 =	sld [smem:$0x3FDB];
	s0 =	simm.s32 @p2 $0x1  }
0x17: {  	s4 =	simm.s32 $0x1BF5;
	[smem:$0x3FB0] =	sst s0  }
0x18: {  	s0 =	sld [smem:$0x3F93];
	_ =	swait.ge [sflag:s4], $0x0  }
0x19: {  	s7 =	sld [smem:$0x3F94]  }
0x1a: {  	s8 =	sadd.s32 $0xFFFFE003, lr  }
0x1b: {  	s9 =	sadd.s32 $0xFFFFFEF7, lr;
	s5 =	simm.s32 $0xFFFFFFFF;
	p2 =	slt.u32 s8, $0xFFFFF086  }
0x1c: {  	p1 =	slt.u32 s9, $0xF7A;
	s5 =	simm.s32 @!p2 $0x0  }
0x1d: {  	s5 =	simm.s32 @p1 $0x1;
	p0 =	seq.s32 s7, s2  }
0x1e: {  	s7 =	smul.u32 @!p0 $0xF7A, s2;
	p2 =	seq.s32 @!p0 s5, $0x0  }
0x1f: {  	s9 =	smul.u32 $0xF7A, s1;
	s8 =	simm.s32 @!p0 $0x1BF5;
	p2 =	por !p2, p0  }
0x20: {  	[sflag:s8] =	ssyncset.s32 @!p0 $0xFFFFF086;
	s6 =	sadd.s32 @!p0 s3, s7;
	s7 =	simm.s32 @!p0 $0x108  }
0x21: {  	s3 =	sadd.s32 s3, s9;
	s6 =	sadd.s32 @!p0 $0x88, s6;
	s7 =	simm.s32 @p2 $0x1082  }
0x22: {  	[simem:s7], [sflag:s8] =	dma.local @!p0 [hbm:s6], $0xF7A  }
0x23: {  	s9 =	sor.u32 $0xD0000000, s2;
	s6 =	simm.s32 $0x108;
	_ =	swait.ge @!p0 [sflag:s8], $0x0  }
0x24: {  	s3 =	sadd.s32 $0x88, s3;
	s6 =	simm.s32 @!p1 $0x1082;
	[sflag:s4] =	ssyncset.s32 $0xFFFFF086  }
0x25: {  	[simem:s6], [sflag:s4] =	dma.local [hbm:s3], $0xF7A  }
0x26: {  	[smem:$0x3F94] =	sst s1;
	(tag) =	ssettag s2;
	_ =	strace s9  }
0x27: {  	s1 =	sld [smem:$0x3FA4]  }
0x28: {  	s2 =	sld [smem:$0x3FA5]  }
0x29: {  	s4 =	sld [smem:$0x3FA7]  }
0x2a: {  	p0 =	seq.s32 s5, $0x0;
	s5 =	sld [smem:$0x3FA8]  }
0x2b: {  	s6 =	sld [smem:$0x3FA9]  }
0x2c: {  	s7 =	sld [smem:$0x3FAA]  }
0x2d: {  	s3 =	simm.s32 $0x108;
	s8 =	sld [smem:$0x3FAB]  }
0x2e: {  	s3 =	simm.s32 @!p0 $0x1082;
	s9 =	sld [smem:$0x3FAC]  }
0x2f: {  	lr =	sadd.s32 s0, s3;
	s0 =	sld [smem:$0x3FA3]  }
0x30: {  	s3 =	sld [smem:$0x3FA6]  }
0x31: {  	[smem:$0x3FAF] =	sst s10  }
0x32: {  	s10 =	sld [smem:$0x3FAD];
	_ =	sdelay $0x3  }
0x33: {  	p0 =	seq.s32 s10, $0x1;
	s10 =	sld [smem:$0x3FAF];
	_ =	sdelay $0x3  }
0x34: {  	[smem:$0x3FAF] =	sst s10  }
0x35: {  	s10 =	sld [smem:$0x3FAE];
	_ =	sdelay $0x3  }
0x36: {  	p1 =	seq.s32 s10, $0x1;
	s10 =	sld [smem:$0x3FAF];
	_ =	sdelay $0x3  }
0x37: {  	[smem:$0x3FAF] =	sst s10  }
0x38: {  	s10 =	sld [smem:$0x3FB0]  }
0x39: {  	_ = 	snop;
	(pc) =	sbr.ind lr, $3  }
0x3a: {  	_ = 	snop  }
0x3b: {  	_ = 	snop  }
0x3c: {  	p2 =	seq.s32 s10, $0x1;
	s10 =	sld [smem:$0x3FAF]  }
0x3d: {  	_ =	shalt  }
0x3e: {  	_ =	shalt  }
0x3f: {  	_ =	shalt  }
0x40: {  	_ =	shalt  }
0x41: {  	_ =	shalt  }
0x42: {  	_ =	shalt  }
0x43: {  	_ =	shalt  }
0x44: {  	_ =	shalt  }
0x45: {  	_ =	shalt  }
0x46: {  	_ =	shalt  }
0x47: {  	_ =	shalt  }
0x48: {  	_ =	shalt  }
0x49: {  	_ =	shalt  }
0x4a: {  	_ =	shalt  }
0x4b: {  	_ =	shalt  }
0x4c: {  	_ =	shalt  }
0x4d: {  	_ =	shalt  }
0x4e: {  	_ =	shalt  }
0x4f: {  	_ =	shalt  }
0x50: {  	_ =	shalt  }
0x51: {  	_ =	shalt  }
0x52: {  	_ =	shalt  }
0x53: {  	_ =	shalt  }
0x54: {  	_ =	shalt  }
0x55: {  	_ =	shalt  }
0x56: {  	_ =	shalt  }
0x57: {  	_ =	shalt  }
0x58: {  	_ =	shalt  }
0x59: {  	_ =	shalt  }
0x5a: {  	_ =	shalt  }
0x5b: {  	_ =	shalt  }
0x5c: {  	_ =	shalt  }
0x5d: {  	_ =	shalt  }
0x5e: {  	_ =	shalt  }
0x5f: {  	_ =	shalt  }
0x60: {  	_ =	shalt  }
0x61: {  	_ =	shalt  }
0x62: {  	_ =	shalt  }
0x63: {  	_ =	shalt  }
0x64: {  	_ =	shalt  }
0x65: {  	_ =	shalt  }
0x66: {  	_ =	shalt  }
0x67: {  	_ =	shalt  }
0x68: {  	_ =	shalt  }
0x69: {  	_ =	shalt  }
0x6a: {  	_ =	shalt  }
0x6b: {  	_ =	shalt  }
0x6c: {  	_ =	shalt  }
0x6d: {  	_ =	shalt  }
0x6e: {  	_ =	shalt  }
0x6f: {  	_ =	shalt  }
0x70: {  	_ =	shalt  }
0x71: {  	_ =	shalt  }
0x72: {  	_ =	shalt  }
0x73: {  	_ =	shalt  }
0x74: {  	_ =	shalt  }
0x75: {  	_ =	shalt  }
0x76: {  	_ =	shalt  }
0x77: {  	_ =	shalt  }
0x78: {  	_ =	shalt  }
0x79: {  	_ =	shalt  }
0x7a: {  	_ =	shalt  }
0x7b: {  	_ =	shalt  }
0x7c: {  	_ =	shalt  }
0x7d: {  	_ =	shalt  }
0x7e: {  	_ =	shalt  }
0x7f: {  	_ =	shalt  }
0x80: {  	_ =	shalt  }
0x81: {  	_ =	shalt  }
0x82: {  	_ =	shalt  }
0x83: {  	_ =	shalt  }
0x84: {  	_ =	shalt  }
0x85: {  	_ =	shalt  }
0x86: {  	_ =	shalt  }
0x87: {  	_ =	shalt  }
.Lfunc_end0:
.L_simem_size_0:
called_computation_lowered:
.L_overlay_start_0:
0x88: {  	s2 =	sld [smem:$0x3FD9]  }
0x89: {  	s3 =	sld [smem:$0x3FFE];
	_ =	sdelay $0x1  }
0x8a: {  	s1 =	srdreg.scid  }
0x8b: {  	s0 =	sand.u32 $0x1, s1  }
0x8c: {  	s17 =	sshll.u32 s0, $0xA;
	s2 =	sadd.s32 s3, s2  }
0x8d: {  	s2 =	sadd.s32 s2, s17  }
0x8e: {  	[smem:$0x3FBB] =	sst s2  }
0x8f: {  	_ = 	snop  }
0x90: {  	s2 =	sld [smem:$0x3FD0];
	(tm) =	ssettm $0x1  }
0x91: {  	s18 =	sld [smem:$0x3FFB];
	_ =	sdelay $0x3  }
0x92: {  	_ =	strace s18  }
0x93: {  	s3 =	sld [smem:$0x3FFC];
	_ =	sdelay $0x3  }
0x94: {  	_ =	strace s3  }
0x95: {  	s3 =	sld [smem:$0x3FFD];
	_ =	sdelay $0x3  }
0x96: {  	_ =	strace s3  }
0x97: {  	_ =	strace $0x8FFFFFFF  }
0x98: {  	s19 =	sld [smem:$0x3FDB];
	_ =	sdelay $0x1  }
0x99: {  	s4 =	simm.s32 $_scs_section_size  }
0x9a: {  	s5 =	simm.s32 $_size__tile_overlayer_lowered;
	s6 =	simm.s32 $_tile_overlayer_lowered  }
0x9b: {  	s22 =	simm.s32 $0x1BFF;
	s21 =	sshll.u32 s6, $0x1;
	s3 =	sadd.s32 s4, s19  }
0x9c: {  	s7 =	simm.s32 $0x0;
	s20 =	sshll.u32 s5, $0x1;
	s5 =	sadd.s32 s21, s3  }
0x9d: {  	[timem:s7], [sflag:s22] =	dma.local [hbm:s5], s20  }
0x9e: {  	_ =	swait.ge [sflag:s22], s20  }
0x9f: {  	s4 =	ssub.s32 $0x0, s20;
	[sflag:s22] =	ssyncset.done $0x0  }
0xa0: {  	[sflag:s22] =	ssyncadd.s32 s4;
	_ =	sdelay $0x1  }
0xa1: {  	s23 =	simm.s32 $0x1B8B  }
0xa2: {  	_ =	swait.ge [sflag:s23], $0x1  }
0xa3: {  	[sflag:s23] =	ssyncset.done $0x0  }
0xa4: {  	s25 =	simm.s32 $0x1B8E;
	s24 =	sld [smem:$0x3FFE];
	[sflag:s23] =	ssyncadd.s32 $0xFFFFFFFF  }
0xa5: {  	s26 =	simm.s32 $execute0_lowered;
	[smem:$0x3FD2] =	sst s25  }
0xa6: {  	s5 =	sshll.u32 s26, $0x1;
	_ =	strace $0x80000046;
	[dreg:$0x1] =	wrdreg $0xFFFFFFFF  }
0xa7: {  	s28 =	simm.s32 $_size_execute0_lowered;
	s3 =	sadd.s32 s3, s5;
	[dreg:$0x0] =	wrdreg $0x0  }
0xa8: {  	s5 =	sshll.u32 s28, $0x1;
	[dreg:$0x2] =	wrdreg s3  }
0xa9: {  	[dreg:$0x3] =	wrdreg s5  }
0xaa: {  	[dreg:$0x4] =	wrdreg $0xC0  }
0xab: {  	_ =	task [dreg:s7], $0x5FFFF  }
0xac: {  	[dreg:$0x1] =	wrdreg $0xFFFFFFFF  }
0xad: {  	[dreg:$0x0] =	wrdreg $0x60  }
0xae: {  	[dreg:$0x2] =	wrdreg s24  }
0xaf: {  	[dreg:$0x3] =	wrdreg s2  }
0xb0: {  	[dreg:$0x4] =	wrdreg $0x110000  }
0xb1: {  	[dreg:$0x5] =	wrdreg $0x1B8000  }
0xb2: {  	[dreg:$0x6] =	wrdreg $0x9  }
0xb3: {  	_ =	task.clear_ibuf [dreg:s7], $0x7FFFF;
	_ =	strace $0x90000046  }
0xb4: {  	s29 =	simm.s32 $0x9;
	_ =	strace $0x80000048  }
0xb5: {  	_ =	swait.ge [sflag:s29], $0x1  }
0xb6: {  	[sflag:s29] =	ssyncadd.s32 $0xFFFFFFFF  }
0xb7: {  	_ =	strace $0x90000048  }
0xb8: {  	_ =	sfence  }
0xb9: {  	s30 =	sld [smem:$0x0];
	_ =	sdelay $0x2  }
0xba: {  	s31 =	sshll.u32 s1, $0xD;
	s1 =	sshrl.u32 s1, $0x2  }
0xbb: {  	s3 =	sand.u32 $0x4000, s31;
	s1 =	sadd.s32 s1, s30  }
0xbc: {  	s0 =	sor.u32 s3, s0;
	s1 =	sshll.u32 s1, $0x11  }
0xbd: {  	s0 =	sor.u32 s1, s0  }
0xbe: {  	s0 =	sadd.s32 $0x8F2B, s0  }
0xbf: {  	[sflag:s0] =	ssyncadd.remote.s32 $0x1  }
0xc0: {  	_ =	sfence.sel $0xFFFF  }
0xc1: {  	[dreg:$0x0] =	wrdreg $0xFFFFFFFF;
	(pc) =	sbr.abs _section_cstart, $3  }
0xc2: {  	[dreg:$0x1] =	wrdreg $0xFFFFFFFF  }
0xc3: {  	_ =	task.clear_ibuf [dreg:s7], $0x2FFFF;
	_ =	strace $0x9FFFFFFF  }
0xc4: {  	(tm) =	ssettm $0x7FFFFFFF  }
0xc5: {  	_ =	shalt  }
tec
execute0_lowered:
.L_overlay_start_1:
0x0: {  	(tag) =	ssettag $0x1  }
0x1: {  	s1 =	rddreg [dreg:$0x0]  }
0x2: {  	s0 =	srdreg.scid;
	s3 =	rddreg [dreg:$0x2]  }
0x3: {  	s5 =	stileid.u32;
	s4 =	rddreg [dreg:$0x3]  }
0x4: {  	s6 =	simm.s32 $0x0;
	s20 =	simm.s32 $0x3;
	s8 =	smul.u32 $0xA000, s5  }
0x5: {  	s30 =	simm.s32 $0x0;
	s0 =	sand.u32 $0x1, s0;
	s9 =	smul.u32 $0x280, s5  }
0x6: {  	[smem:$0x7FF] =	sst s6;
	s6 =	sadd.s32 $0x16800, s1;
	s11 =	smul.u32 $0x2800, s5  }
0x7: {  	s26 =	sshll.u32 s5, $0x6;
	s15 =	sadd.s32 $0x16540, s1;
	s2 =	sshll.u32 s0, $0x4  }
0x8: {  	_ =	strace $0x80000047;
	s10 =	smul.u32 $0x2800, s0;
	s2 =	sor.u32 s5, s2  }
0x9: {  	s0 =	ssub.s32 $0x2, s0;
	s21 =	sshrl.u32 s8, $0x3;
	s7 =	smul.u32 $0x2800, s2  }
0xa: {  	s23 =	sshrl.u32 s11, $0x3;
	s25 =	sshrl.u32 s0, $0x1;
	s19 =	sadd.s32 s8, s3  }
0xb: {  	s9 =	sadd.s32 s9, s10;
	s22 =	sadd.s32 s21, s1;
	s7 =	sshrl.u32 s7, $0x3  }
0xc: {  	p0 =	seq.s32 s2, $0x1F;
	s13 =	sadd.s32 s7, s1;
	s7 =	simm.s32 $0xA  }
0xd: {  	s14 =	sadd.s32 s23, s1;
	s0 =	ssub.s32 s0, s25;
	s7 =	simm.s32 @!p0 $0x28  }
0xe: {  	s10 =	sadd.s32 s11, s4;
	s19 =	sshrl.u32 s19, $0x3;
	s28 =	smul.u32 $0x56, s7  }
0xf: {  	s12 =	sshll.u32 s9, $0x3;
	s9 =	sshll.u32 s9, $0x1;
	s8 =	sadd.s32 $0x2A200, s22  }
0x10: {  	s11 =	sadd.s32 $0x3E200, s14;
	s14 =	sadd.s32 $0xC900, s1;
	s29 =	sadd.s32 $0x102, s28  }
0x11: {  	s18 =	smax.u32 s0, $0x1;
	s22 =	simm.s32 $0x80;
	s17 =	sshrl.u32 s29, $0x8  }
0x12: {  	s16 =	sadd.s32 s12, s1;
	s24 =	sadd.s32 s9, s1;
	s31 =	smul.u32 $0xC00, s17  }
0x13: {  	s9 =	sor.u32 $0x1C03, s26;
	s16 =	sadd.s32 $0x43200, s16;
	s12 =	sadd.s32 $0x2E00, s13  }
0x14: {  	s13 =	sadd.s32 $0xCA40, s13;
	s17 =	sadd.s32 $0x6B200, s24;
	[dreg:$0x5] =	wrdreg s31  }
.LBB2_1:
0x15: {  	[spmem:s19], [sflag:s9] =	dma.local [hbm:s8], $0x1400  }
0x16: {  	_ =	swait.ge [sflag:s20], $0x1400  }
0x17: {  	[sflag:s20] =	ssyncset.done $0x0  }
0x18: {  	s31 =	sshrl.u32 s10, $0x3;
	[sflag:s20] =	ssyncadd.s32 $0xFFFFEC00  }
0x19: {  	[spmem:s31], [sflag:s9] =	dma.local [hbm:s11], $0x500  }
0x1a: {  	_ =	swait.ge [sflag:s20], $0x500  }
0x1b: {  	[sflag:s20] =	ssyncset.done $0x0  }
0x1c: {  	[sflag:s20] =	ssyncadd.s32 $0xFFFFFB00  }
0x1d: {  	s5 =	simm.s32 $0x0;
	s1 =	simm.s32 $0x1B000;
	s0 =	rddreg [dreg:$0x1]  }
0x1e: {  	[tilespmem:s1], [sflag:$0x3] =	stream.linear.gather [hbm4b:s0+s5], $0x800, $0x38;
	[tilespmem:$0x1E000] =	vst v63  }
0x1f: {  	_ =	swait.ge [sflag:s20], $0x800  }
0x20: {  	[sflag:s20] =	ssyncset.done $0x0  }
0x21: {  	[sflag:s20] =	ssyncadd.s32 $0xFFFFF800  }
0x22: {  	s0 =	simm.s32 @p0 $0x0;
	s1 =	simm.s32 @p0 $0x3;
	[bflag:$0x0] =	sbarrier.arrive $0xFFFF  }
0x23: {  	[tilespmem:s0], [sflag:$0x3] =	stream.linear.gather @p0 [hbm4b:s14+s0], $0xA00, $0x38;
	[tilespmem:$0x1E000] =	vst v63  }
0x24: {  	_ =	swait.ge @p0 [sflag:s1], $0xA00  }
0x25: {  	[sflag:s1] =	ssyncset.done @p0 $0x0  }
0x26: {  	s2 =	simm.s32 @p0 $0x2800;
	[sflag:s1] =	ssyncadd.s32 @p0 $0xFFFFF600  }
0x27: {  	[tilespmem:s2], [sflag:$0x3] =	stream.linear.gather @p0 [hbm4b:s15+s0], $0xA00, $0x38;
	[tilespmem:$0x1E000] =	vst v63  }
0x28: {  	_ =	swait.ge @p0 [sflag:s1], $0xA00  }
0x29: {  	[sflag:s1] =	ssyncset.done @p0 $0x0  }
0x2a: {  	s0 =	simm.s32 @!p0 $0x0;
	[sflag:s1] =	ssyncadd.s32 @p0 $0xFFFFF600;
	s1 =	simm.s32 @!p0 $0x3  }
0x2b: {  	[tilespmem:s0], [sflag:$0x3] =	stream.linear.gather @!p0 [hbm4b:s12+s0], $0x2800, $0x38;
	[tilespmem:$0x1E000] =	vst v63  }
0x2c: {  	_ =	swait.ge @!p0 [sflag:s1], $0x2800  }
0x2d: {  	[sflag:s1] =	ssyncset.done @!p0 $0x0  }
0x2e: {  	s2 =	simm.s32 @!p0 $0x2800;
	[sflag:s1] =	ssyncadd.s32 @!p0 $0xFFFFD800  }
0x2f: {  	[tilespmem:s2], [sflag:$0x3] =	stream.linear.gather @!p0 [hbm4b:s13+s0], $0x2800, $0x38;
	[tilespmem:$0x1E000] =	vst v63  }
0x30: {  	_ =	swait.ge @!p0 [sflag:s1], $0x2800  }
0x31: {  	[sflag:s1] =	ssyncset.done @!p0 $0x0  }
0x32: {  	s23 =	simm.s32 $0x5000;
	[sflag:s1] =	ssyncadd.s32 @!p0 $0xFFFFD800  }
0x33: {  	[tilespmem:s23], [sflag:$0x1] =	stream.indirect.gather [hbm4b:s6+s22], $0x40, s5, s22, $0xb8;
	[tilespmem:$0x1E000] =	vst v63  }
0x34: {  	s24 =	simm.s32 $0x7000  }
0x35: {  	[tilespmem:s24], [sflag:$0x1] =	stream.indirect.gather [hbm4b:s6+s22], $0x40, s22, s22, $0xb8;
	[tilespmem:$0x1E000] =	vst v63  }
0x36: {  	s25 =	simm.s32 $0x100;
	s26 =	simm.s32 $0x9000;
	s28 =	simm.s32 $0x180  }
0x37: {  	[tilespmem:s26], [sflag:$0x1] =	stream.indirect.gather [hbm4b:s6+s22], $0x40, s25, s22, $0xb8;
	[tilespmem:$0x1E000] =	vst v63  }
0x38: {  	s29 =	simm.s32 $0xB000;
	s2 =	simm.s32 $0x4;
	s0 =	simm.s32 $0x0  }
0x39: {  	[tilespmem:s29], [sflag:$0x1] =	stream.indirect.gather [hbm4b:s6+s22], $0x40, s28, s22, $0xb8;
	[tilespmem:$0x1E000] =	vst v63  }
.LBB2_2:
0x3a: {  	s1 =	sadd.s32 $0xFFFFFFFC, s2  }
0x3b: {  	p1 =	sge.u32 s1, s7  }
0x3c: {  	s21 =	simm.s32 @!p1 $0x1  }
0x3d: {  	_ =	swait.ge @!p1 [sflag:s21], $0x2000  }
0x3e: {  	[sflag:s21] =	ssyncset.done @!p1 $0x0  }
0x3f: {  	[sflag:s21] =	ssyncadd.s32 @!p1 $0xFFFFE000  }
0x40: {  	_ =	swait.ge @!p1 [sflag:s21], $0x2000  }
0x41: {  	[sflag:s21] =	ssyncset.done @!p1 $0x0  }
0x42: {  	[sflag:s21] =	ssyncadd.s32 @!p1 $0xFFFFE000;
	s21 =	sshra.s32 @!p1 s0, $0x2  }
0x43: {  	s24 =	simm.s32 @!p1 $0x80;
	s25 =	simm.s32 @!p1 $0x5000;
	s23 =	sadd.s32 @!p1 $0x2800, s21  }
0x44: {  	[spmem:s3] =	stream.indirect.scatter.add.f32 @!p1 [tilespmem:s25], [sflag:$0x2], $0x40, s23, s24, $0xb8;
	[tilespmem:$0x1E000] =	vst v63  }
0x45: {  	p2 =	seq.s32 s0, $0x0;
	s21 =	sadd.s32 @!p1 $0x2880, s21;
	s25 =	simm.s32 @!p1 $0x7000  }
0x46: {  	[spmem:s3] =	stream.indirect.scatter.add.f32 @!p1 [tilespmem:s25], [sflag:$0x2], $0x40, s21, s24, $0xb8;
	[tilespmem:$0x1E000] =	vst v63  }
0x47: {  	p3 =	sgt.u32 @!p2 s1, s7;
	s25 =	simm.s32 @!p1 $0x1B000  }
0x48: {  	[spmem:s4] =	stream.indirect.scatter.add.f32 @!p1 [tilespmem:s25], [sflag:$0x2], $0x10, s23, s24, $0xb8;
	[tilespmem:$0x1E000] =	vst v63  }
0x49: {  	p3 =	por p3, p2  }
0x4a: {  	[spmem:s4] =	stream.indirect.scatter.add.f32 @!p1 [tilespmem:s25], [sflag:$0x2], $0x10, s21, s24, $0xb8;
	[tilespmem:$0x1E000] =	vst v63  }
0x4b: {  	s21 =	simm.s32 @!p3 $0x2  }
0x4c: {  	_ =	swait.ge @!p3 [sflag:s21], $0x2000  }
0x4d: {  	[sflag:s21] =	ssyncset.done @!p3 $0x0  }
0x4e: {  	[sflag:s21] =	ssyncadd.s32 @!p3 $0xFFFFE000  }
0x4f: {  	_ =	swait.ge @!p3 [sflag:s21], $0x2000  }
0x50: {  	[sflag:s21] =	ssyncset.done @!p3 $0x0  }
0x51: {  	[sflag:s21] =	ssyncadd.s32 @!p3 $0xFFFFE000  }
0x52: {  	_ =	swait.ge @!p3 [sflag:s21], $0x800  }
0x53: {  	[sflag:s21] =	ssyncset.done @!p3 $0x0  }
0x54: {  	[sflag:s21] =	ssyncadd.s32 @!p3 $0xFFFFF800  }
0x55: {  	s1 =	sadd.s32 $0xFFFFFFFE, s2;
	_ =	swait.ge @!p3 [sflag:s21], $0x800  }
0x56: {  	p2 =	sge.u32 s1, s7;
	[sflag:s21] =	ssyncset.done @!p3 $0x0  }
0x57: {  	s5 =	sadd.s32 $0xFFFFFFFD, s2;
	[sflag:s21] =	ssyncadd.s32 @!p3 $0xFFFFF800;
	s21 =	sshra.s32 @!p2 s0, $0x2  }
0x58: {  	s24 =	simm.s32 @!p2 $0x80;
	s25 =	simm.s32 @!p2 $0xD000;
	s23 =	sadd.s32 @!p2 $0x200, s21  }
0x59: {  	[tilespmem:s25], [sflag:$0x1] =	stream.indirect.gather @!p2 [hbm4b:s6+s24], $0x40, s23, s24, $0xb8;
	[tilespmem:$0x1E000] =	vst v63  }
0x5a: {  	s26 =	simm.s32 @!p2 $0xF000;
	p3 =	sge.u32 s5, s7;
	s23 =	sadd.s32 @!p2 $0x280, s21  }
0x5b: {  	[tilespmem:s26], [sflag:$0x1] =	stream.indirect.gather @!p2 [hbm4b:s6+s24], $0x40, s23, s24, $0xb8;
	[tilespmem:$0x1E000] =	vst v63  }
0x5c: {  	s23 =	simm.s32 @!p3 $0x1  }
0x5d: {  	_ =	swait.ge @!p3 [sflag:s23], $0x2000  }
0x5e: {  	[sflag:s23] =	ssyncset.done @!p3 $0x0  }
0x5f: {  	[sflag:s23] =	ssyncadd.s32 @!p3 $0xFFFFE000  }
0x60: {  	_ =	swait.ge @!p3 [sflag:s23], $0x2000  }
0x61: {  	[sflag:s23] =	ssyncset.done @!p3 $0x0  }
0x62: {  	[sflag:s23] =	ssyncadd.s32 @!p3 $0xFFFFE000;
	s23 =	sshra.s32 @!p3 s0, $0x2  }
0x63: {  	s29 =	simm.s32 @!p3 $0x80;
	s5 =	simm.s32 @!p3 $0x9000;
	s28 =	sadd.s32 @!p3 $0x2900, s23  }
0x64: {  	[spmem:s3] =	stream.indirect.scatter.add.f32 @!p3 [tilespmem:s5], [sflag:$0x2], $0x40, s28, s29, $0xb8;
	[tilespmem:$0x1E000] =	vst v63  }
0x65: {  	s5 =	sadd.s32 @!p3 $0x2980, s23;
	s23 =	simm.s32 @!p3 $0xB000  }
0x66: {  	[spmem:s3] =	stream.indirect.scatter.add.f32 @!p3 [tilespmem:s23], [sflag:$0x2], $0x40, s5, s29, $0xb8;
	[tilespmem:$0x1E000] =	vst v63  }
0x67: {  	s23 =	simm.s32 @!p3 $0x1B000  }
0x68: {  	[spmem:s4] =	stream.indirect.scatter.add.f32 @!p3 [tilespmem:s23], [sflag:$0x2], $0x10, s28, s29, $0xb8;
	[tilespmem:$0x1E000] =	vst v63  }
0x69: {  	_ = 	snop  }
0x6a: {  	[spmem:s4] =	stream.indirect.scatter.add.f32 @!p3 [tilespmem:s23], [sflag:$0x2], $0x10, s5, s29, $0xb8;
	[tilespmem:$0x1E000] =	vst v63  }
0x6b: {  	s5 =	simm.s32 @!p1 $0x2  }
0x6c: {  	_ =	swait.ge @!p1 [sflag:s5], $0x2000  }
0x6d: {  	[sflag:s5] =	ssyncset.done @!p1 $0x0  }
0x6e: {  	[sflag:s5] =	ssyncadd.s32 @!p1 $0xFFFFE000  }
0x6f: {  	_ =	swait.ge @!p1 [sflag:s5], $0x2000  }
0x70: {  	[sflag:s5] =	ssyncset.done @!p1 $0x0  }
0x71: {  	[sflag:s5] =	ssyncadd.s32 @!p1 $0xFFFFE000  }
0x72: {  	_ =	swait.ge @!p1 [sflag:s5], $0x800  }
0x73: {  	[sflag:s5] =	ssyncset.done @!p1 $0x0  }
0x74: {  	[sflag:s5] =	ssyncadd.s32 @!p1 $0xFFFFF800  }
0x75: {  	s28 =	sadd.s32 $0xFFFFFFFF, s2;
	_ =	swait.ge @!p1 [sflag:s5], $0x800  }
0x76: {  	p3 =	sge.u32 s28, s7;
	[sflag:s5] =	ssyncset.done @!p1 $0x0  }
0x77: {  	[sflag:s5] =	ssyncadd.s32 @!p1 $0xFFFFF800;
	s5 =	sshra.s32 @!p3 s0, $0x2  }
0x78: {  	s28 =	simm.s32 @!p3 $0x80;
	s29 =	simm.s32 @!p3 $0x5000;
	s23 =	sadd.s32 @!p3 $0x300, s5  }
0x79: {  	[tilespmem:s29], [sflag:$0x1] =	stream.indirect.gather @!p3 [hbm4b:s6+s28], $0x40, s23, s28, $0xb8;
	[tilespmem:$0x1E000] =	vst v63  }
0x7a: {  	s5 =	sadd.s32 @!p3 $0x380, s5;
	s23 =	simm.s32 @!p3 $0x7000  }
0x7b: {  	[tilespmem:s23], [sflag:$0x1] =	stream.indirect.gather @!p3 [hbm4b:s6+s28], $0x40, s5, s28, $0xb8;
	[tilespmem:$0x1E000] =	vst v63  }
0x7c: {  	s5 =	simm.s32 @!p2 $0x1  }
0x7d: {  	_ =	swait.ge @!p2 [sflag:s5], $0x2000  }
0x7e: {  	[sflag:s5] =	ssyncset.done @!p2 $0x0  }
0x7f: {  	[sflag:s5] =	ssyncadd.s32 @!p2 $0xFFFFE000  }
0x80: {  	_ =	swait.ge @!p2 [sflag:s5], $0x2000  }
0x81: {  	[sflag:s5] =	ssyncset.done @!p2 $0x0  }
0x82: {  	[sflag:s5] =	ssyncadd.s32 @!p2 $0xFFFFE000;
	s5 =	sadd.s32 @!p2 $0x2A00, s21  }
0x83: {  	[spmem:s3] =	stream.indirect.scatter.add.f32 @!p2 [tilespmem:s25], [sflag:$0x2], $0x40, s5, s24, $0xb8;
	[tilespmem:$0x1E000] =	vst v63  }
0x84: {  	s21 =	sadd.s32 @!p2 $0x2A80, s21  }
0x85: {  	[spmem:s3] =	stream.indirect.scatter.add.f32 @!p2 [tilespmem:s26], [sflag:$0x2], $0x40, s21, s24, $0xb8;
	[tilespmem:$0x1E000] =	vst v63  }
0x86: {  	p1 =	sgt.u32 s1, s7;
	s23 =	simm.s32 @!p2 $0x1B000  }
0x87: {  	[spmem:s4] =	stream.indirect.scatter.add.f32 @!p2 [tilespmem:s23], [sflag:$0x2], $0x10, s5, s24, $0xb8;
	[tilespmem:$0x1E000] =	vst v63  }
0x88: {  	s1 =	simm.s32 @!p1 $0x2  }
0x89: {  	[spmem:s4] =	stream.indirect.scatter.add.f32 @!p2 [tilespmem:s23], [sflag:$0x2], $0x10, s21, s24, $0xb8;
	[tilespmem:$0x1E000] =	vst v63  }
0x8a: {  	_ =	swait.ge @!p1 [sflag:s1], $0x2000  }
0x8b: {  	[sflag:s1] =	ssyncset.done @!p1 $0x0  }
0x8c: {  	[sflag:s1] =	ssyncadd.s32 @!p1 $0xFFFFE000  }
0x8d: {  	_ =	swait.ge @!p1 [sflag:s1], $0x2000  }
0x8e: {  	[sflag:s1] =	ssyncset.done @!p1 $0x0  }
0x8f: {  	[sflag:s1] =	ssyncadd.s32 @!p1 $0xFFFFE000  }
0x90: {  	_ =	swait.ge @!p1 [sflag:s1], $0x800  }
0x91: {  	[sflag:s1] =	ssyncset.done @!p1 $0x0  }
0x92: {  	[sflag:s1] =	ssyncadd.s32 @!p1 $0xFFFFF800  }
0x93: {  	_ =	swait.ge @!p1 [sflag:s1], $0x800  }
0x94: {  	p2 =	sge.u32 s2, s7;
	[sflag:s1] =	ssyncset.done @!p1 $0x0;
	s29 =	rddreg [dreg:$0x5]  }
0x95: {  	[sflag:s1] =	ssyncadd.s32 @!p1 $0xFFFFF800;
	s1 =	sshra.s32 @!p2 s0, $0x2;
	s0 =	sadd.s32 $0xC00, s0  }
0x96: {  	p1 =	sne.s32 s29, s0  }
.Ltmp0:
0x97: {  	_ = 	snop;
	(pc) =	sbr.rel @p1 .LBB2_2-.Ltmp0, $4  }
0x98: {  	s21 =	simm.s32 @!p2 $0x80;
	s23 =	simm.s32 @!p2 $0x9000;
	s5 =	sadd.s32 @!p2 $0x400, s1  }
0x99: {  	[tilespmem:s23], [sflag:$0x1] =	stream.indirect.gather @!p2 [hbm4b:s6+s21], $0x40, s5, s21, $0xb8;
	[tilespmem:$0x1E000] =	vst v63  }
0x9a: {  	s2 =	sadd.s32 $0x3, s2;
	s1 =	sadd.s32 @!p2 $0x480, s1;
	s5 =	simm.s32 @!p2 $0xB000  }
0x9b: {  	[tilespmem:s5], [sflag:$0x1] =	stream.indirect.gather @!p2 [hbm4b:s6+s21], $0x40, s1, s21, $0xb8;
	[tilespmem:$0x1E000] =	vst v63  }
0x9c: {  	[bflag:$0x0] =	sbarrier.arrive $0xFFFF  }
0x9d: {  	[hbm:s16], [sflag:s9] =	dma.local [spmem:s19], $0x1400  }
0x9e: {  	s30 =	sadd.s32 $0x1, s30;
	_ =	swait.ge [sflag:s20], $0x1400  }
0x9f: {  	p1 =	sne.s32 s30, s18;
	[sflag:s20] =	ssyncset.done $0x0  }
.Ltmp1:
0xa0: {  	[sflag:s20] =	ssyncadd.s32 $0xFFFFEC00;
	(pc) =	sbr.rel @p1 .LBB2_1-.Ltmp1, $4  }
0xa1: {  	[hbm:s17], [sflag:s9] =	dma.local [spmem:s31], $0x500  }
0xa2: {  	_ =	swait.ge [sflag:s20], $0x500  }
0xa3: {  	[sflag:s20] =	ssyncset.done $0x0  }
0xa4: {  	[sflag:s20] =	ssyncadd.s32 $0xFFFFFB00  }
0xa5: {  	_ =	sfence.sel $0x180000  }
0xa6: {  	[bflag:$0x0] =	sbarrier.arrive $0xFFFF  }
0xa7: {  	_ =	strace $0x90000047  }
0xa8: {  	s0 =	stileid.u32;
	[bflag:$0x2] =	sbarrier.arrive $0xFFFF  }
0xa9: {  	p0 =	sne.s32 s0, $0x0;
	s0 =	rddreg [dreg:$0x4]  }
0xaa: {  	s0 =	sadd.s32 @!p0 $0x100000, s0  }
0xab: {  	[sflag:s0] =	ssyncadd.tile.s32 @!p0 $0x1;
	_ =	shalt  }
.Lfunc_end2:
_tile_overlayer_lowered:
.L_overlay_start_2:
0xac: {  	(tag) =	ssettag $0x2  }
0xad: {  	s0 =	rddreg [dreg:$0x0];
	s2 =	stileid.u32  }
0xae: {  	s1 =	rddreg [dreg:$0x1];
	p0 =	sne.s32 s2, $0x0  }
0xaf: {  	s3 =	rddreg [dreg:$0x2];
	[bflag:$0x3] =	sbarrier.arrive $0xFFFF;
	s2 =	simm.s32 @!p0 $0x1C03  }
0xb0: {  	[timem:s3], [sflag:s2] =	dma.local @!p0 [hbm:s0], s1  }
0xb1: {  	s0 =	simm.s32 @!p0 $0x3  }
0xb2: {  	_ =	swait.ge @!p0 [sflag:s0], s1  }
0xb3: {  	s1 =	ssub.s32 @!p0 $0x0, s1;
	[sflag:s0] =	ssyncset.done @!p0 $0x0  }
0xb4: {  	[sflag:s0] =	ssyncadd.s32 @!p0 s1  }
0xb5: {  	[bflag:$0x3] =	sbarrier.arrive $0xFFFF  }
0xb6: {  	_ =	shalt  }

</sc_bundles>
